<compile_context>
chip_gen: v7x
topology: tpu7x:2x2x1
jax: 0.10.2.dev20260603
libtpu: 0.0.44.dev20260713+nightly
codegen_flags: <defaults>
</compile_context>

<pallas_src>
import functools

import jax
import jax.numpy as jnp
from jax import lax
from jax.experimental import pallas as pl
from jax.experimental.pallas import tpu as pltpu
from jax.experimental.pallas import tpu_sc as plsc

N_NODES = 10000
N_EDGES = 320000
NC = 2
NS = 16
NW = NC * NS
CHUNK = 128
NCHUNK = 80
E_PAD = NW * NCHUNK * CHUNK
NPAD = 10240
ROWS_PER_TILE = NPAD // NS
D = 16


def _tc_layer1(x_ref, w_ref, as_ref, ad_ref, h_ref, asn_ref, adn_ref):
    h = jnp.dot(x_ref[...], w_ref[...], preferred_element_type=jnp.float32)
    h_ref[...] = h
    asn_ref[...] = (h * as_ref[...]).sum(axis=1)
    adn_ref[...] = (h * ad_ref[...]).sum(axis=1)


def _tc_layer2(acc_ref, den_ref, b_ref, w_ref, as_ref, ad_ref,
               h_ref, asn_ref, adn_ref):
    acc = acc_ref[0] + acc_ref[1]
    den = den_ref[0] + den_ref[1]
    h1 = acc[:N_NODES] / (den[:N_NODES, None] + 1e-16) + b_ref[...]
    x2 = jnp.maximum(h1, 0.0)
    h2 = jnp.dot(x2, w_ref[...], preferred_element_type=jnp.float32)
    col = lax.broadcasted_iota(jnp.int32, (N_NODES, D), 1)
    h_ref[...] = jnp.where(col == 8, 1.0, h2)
    asn_ref[...] = (h2 * as_ref[...]).sum(axis=1)
    adn_ref[...] = (h2 * ad_ref[...]).sum(axis=1)


def _tc_head(acc_ref, b_ref, wc_ref, bc_ref, h_ref, s_ref):
    acc = acc_ref[0] + acc_ref[1]
    den = acc[:N_NODES, 8]
    h2 = acc[:N_NODES, :8] / (den[:, None] + 1e-16) + b_ref[...]
    h2 = jnp.maximum(h2, 0.0)
    h_ref[...] = h2
    logits = jnp.dot(h2, wc_ref[...], preferred_element_type=jnp.float32)
    s_ref[...] = jax.nn.sigmoid(logits + bc_ref[...])


def _sc_edge_body(with_den, src_hbm, dst_hbm, asn_hbm, adn_hbm, h_hbm,
                  *refs):
    if with_den:
        (acc_out, den_out, src_v, dst_v, as_t, ad_t, ex_v,
         rows0, rows1, rows2, rows3, zrows, zden, acc_sh, den_sh,
         gsem0, gsem1, gsem2, gsem3, ssem0, ssem1, ssem2, ssem3,
         dsem0, dsem1, dsem2, dsem3) = refs
    else:
        (acc_out, src_v, dst_v, as_t, ad_t, ex_v,
         rows0, rows1, rows2, rows3, zrows, acc_sh,
         gsem0, gsem1, gsem2, gsem3, ssem0, ssem1, ssem2, ssem3) = refs
        dsem0 = dsem1 = dsem2 = dsem3 = None
    c = lax.axis_index("c")
    s = lax.axis_index("s")
    wid = c * NS + s

    pltpu.sync_copy(src_hbm.at[wid], src_v)
    pltpu.sync_copy(dst_hbm.at[wid], dst_v)
    pltpu.sync_copy(asn_hbm, as_t)
    pltpu.sync_copy(adn_hbm, ad_t)

    zero16 = jnp.zeros((16,), jnp.float32)

    def zrow_body(r, carry):
        zrows[r, :] = zero16
        return carry

    lax.fori_loop(0, ROWS_PER_TILE, zrow_body, 0)

    row0 = s * ROWS_PER_TILE
    pltpu.sync_copy(zrows, acc_sh.at[pl.ds(row0, ROWS_PER_TILE)])
    if with_den:
        def zden_body(r, carry):
            zden[pl.ds(r * 16, 16)] = zero16
            return carry

        lax.fori_loop(0, ROWS_PER_TILE // 16, zden_body, 0)
        pltpu.sync_copy(zden, den_sh.at[pl.ds(row0, ROWS_PER_TILE)])
    plsc.subcore_barrier()

    def compute_ex(ci):
        def grp_body(g, inner):
            sidx = src_v[ci, pl.ds(g * 16, 16)]
            didx = dst_v[ci, pl.ds(g * 16, 16)]
            e = plsc.load_gather(as_t, [sidx]) + plsc.load_gather(ad_t, [didx])
            e = jnp.where(e >= 0.0, e, 0.2 * e)
            ex_v[ci, pl.ds(g * 16, 16)] = jnp.exp(e)
            return inner

        lax.fori_loop(0, CHUNK // 16, grp_body, 0)

    def gather(ci, rows_v, sem):
        return pltpu.async_copy(h_hbm.at[src_v.at[ci]], rows_v, sem)

    def wait_gather(rows_v, sem):
        pltpu.make_async_copy(h_hbm.at[src_v.at[0]], rows_v, sem).wait()

    def scatter(ci, rows_v, ssem, dsem):
        pltpu.async_copy(rows_v, acc_sh.at[dst_v.at[ci]], ssem, add=True)
        if with_den:
            pltpu.async_copy(ex_v.at[ci], den_sh.at[dst_v.at[ci]], dsem,
                             add=True)

    def wait_scatter(rows_v, ssem, dsem):
        pltpu.make_async_copy(rows_v, acc_sh.at[dst_v.at[0]], ssem).wait()
        if with_den:
            pltpu.make_async_copy(ex_v.at[0], den_sh.at[dst_v.at[0]],
                                  dsem).wait()

    rows = (rows0, rows1, rows2, rows3)
    gsem = (gsem0, gsem1, gsem2, gsem3)
    ssem = (ssem0, ssem1, ssem2, ssem3)
    dsem = (dsem0, dsem1, dsem2, dsem3)
    nquad = NCHUNK // 4
    gather(0, rows[0], gsem[0])
    gather(1, rows[1], gsem[1])

    def quad_body(q, carry):
        ci = 4 * q
        for k in range(4):
            j = ci + k
            compute_ex(j)
            wait_gather(rows[k], gsem[k])

            def mul_body(g, inner):
                exv = ex_v[j, pl.ds(g * 16, 16)]
                base = g * 16
                for j2 in range(16):
                    rows[k][base + j2, :] = rows[k][base + j2, :] * exv[j2]
                return inner

            lax.fori_loop(0, CHUNK // 16, mul_body, 0)
            scatter(j, rows[k], ssem[k], dsem[k])

            kb = (k + 2) % 4
            if k < 2:
                @pl.when(q > 0)
                def _():
                    wait_scatter(rows[kb], ssem[kb], dsem[kb])
                gather(j + 2, rows[kb], gsem[kb])
            else:
                @pl.when(q < nquad - 1)
                def _():
                    wait_scatter(rows[kb], ssem[kb], dsem[kb])
                    gather(j + 2, rows[kb], gsem[kb])
        return carry

    lax.fori_loop(0, nquad, quad_body, 0)
    for k in range(4):
        wait_scatter(rows[k], ssem[k], dsem[k])
    plsc.subcore_barrier()

    pltpu.sync_copy(acc_sh.at[pl.ds(row0, ROWS_PER_TILE)],
                    acc_out.at[c, pl.ds(row0, ROWS_PER_TILE)])
    if with_den:
        pltpu.sync_copy(den_sh.at[pl.ds(row0, ROWS_PER_TILE)],
                        den_out.at[c, pl.ds(row0, ROWS_PER_TILE)])


def _build_sc_edge(with_den):
    mesh = plsc.VectorSubcoreMesh(core_axis_name="c", subcore_axis_name="s")
    acc_t = jax.ShapeDtypeStruct((NC, NPAD, D), jnp.float32)
    den_t = jax.ShapeDtypeStruct((NC, NPAD), jnp.float32)
    scratch = [
        pltpu.VMEM((NCHUNK, CHUNK), jnp.int32),
        pltpu.VMEM((NCHUNK, CHUNK), jnp.int32),
        pltpu.VMEM((NPAD,), jnp.float32),
        pltpu.VMEM((NPAD,), jnp.float32),
        pltpu.VMEM((NCHUNK, CHUNK), jnp.float32),
        pltpu.VMEM((CHUNK, D), jnp.float32),
        pltpu.VMEM((CHUNK, D), jnp.float32),
        pltpu.VMEM((CHUNK, D), jnp.float32),
        pltpu.VMEM((CHUNK, D), jnp.float32),
        pltpu.VMEM((ROWS_PER_TILE, D), jnp.float32),
    ]
    if with_den:
        scratch.append(pltpu.VMEM((ROWS_PER_TILE,), jnp.float32))
    scratch.append(pltpu.VMEM_SHARED((NPAD, D), jnp.float32))
    if with_den:
        scratch.append(pltpu.VMEM_SHARED((NPAD,), jnp.float32))
    nsem = 12 if with_den else 8
    scratch += [pltpu.SemaphoreType.DMA] * nsem
    return pl.kernel(
        functools.partial(_sc_edge_body, with_den),
        out_type=(acc_t, den_t) if with_den else acc_t,
        mesh=mesh,
        compiler_params=pltpu.CompilerParams(
            use_tc_tiling_on_sc=False, needs_layout_passes=False),
        scratch_types=scratch,
    )


_SC_EDGE_CACHE = {}


def _sc_edge(with_den, *args):
    if with_den not in _SC_EDGE_CACHE:
        _SC_EDGE_CACHE[with_den] = _build_sc_edge(with_den)
    return _SC_EDGE_CACHE[with_den](*args)


def kernel(x, edge_index, W1, a_src1, a_dst1, b1, W2, a_src2, a_dst2, b2,
           Wc, bc):
    npad_e = E_PAD - N_EDGES
    src = jnp.concatenate(
        [edge_index[0].astype(jnp.int32), jnp.zeros((npad_e,), jnp.int32)]
    ).reshape(NW, NCHUNK, CHUNK)
    dst = jnp.concatenate(
        [edge_index[1].astype(jnp.int32),
         jnp.full((npad_e,), N_NODES, jnp.int32)]
    ).reshape(NW, NCHUNK, CHUNK)

    zpad = jnp.zeros((NPAD - N_NODES,), jnp.float32)

    h1, as1, ad1 = pl.pallas_call(
        _tc_layer1,
        out_shape=(
            jax.ShapeDtypeStruct((N_NODES, D), jnp.float32),
            jax.ShapeDtypeStruct((N_NODES,), jnp.float32),
            jax.ShapeDtypeStruct((N_NODES,), jnp.float32),
        ),
    )(x, W1, a_src1.reshape(1, D), a_dst1.reshape(1, D))

    acc1, den1 = _sc_edge(True, src, dst,
                          jnp.concatenate([as1, zpad]),
                          jnp.concatenate([ad1, zpad]), h1)

    W2p = jnp.concatenate([W2, jnp.zeros((16, 8), jnp.float32)], axis=1)
    a2sp = jnp.concatenate([a_src2, jnp.zeros((8,), jnp.float32)])
    a2dp = jnp.concatenate([a_dst2, jnp.zeros((8,), jnp.float32)])

    h2, as2, ad2 = pl.pallas_call(
        _tc_layer2,
        out_shape=(
            jax.ShapeDtypeStruct((N_NODES, D), jnp.float32),
            jax.ShapeDtypeStruct((N_NODES,), jnp.float32),
            jax.ShapeDtypeStruct((N_NODES,), jnp.float32),
        ),
    )(acc1, den1, b1.reshape(1, D), W2p, a2sp.reshape(1, D),
      a2dp.reshape(1, D))

    acc2 = _sc_edge(False, src, dst,
                    jnp.concatenate([as2, zpad]),
                    jnp.concatenate([ad2, zpad]), h2)

    h_out, scores = pl.pallas_call(
        _tc_head,
        out_shape=(
            jax.ShapeDtypeStruct((N_NODES, 8), jnp.float32),
            jax.ShapeDtypeStruct((N_NODES, 1), jnp.float32),
        ),
    )(acc2, b2.reshape(1, 8), Wc, bc.reshape(1, 1))

    return (h_out, scores)

# --- scband reference (transcript-rebuilt; emitter-appended) ---
"""Pipeline reference for scband-gnnmodel-31267361915355 (READ-ONLY COPY).

The authoritative reference and input builder live on the scoring server;
editing this copy changes nothing except your own understanding.
"""

import jax, jax.numpy as jnp
import numpy as np

N_NODES = 10000
N_EDGES = 320000
IN_CH = 128
HID_CH = 16
OUT_CH = 8


def _gat_conv(x, src, dst, W, att_src, att_dst, bias, n_nodes):
    # PyG-style single-head GATConv (negative_slope=0.2, no self-loop add here;
    # attention computed over provided edges, softmax per destination node)
    h = x @ W  # [N, out]
    a_src = (h * att_src).sum(-1)  # [N]
    a_dst = (h * att_dst).sum(-1)  # [N]
    e = a_src[src] + a_dst[dst]    # [E]
    e = jax.nn.leaky_relu(e, 0.2)
    e_max = jax.ops.segment_max(e, dst, num_segments=n_nodes)
    e_max = jnp.where(jnp.isfinite(e_max), e_max, 0.0)
    ex = jnp.exp(e - e_max[dst])
    denom = jax.ops.segment_sum(ex, dst, num_segments=n_nodes)
    alpha = ex / (denom[dst] + 1e-16)
    msg = h[src] * alpha[:, None]
    out = jax.ops.segment_sum(msg, dst, num_segments=n_nodes)
    return out + bias


def setup_inputs(seed: int = 0) -> dict:
    key = jax.random.key(seed)
    ks = jax.random.split(key, 16)
    x = jax.random.normal(ks[0], (N_NODES, IN_CH), dtype=jnp.float32)
    edge_index = jax.random.randint(ks[1], (2, N_EDGES), 0, N_NODES, dtype=jnp.int64 if jax.config.jax_enable_x64 else jnp.int32)
    s1 = 1.0 / np.sqrt(IN_CH)
    s2 = 1.0 / np.sqrt(HID_CH)
    s3 = 1.0 / np.sqrt(OUT_CH)
    return {
        "x": x,
        "edge_index": edge_index,
        "W1": jax.random.normal(ks[2], (IN_CH, HID_CH), dtype=jnp.float32) * s1,
        "a_src1": jax.random.normal(ks[3], (HID_CH,), dtype=jnp.float32) * s2,
        "a_dst1": jax.random.normal(ks[4], (HID_CH,), dtype=jnp.float32) * s2,
        "b1": jnp.zeros((HID_CH,), dtype=jnp.float32),
        "W2": jax.random.normal(ks[5], (HID_CH, OUT_CH), dtype=jnp.float32) * s2,
        "a_src2": jax.random.normal(ks[6], (OUT_CH,), dtype=jnp.float32) * s3,
        "a_dst2": jax.random.normal(ks[7], (OUT_CH,), dtype=jnp.float32) * s3,
        "b2": jnp.zeros((OUT_CH,), dtype=jnp.float32),
        "Wc": jax.random.normal(ks[8], (OUT_CH, 1), dtype=jnp.float32) * s3,
        "bc": jnp.zeros((1,), dtype=jnp.float32),
    }


def reference(x, edge_index, W1, a_src1, a_dst1, b1, W2, a_src2, a_dst2, b2, Wc, bc):
    src = edge_index[0]
    dst = edge_index[1]
    h = _gat_conv(x, src, dst, W1, a_src1, a_dst1, b1, N_NODES)
    h = jax.nn.relu(h)
    h = _gat_conv(h, src, dst, W2, a_src2, a_dst2, b2, N_NODES)
    h = jax.nn.relu(h)
    scores = jax.nn.sigmoid(h @ Wc + bc)
    return (h, scores)

if __name__ == "__main__":
    import jax
    _d = setup_inputs()
    print(jax.jit(kernel)(*tuple(_d.values())))

</pallas_src>

<mosaic_0001>
#map = affine_map<(d0, d1) -> (0, 0, 0)>
#map1 = affine_map<(d0, d1) -> (0)>
#map2 = affine_map<(d0, d1) -> (0, 0)>
module attributes {stable_mosaic.version = 14 : i64} {
  func.func @_sc_edge_body(%arg0: i32, %arg1: i32, %arg2: memref<32x80x128xi32, #tpu.memory_space<hbm>>, %arg3: memref<32x80x128xi32, #tpu.memory_space<hbm>>, %arg4: memref<10240xf32, #tpu.memory_space<hbm>>, %arg5: memref<10240xf32, #tpu.memory_space<hbm>>, %arg6: memref<10000x16xf32, #tpu.memory_space<hbm>>, %arg7: memref<2x10240x16xf32, #tpu.memory_space<hbm>>, %arg8: memref<2x10240xf32, #tpu.memory_space<hbm>>, %arg9: memref<80x128xi32, #tpu.memory_space<vmem>>, %arg10: memref<80x128xi32, #tpu.memory_space<vmem>>, %arg11: memref<10240xf32, #tpu.memory_space<vmem>>, %arg12: memref<10240xf32, #tpu.memory_space<vmem>>, %arg13: memref<80x128xf32, #tpu.memory_space<vmem>>, %arg14: memref<128x16xf32, #tpu.memory_space<vmem>>, %arg15: memref<128x16xf32, #tpu.memory_space<vmem>>, %arg16: memref<128x16xf32, #tpu.memory_space<vmem>>, %arg17: memref<128x16xf32, #tpu.memory_space<vmem>>, %arg18: memref<640x16xf32, #tpu.memory_space<vmem>>, %arg19: memref<640xf32, #tpu.memory_space<vmem>>, %arg20: memref<10240x16xf32, #tpu.memory_space<vmem_shared>>, %arg21: memref<10240xf32, #tpu.memory_space<vmem_shared>>, %arg22: memref<!tpu.dma_semaphore, #tpu.memory_space<semaphore_mem>>, %arg23: memref<!tpu.dma_semaphore, #tpu.memory_space<semaphore_mem>>, %arg24: memref<!tpu.dma_semaphore, #tpu.memory_space<semaphore_mem>>, %arg25: memref<!tpu.dma_semaphore, #tpu.memory_space<semaphore_mem>>, %arg26: memref<!tpu.dma_semaphore, #tpu.memory_space<semaphore_mem>>, %arg27: memref<!tpu.dma_semaphore, #tpu.memory_space<semaphore_mem>>, %arg28: memref<!tpu.dma_semaphore, #tpu.memory_space<semaphore_mem>>, %arg29: memref<!tpu.dma_semaphore, #tpu.memory_space<semaphore_mem>>, %arg30: memref<!tpu.dma_semaphore, #tpu.memory_space<semaphore_mem>>, %arg31: memref<!tpu.dma_semaphore, #tpu.memory_space<semaphore_mem>>, %arg32: memref<!tpu.dma_semaphore, #tpu.memory_space<semaphore_mem>>, %arg33: memref<!tpu.dma_semaphore, #tpu.memory_space<semaphore_mem>>) attributes {dimension_semantics = [#tpu.dimension_semantics<core_parallel>, #tpu.dimension_semantics<subcore_parallel>], iteration_bounds = array<i64: 2, 16>, scalar_prefetch = 0 : i64, scratch_operands = 25 : i64, tpu.core_type = #tpu.core_type<sc_vector_subcore>, window_params = [{transform_indices = #map}, {transform_indices = #map}, {transform_indices = #map1}, {transform_indices = #map1}, {transform_indices = #map2}, {transform_indices = #map}, {transform_indices = #map2}]} {
    %mul3A = arith.constant 16 : i32
    %mul3A_0 = arith.muli %arg0, %mul3A : i32
    %add3A = arith.addi %mul3A_0, %arg1 : i32
    "tpu.region"() ({
      %run_scoped3A = tpu.sem_alloc : memref<!tpu.dma_semaphore, #tpu.memory_space<semaphore_mem>>
      %dma_start3A_102 = arith.constant 0 : i32
      %dma_start3A_103 = arith.constant 0 : i32
      %dma_start3A_104 = tpu.memref_slice %arg2[%add3A, %dma_start3A_102, %dma_start3A_103] : memref<32x80x128xi32, #tpu.memory_space<hbm>> -> memref<1x80x128xi32, #tpu.memory_space<hbm>>
      %dma_start3A_105 = tpu.memref_squeeze %dma_start3A_104 : memref<1x80x128xi32, #tpu.memory_space<hbm>> -> memref<80x128xi32, #tpu.memory_space<hbm>>
      %dma_start3A_106 = arith.constant 0 : i32
      %dma_start3A_107 = arith.constant 0 : i32
      %dma_start3A_108 = tpu.memref_slice %arg2[%add3A, %dma_start3A_106, %dma_start3A_107] : memref<32x80x128xi32, #tpu.memory_space<hbm>> -> memref<1x80x128xi32, #tpu.memory_space<hbm>>
      %dma_start3A_109 = tpu.memref_squeeze %dma_start3A_108 : memref<1x80x128xi32, #tpu.memory_space<hbm>> -> memref<80x128xi32, #tpu.memory_space<hbm>>
      tpu.enqueue_dma source(%dma_start3A_109 : memref<80x128xi32, #tpu.memory_space<hbm>>) target(%arg9 : memref<80x128xi32, #tpu.memory_space<vmem>>) target_semaphore(%run_scoped3A : memref<!tpu.dma_semaphore, #tpu.memory_space<semaphore_mem>>)
      %dma_wait3A_110 = arith.constant 0 : i32
      %dma_wait3A_111 = arith.constant 0 : i32
      %dma_wait3A_112 = tpu.memref_slice %arg2[%add3A, %dma_wait3A_110, %dma_wait3A_111] : memref<32x80x128xi32, #tpu.memory_space<hbm>> -> memref<1x80x128xi32, #tpu.memory_space<hbm>>
      %dma_wait3A_113 = tpu.memref_squeeze %dma_wait3A_112 : memref<1x80x128xi32, #tpu.memory_space<hbm>> -> memref<80x128xi32, #tpu.memory_space<hbm>>
      %dma_wait3A_114 = arith.constant 0 : i32
      %dma_wait3A_115 = arith.constant 0 : i32
      %dma_wait3A_116 = tpu.memref_slice %arg2[%add3A, %dma_wait3A_114, %dma_wait3A_115] : memref<32x80x128xi32, #tpu.memory_space<hbm>> -> memref<1x80x128xi32, #tpu.memory_space<hbm>>
      %dma_wait3A_117 = tpu.memref_squeeze %dma_wait3A_116 : memref<1x80x128xi32, #tpu.memory_space<hbm>> -> memref<80x128xi32, #tpu.memory_space<hbm>>
      tpu.wait_dma2 semaphore(%run_scoped3A : memref<!tpu.dma_semaphore, #tpu.memory_space<semaphore_mem>>) src(%dma_wait3A_117 : memref<80x128xi32, #tpu.memory_space<hbm>>) dst(%arg9 : memref<80x128xi32, #tpu.memory_space<vmem>>)
      tpu.yield
    }) : () -> ()
    "tpu.region"() ({
      %run_scoped3A = tpu.sem_alloc : memref<!tpu.dma_semaphore, #tpu.memory_space<semaphore_mem>>
      %dma_start3A_102 = arith.constant 0 : i32
      %dma_start3A_103 = arith.constant 0 : i32
      %dma_start3A_104 = tpu.memref_slice %arg3[%add3A, %dma_start3A_102, %dma_start3A_103] : memref<32x80x128xi32, #tpu.memory_space<hbm>> -> memref<1x80x128xi32, #tpu.memory_space<hbm>>
      %dma_start3A_105 = tpu.memref_squeeze %dma_start3A_104 : memref<1x80x128xi32, #tpu.memory_space<hbm>> -> memref<80x128xi32, #tpu.memory_space<hbm>>
      %dma_start3A_106 = arith.constant 0 : i32
      %dma_start3A_107 = arith.constant 0 : i32
      %dma_start3A_108 = tpu.memref_slice %arg3[%add3A, %dma_start3A_106, %dma_start3A_107] : memref<32x80x128xi32, #tpu.memory_space<hbm>> -> memref<1x80x128xi32, #tpu.memory_space<hbm>>
      %dma_start3A_109 = tpu.memref_squeeze %dma_start3A_108 : memref<1x80x128xi32, #tpu.memory_space<hbm>> -> memref<80x128xi32, #tpu.memory_space<hbm>>
      tpu.enqueue_dma source(%dma_start3A_109 : memref<80x128xi32, #tpu.memory_space<hbm>>) target(%arg10 : memref<80x128xi32, #tpu.memory_space<vmem>>) target_semaphore(%run_scoped3A : memref<!tpu.dma_semaphore, #tpu.memory_space<semaphore_mem>>)
      %dma_wait3A_110 = arith.constant 0 : i32
      %dma_wait3A_111 = arith.constant 0 : i32
      %dma_wait3A_112 = tpu.memref_slice %arg3[%add3A, %dma_wait3A_110, %dma_wait3A_111] : memref<32x80x128xi32, #tpu.memory_space<hbm>> -> memref<1x80x128xi32, #tpu.memory_space<hbm>>
      %dma_wait3A_113 = tpu.memref_squeeze %dma_wait3A_112 : memref<1x80x128xi32, #tpu.memory_space<hbm>> -> memref<80x128xi32, #tpu.memory_space<hbm>>
      %dma_wait3A_114 = arith.constant 0 : i32
      %dma_wait3A_115 = arith.constant 0 : i32
      %dma_wait3A_116 = tpu.memref_slice %arg3[%add3A, %dma_wait3A_114, %dma_wait3A_115] : memref<32x80x128xi32, #tpu.memory_space<hbm>> -> memref<1x80x128xi32, #tpu.memory_space<hbm>>
      %dma_wait3A_117 = tpu.memref_squeeze %dma_wait3A_116 : memref<1x80x128xi32, #tpu.memory_space<hbm>> -> memref<80x128xi32, #tpu.memory_space<hbm>>
      tpu.wait_dma2 semaphore(%run_scoped3A : memref<!tpu.dma_semaphore, #tpu.memory_space<semaphore_mem>>) src(%dma_wait3A_117 : memref<80x128xi32, #tpu.memory_space<hbm>>) dst(%arg10 : memref<80x128xi32, #tpu.memory_space<vmem>>)
      tpu.yield
    }) : () -> ()
    "tpu.region"() ({
      %run_scoped3A = tpu.sem_alloc : memref<!tpu.dma_semaphore, #tpu.memory_space<semaphore_mem>>
      tpu.enqueue_dma source(%arg4 : memref<10240xf32, #tpu.memory_space<hbm>>) target(%arg11 : memref<10240xf32, #tpu.memory_space<vmem>>) target_semaphore(%run_scoped3A : memref<!tpu.dma_semaphore, #tpu.memory_space<semaphore_mem>>)
      tpu.wait_dma2 semaphore(%run_scoped3A : memref<!tpu.dma_semaphore, #tpu.memory_space<semaphore_mem>>) src(%arg4 : memref<10240xf32, #tpu.memory_space<hbm>>) dst(%arg11 : memref<10240xf32, #tpu.memory_space<vmem>>)
      tpu.yield
    }) : () -> ()
    "tpu.region"() ({
      %run_scoped3A = tpu.sem_alloc : memref<!tpu.dma_semaphore, #tpu.memory_space<semaphore_mem>>
      tpu.enqueue_dma source(%arg5 : memref<10240xf32, #tpu.memory_space<hbm>>) target(%arg12 : memref<10240xf32, #tpu.memory_space<vmem>>) target_semaphore(%run_scoped3A : memref<!tpu.dma_semaphore, #tpu.memory_space<semaphore_mem>>)
      tpu.wait_dma2 semaphore(%run_scoped3A : memref<!tpu.dma_semaphore, #tpu.memory_space<semaphore_mem>>) src(%arg5 : memref<10240xf32, #tpu.memory_space<hbm>>) dst(%arg12 : memref<10240xf32, #tpu.memory_space<vmem>>)
      tpu.yield
    }) : () -> ()
    %broadcast_in_dim3A = arith.constant 0.000000e+00 : f32
    %broadcast_in_dim3A_1 = vector.broadcast %broadcast_in_dim3A : f32 to vector<16xf32>
    %scan3A = arith.constant 0 : i32
    %scan3A_2 = arith.constant 0 : i32
    %scan3A_3 = arith.constant 640 : i32
    %scan3A_4 = arith.addi %scan3A_2, %scan3A_3 : i32
    %scan3A_5 = arith.constant 1 : i32
    scf.for %scan3A_102 = %scan3A_2 to %scan3A_4 step %scan3A_5  : i32 {
      %swap3A = arith.index_cast %scan3A_102 : i32 to index
      %swap3A_103 = arith.constant 0 : index
      %swap3A_104 = tpu.vector_load %arg18[%swap3A, %swap3A_103] {strides = array<i32>} : memref<640x16xf32, #tpu.memory_space<vmem>>, vector<16xf32>,
      tpu.vector_store %arg18[%swap3A, %swap3A_103], %broadcast_in_dim3A_1 {strides = array<i32>} : memref<640x16xf32, #tpu.memory_space<vmem>>, vector<16xf32>,
    }
    %scan3A_6 = arith.constant 640 : i32
    %mul3A_7 = arith.constant 640 : i32
    %mul3A_8 = arith.muli %arg1, %mul3A_7 : i32
    "tpu.region"() ({
      %run_scoped3A = tpu.sem_alloc : memref<!tpu.dma_semaphore, #tpu.memory_space<semaphore_mem>>
      %dma_start3A_102 = arith.constant 0 : i32
      %dma_start3A_103 = tpu.memref_slice %arg20[%mul3A_8, %dma_start3A_102] : memref<10240x16xf32, #tpu.memory_space<vmem_shared>> -> memref<640x16xf32, #tpu.memory_space<vmem_shared>>
      %dma_start3A_104 = arith.constant 0 : i32
      %dma_start3A_105 = tpu.memref_slice %arg20[%mul3A_8, %dma_start3A_104] : memref<10240x16xf32, #tpu.memory_space<vmem_shared>> -> memref<640x16xf32, #tpu.memory_space<vmem_shared>>
      tpu.enqueue_dma source(%arg18 : memref<640x16xf32, #tpu.memory_space<vmem>>) target(%dma_start3A_105 : memref<640x16xf32, #tpu.memory_space<vmem_shared>>) target_semaphore(%run_scoped3A : memref<!tpu.dma_semaphore, #tpu.memory_space<semaphore_mem>>)
      %dma_wait3A_106 = arith.constant 0 : i32
      %dma_wait3A_107 = tpu.memref_slice %arg20[%mul3A_8, %dma_wait3A_106] : memref<10240x16xf32, #tpu.memory_space<vmem_shared>> -> memref<640x16xf32, #tpu.memory_space<vmem_shared>>
      %dma_wait3A_108 = arith.constant 0 : i32
      %dma_wait3A_109 = tpu.memref_slice %arg20[%mul3A_8, %dma_wait3A_108] : memref<10240x16xf32, #tpu.memory_space<vmem_shared>> -> memref<640x16xf32, #tpu.memory_space<vmem_shared>>
      tpu.wait_dma2 semaphore(%run_scoped3A : memref<!tpu.dma_semaphore, #tpu.memory_space<semaphore_mem>>) src(%arg18 : memref<640x16xf32, #tpu.memory_space<vmem>>) dst(%dma_wait3A_109 : memref<640x16xf32, #tpu.memory_space<vmem_shared>>)
      tpu.yield
    }) : () -> ()
    %scan3A_9 = arith.constant 0 : i32
    %scan3A_10 = arith.constant 0 : i32
    %scan3A_11 = arith.constant 40 : i32
    %scan3A_12 = arith.addi %scan3A_10, %scan3A_11 : i32
    %scan3A_13 = arith.constant 1 : i32
    scf.for %scan3A_102 = %scan3A_10 to %scan3A_12 step %scan3A_13  : i32 {
      %mul3A_103 = arith.constant 16 : i32
      %mul3A_104 = arith.muli %scan3A_102, %mul3A_103 : i32
      %swap3A = arith.index_cast %mul3A_104 : i32 to index
      %swap3A_105 = tpu.vector_load %arg19[%swap3A] {strides = array<i32>} : memref<640xf32, #tpu.memory_space<vmem>>, vector<16xf32>,
      tpu.vector_store %arg19[%swap3A], %broadcast_in_dim3A_1 {strides = array<i32>} : memref<640xf32, #tpu.memory_space<vmem>>, vector<16xf32>,
    }
    %scan3A_14 = arith.constant 40 : i32
    "tpu.region"() ({
      %run_scoped3A = tpu.sem_alloc : memref<!tpu.dma_semaphore, #tpu.memory_space<semaphore_mem>>
      %dma_start3A_102 = tpu.memref_slice %arg21[%mul3A_8] : memref<10240xf32, #tpu.memory_space<vmem_shared>> -> memref<640xf32, #tpu.memory_space<vmem_shared>>
      %dma_start3A_103 = tpu.memref_slice %arg21[%mul3A_8] : memref<10240xf32, #tpu.memory_space<vmem_shared>> -> memref<640xf32, #tpu.memory_space<vmem_shared>>
      tpu.enqueue_dma source(%arg19 : memref<640xf32, #tpu.memory_space<vmem>>) target(%dma_start3A_103 : memref<640xf32, #tpu.memory_space<vmem_shared>>) target_semaphore(%run_scoped3A : memref<!tpu.dma_semaphore, #tpu.memory_space<semaphore_mem>>)
      %dma_wait3A_104 = tpu.memref_slice %arg21[%mul3A_8] : memref<10240xf32, #tpu.memory_space<vmem_shared>> -> memref<640xf32, #tpu.memory_space<vmem_shared>>
      %dma_wait3A_105 = tpu.memref_slice %arg21[%mul3A_8] : memref<10240xf32, #tpu.memory_space<vmem_shared>> -> memref<640xf32, #tpu.memory_space<vmem_shared>>
      tpu.wait_dma2 semaphore(%run_scoped3A : memref<!tpu.dma_semaphore, #tpu.memory_space<semaphore_mem>>) src(%arg19 : memref<640xf32, #tpu.memory_space<vmem>>) dst(%dma_wait3A_105 : memref<640xf32, #tpu.memory_space<vmem_shared>>)
      tpu.yield
    }) : () -> ()
    %barrier3A = arith.constant 0 : index
    tpu.barrier barrier_id(%barrier3A)
    %dma_start3A = arith.constant 0 : i32
    %dma_start3A_15 = arith.constant 0 : i32
    %dma_start3A_16 = tpu.memref_slice %arg9[%dma_start3A, %dma_start3A_15] : memref<80x128xi32, #tpu.memory_space<vmem>> -> memref<1x128xi32, #tpu.memory_space<vmem>>
    %dma_start3A_17 = tpu.memref_squeeze %dma_start3A_16 : memref<1x128xi32, #tpu.memory_space<vmem>> -> memref<128xi32, #tpu.memory_space<vmem>>
    %dma_start3A_18 = arith.constant 0 : i32
    %dma_start3A_19 = arith.constant 0 : i32
    %dma_start3A_20 = tpu.memref_slice %arg6[%dma_start3A_18, %dma_start3A_19] : memref<10000x16xf32, #tpu.memory_space<hbm>> -> memref<10000x16xf32, #tpu.memory_space<hbm>>
    tpu.enqueue_indirect_dma source(%dma_start3A_20 : memref<10000x16xf32, #tpu.memory_space<hbm>>) target(%arg14 : memref<128x16xf32, #tpu.memory_space<vmem>>) offsets(%dma_start3A_17 : memref<128xi32, #tpu.memory_space<vmem>>) semaphore(%arg22 : memref<!tpu.dma_semaphore, #tpu.memory_space<semaphore_mem>>)
    %dma_start3A_21 = arith.constant 1 : i32
    %dma_start3A_22 = arith.constant 0 : i32
    %dma_start3A_23 = tpu.memref_slice %arg9[%dma_start3A_21, %dma_start3A_22] : memref<80x128xi32, #tpu.memory_space<vmem>> -> memref<1x128xi32, #tpu.memory_space<vmem>>
    %dma_start3A_24 = tpu.memref_squeeze %dma_start3A_23 : memref<1x128xi32, #tpu.memory_space<vmem>> -> memref<128xi32, #tpu.memory_space<vmem>>
    %dma_start3A_25 = arith.constant 0 : i32
    %dma_start3A_26 = arith.constant 0 : i32
    %dma_start3A_27 = tpu.memref_slice %arg6[%dma_start3A_25, %dma_start3A_26] : memref<10000x16xf32, #tpu.memory_space<hbm>> -> memref<10000x16xf32, #tpu.memory_space<hbm>>
    tpu.enqueue_indirect_dma source(%dma_start3A_27 : memref<10000x16xf32, #tpu.memory_space<hbm>>) target(%arg15 : memref<128x16xf32, #tpu.memory_space<vmem>>) offsets(%dma_start3A_24 : memref<128xi32, #tpu.memory_space<vmem>>) semaphore(%arg23 : memref<!tpu.dma_semaphore, #tpu.memory_space<semaphore_mem>>)
    %scan3A_28 = arith.constant 0 : i32
    %scan3A_29 = arith.constant 0 : i32
    %scan3A_30 = arith.constant 20 : i32
    %scan3A_31 = arith.addi %scan3A_29, %scan3A_30 : i32
    %scan3A_32 = arith.constant 1 : i32
    scf.for %scan3A_102 = %scan3A_29 to %scan3A_31 step %scan3A_32  : i32 {
      %mul3A_103 = arith.constant 4 : i32
      %mul3A_104 = arith.muli %mul3A_103, %scan3A_102 : i32
      %add3A_105 = arith.constant 0 : i32
      %add3A_106 = arith.addi %mul3A_104, %add3A_105 : i32
      %scan3A_107 = arith.constant 0 : i32
      %scan3A_108 = arith.constant 0 : i32
      %scan3A_109 = arith.constant 8 : i32
      %scan3A_110 = arith.addi %scan3A_108, %scan3A_109 : i32
      %scan3A_111 = arith.constant 1 : i32
      scf.for %scan3A_277 = %scan3A_108 to %scan3A_110 step %scan3A_111  : i32 {
        %mul3A_278 = arith.constant 16 : i32
        %mul3A_279 = arith.muli %scan3A_277, %mul3A_278 : i32
        %get3A = arith.index_cast %add3A_106 : i32 to index
        %get3A_280 = arith.index_cast %mul3A_279 : i32 to index
        %get3A_281 = tpu.vector_load %arg9[%get3A, %get3A_280] {strides = array<i32>} : memref<80x128xi32, #tpu.memory_space<vmem>>, vector<16xi32>,
        %mul3A_282 = arith.constant 16 : i32
        %mul3A_283 = arith.muli %scan3A_277, %mul3A_282 : i32
        %get3A_284 = arith.index_cast %add3A_106 : i32 to index
        %get3A_285 = arith.index_cast %mul3A_283 : i32 to index
        %get3A_286 = tpu.vector_load %arg10[%get3A_284, %get3A_285] {strides = array<i32>} : memref<80x128xi32, #tpu.memory_space<vmem>>, vector<16xi32>,
        %gather3A = tpu.vector_load_idx %arg11[%get3A_281] : memref<10240xf32, #tpu.memory_space<vmem>>[vector<16xi32>], vector<16xf32>,
        %gather3A_287 = tpu.vector_load_idx %arg12[%get3A_286] : memref<10240xf32, #tpu.memory_space<vmem>>[vector<16xi32>], vector<16xf32>,
        %add3A_288 = arith.addf %gather3A, %gather3A_287 : vector<16xf32>
        %ge3A = arith.constant 0.000000e+00 : f32
        %ge3A_289 = vector.broadcast %ge3A : f32 to vector<16xf32>
        %ge3A_290 = arith.cmpf oge, %add3A_288, %ge3A_289 : vector<16xf32>
        %mul3A_291 = arith.constant 2.000000e-01 : f32
        %mul3A_292 = vector.broadcast %mul3A_291 : f32 to vector<16xf32>
        %mul3A_293 = arith.mulf %mul3A_292, %add3A_288 : vector<16xf32>
        %select_n3A = arith.select %ge3A_290, %add3A_288, %mul3A_293 : vector<16xi1>, vector<16xf32>
        %exp3A = math.exp %select_n3A : vector<16xf32>
        %mul3A_294 = arith.constant 16 : i32
        %mul3A_295 = arith.muli %scan3A_277, %mul3A_294 : i32
        %swap3A = arith.index_cast %add3A_106 : i32 to index
        %swap3A_296 = arith.index_cast %mul3A_295 : i32 to index
        %swap3A_297 = tpu.vector_load %arg13[%swap3A, %swap3A_296] {strides = array<i32>} : memref<80x128xf32, #tpu.memory_space<vmem>>, vector<16xf32>,
        tpu.vector_store %arg13[%swap3A, %swap3A_296], %exp3A {strides = array<i32>} : memref<80x128xf32, #tpu.memory_space<vmem>>, vector<16xf32>,
      }
      %scan3A_112 = arith.constant 8 : i32
      %dma_wait3A_113 = arith.constant 0 : i32
      %dma_wait3A_114 = arith.constant 0 : i32
      %dma_wait3A_115 = tpu.memref_slice %arg9[%dma_wait3A_113, %dma_wait3A_114] : memref<80x128xi32, #tpu.memory_space<vmem>> -> memref<1x128xi32, #tpu.memory_space<vmem>>
      %dma_wait3A_116 = tpu.memref_squeeze %dma_wait3A_115 : memref<1x128xi32, #tpu.memory_space<vmem>> -> memref<128xi32, #tpu.memory_space<vmem>>
      %dma_wait3A_117 = arith.constant 0 : i32
      %dma_wait3A_118 = arith.constant 0 : i32
      %dma_wait3A_119 = tpu.memref_slice %arg6[%dma_wait3A_117, %dma_wait3A_118] : memref<10000x16xf32, #tpu.memory_space<hbm>> -> memref<10000x16xf32, #tpu.memory_space<hbm>>
      tpu.wait_indirect_dma semaphore(%arg22 : memref<!tpu.dma_semaphore, #tpu.memory_space<semaphore_mem>>) src(%dma_wait3A_119 : memref<10000x16xf32, #tpu.memory_space<hbm>>) dst(%arg14 : memref<128x16xf32, #tpu.memory_space<vmem>>)
      %scan3A_120 = arith.constant 0 : i32
      %scan3A_121 = arith.constant 0 : i32
      %scan3A_122 = arith.constant 8 : i32
      %scan3A_123 = arith.addi %scan3A_121, %scan3A_122 : i32
      %scan3A_124 = arith.constant 1 : i32
      scf.for %scan3A_277 = %scan3A_121 to %scan3A_123 step %scan3A_124  : i32 {
        %mul3A_278 = arith.constant 16 : i32
        %mul3A_279 = arith.muli %scan3A_277, %mul3A_278 : i32
        %get3A = arith.index_cast %add3A_106 : i32 to index
        %get3A_280 = arith.index_cast %mul3A_279 : i32 to index
        %get3A_281 = tpu.vector_load %arg13[%get3A, %get3A_280] {strides = array<i32>} : memref<80x128xf32, #tpu.memory_space<vmem>>, vector<16xf32>,
        %mul3A_282 = arith.constant 16 : i32
        %mul3A_283 = arith.muli %scan3A_277, %mul3A_282 : i32
        %add3A_284 = arith.constant 0 : i32
        %add3A_285 = arith.addi %mul3A_283, %add3A_284 : i32
        %get3A_286 = arith.index_cast %add3A_285 : i32 to index
        %get3A_287 = arith.constant 0 : index
        %get3A_288 = tpu.vector_load %arg14[%get3A_286, %get3A_287] {strides = array<i32>} : memref<128x16xf32, #tpu.memory_space<vmem>>, vector<16xf32>,
        %slice3A = vector.extract_strided_slice %get3A_281 {offsets = [0], sizes = [1], strides = [1]} : vector<16xf32> to vector<1xf32>
        %squeeze3A = vector.extract %slice3A[0] : f32 from vector<1xf32>
        %mul3A_289 = vector.broadcast %squeeze3A : f32 to vector<16xf32>
        %mul3A_290 = arith.mulf %get3A_288, %mul3A_289 : vector<16xf32>
        %add3A_291 = arith.constant 0 : i32
        %add3A_292 = arith.addi %mul3A_283, %add3A_291 : i32
        %swap3A = arith.index_cast %add3A_292 : i32 to index
        %swap3A_293 = arith.constant 0 : index
        %swap3A_294 = tpu.vector_load %arg14[%swap3A, %swap3A_293] {strides = array<i32>} : memref<128x16xf32, #tpu.memory_space<vmem>>, vector<16xf32>,
        tpu.vector_store %arg14[%swap3A, %swap3A_293], %mul3A_290 {strides = array<i32>} : memref<128x16xf32, #tpu.memory_space<vmem>>, vector<16xf32>,
        %add3A_295 = arith.constant 1 : i32
        %add3A_296 = arith.addi %mul3A_283, %add3A_295 : i32
        %get3A_297 = arith.index_cast %add3A_296 : i32 to index
        %get3A_298 = arith.constant 0 : index
        %get3A_299 = tpu.vector_load %arg14[%get3A_297, %get3A_298] {strides = array<i32>} : memref<128x16xf32, #tpu.memory_space<vmem>>, vector<16xf32>,
        %slice3A_300 = vector.extract_strided_slice %get3A_281 {offsets = [1], sizes = [1], strides = [1]} : vector<16xf32> to vector<1xf32>
        %squeeze3A_301 = vector.extract %slice3A_300[0] : f32 from vector<1xf32>
        %mul3A_302 = vector.broadcast %squeeze3A_301 : f32 to vector<16xf32>
        %mul3A_303 = arith.mulf %get3A_299, %mul3A_302 : vector<16xf32>
        %add3A_304 = arith.constant 1 : i32
        %add3A_305 = arith.addi %mul3A_283, %add3A_304 : i32
        %swap3A_306 = arith.index_cast %add3A_305 : i32 to index
        %swap3A_307 = arith.constant 0 : index
        %swap3A_308 = tpu.vector_load %arg14[%swap3A_306, %swap3A_307] {strides = array<i32>} : memref<128x16xf32, #tpu.memory_space<vmem>>, vector<16xf32>,
        tpu.vector_store %arg14[%swap3A_306, %swap3A_307], %mul3A_303 {strides = array<i32>} : memref<128x16xf32, #tpu.memory_space<vmem>>, vector<16xf32>,
        %add3A_309 = arith.constant 2 : i32
        %add3A_310 = arith.addi %mul3A_283, %add3A_309 : i32
        %get3A_311 = arith.index_cast %add3A_310 : i32 to index
        %get3A_312 = arith.constant 0 : index
        %get3A_313 = tpu.vector_load %arg14[%get3A_311, %get3A_312] {strides = array<i32>} : memref<128x16xf32, #tpu.memory_space<vmem>>, vector<16xf32>,
        %slice3A_314 = vector.extract_strided_slice %get3A_281 {offsets = [2], sizes = [1], strides = [1]} : vector<16xf32> to vector<1xf32>
        %squeeze3A_315 = vector.extract %slice3A_314[0] : f32 from vector<1xf32>
        %mul3A_316 = vector.broadcast %squeeze3A_315 : f32 to vector<16xf32>
        %mul3A_317 = arith.mulf %get3A_313, %mul3A_316 : vector<16xf32>
        %add3A_318 = arith.constant 2 : i32
        %add3A_319 = arith.addi %mul3A_283, %add3A_318 : i32
        %swap3A_320 = arith.index_cast %add3A_319 : i32 to index
        %swap3A_321 = arith.constant 0 : index
        %swap3A_322 = tpu.vector_load %arg14[%swap3A_320, %swap3A_321] {strides = array<i32>} : memref<128x16xf32, #tpu.memory_space<vmem>>, vector<16xf32>,
        tpu.vector_store %arg14[%swap3A_320, %swap3A_321], %mul3A_317 {strides = array<i32>} : memref<128x16xf32, #tpu.memory_space<vmem>>, vector<16xf32>,
        %add3A_323 = arith.constant 3 : i32
        %add3A_324 = arith.addi %mul3A_283, %add3A_323 : i32
        %get3A_325 = arith.index_cast %add3A_324 : i32 to index
        %get3A_326 = arith.constant 0 : index
        %get3A_327 = tpu.vector_load %arg14[%get3A_325, %get3A_326] {strides = array<i32>} : memref<128x16xf32, #tpu.memory_space<vmem>>, vector<16xf32>,
        %slice3A_328 = vector.extract_strided_slice %get3A_281 {offsets = [3], sizes = [1], strides = [1]} : vector<16xf32> to vector<1xf32>
        %squeeze3A_329 = vector.extract %slice3A_328[0] : f32 from vector<1xf32>
        %mul3A_330 = vector.broadcast %squeeze3A_329 : f32 to vector<16xf32>
        %mul3A_331 = arith.mulf %get3A_327, %mul3A_330 : vector<16xf32>
        %add3A_332 = arith.constant 3 : i32
        %add3A_333 = arith.addi %mul3A_283, %add3A_332 : i32
        %swap3A_334 = arith.index_cast %add3A_333 : i32 to index
        %swap3A_335 = arith.constant 0 : index
        %swap3A_336 = tpu.vector_load %arg14[%swap3A_334, %swap3A_335] {strides = array<i32>} : memref<128x16xf32, #tpu.memory_space<vmem>>, vector<16xf32>,
        tpu.vector_store %arg14[%swap3A_334, %swap3A_335], %mul3A_331 {strides = array<i32>} : memref<128x16xf32, #tpu.memory_space<vmem>>, vector<16xf32>,
        %add3A_337 = arith.constant 4 : i32
        %add3A_338 = arith.addi %mul3A_283, %add3A_337 : i32
        %get3A_339 = arith.index_cast %add3A_338 : i32 to index
        %get3A_340 = arith.constant 0 : index
        %get3A_341 = tpu.vector_load %arg14[%get3A_339, %get3A_340] {strides = array<i32>} : memref<128x16xf32, #tpu.memory_space<vmem>>, vector<16xf32>,
        %slice3A_342 = vector.extract_strided_slice %get3A_281 {offsets = [4], sizes = [1], strides = [1]} : vector<16xf32> to vector<1xf32>
        %squeeze3A_343 = vector.extract %slice3A_342[0] : f32 from vector<1xf32>
        %mul3A_344 = vector.broadcast %squeeze3A_343 : f32 to vector<16xf32>
        %mul3A_345 = arith.mulf %get3A_341, %mul3A_344 : vector<16xf32>
        %add3A_346 = arith.constant 4 : i32
        %add3A_347 = arith.addi %mul3A_283, %add3A_346 : i32
        %swap3A_348 = arith.index_cast %add3A_347 : i32 to index
        %swap3A_349 = arith.constant 0 : index
        %swap3A_350 = tpu.vector_load %arg14[%swap3A_348, %swap3A_349] {strides = array<i32>} : memref<128x16xf32, #tpu.memory_space<vmem>>, vector<16xf32>,
        tpu.vector_store %arg14[%swap3A_348, %swap3A_349], %mul3A_345 {strides = array<i32>} : memref<128x16xf32, #tpu.memory_space<vmem>>, vector<16xf32>,
        %add3A_351 = arith.constant 5 : i32
        %add3A_352 = arith.addi %mul3A_283, %add3A_351 : i32
        %get3A_353 = arith.index_cast %add3A_352 : i32 to index
        %get3A_354 = arith.constant 0 : index
        %get3A_355 = tpu.vector_load %arg14[%get3A_353, %get3A_354] {strides = array<i32>} : memref<128x16xf32, #tpu.memory_space<vmem>>, vector<16xf32>,
        %slice3A_356 = vector.extract_strided_slice %get3A_281 {offsets = [5], sizes = [1], strides = [1]} : vector<16xf32> to vector<1xf32>
        %squeeze3A_357 = vector.extract %slice3A_356[0] : f32 from vector<1xf32>
        %mul3A_358 = vector.broadcast %squeeze3A_357 : f32 to vector<16xf32>
        %mul3A_359 = arith.mulf %get3A_355, %mul3A_358 : vector<16xf32>
        %add3A_360 = arith.constant 5 : i32
        %add3A_361 = arith.addi %mul3A_283, %add3A_360 : i32
        %swap3A_362 = arith.index_cast %add3A_361 : i32 to index
        %swap3A_363 = arith.constant 0 : index
        %swap3A_364 = tpu.vector_load %arg14[%swap3A_362, %swap3A_363] {strides = array<i32>} : memref<128x16xf32, #tpu.memory_space<vmem>>, vector<16xf32>,
        tpu.vector_store %arg14[%swap3A_362, %swap3A_363], %mul3A_359 {strides = array<i32>} : memref<128x16xf32, #tpu.memory_space<vmem>>, vector<16xf32>,
        %add3A_365 = arith.constant 6 : i32
        %add3A_366 = arith.addi %mul3A_283, %add3A_365 : i32
        %get3A_367 = arith.index_cast %add3A_366 : i32 to index
        %get3A_368 = arith.constant 0 : index
        %get3A_369 = tpu.vector_load %arg14[%get3A_367, %get3A_368] {strides = array<i32>} : memref<128x16xf32, #tpu.memory_space<vmem>>, vector<16xf32>,
        %slice3A_370 = vector.extract_strided_slice %get3A_281 {offsets = [6], sizes = [1], strides = [1]} : vector<16xf32> to vector<1xf32>
        %squeeze3A_371 = vector.extract %slice3A_370[0] : f32 from vector<1xf32>
        %mul3A_372 = vector.broadcast %squeeze3A_371 : f32 to vector<16xf32>
        %mul3A_373 = arith.mulf %get3A_369, %mul3A_372 : vector<16xf32>
        %add3A_374 = arith.constant 6 : i32
        %add3A_375 = arith.addi %mul3A_283, %add3A_374 : i32
        %swap3A_376 = arith.index_cast %add3A_375 : i32 to index
        %swap3A_377 = arith.constant 0 : index
        %swap3A_378 = tpu.vector_load %arg14[%swap3A_376, %swap3A_377] {strides = array<i32>} : memref<128x16xf32, #tpu.memory_space<vmem>>, vector<16xf32>,
        tpu.vector_store %arg14[%swap3A_376, %swap3A_377], %mul3A_373 {strides = array<i32>} : memref<128x16xf32, #tpu.memory_space<vmem>>, vector<16xf32>,
        %add3A_379 = arith.constant 7 : i32
        %add3A_380 = arith.addi %mul3A_283, %add3A_379 : i32
        %get3A_381 = arith.index_cast %add3A_380 : i32 to index
        %get3A_382 = arith.constant 0 : index
        %get3A_383 = tpu.vector_load %arg14[%get3A_381, %get3A_382] {strides = array<i32>} : memref<128x16xf32, #tpu.memory_space<vmem>>, vector<16xf32>,
        %slice3A_384 = vector.extract_strided_slice %get3A_281 {offsets = [7], sizes = [1], strides = [1]} : vector<16xf32> to vector<1xf32>
        %squeeze3A_385 = vector.extract %slice3A_384[0] : f32 from vector<1xf32>
        %mul3A_386 = vector.broadcast %squeeze3A_385 : f32 to vector<16xf32>
        %mul3A_387 = arith.mulf %get3A_383, %mul3A_386 : vector<16xf32>
        %add3A_388 = arith.constant 7 : i32
        %add3A_389 = arith.addi %mul3A_283, %add3A_388 : i32
        %swap3A_390 = arith.index_cast %add3A_389 : i32 to index
        %swap3A_391 = arith.constant 0 : index
        %swap3A_392 = tpu.vector_load %arg14[%swap3A_390, %swap3A_391] {strides = array<i32>} : memref<128x16xf32, #tpu.memory_space<vmem>>, vector<16xf32>,
        tpu.vector_store %arg14[%swap3A_390, %swap3A_391], %mul3A_387 {strides = array<i32>} : memref<128x16xf32, #tpu.memory_space<vmem>>, vector<16xf32>,
        %add3A_393 = arith.constant 8 : i32
        %add3A_394 = arith.addi %mul3A_283, %add3A_393 : i32
        %get3A_395 = arith.index_cast %add3A_394 : i32 to index
        %get3A_396 = arith.constant 0 : index
        %get3A_397 = tpu.vector_load %arg14[%get3A_395, %get3A_396] {strides = array<i32>} : memref<128x16xf32, #tpu.memory_space<vmem>>, vector<16xf32>,
        %slice3A_398 = vector.extract_strided_slice %get3A_281 {offsets = [8], sizes = [1], strides = [1]} : vector<16xf32> to vector<1xf32>
        %squeeze3A_399 = vector.extract %slice3A_398[0] : f32 from vector<1xf32>
        %mul3A_400 = vector.broadcast %squeeze3A_399 : f32 to vector<16xf32>
        %mul3A_401 = arith.mulf %get3A_397, %mul3A_400 : vector<16xf32>
        %add3A_402 = arith.constant 8 : i32
        %add3A_403 = arith.addi %mul3A_283, %add3A_402 : i32
        %swap3A_404 = arith.index_cast %add3A_403 : i32 to index
        %swap3A_405 = arith.constant 0 : index
        %swap3A_406 = tpu.vector_load %arg14[%swap3A_404, %swap3A_405] {strides = array<i32>} : memref<128x16xf32, #tpu.memory_space<vmem>>, vector<16xf32>,
        tpu.vector_store %arg14[%swap3A_404, %swap3A_405], %mul3A_401 {strides = array<i32>} : memref<128x16xf32, #tpu.memory_space<vmem>>, vector<16xf32>,
        %add3A_407 = arith.constant 9 : i32
        %add3A_408 = arith.addi %mul3A_283, %add3A_407 : i32
        %get3A_409 = arith.index_cast %add3A_408 : i32 to index
        %get3A_410 = arith.constant 0 : index
        %get3A_411 = tpu.vector_load %arg14[%get3A_409, %get3A_410] {strides = array<i32>} : memref<128x16xf32, #tpu.memory_space<vmem>>, vector<16xf32>,
        %slice3A_412 = vector.extract_strided_slice %get3A_281 {offsets = [9], sizes = [1], strides = [1]} : vector<16xf32> to vector<1xf32>
        %squeeze3A_413 = vector.extract %slice3A_412[0] : f32 from vector<1xf32>
        %mul3A_414 = vector.broadcast %squeeze3A_413 : f32 to vector<16xf32>
        %mul3A_415 = arith.mulf %get3A_411, %mul3A_414 : vector<16xf32>
        %add3A_416 = arith.constant 9 : i32
        %add3A_417 = arith.addi %mul3A_283, %add3A_416 : i32
        %swap3A_418 = arith.index_cast %add3A_417 : i32 to index
        %swap3A_419 = arith.constant 0 : index
        %swap3A_420 = tpu.vector_load %arg14[%swap3A_418, %swap3A_419] {strides = array<i32>} : memref<128x16xf32, #tpu.memory_space<vmem>>, vector<16xf32>,
        tpu.vector_store %arg14[%swap3A_418, %swap3A_419], %mul3A_415 {strides = array<i32>} : memref<128x16xf32, #tpu.memory_space<vmem>>, vector<16xf32>,
        %add3A_421 = arith.constant 10 : i32
        %add3A_422 = arith.addi %mul3A_283, %add3A_421 : i32
        %get3A_423 = arith.index_cast %add3A_422 : i32 to index
        %get3A_424 = arith.constant 0 : index
        %get3A_425 = tpu.vector_load %arg14[%get3A_423, %get3A_424] {strides = array<i32>} : memref<128x16xf32, #tpu.memory_space<vmem>>, vector<16xf32>,
        %slice3A_426 = vector.extract_strided_slice %get3A_281 {offsets = [10], sizes = [1], strides = [1]} : vector<16xf32> to vector<1xf32>
        %squeeze3A_427 = vector.extract %slice3A_426[0] : f32 from vector<1xf32>
        %mul3A_428 = vector.broadcast %squeeze3A_427 : f32 to vector<16xf32>
        %mul3A_429 = arith.mulf %get3A_425, %mul3A_428 : vector<16xf32>
        %add3A_430 = arith.constant 10 : i32
        %add3A_431 = arith.addi %mul3A_283, %add3A_430 : i32
        %swap3A_432 = arith.index_cast %add3A_431 : i32 to index
        %swap3A_433 = arith.constant 0 : index
        %swap3A_434 = tpu.vector_load %arg14[%swap3A_432, %swap3A_433] {strides = array<i32>} : memref<128x16xf32, #tpu.memory_space<vmem>>, vector<16xf32>,
        tpu.vector_store %arg14[%swap3A_432, %swap3A_433], %mul3A_429 {strides = array<i32>} : memref<128x16xf32, #tpu.memory_space<vmem>>, vector<16xf32>,
        %add3A_435 = arith.constant 11 : i32
        %add3A_436 = arith.addi %mul3A_283, %add3A_435 : i32
        %get3A_437 = arith.index_cast %add3A_436 : i32 to index
        %get3A_438 = arith.constant 0 : index
        %get3A_439 = tpu.vector_load %arg14[%get3A_437, %get3A_438] {strides = array<i32>} : memref<128x16xf32, #tpu.memory_space<vmem>>, vector<16xf32>,
        %slice3A_440 = vector.extract_strided_slice %get3A_281 {offsets = [11], sizes = [1], strides = [1]} : vector<16xf32> to vector<1xf32>
        %squeeze3A_441 = vector.extract %slice3A_440[0] : f32 from vector<1xf32>
        %mul3A_442 = vector.broadcast %squeeze3A_441 : f32 to vector<16xf32>
        %mul3A_443 = arith.mulf %get3A_439, %mul3A_442 : vector<16xf32>
        %add3A_444 = arith.constant 11 : i32
        %add3A_445 = arith.addi %mul3A_283, %add3A_444 : i32
        %swap3A_446 = arith.index_cast %add3A_445 : i32 to index
        %swap3A_447 = arith.constant 0 : index
        %swap3A_448 = tpu.vector_load %arg14[%swap3A_446, %swap3A_447] {strides = array<i32>} : memref<128x16xf32, #tpu.memory_space<vmem>>, vector<16xf32>,
        tpu.vector_store %arg14[%swap3A_446, %swap3A_447], %mul3A_443 {strides = array<i32>} : memref<128x16xf32, #tpu.memory_space<vmem>>, vector<16xf32>,
        %add3A_449 = arith.constant 12 : i32
        %add3A_450 = arith.addi %mul3A_283, %add3A_449 : i32
        %get3A_451 = arith.index_cast %add3A_450 : i32 to index
        %get3A_452 = arith.constant 0 : index
        %get3A_453 = tpu.vector_load %arg14[%get3A_451, %get3A_452] {strides = array<i32>} : memref<128x16xf32, #tpu.memory_space<vmem>>, vector<16xf32>,
        %slice3A_454 = vector.extract_strided_slice %get3A_281 {offsets = [12], sizes = [1], strides = [1]} : vector<16xf32> to vector<1xf32>
        %squeeze3A_455 = vector.extract %slice3A_454[0] : f32 from vector<1xf32>
        %mul3A_456 = vector.broadcast %squeeze3A_455 : f32 to vector<16xf32>
        %mul3A_457 = arith.mulf %get3A_453, %mul3A_456 : vector<16xf32>
        %add3A_458 = arith.constant 12 : i32
        %add3A_459 = arith.addi %mul3A_283, %add3A_458 : i32
        %swap3A_460 = arith.index_cast %add3A_459 : i32 to index
        %swap3A_461 = arith.constant 0 : index
        %swap3A_462 = tpu.vector_load %arg14[%swap3A_460, %swap3A_461] {strides = array<i32>} : memref<128x16xf32, #tpu.memory_space<vmem>>, vector<16xf32>,
        tpu.vector_store %arg14[%swap3A_460, %swap3A_461], %mul3A_457 {strides = array<i32>} : memref<128x16xf32, #tpu.memory_space<vmem>>, vector<16xf32>,
        %add3A_463 = arith.constant 13 : i32
        %add3A_464 = arith.addi %mul3A_283, %add3A_463 : i32
        %get3A_465 = arith.index_cast %add3A_464 : i32 to index
        %get3A_466 = arith.constant 0 : index
        %get3A_467 = tpu.vector_load %arg14[%get3A_465, %get3A_466] {strides = array<i32>} : memref<128x16xf32, #tpu.memory_space<vmem>>, vector<16xf32>,
        %slice3A_468 = vector.extract_strided_slice %get3A_281 {offsets = [13], sizes = [1], strides = [1]} : vector<16xf32> to vector<1xf32>
        %squeeze3A_469 = vector.extract %slice3A_468[0] : f32 from vector<1xf32>
        %mul3A_470 = vector.broadcast %squeeze3A_469 : f32 to vector<16xf32>
        %mul3A_471 = arith.mulf %get3A_467, %mul3A_470 : vector<16xf32>
        %add3A_472 = arith.constant 13 : i32
        %add3A_473 = arith.addi %mul3A_283, %add3A_472 : i32
        %swap3A_474 = arith.index_cast %add3A_473 : i32 to index
        %swap3A_475 = arith.constant 0 : index
        %swap3A_476 = tpu.vector_load %arg14[%swap3A_474, %swap3A_475] {strides = array<i32>} : memref<128x16xf32, #tpu.memory_space<vmem>>, vector<16xf32>,
        tpu.vector_store %arg14[%swap3A_474, %swap3A_475], %mul3A_471 {strides = array<i32>} : memref<128x16xf32, #tpu.memory_space<vmem>>, vector<16xf32>,
        %add3A_477 = arith.constant 14 : i32
        %add3A_478 = arith.addi %mul3A_283, %add3A_477 : i32
        %get3A_479 = arith.index_cast %add3A_478 : i32 to index
        %get3A_480 = arith.constant 0 : index
        %get3A_481 = tpu.vector_load %arg14[%get3A_479, %get3A_480] {strides = array<i32>} : memref<128x16xf32, #tpu.memory_space<vmem>>, vector<16xf32>,
        %slice3A_482 = vector.extract_strided_slice %get3A_281 {offsets = [14], sizes = [1], strides = [1]} : vector<16xf32> to vector<1xf32>
        %squeeze3A_483 = vector.extract %slice3A_482[0] : f32 from vector<1xf32>
        %mul3A_484 = vector.broadcast %squeeze3A_483 : f32 to vector<16xf32>
        %mul3A_485 = arith.mulf %get3A_481, %mul3A_484 : vector<16xf32>
        %add3A_486 = arith.constant 14 : i32
        %add3A_487 = arith.addi %mul3A_283, %add3A_486 : i32
        %swap3A_488 = arith.index_cast %add3A_487 : i32 to index
        %swap3A_489 = arith.constant 0 : index
        %swap3A_490 = tpu.vector_load %arg14[%swap3A_488, %swap3A_489] {strides = array<i32>} : memref<128x16xf32, #tpu.memory_space<vmem>>, vector<16xf32>,
        tpu.vector_store %arg14[%swap3A_488, %swap3A_489], %mul3A_485 {strides = array<i32>} : memref<128x16xf32, #tpu.memory_space<vmem>>, vector<16xf32>,
        %add3A_491 = arith.constant 15 : i32
        %add3A_492 = arith.addi %mul3A_283, %add3A_491 : i32
        %get3A_493 = arith.index_cast %add3A_492 : i32 to index
        %get3A_494 = arith.constant 0 : index
        %get3A_495 = tpu.vector_load %arg14[%get3A_493, %get3A_494] {strides = array<i32>} : memref<128x16xf32, #tpu.memory_space<vmem>>, vector<16xf32>,
        %slice3A_496 = vector.extract_strided_slice %get3A_281 {offsets = [15], sizes = [1], strides = [1]} : vector<16xf32> to vector<1xf32>
        %squeeze3A_497 = vector.extract %slice3A_496[0] : f32 from vector<1xf32>
        %mul3A_498 = vector.broadcast %squeeze3A_497 : f32 to vector<16xf32>
        %mul3A_499 = arith.mulf %get3A_495, %mul3A_498 : vector<16xf32>
        %add3A_500 = arith.constant 15 : i32
        %add3A_501 = arith.addi %mul3A_283, %add3A_500 : i32
        %swap3A_502 = arith.index_cast %add3A_501 : i32 to index
        %swap3A_503 = arith.constant 0 : index
        %swap3A_504 = tpu.vector_load %arg14[%swap3A_502, %swap3A_503] {strides = array<i32>} : memref<128x16xf32, #tpu.memory_space<vmem>>, vector<16xf32>,
        tpu.vector_store %arg14[%swap3A_502, %swap3A_503], %mul3A_499 {strides = array<i32>} : memref<128x16xf32, #tpu.memory_space<vmem>>, vector<16xf32>,
      }
      %scan3A_125 = arith.constant 8 : i32
      %dma_start3A_126 = arith.constant 0 : i32
      %dma_start3A_127 = tpu.memref_slice %arg10[%add3A_106, %dma_start3A_126] : memref<80x128xi32, #tpu.memory_space<vmem>> -> memref<1x128xi32, #tpu.memory_space<vmem>>
      %dma_start3A_128 = tpu.memref_squeeze %dma_start3A_127 : memref<1x128xi32, #tpu.memory_space<vmem>> -> memref<128xi32, #tpu.memory_space<vmem>>
      %dma_start3A_129 = arith.constant 0 : i32
      %dma_start3A_130 = arith.constant 0 : i32
      %dma_start3A_131 = tpu.memref_slice %arg20[%dma_start3A_129, %dma_start3A_130] : memref<10240x16xf32, #tpu.memory_space<vmem_shared>> -> memref<10240x16xf32, #tpu.memory_space<vmem_shared>>
      tpu.enqueue_indirect_dma source(%arg14 : memref<128x16xf32, #tpu.memory_space<vmem>>) target(%dma_start3A_131 : memref<10240x16xf32, #tpu.memory_space<vmem_shared>>) offsets(%dma_start3A_128 : memref<128xi32, #tpu.memory_space<vmem>>) semaphore(%arg26 : memref<!tpu.dma_semaphore, #tpu.memory_space<semaphore_mem>>) {add = true}
      %dma_start3A_132 = arith.constant 0 : i32
      %dma_start3A_133 = tpu.memref_slice %arg13[%add3A_106, %dma_start3A_132] : memref<80x128xf32, #tpu.memory_space<vmem>> -> memref<1x128xf32, #tpu.memory_space<vmem>>
      %dma_start3A_134 = tpu.memref_squeeze %dma_start3A_133 : memref<1x128xf32, #tpu.memory_space<vmem>> -> memref<128xf32, #tpu.memory_space<vmem>>
      %dma_start3A_135 = arith.constant 0 : i32
      %dma_start3A_136 = tpu.memref_slice %arg10[%add3A_106, %dma_start3A_135] : memref<80x128xi32, #tpu.memory_space<vmem>> -> memref<1x128xi32, #tpu.memory_space<vmem>>
      %dma_start3A_137 = tpu.memref_squeeze %dma_start3A_136 : memref<1x128xi32, #tpu.memory_space<vmem>> -> memref<128xi32, #tpu.memory_space<vmem>>
      %dma_start3A_138 = arith.constant 0 : i32
      %dma_start3A_139 = tpu.memref_slice %arg21[%dma_start3A_138] : memref<10240xf32, #tpu.memory_space<vmem_shared>> -> memref<10240xf32, #tpu.memory_space<vmem_shared>>
      tpu.enqueue_indirect_dma source(%dma_start3A_134 : memref<128xf32, #tpu.memory_space<vmem>>) target(%dma_start3A_139 : memref<10240xf32, #tpu.memory_space<vmem_shared>>) offsets(%dma_start3A_137 : memref<128xi32, #tpu.memory_space<vmem>>) semaphore(%arg30 : memref<!tpu.dma_semaphore, #tpu.memory_space<semaphore_mem>>) {add = true}
      %gt3A = arith.constant 0 : i32
      %gt3A_140 = arith.cmpi sgt, %scan3A_102, %gt3A : i32
      %convert_element_type3A = arith.extui %gt3A_140 : i1 to i32
      %cond3A = arith.constant 0 : i32
      %cond3A_141 = arith.cmpi ne, %convert_element_type3A, %cond3A : i32
      scf.if %cond3A_141 {
        %dma_wait3A_277 = arith.constant 0 : i32
        %dma_wait3A_278 = arith.constant 0 : i32
        %dma_wait3A_279 = tpu.memref_slice %arg10[%dma_wait3A_277, %dma_wait3A_278] : memref<80x128xi32, #tpu.memory_space<vmem>> -> memref<1x128xi32, #tpu.memory_space<vmem>>
        %dma_wait3A_280 = tpu.memref_squeeze %dma_wait3A_279 : memref<1x128xi32, #tpu.memory_space<vmem>> -> memref<128xi32, #tpu.memory_space<vmem>>
        %dma_wait3A_281 = arith.constant 0 : i32
        %dma_wait3A_282 = arith.constant 0 : i32
        %dma_wait3A_283 = tpu.memref_slice %arg20[%dma_wait3A_281, %dma_wait3A_282] : memref<10240x16xf32, #tpu.memory_space<vmem_shared>> -> memref<10240x16xf32, #tpu.memory_space<vmem_shared>>
        tpu.wait_indirect_dma semaphore(%arg28 : memref<!tpu.dma_semaphore, #tpu.memory_space<semaphore_mem>>) src(%arg16 : memref<128x16xf32, #tpu.memory_space<vmem>>) dst(%dma_wait3A_283 : memref<10240x16xf32, #tpu.memory_space<vmem_shared>>)
        %dma_wait3A_284 = arith.constant 0 : i32
        %dma_wait3A_285 = arith.constant 0 : i32
        %dma_wait3A_286 = arith.constant 0 : i32
        %dma_wait3A_287 = tpu.memref_slice %arg13[%dma_wait3A_284, %dma_wait3A_286] : memref<80x128xf32, #tpu.memory_space<vmem>> -> memref<1x128xf32, #tpu.memory_space<vmem>>
        %dma_wait3A_288 = tpu.memref_squeeze %dma_wait3A_287 : memref<1x128xf32, #tpu.memory_space<vmem>> -> memref<128xf32, #tpu.memory_space<vmem>>
        %dma_wait3A_289 = arith.constant 0 : i32
        %dma_wait3A_290 = tpu.memref_slice %arg10[%dma_wait3A_285, %dma_wait3A_289] : memref<80x128xi32, #tpu.memory_space<vmem>> -> memref<1x128xi32, #tpu.memory_space<vmem>>
        %dma_wait3A_291 = tpu.memref_squeeze %dma_wait3A_290 : memref<1x128xi32, #tpu.memory_space<vmem>> -> memref<128xi32, #tpu.memory_space<vmem>>
        %dma_wait3A_292 = arith.constant 0 : i32
        %dma_wait3A_293 = tpu.memref_slice %arg21[%dma_wait3A_292] : memref<10240xf32, #tpu.memory_space<vmem_shared>> -> memref<10240xf32, #tpu.memory_space<vmem_shared>>
        tpu.wait_indirect_dma semaphore(%arg32 : memref<!tpu.dma_semaphore, #tpu.memory_space<semaphore_mem>>) src(%dma_wait3A_288 : memref<128xf32, #tpu.memory_space<vmem>>) dst(%dma_wait3A_293 : memref<10240xf32, #tpu.memory_space<vmem_shared>>)
      } else {
      }
      %add3A_142 = arith.constant 2 : i32
      %add3A_143 = arith.addi %add3A_106, %add3A_142 : i32
      %dma_start3A_144 = arith.constant 0 : i32
      %dma_start3A_145 = tpu.memref_slice %arg9[%add3A_143, %dma_start3A_144] : memref<80x128xi32, #tpu.memory_space<vmem>> -> memref<1x128xi32, #tpu.memory_space<vmem>>
      %dma_start3A_146 = tpu.memref_squeeze %dma_start3A_145 : memref<1x128xi32, #tpu.memory_space<vmem>> -> memref<128xi32, #tpu.memory_space<vmem>>
      %dma_start3A_147 = arith.constant 0 : i32
      %dma_start3A_148 = arith.constant 0 : i32
      %dma_start3A_149 = tpu.memref_slice %arg6[%dma_start3A_147, %dma_start3A_148] : memref<10000x16xf32, #tpu.memory_space<hbm>> -> memref<10000x16xf32, #tpu.memory_space<hbm>>
      tpu.enqueue_indirect_dma source(%dma_start3A_149 : memref<10000x16xf32, #tpu.memory_space<hbm>>) target(%arg16 : memref<128x16xf32, #tpu.memory_space<vmem>>) offsets(%dma_start3A_146 : memref<128xi32, #tpu.memory_space<vmem>>) semaphore(%arg24 : memref<!tpu.dma_semaphore, #tpu.memory_space<semaphore_mem>>)
      %add3A_150 = arith.constant 1 : i32
      %add3A_151 = arith.addi %mul3A_104, %add3A_150 : i32
      %scan3A_152 = arith.constant 0 : i32
      %scan3A_153 = arith.constant 0 : i32
      %scan3A_154 = arith.constant 8 : i32
      %scan3A_155 = arith.addi %scan3A_153, %scan3A_154 : i32
      %scan3A_156 = arith.constant 1 : i32
      scf.for %scan3A_277 = %scan3A_153 to %scan3A_155 step %scan3A_156  : i32 {
        %mul3A_278 = arith.constant 16 : i32
        %mul3A_279 = arith.muli %scan3A_277, %mul3A_278 : i32
        %get3A = arith.index_cast %add3A_151 : i32 to index
        %get3A_280 = arith.index_cast %mul3A_279 : i32 to index
        %get3A_281 = tpu.vector_load %arg9[%get3A, %get3A_280] {strides = array<i32>} : memref<80x128xi32, #tpu.memory_space<vmem>>, vector<16xi32>,
        %mul3A_282 = arith.constant 16 : i32
        %mul3A_283 = arith.muli %scan3A_277, %mul3A_282 : i32
        %get3A_284 = arith.index_cast %add3A_151 : i32 to index
        %get3A_285 = arith.index_cast %mul3A_283 : i32 to index
        %get3A_286 = tpu.vector_load %arg10[%get3A_284, %get3A_285] {strides = array<i32>} : memref<80x128xi32, #tpu.memory_space<vmem>>, vector<16xi32>,
        %gather3A = tpu.vector_load_idx %arg11[%get3A_281] : memref<10240xf32, #tpu.memory_space<vmem>>[vector<16xi32>], vector<16xf32>,
        %gather3A_287 = tpu.vector_load_idx %arg12[%get3A_286] : memref<10240xf32, #tpu.memory_space<vmem>>[vector<16xi32>], vector<16xf32>,
        %add3A_288 = arith.addf %gather3A, %gather3A_287 : vector<16xf32>
        %ge3A = arith.constant 0.000000e+00 : f32
        %ge3A_289 = vector.broadcast %ge3A : f32 to vector<16xf32>
        %ge3A_290 = arith.cmpf oge, %add3A_288, %ge3A_289 : vector<16xf32>
        %mul3A_291 = arith.constant 2.000000e-01 : f32
        %mul3A_292 = vector.broadcast %mul3A_291 : f32 to vector<16xf32>
        %mul3A_293 = arith.mulf %mul3A_292, %add3A_288 : vector<16xf32>
        %select_n3A = arith.select %ge3A_290, %add3A_288, %mul3A_293 : vector<16xi1>, vector<16xf32>
        %exp3A = math.exp %select_n3A : vector<16xf32>
        %mul3A_294 = arith.constant 16 : i32
        %mul3A_295 = arith.muli %scan3A_277, %mul3A_294 : i32
        %swap3A = arith.index_cast %add3A_151 : i32 to index
        %swap3A_296 = arith.index_cast %mul3A_295 : i32 to index
        %swap3A_297 = tpu.vector_load %arg13[%swap3A, %swap3A_296] {strides = array<i32>} : memref<80x128xf32, #tpu.memory_space<vmem>>, vector<16xf32>,
        tpu.vector_store %arg13[%swap3A, %swap3A_296], %exp3A {strides = array<i32>} : memref<80x128xf32, #tpu.memory_space<vmem>>, vector<16xf32>,
      }
      %scan3A_157 = arith.constant 8 : i32
      %dma_wait3A_158 = arith.constant 0 : i32
      %dma_wait3A_159 = arith.constant 0 : i32
      %dma_wait3A_160 = tpu.memref_slice %arg9[%dma_wait3A_158, %dma_wait3A_159] : memref<80x128xi32, #tpu.memory_space<vmem>> -> memref<1x128xi32, #tpu.memory_space<vmem>>
      %dma_wait3A_161 = tpu.memref_squeeze %dma_wait3A_160 : memref<1x128xi32, #tpu.memory_space<vmem>> -> memref<128xi32, #tpu.memory_space<vmem>>
      %dma_wait3A_162 = arith.constant 0 : i32
      %dma_wait3A_163 = arith.constant 0 : i32
      %dma_wait3A_164 = tpu.memref_slice %arg6[%dma_wait3A_162, %dma_wait3A_163] : memref<10000x16xf32, #tpu.memory_space<hbm>> -> memref<10000x16xf32, #tpu.memory_space<hbm>>
      tpu.wait_indirect_dma semaphore(%arg23 : memref<!tpu.dma_semaphore, #tpu.memory_space<semaphore_mem>>) src(%dma_wait3A_164 : memref<10000x16xf32, #tpu.memory_space<hbm>>) dst(%arg15 : memref<128x16xf32, #tpu.memory_space<vmem>>)
      %scan3A_165 = arith.constant 0 : i32
      %scan3A_166 = arith.constant 0 : i32
      %scan3A_167 = arith.constant 8 : i32
      %scan3A_168 = arith.addi %scan3A_166, %scan3A_167 : i32
      %scan3A_169 = arith.constant 1 : i32
      scf.for %scan3A_277 = %scan3A_166 to %scan3A_168 step %scan3A_169  : i32 {
        %mul3A_278 = arith.constant 16 : i32
        %mul3A_279 = arith.muli %scan3A_277, %mul3A_278 : i32
        %get3A = arith.index_cast %add3A_151 : i32 to index
        %get3A_280 = arith.index_cast %mul3A_279 : i32 to index
        %get3A_281 = tpu.vector_load %arg13[%get3A, %get3A_280] {strides = array<i32>} : memref<80x128xf32, #tpu.memory_space<vmem>>, vector<16xf32>,
        %mul3A_282 = arith.constant 16 : i32
        %mul3A_283 = arith.muli %scan3A_277, %mul3A_282 : i32
        %add3A_284 = arith.constant 0 : i32
        %add3A_285 = arith.addi %mul3A_283, %add3A_284 : i32
        %get3A_286 = arith.index_cast %add3A_285 : i32 to index
        %get3A_287 = arith.constant 0 : index
        %get3A_288 = tpu.vector_load %arg15[%get3A_286, %get3A_287] {strides = array<i32>} : memref<128x16xf32, #tpu.memory_space<vmem>>, vector<16xf32>,
        %slice3A = vector.extract_strided_slice %get3A_281 {offsets = [0], sizes = [1], strides = [1]} : vector<16xf32> to vector<1xf32>
        %squeeze3A = vector.extract %slice3A[0] : f32 from vector<1xf32>
        %mul3A_289 = vector.broadcast %squeeze3A : f32 to vector<16xf32>
        %mul3A_290 = arith.mulf %get3A_288, %mul3A_289 : vector<16xf32>
        %add3A_291 = arith.constant 0 : i32
        %add3A_292 = arith.addi %mul3A_283, %add3A_291 : i32
        %swap3A = arith.index_cast %add3A_292 : i32 to index
        %swap3A_293 = arith.constant 0 : index
        %swap3A_294 = tpu.vector_load %arg15[%swap3A, %swap3A_293] {strides = array<i32>} : memref<128x16xf32, #tpu.memory_space<vmem>>, vector<16xf32>,
        tpu.vector_store %arg15[%swap3A, %swap3A_293], %mul3A_290 {strides = array<i32>} : memref<128x16xf32, #tpu.memory_space<vmem>>, vector<16xf32>,
        %add3A_295 = arith.constant 1 : i32
        %add3A_296 = arith.addi %mul3A_283, %add3A_295 : i32
        %get3A_297 = arith.index_cast %add3A_296 : i32 to index
        %get3A_298 = arith.constant 0 : index
        %get3A_299 = tpu.vector_load %arg15[%get3A_297, %get3A_298] {strides = array<i32>} : memref<128x16xf32, #tpu.memory_space<vmem>>, vector<16xf32>,
        %slice3A_300 = vector.extract_strided_slice %get3A_281 {offsets = [1], sizes = [1], strides = [1]} : vector<16xf32> to vector<1xf32>
        %squeeze3A_301 = vector.extract %slice3A_300[0] : f32 from vector<1xf32>
        %mul3A_302 = vector.broadcast %squeeze3A_301 : f32 to vector<16xf32>
        %mul3A_303 = arith.mulf %get3A_299, %mul3A_302 : vector<16xf32>
        %add3A_304 = arith.constant 1 : i32
        %add3A_305 = arith.addi %mul3A_283, %add3A_304 : i32
        %swap3A_306 = arith.index_cast %add3A_305 : i32 to index
        %swap3A_307 = arith.constant 0 : index
        %swap3A_308 = tpu.vector_load %arg15[%swap3A_306, %swap3A_307] {strides = array<i32>} : memref<128x16xf32, #tpu.memory_space<vmem>>, vector<16xf32>,
        tpu.vector_store %arg15[%swap3A_306, %swap3A_307], %mul3A_303 {strides = array<i32>} : memref<128x16xf32, #tpu.memory_space<vmem>>, vector<16xf32>,
        %add3A_309 = arith.constant 2 : i32
        %add3A_310 = arith.addi %mul3A_283, %add3A_309 : i32
        %get3A_311 = arith.index_cast %add3A_310 : i32 to index
        %get3A_312 = arith.constant 0 : index
        %get3A_313 = tpu.vector_load %arg15[%get3A_311, %get3A_312] {strides = array<i32>} : memref<128x16xf32, #tpu.memory_space<vmem>>, vector<16xf32>,
        %slice3A_314 = vector.extract_strided_slice %get3A_281 {offsets = [2], sizes = [1], strides = [1]} : vector<16xf32> to vector<1xf32>
        %squeeze3A_315 = vector.extract %slice3A_314[0] : f32 from vector<1xf32>
        %mul3A_316 = vector.broadcast %squeeze3A_315 : f32 to vector<16xf32>
        %mul3A_317 = arith.mulf %get3A_313, %mul3A_316 : vector<16xf32>
        %add3A_318 = arith.constant 2 : i32
        %add3A_319 = arith.addi %mul3A_283, %add3A_318 : i32
        %swap3A_320 = arith.index_cast %add3A_319 : i32 to index
        %swap3A_321 = arith.constant 0 : index
        %swap3A_322 = tpu.vector_load %arg15[%swap3A_320, %swap3A_321] {strides = array<i32>} : memref<128x16xf32, #tpu.memory_space<vmem>>, vector<16xf32>,
        tpu.vector_store %arg15[%swap3A_320, %swap3A_321], %mul3A_317 {strides = array<i32>} : memref<128x16xf32, #tpu.memory_space<vmem>>, vector<16xf32>,
        %add3A_323 = arith.constant 3 : i32
        %add3A_324 = arith.addi %mul3A_283, %add3A_323 : i32
        %get3A_325 = arith.index_cast %add3A_324 : i32 to index
        %get3A_326 = arith.constant 0 : index
        %get3A_327 = tpu.vector_load %arg15[%get3A_325, %get3A_326] {strides = array<i32>} : memref<128x16xf32, #tpu.memory_space<vmem>>, vector<16xf32>,
        %slice3A_328 = vector.extract_strided_slice %get3A_281 {offsets = [3], sizes = [1], strides = [1]} : vector<16xf32> to vector<1xf32>
        %squeeze3A_329 = vector.extract %slice3A_328[0] : f32 from vector<1xf32>
        %mul3A_330 = vector.broadcast %squeeze3A_329 : f32 to vector<16xf32>
        %mul3A_331 = arith.mulf %get3A_327, %mul3A_330 : vector<16xf32>
        %add3A_332 = arith.constant 3 : i32
        %add3A_333 = arith.addi %mul3A_283, %add3A_332 : i32
        %swap3A_334 = arith.index_cast %add3A_333 : i32 to index
        %swap3A_335 = arith.constant 0 : index
        %swap3A_336 = tpu.vector_load %arg15[%swap3A_334, %swap3A_335] {strides = array<i32>} : memref<128x16xf32, #tpu.memory_space<vmem>>, vector<16xf32>,
        tpu.vector_store %arg15[%swap3A_334, %swap3A_335], %mul3A_331 {strides = array<i32>} : memref<128x16xf32, #tpu.memory_space<vmem>>, vector<16xf32>,
        %add3A_337 = arith.constant 4 : i32
        %add3A_338 = arith.addi %mul3A_283, %add3A_337 : i32
        %get3A_339 = arith.index_cast %add3A_338 : i32 to index
        %get3A_340 = arith.constant 0 : index
        %get3A_341 = tpu.vector_load %arg15[%get3A_339, %get3A_340] {strides = array<i32>} : memref<128x16xf32, #tpu.memory_space<vmem>>, vector<16xf32>,
        %slice3A_342 = vector.extract_strided_slice %get3A_281 {offsets = [4], sizes = [1], strides = [1]} : vector<16xf32> to vector<1xf32>
        %squeeze3A_343 = vector.extract %slice3A_342[0] : f32 from vector<1xf32>
        %mul3A_344 = vector.broadcast %squeeze3A_343 : f32 to vector<16xf32>
        %mul3A_345 = arith.mulf %get3A_341, %mul3A_344 : vector<16xf32>
        %add3A_346 = arith.constant 4 : i32
        %add3A_347 = arith.addi %mul3A_283, %add3A_346 : i32
        %swap3A_348 = arith.index_cast %add3A_347 : i32 to index
        %swap3A_349 = arith.constant 0 : index
        %swap3A_350 = tpu.vector_load %arg15[%swap3A_348, %swap3A_349] {strides = array<i32>} : memref<128x16xf32, #tpu.memory_space<vmem>>, vector<16xf32>,
        tpu.vector_store %arg15[%swap3A_348, %swap3A_349], %mul3A_345 {strides = array<i32>} : memref<128x16xf32, #tpu.memory_space<vmem>>, vector<16xf32>,
        %add3A_351 = arith.constant 5 : i32
        %add3A_352 = arith.addi %mul3A_283, %add3A_351 : i32
        %get3A_353 = arith.index_cast %add3A_352 : i32 to index
        %get3A_354 = arith.constant 0 : index
        %get3A_355 = tpu.vector_load %arg15[%get3A_353, %get3A_354] {strides = array<i32>} : memref<128x16xf32, #tpu.memory_space<vmem>>, vector<16xf32>,
        %slice3A_356 = vector.extract_strided_slice %get3A_281 {offsets = [5], sizes = [1], strides = [1]} : vector<16xf32> to vector<1xf32>
        %squeeze3A_357 = vector.extract %slice3A_356[0] : f32 from vector<1xf32>
        %mul3A_358 = vector.broadcast %squeeze3A_357 : f32 to vector<16xf32>
        %mul3A_359 = arith.mulf %get3A_355, %mul3A_358 : vector<16xf32>
        %add3A_360 = arith.constant 5 : i32
        %add3A_361 = arith.addi %mul3A_283, %add3A_360 : i32
        %swap3A_362 = arith.index_cast %add3A_361 : i32 to index
        %swap3A_363 = arith.constant 0 : index
        %swap3A_364 = tpu.vector_load %arg15[%swap3A_362, %swap3A_363] {strides = array<i32>} : memref<128x16xf32, #tpu.memory_space<vmem>>, vector<16xf32>,
        tpu.vector_store %arg15[%swap3A_362, %swap3A_363], %mul3A_359 {strides = array<i32>} : memref<128x16xf32, #tpu.memory_space<vmem>>, vector<16xf32>,
        %add3A_365 = arith.constant 6 : i32
        %add3A_366 = arith.addi %mul3A_283, %add3A_365 : i32
        %get3A_367 = arith.index_cast %add3A_366 : i32 to index
        %get3A_368 = arith.constant 0 : index
        %get3A_369 = tpu.vector_load %arg15[%get3A_367, %get3A_368] {strides = array<i32>} : memref<128x16xf32, #tpu.memory_space<vmem>>, vector<16xf32>,
        %slice3A_370 = vector.extract_strided_slice %get3A_281 {offsets = [6], sizes = [1], strides = [1]} : vector<16xf32> to vector<1xf32>
        %squeeze3A_371 = vector.extract %slice3A_370[0] : f32 from vector<1xf32>
        %mul3A_372 = vector.broadcast %squeeze3A_371 : f32 to vector<16xf32>
        %mul3A_373 = arith.mulf %get3A_369, %mul3A_372 : vector<16xf32>
        %add3A_374 = arith.constant 6 : i32
        %add3A_375 = arith.addi %mul3A_283, %add3A_374 : i32
        %swap3A_376 = arith.index_cast %add3A_375 : i32 to index
        %swap3A_377 = arith.constant 0 : index
        %swap3A_378 = tpu.vector_load %arg15[%swap3A_376, %swap3A_377] {strides = array<i32>} : memref<128x16xf32, #tpu.memory_space<vmem>>, vector<16xf32>,
        tpu.vector_store %arg15[%swap3A_376, %swap3A_377], %mul3A_373 {strides = array<i32>} : memref<128x16xf32, #tpu.memory_space<vmem>>, vector<16xf32>,
        %add3A_379 = arith.constant 7 : i32
        %add3A_380 = arith.addi %mul3A_283, %add3A_379 : i32
        %get3A_381 = arith.index_cast %add3A_380 : i32 to index
        %get3A_382 = arith.constant 0 : index
        %get3A_383 = tpu.vector_load %arg15[%get3A_381, %get3A_382] {strides = array<i32>} : memref<128x16xf32, #tpu.memory_space<vmem>>, vector<16xf32>,
        %slice3A_384 = vector.extract_strided_slice %get3A_281 {offsets = [7], sizes = [1], strides = [1]} : vector<16xf32> to vector<1xf32>
        %squeeze3A_385 = vector.extract %slice3A_384[0] : f32 from vector<1xf32>
        %mul3A_386 = vector.broadcast %squeeze3A_385 : f32 to vector<16xf32>
        %mul3A_387 = arith.mulf %get3A_383, %mul3A_386 : vector<16xf32>
        %add3A_388 = arith.constant 7 : i32
        %add3A_389 = arith.addi %mul3A_283, %add3A_388 : i32
        %swap3A_390 = arith.index_cast %add3A_389 : i32 to index
        %swap3A_391 = arith.constant 0 : index
        %swap3A_392 = tpu.vector_load %arg15[%swap3A_390, %swap3A_391] {strides = array<i32>} : memref<128x16xf32, #tpu.memory_space<vmem>>, vector<16xf32>,
        tpu.vector_store %arg15[%swap3A_390, %swap3A_391], %mul3A_387 {strides = array<i32>} : memref<128x16xf32, #tpu.memory_space<vmem>>, vector<16xf32>,
        %add3A_393 = arith.constant 8 : i32
        %add3A_394 = arith.addi %mul3A_283, %add3A_393 : i32
        %get3A_395 = arith.index_cast %add3A_394 : i32 to index
        %get3A_396 = arith.constant 0 : index
        %get3A_397 = tpu.vector_load %arg15[%get3A_395, %get3A_396] {strides = array<i32>} : memref<128x16xf32, #tpu.memory_space<vmem>>, vector<16xf32>,
        %slice3A_398 = vector.extract_strided_slice %get3A_281 {offsets = [8], sizes = [1], strides = [1]} : vector<16xf32> to vector<1xf32>
        %squeeze3A_399 = vector.extract %slice3A_398[0] : f32 from vector<1xf32>
        %mul3A_400 = vector.broadcast %squeeze3A_399 : f32 to vector<16xf32>
        %mul3A_401 = arith.mulf %get3A_397, %mul3A_400 : vector<16xf32>
        %add3A_402 = arith.constant 8 : i32
        %add3A_403 = arith.addi %mul3A_283, %add3A_402 : i32
        %swap3A_404 = arith.index_cast %add3A_403 : i32 to index
        %swap3A_405 = arith.constant 0 : index
        %swap3A_406 = tpu.vector_load %arg15[%swap3A_404, %swap3A_405] {strides = array<i32>} : memref<128x16xf32, #tpu.memory_space<vmem>>, vector<16xf32>,
        tpu.vector_store %arg15[%swap3A_404, %swap3A_405], %mul3A_401 {strides = array<i32>} : memref<128x16xf32, #tpu.memory_space<vmem>>, vector<16xf32>,
        %add3A_407 = arith.constant 9 : i32
        %add3A_408 = arith.addi %mul3A_283, %add3A_407 : i32
        %get3A_409 = arith.index_cast %add3A_408 : i32 to index
        %get3A_410 = arith.constant 0 : index
        %get3A_411 = tpu.vector_load %arg15[%get3A_409, %get3A_410] {strides = array<i32>} : memref<128x16xf32, #tpu.memory_space<vmem>>, vector<16xf32>,
        %slice3A_412 = vector.extract_strided_slice %get3A_281 {offsets = [9], sizes = [1], strides = [1]} : vector<16xf32> to vector<1xf32>
        %squeeze3A_413 = vector.extract %slice3A_412[0] : f32 from vector<1xf32>
        %mul3A_414 = vector.broadcast %squeeze3A_413 : f32 to vector<16xf32>
        %mul3A_415 = arith.mulf %get3A_411, %mul3A_414 : vector<16xf32>
        %add3A_416 = arith.constant 9 : i32
        %add3A_417 = arith.addi %mul3A_283, %add3A_416 : i32
        %swap3A_418 = arith.index_cast %add3A_417 : i32 to index
        %swap3A_419 = arith.constant 0 : index
        %swap3A_420 = tpu.vector_load %arg15[%swap3A_418, %swap3A_419] {strides = array<i32>} : memref<128x16xf32, #tpu.memory_space<vmem>>, vector<16xf32>,
        tpu.vector_store %arg15[%swap3A_418, %swap3A_419], %mul3A_415 {strides = array<i32>} : memref<128x16xf32, #tpu.memory_space<vmem>>, vector<16xf32>,
        %add3A_421 = arith.constant 10 : i32
        %add3A_422 = arith.addi %mul3A_283, %add3A_421 : i32
        %get3A_423 = arith.index_cast %add3A_422 : i32 to index
        %get3A_424 = arith.constant 0 : index
        %get3A_425 = tpu.vector_load %arg15[%get3A_423, %get3A_424] {strides = array<i32>} : memref<128x16xf32, #tpu.memory_space<vmem>>, vector<16xf32>,
        %slice3A_426 = vector.extract_strided_slice %get3A_281 {offsets = [10], sizes = [1], strides = [1]} : vector<16xf32> to vector<1xf32>
        %squeeze3A_427 = vector.extract %slice3A_426[0] : f32 from vector<1xf32>
        %mul3A_428 = vector.broadcast %squeeze3A_427 : f32 to vector<16xf32>
        %mul3A_429 = arith.mulf %get3A_425, %mul3A_428 : vector<16xf32>
        %add3A_430 = arith.constant 10 : i32
        %add3A_431 = arith.addi %mul3A_283, %add3A_430 : i32
        %swap3A_432 = arith.index_cast %add3A_431 : i32 to index
        %swap3A_433 = arith.constant 0 : index
        %swap3A_434 = tpu.vector_load %arg15[%swap3A_432, %swap3A_433] {strides = array<i32>} : memref<128x16xf32, #tpu.memory_space<vmem>>, vector<16xf32>,
        tpu.vector_store %arg15[%swap3A_432, %swap3A_433], %mul3A_429 {strides = array<i32>} : memref<128x16xf32, #tpu.memory_space<vmem>>, vector<16xf32>,
        %add3A_435 = arith.constant 11 : i32
        %add3A_436 = arith.addi %mul3A_283, %add3A_435 : i32
        %get3A_437 = arith.index_cast %add3A_436 : i32 to index
        %get3A_438 = arith.constant 0 : index
        %get3A_439 = tpu.vector_load %arg15[%get3A_437, %get3A_438] {strides = array<i32>} : memref<128x16xf32, #tpu.memory_space<vmem>>, vector<16xf32>,
        %slice3A_440 = vector.extract_strided_slice %get3A_281 {offsets = [11], sizes = [1], strides = [1]} : vector<16xf32> to vector<1xf32>
        %squeeze3A_441 = vector.extract %slice3A_440[0] : f32 from vector<1xf32>
        %mul3A_442 = vector.broadcast %squeeze3A_441 : f32 to vector<16xf32>
        %mul3A_443 = arith.mulf %get3A_439, %mul3A_442 : vector<16xf32>
        %add3A_444 = arith.constant 11 : i32
        %add3A_445 = arith.addi %mul3A_283, %add3A_444 : i32
        %swap3A_446 = arith.index_cast %add3A_445 : i32 to index
        %swap3A_447 = arith.constant 0 : index
        %swap3A_448 = tpu.vector_load %arg15[%swap3A_446, %swap3A_447] {strides = array<i32>} : memref<128x16xf32, #tpu.memory_space<vmem>>, vector<16xf32>,
        tpu.vector_store %arg15[%swap3A_446, %swap3A_447], %mul3A_443 {strides = array<i32>} : memref<128x16xf32, #tpu.memory_space<vmem>>, vector<16xf32>,
        %add3A_449 = arith.constant 12 : i32
        %add3A_450 = arith.addi %mul3A_283, %add3A_449 : i32
        %get3A_451 = arith.index_cast %add3A_450 : i32 to index
        %get3A_452 = arith.constant 0 : index
        %get3A_453 = tpu.vector_load %arg15[%get3A_451, %get3A_452] {strides = array<i32>} : memref<128x16xf32, #tpu.memory_space<vmem>>, vector<16xf32>,
        %slice3A_454 = vector.extract_strided_slice %get3A_281 {offsets = [12], sizes = [1], strides = [1]} : vector<16xf32> to vector<1xf32>
        %squeeze3A_455 = vector.extract %slice3A_454[0] : f32 from vector<1xf32>
        %mul3A_456 = vector.broadcast %squeeze3A_455 : f32 to vector<16xf32>
        %mul3A_457 = arith.mulf %get3A_453, %mul3A_456 : vector<16xf32>
        %add3A_458 = arith.constant 12 : i32
        %add3A_459 = arith.addi %mul3A_283, %add3A_458 : i32
        %swap3A_460 = arith.index_cast %add3A_459 : i32 to index
        %swap3A_461 = arith.constant 0 : index
        %swap3A_462 = tpu.vector_load %arg15[%swap3A_460, %swap3A_461] {strides = array<i32>} : memref<128x16xf32, #tpu.memory_space<vmem>>, vector<16xf32>,
        tpu.vector_store %arg15[%swap3A_460, %swap3A_461], %mul3A_457 {strides = array<i32>} : memref<128x16xf32, #tpu.memory_space<vmem>>, vector<16xf32>,
        %add3A_463 = arith.constant 13 : i32
        %add3A_464 = arith.addi %mul3A_283, %add3A_463 : i32
        %get3A_465 = arith.index_cast %add3A_464 : i32 to index
        %get3A_466 = arith.constant 0 : index
        %get3A_467 = tpu.vector_load %arg15[%get3A_465, %get3A_466] {strides = array<i32>} : memref<128x16xf32, #tpu.memory_space<vmem>>, vector<16xf32>,
        %slice3A_468 = vector.extract_strided_slice %get3A_281 {offsets = [13], sizes = [1], strides = [1]} : vector<16xf32> to vector<1xf32>
        %squeeze3A_469 = vector.extract %slice3A_468[0] : f32 from vector<1xf32>
        %mul3A_470 = vector.broadcast %squeeze3A_469 : f32 to vector<16xf32>
        %mul3A_471 = arith.mulf %get3A_467, %mul3A_470 : vector<16xf32>
        %add3A_472 = arith.constant 13 : i32
        %add3A_473 = arith.addi %mul3A_283, %add3A_472 : i32
        %swap3A_474 = arith.index_cast %add3A_473 : i32 to index
        %swap3A_475 = arith.constant 0 : index
        %swap3A_476 = tpu.vector_load %arg15[%swap3A_474, %swap3A_475] {strides = array<i32>} : memref<128x16xf32, #tpu.memory_space<vmem>>, vector<16xf32>,
        tpu.vector_store %arg15[%swap3A_474, %swap3A_475], %mul3A_471 {strides = array<i32>} : memref<128x16xf32, #tpu.memory_space<vmem>>, vector<16xf32>,
        %add3A_477 = arith.constant 14 : i32
        %add3A_478 = arith.addi %mul3A_283, %add3A_477 : i32
        %get3A_479 = arith.index_cast %add3A_478 : i32 to index
        %get3A_480 = arith.constant 0 : index
        %get3A_481 = tpu.vector_load %arg15[%get3A_479, %get3A_480] {strides = array<i32>} : memref<128x16xf32, #tpu.memory_space<vmem>>, vector<16xf32>,
        %slice3A_482 = vector.extract_strided_slice %get3A_281 {offsets = [14], sizes = [1], strides = [1]} : vector<16xf32> to vector<1xf32>
        %squeeze3A_483 = vector.extract %slice3A_482[0] : f32 from vector<1xf32>
        %mul3A_484 = vector.broadcast %squeeze3A_483 : f32 to vector<16xf32>
        %mul3A_485 = arith.mulf %get3A_481, %mul3A_484 : vector<16xf32>
        %add3A_486 = arith.constant 14 : i32
        %add3A_487 = arith.addi %mul3A_283, %add3A_486 : i32
        %swap3A_488 = arith.index_cast %add3A_487 : i32 to index
        %swap3A_489 = arith.constant 0 : index
        %swap3A_490 = tpu.vector_load %arg15[%swap3A_488, %swap3A_489] {strides = array<i32>} : memref<128x16xf32, #tpu.memory_space<vmem>>, vector<16xf32>,
        tpu.vector_store %arg15[%swap3A_488, %swap3A_489], %mul3A_485 {strides = array<i32>} : memref<128x16xf32, #tpu.memory_space<vmem>>, vector<16xf32>,
        %add3A_491 = arith.constant 15 : i32
        %add3A_492 = arith.addi %mul3A_283, %add3A_491 : i32
        %get3A_493 = arith.index_cast %add3A_492 : i32 to index
        %get3A_494 = arith.constant 0 : index
        %get3A_495 = tpu.vector_load %arg15[%get3A_493, %get3A_494] {strides = array<i32>} : memref<128x16xf32, #tpu.memory_space<vmem>>, vector<16xf32>,
        %slice3A_496 = vector.extract_strided_slice %get3A_281 {offsets = [15], sizes = [1], strides = [1]} : vector<16xf32> to vector<1xf32>
        %squeeze3A_497 = vector.extract %slice3A_496[0] : f32 from vector<1xf32>
        %mul3A_498 = vector.broadcast %squeeze3A_497 : f32 to vector<16xf32>
        %mul3A_499 = arith.mulf %get3A_495, %mul3A_498 : vector<16xf32>
        %add3A_500 = arith.constant 15 : i32
        %add3A_501 = arith.addi %mul3A_283, %add3A_500 : i32
        %swap3A_502 = arith.index_cast %add3A_501 : i32 to index
        %swap3A_503 = arith.constant 0 : index
        %swap3A_504 = tpu.vector_load %arg15[%swap3A_502, %swap3A_503] {strides = array<i32>} : memref<128x16xf32, #tpu.memory_space<vmem>>, vector<16xf32>,
        tpu.vector_store %arg15[%swap3A_502, %swap3A_503], %mul3A_499 {strides = array<i32>} : memref<128x16xf32, #tpu.memory_space<vmem>>, vector<16xf32>,
      }
      %scan3A_170 = arith.constant 8 : i32
      %dma_start3A_171 = arith.constant 0 : i32
      %dma_start3A_172 = tpu.memref_slice %arg10[%add3A_151, %dma_start3A_171] : memref<80x128xi32, #tpu.memory_space<vmem>> -> memref<1x128xi32, #tpu.memory_space<vmem>>
      %dma_start3A_173 = tpu.memref_squeeze %dma_start3A_172 : memref<1x128xi32, #tpu.memory_space<vmem>> -> memref<128xi32, #tpu.memory_space<vmem>>
      %dma_start3A_174 = arith.constant 0 : i32
      %dma_start3A_175 = arith.constant 0 : i32
      %dma_start3A_176 = tpu.memref_slice %arg20[%dma_start3A_174, %dma_start3A_175] : memref<10240x16xf32, #tpu.memory_space<vmem_shared>> -> memref<10240x16xf32, #tpu.memory_space<vmem_shared>>
      tpu.enqueue_indirect_dma source(%arg15 : memref<128x16xf32, #tpu.memory_space<vmem>>) target(%dma_start3A_176 : memref<10240x16xf32, #tpu.memory_space<vmem_shared>>) offsets(%dma_start3A_173 : memref<128xi32, #tpu.memory_space<vmem>>) semaphore(%arg27 : memref<!tpu.dma_semaphore, #tpu.memory_space<semaphore_mem>>) {add = true}
      %dma_start3A_177 = arith.constant 0 : i32
      %dma_start3A_178 = tpu.memref_slice %arg13[%add3A_151, %dma_start3A_177] : memref<80x128xf32, #tpu.memory_space<vmem>> -> memref<1x128xf32, #tpu.memory_space<vmem>>
      %dma_start3A_179 = tpu.memref_squeeze %dma_start3A_178 : memref<1x128xf32, #tpu.memory_space<vmem>> -> memref<128xf32, #tpu.memory_space<vmem>>
      %dma_start3A_180 = arith.constant 0 : i32
      %dma_start3A_181 = tpu.memref_slice %arg10[%add3A_151, %dma_start3A_180] : memref<80x128xi32, #tpu.memory_space<vmem>> -> memref<1x128xi32, #tpu.memory_space<vmem>>
      %dma_start3A_182 = tpu.memref_squeeze %dma_start3A_181 : memref<1x128xi32, #tpu.memory_space<vmem>> -> memref<128xi32, #tpu.memory_space<vmem>>
      %dma_start3A_183 = arith.constant 0 : i32
      %dma_start3A_184 = tpu.memref_slice %arg21[%dma_start3A_183] : memref<10240xf32, #tpu.memory_space<vmem_shared>> -> memref<10240xf32, #tpu.memory_space<vmem_shared>>
      tpu.enqueue_indirect_dma source(%dma_start3A_179 : memref<128xf32, #tpu.memory_space<vmem>>) target(%dma_start3A_184 : memref<10240xf32, #tpu.memory_space<vmem_shared>>) offsets(%dma_start3A_182 : memref<128xi32, #tpu.memory_space<vmem>>) semaphore(%arg31 : memref<!tpu.dma_semaphore, #tpu.memory_space<semaphore_mem>>) {add = true}
      %gt3A_185 = arith.constant 0 : i32
      %gt3A_186 = arith.cmpi sgt, %scan3A_102, %gt3A_185 : i32
      %convert_element_type3A_187 = arith.extui %gt3A_186 : i1 to i32
      %cond3A_188 = arith.constant 0 : i32
      %cond3A_189 = arith.cmpi ne, %convert_element_type3A_187, %cond3A_188 : i32
      scf.if %cond3A_189 {
        %dma_wait3A_277 = arith.constant 0 : i32
        %dma_wait3A_278 = arith.constant 0 : i32
        %dma_wait3A_279 = tpu.memref_slice %arg10[%dma_wait3A_277, %dma_wait3A_278] : memref<80x128xi32, #tpu.memory_space<vmem>> -> memref<1x128xi32, #tpu.memory_space<vmem>>
        %dma_wait3A_280 = tpu.memref_squeeze %dma_wait3A_279 : memref<1x128xi32, #tpu.memory_space<vmem>> -> memref<128xi32, #tpu.memory_space<vmem>>
        %dma_wait3A_281 = arith.constant 0 : i32
        %dma_wait3A_282 = arith.constant 0 : i32
        %dma_wait3A_283 = tpu.memref_slice %arg20[%dma_wait3A_281, %dma_wait3A_282] : memref<10240x16xf32, #tpu.memory_space<vmem_shared>> -> memref<10240x16xf32, #tpu.memory_space<vmem_shared>>
        tpu.wait_indirect_dma semaphore(%arg29 : memref<!tpu.dma_semaphore, #tpu.memory_space<semaphore_mem>>) src(%arg17 : memref<128x16xf32, #tpu.memory_space<vmem>>) dst(%dma_wait3A_283 : memref<10240x16xf32, #tpu.memory_space<vmem_shared>>)
        %dma_wait3A_284 = arith.constant 0 : i32
        %dma_wait3A_285 = arith.constant 0 : i32
        %dma_wait3A_286 = arith.constant 0 : i32
        %dma_wait3A_287 = tpu.memref_slice %arg13[%dma_wait3A_284, %dma_wait3A_286] : memref<80x128xf32, #tpu.memory_space<vmem>> -> memref<1x128xf32, #tpu.memory_space<vmem>>
        %dma_wait3A_288 = tpu.memref_squeeze %dma_wait3A_287 : memref<1x128xf32, #tpu.memory_space<vmem>> -> memref<128xf32, #tpu.memory_space<vmem>>
        %dma_wait3A_289 = arith.constant 0 : i32
        %dma_wait3A_290 = tpu.memref_slice %arg10[%dma_wait3A_285, %dma_wait3A_289] : memref<80x128xi32, #tpu.memory_space<vmem>> -> memref<1x128xi32, #tpu.memory_space<vmem>>
        %dma_wait3A_291 = tpu.memref_squeeze %dma_wait3A_290 : memref<1x128xi32, #tpu.memory_space<vmem>> -> memref<128xi32, #tpu.memory_space<vmem>>
        %dma_wait3A_292 = arith.constant 0 : i32
        %dma_wait3A_293 = tpu.memref_slice %arg21[%dma_wait3A_292] : memref<10240xf32, #tpu.memory_space<vmem_shared>> -> memref<10240xf32, #tpu.memory_space<vmem_shared>>
        tpu.wait_indirect_dma semaphore(%arg33 : memref<!tpu.dma_semaphore, #tpu.memory_space<semaphore_mem>>) src(%dma_wait3A_288 : memref<128xf32, #tpu.memory_space<vmem>>) dst(%dma_wait3A_293 : memref<10240xf32, #tpu.memory_space<vmem_shared>>)
      } else {
      }
      %add3A_190 = arith.constant 2 : i32
      %add3A_191 = arith.addi %add3A_151, %add3A_190 : i32
      %dma_start3A_192 = arith.constant 0 : i32
      %dma_start3A_193 = tpu.memref_slice %arg9[%add3A_191, %dma_start3A_192] : memref<80x128xi32, #tpu.memory_space<vmem>> -> memref<1x128xi32, #tpu.memory_space<vmem>>
      %dma_start3A_194 = tpu.memref_squeeze %dma_start3A_193 : memref<1x128xi32, #tpu.memory_space<vmem>> -> memref<128xi32, #tpu.memory_space<vmem>>
      %dma_start3A_195 = arith.constant 0 : i32
      %dma_start3A_196 = arith.constant 0 : i32
      %dma_start3A_197 = tpu.memref_slice %arg6[%dma_start3A_195, %dma_start3A_196] : memref<10000x16xf32, #tpu.memory_space<hbm>> -> memref<10000x16xf32, #tpu.memory_space<hbm>>
      tpu.enqueue_indirect_dma source(%dma_start3A_197 : memref<10000x16xf32, #tpu.memory_space<hbm>>) target(%arg17 : memref<128x16xf32, #tpu.memory_space<vmem>>) offsets(%dma_start3A_194 : memref<128xi32, #tpu.memory_space<vmem>>) semaphore(%arg25 : memref<!tpu.dma_semaphore, #tpu.memory_space<semaphore_mem>>)
      %add3A_198 = arith.constant 2 : i32
      %add3A_199 = arith.addi %mul3A_104, %add3A_198 : i32
      %scan3A_200 = arith.constant 0 : i32
      %scan3A_201 = arith.constant 0 : i32
      %scan3A_202 = arith.constant 8 : i32
      %scan3A_203 = arith.addi %scan3A_201, %scan3A_202 : i32
      %scan3A_204 = arith.constant 1 : i32
      scf.for %scan3A_277 = %scan3A_201 to %scan3A_203 step %scan3A_204  : i32 {
        %mul3A_278 = arith.constant 16 : i32
        %mul3A_279 = arith.muli %scan3A_277, %mul3A_278 : i32
        %get3A = arith.index_cast %add3A_199 : i32 to index
        %get3A_280 = arith.index_cast %mul3A_279 : i32 to index
        %get3A_281 = tpu.vector_load %arg9[%get3A, %get3A_280] {strides = array<i32>} : memref<80x128xi32, #tpu.memory_space<vmem>>, vector<16xi32>,
        %mul3A_282 = arith.constant 16 : i32
        %mul3A_283 = arith.muli %scan3A_277, %mul3A_282 : i32
        %get3A_284 = arith.index_cast %add3A_199 : i32 to index
        %get3A_285 = arith.index_cast %mul3A_283 : i32 to index
        %get3A_286 = tpu.vector_load %arg10[%get3A_284, %get3A_285] {strides = array<i32>} : memref<80x128xi32, #tpu.memory_space<vmem>>, vector<16xi32>,
        %gather3A = tpu.vector_load_idx %arg11[%get3A_281] : memref<10240xf32, #tpu.memory_space<vmem>>[vector<16xi32>], vector<16xf32>,
        %gather3A_287 = tpu.vector_load_idx %arg12[%get3A_286] : memref<10240xf32, #tpu.memory_space<vmem>>[vector<16xi32>], vector<16xf32>,
        %add3A_288 = arith.addf %gather3A, %gather3A_287 : vector<16xf32>
        %ge3A = arith.constant 0.000000e+00 : f32
        %ge3A_289 = vector.broadcast %ge3A : f32 to vector<16xf32>
        %ge3A_290 = arith.cmpf oge, %add3A_288, %ge3A_289 : vector<16xf32>
        %mul3A_291 = arith.constant 2.000000e-01 : f32
        %mul3A_292 = vector.broadcast %mul3A_291 : f32 to vector<16xf32>
        %mul3A_293 = arith.mulf %mul3A_292, %add3A_288 : vector<16xf32>
        %select_n3A = arith.select %ge3A_290, %add3A_288, %mul3A_293 : vector<16xi1>, vector<16xf32>
        %exp3A = math.exp %select_n3A : vector<16xf32>
        %mul3A_294 = arith.constant 16 : i32
        %mul3A_295 = arith.muli %scan3A_277, %mul3A_294 : i32
        %swap3A = arith.index_cast %add3A_199 : i32 to index
        %swap3A_296 = arith.index_cast %mul3A_295 : i32 to index
        %swap3A_297 = tpu.vector_load %arg13[%swap3A, %swap3A_296] {strides = array<i32>} : memref<80x128xf32, #tpu.memory_space<vmem>>, vector<16xf32>,
        tpu.vector_store %arg13[%swap3A, %swap3A_296], %exp3A {strides = array<i32>} : memref<80x128xf32, #tpu.memory_space<vmem>>, vector<16xf32>,
      }
      %scan3A_205 = arith.constant 8 : i32
      %dma_wait3A_206 = arith.constant 0 : i32
      %dma_wait3A_207 = arith.constant 0 : i32
      %dma_wait3A_208 = tpu.memref_slice %arg9[%dma_wait3A_206, %dma_wait3A_207] : memref<80x128xi32, #tpu.memory_space<vmem>> -> memref<1x128xi32, #tpu.memory_space<vmem>>
      %dma_wait3A_209 = tpu.memref_squeeze %dma_wait3A_208 : memref<1x128xi32, #tpu.memory_space<vmem>> -> memref<128xi32, #tpu.memory_space<vmem>>
      %dma_wait3A_210 = arith.constant 0 : i32
      %dma_wait3A_211 = arith.constant 0 : i32
      %dma_wait3A_212 = tpu.memref_slice %arg6[%dma_wait3A_210, %dma_wait3A_211] : memref<10000x16xf32, #tpu.memory_space<hbm>> -> memref<10000x16xf32, #tpu.memory_space<hbm>>
      tpu.wait_indirect_dma semaphore(%arg24 : memref<!tpu.dma_semaphore, #tpu.memory_space<semaphore_mem>>) src(%dma_wait3A_212 : memref<10000x16xf32, #tpu.memory_space<hbm>>) dst(%arg16 : memref<128x16xf32, #tpu.memory_space<vmem>>)
      %scan3A_213 = arith.constant 0 : i32
      %scan3A_214 = arith.constant 0 : i32
      %scan3A_215 = arith.constant 8 : i32
      %scan3A_216 = arith.addi %scan3A_214, %scan3A_215 : i32
      %scan3A_217 = arith.constant 1 : i32
      scf.for %scan3A_277 = %scan3A_214 to %scan3A_216 step %scan3A_217  : i32 {
        %mul3A_278 = arith.constant 16 : i32
        %mul3A_279 = arith.muli %scan3A_277, %mul3A_278 : i32
        %get3A = arith.index_cast %add3A_199 : i32 to index
        %get3A_280 = arith.index_cast %mul3A_279 : i32 to index
        %get3A_281 = tpu.vector_load %arg13[%get3A, %get3A_280] {strides = array<i32>} : memref<80x128xf32, #tpu.memory_space<vmem>>, vector<16xf32>,
        %mul3A_282 = arith.constant 16 : i32
        %mul3A_283 = arith.muli %scan3A_277, %mul3A_282 : i32
        %add3A_284 = arith.constant 0 : i32
        %add3A_285 = arith.addi %mul3A_283, %add3A_284 : i32
        %get3A_286 = arith.index_cast %add3A_285 : i32 to index
        %get3A_287 = arith.constant 0 : index
        %get3A_288 = tpu.vector_load %arg16[%get3A_286, %get3A_287] {strides = array<i32>} : memref<128x16xf32, #tpu.memory_space<vmem>>, vector<16xf32>,
        %slice3A = vector.extract_strided_slice %get3A_281 {offsets = [0], sizes = [1], strides = [1]} : vector<16xf32> to vector<1xf32>
        %squeeze3A = vector.extract %slice3A[0] : f32 from vector<1xf32>
        %mul3A_289 = vector.broadcast %squeeze3A : f32 to vector<16xf32>
        %mul3A_290 = arith.mulf %get3A_288, %mul3A_289 : vector<16xf32>
        %add3A_291 = arith.constant 0 : i32
        %add3A_292 = arith.addi %mul3A_283, %add3A_291 : i32
        %swap3A = arith.index_cast %add3A_292 : i32 to index
        %swap3A_293 = arith.constant 0 : index
        %swap3A_294 = tpu.vector_load %arg16[%swap3A, %swap3A_293] {strides = array<i32>} : memref<128x16xf32, #tpu.memory_space<vmem>>, vector<16xf32>,
        tpu.vector_store %arg16[%swap3A, %swap3A_293], %mul3A_290 {strides = array<i32>} : memref<128x16xf32, #tpu.memory_space<vmem>>, vector<16xf32>,
        %add3A_295 = arith.constant 1 : i32
        %add3A_296 = arith.addi %mul3A_283, %add3A_295 : i32
        %get3A_297 = arith.index_cast %add3A_296 : i32 to index
        %get3A_298 = arith.constant 0 : index
        %get3A_299 = tpu.vector_load %arg16[%get3A_297, %get3A_298] {strides = array<i32>} : memref<128x16xf32, #tpu.memory_space<vmem>>, vector<16xf32>,
        %slice3A_300 = vector.extract_strided_slice %get3A_281 {offsets = [1], sizes = [1], strides = [1]} : vector<16xf32> to vector<1xf32>
        %squeeze3A_301 = vector.extract %slice3A_300[0] : f32 from vector<1xf32>
        %mul3A_302 = vector.broadcast %squeeze3A_301 : f32 to vector<16xf32>
        %mul3A_303 = arith.mulf %get3A_299, %mul3A_302 : vector<16xf32>
        %add3A_304 = arith.constant 1 : i32
        %add3A_305 = arith.addi %mul3A_283, %add3A_304 : i32
        %swap3A_306 = arith.index_cast %add3A_305 : i32 to index
        %swap3A_307 = arith.constant 0 : index
        %swap3A_308 = tpu.vector_load %arg16[%swap3A_306, %swap3A_307] {strides = array<i32>} : memref<128x16xf32, #tpu.memory_space<vmem>>, vector<16xf32>,
        tpu.vector_store %arg16[%swap3A_306, %swap3A_307], %mul3A_303 {strides = array<i32>} : memref<128x16xf32, #tpu.memory_space<vmem>>, vector<16xf32>,
        %add3A_309 = arith.constant 2 : i32
        %add3A_310 = arith.addi %mul3A_283, %add3A_309 : i32
        %get3A_311 = arith.index_cast %add3A_310 : i32 to index
        %get3A_312 = arith.constant 0 : index
        %get3A_313 = tpu.vector_load %arg16[%get3A_311, %get3A_312] {strides = array<i32>} : memref<128x16xf32, #tpu.memory_space<vmem>>, vector<16xf32>,
        %slice3A_314 = vector.extract_strided_slice %get3A_281 {offsets = [2], sizes = [1], strides = [1]} : vector<16xf32> to vector<1xf32>
        %squeeze3A_315 = vector.extract %slice3A_314[0] : f32 from vector<1xf32>
        %mul3A_316 = vector.broadcast %squeeze3A_315 : f32 to vector<16xf32>
        %mul3A_317 = arith.mulf %get3A_313, %mul3A_316 : vector<16xf32>
        %add3A_318 = arith.constant 2 : i32
        %add3A_319 = arith.addi %mul3A_283, %add3A_318 : i32
        %swap3A_320 = arith.index_cast %add3A_319 : i32 to index
        %swap3A_321 = arith.constant 0 : index
        %swap3A_322 = tpu.vector_load %arg16[%swap3A_320, %swap3A_321] {strides = array<i32>} : memref<128x16xf32, #tpu.memory_space<vmem>>, vector<16xf32>,
        tpu.vector_store %arg16[%swap3A_320, %swap3A_321], %mul3A_317 {strides = array<i32>} : memref<128x16xf32, #tpu.memory_space<vmem>>, vector<16xf32>,
        %add3A_323 = arith.constant 3 : i32
        %add3A_324 = arith.addi %mul3A_283, %add3A_323 : i32
        %get3A_325 = arith.index_cast %add3A_324 : i32 to index
        %get3A_326 = arith.constant 0 : index
        %get3A_327 = tpu.vector_load %arg16[%get3A_325, %get3A_326] {strides = array<i32>} : memref<128x16xf32, #tpu.memory_space<vmem>>, vector<16xf32>,
        %slice3A_328 = vector.extract_strided_slice %get3A_281 {offsets = [3], sizes = [1], strides = [1]} : vector<16xf32> to vector<1xf32>
        %squeeze3A_329 = vector.extract %slice3A_328[0] : f32 from vector<1xf32>
        %mul3A_330 = vector.broadcast %squeeze3A_329 : f32 to vector<16xf32>
        %mul3A_331 = arith.mulf %get3A_327, %mul3A_330 : vector<16xf32>
        %add3A_332 = arith.constant 3 : i32
        %add3A_333 = arith.addi %mul3A_283, %add3A_332 : i32
        %swap3A_334 = arith.index_cast %add3A_333 : i32 to index
        %swap3A_335 = arith.constant 0 : index
        %swap3A_336 = tpu.vector_load %arg16[%swap3A_334, %swap3A_335] {strides = array<i32>} : memref<128x16xf32, #tpu.memory_space<vmem>>, vector<16xf32>,
        tpu.vector_store %arg16[%swap3A_334, %swap3A_335], %mul3A_331 {strides = array<i32>} : memref<128x16xf32, #tpu.memory_space<vmem>>, vector<16xf32>,
        %add3A_337 = arith.constant 4 : i32
        %add3A_338 = arith.addi %mul3A_283, %add3A_337 : i32
        %get3A_339 = arith.index_cast %add3A_338 : i32 to index
        %get3A_340 = arith.constant 0 : index
        %get3A_341 = tpu.vector_load %arg16[%get3A_339, %get3A_340] {strides = array<i32>} : memref<128x16xf32, #tpu.memory_space<vmem>>, vector<16xf32>,
        %slice3A_342 = vector.extract_strided_slice %get3A_281 {offsets = [4], sizes = [1], strides = [1]} : vector<16xf32> to vector<1xf32>
        %squeeze3A_343 = vector.extract %slice3A_342[0] : f32 from vector<1xf32>
        %mul3A_344 = vector.broadcast %squeeze3A_343 : f32 to vector<16xf32>
        %mul3A_345 = arith.mulf %get3A_341, %mul3A_344 : vector<16xf32>
        %add3A_346 = arith.constant 4 : i32
        %add3A_347 = arith.addi %mul3A_283, %add3A_346 : i32
        %swap3A_348 = arith.index_cast %add3A_347 : i32 to index
        %swap3A_349 = arith.constant 0 : index
        %swap3A_350 = tpu.vector_load %arg16[%swap3A_348, %swap3A_349] {strides = array<i32>} : memref<128x16xf32, #tpu.memory_space<vmem>>, vector<16xf32>,
        tpu.vector_store %arg16[%swap3A_348, %swap3A_349], %mul3A_345 {strides = array<i32>} : memref<128x16xf32, #tpu.memory_space<vmem>>, vector<16xf32>,
        %add3A_351 = arith.constant 5 : i32
        %add3A_352 = arith.addi %mul3A_283, %add3A_351 : i32
        %get3A_353 = arith.index_cast %add3A_352 : i32 to index
        %get3A_354 = arith.constant 0 : index
        %get3A_355 = tpu.vector_load %arg16[%get3A_353, %get3A_354] {strides = array<i32>} : memref<128x16xf32, #tpu.memory_space<vmem>>, vector<16xf32>,
        %slice3A_356 = vector.extract_strided_slice %get3A_281 {offsets = [5], sizes = [1], strides = [1]} : vector<16xf32> to vector<1xf32>
        %squeeze3A_357 = vector.extract %slice3A_356[0] : f32 from vector<1xf32>
        %mul3A_358 = vector.broadcast %squeeze3A_357 : f32 to vector<16xf32>
        %mul3A_359 = arith.mulf %get3A_355, %mul3A_358 : vector<16xf32>
        %add3A_360 = arith.constant 5 : i32
        %add3A_361 = arith.addi %mul3A_283, %add3A_360 : i32
        %swap3A_362 = arith.index_cast %add3A_361 : i32 to index
        %swap3A_363 = arith.constant 0 : index
        %swap3A_364 = tpu.vector_load %arg16[%swap3A_362, %swap3A_363] {strides = array<i32>} : memref<128x16xf32, #tpu.memory_space<vmem>>, vector<16xf32>,
        tpu.vector_store %arg16[%swap3A_362, %swap3A_363], %mul3A_359 {strides = array<i32>} : memref<128x16xf32, #tpu.memory_space<vmem>>, vector<16xf32>,
        %add3A_365 = arith.constant 6 : i32
        %add3A_366 = arith.addi %mul3A_283, %add3A_365 : i32
        %get3A_367 = arith.index_cast %add3A_366 : i32 to index
        %get3A_368 = arith.constant 0 : index
        %get3A_369 = tpu.vector_load %arg16[%get3A_367, %get3A_368] {strides = array<i32>} : memref<128x16xf32, #tpu.memory_space<vmem>>, vector<16xf32>,
        %slice3A_370 = vector.extract_strided_slice %get3A_281 {offsets = [6], sizes = [1], strides = [1]} : vector<16xf32> to vector<1xf32>
        %squeeze3A_371 = vector.extract %slice3A_370[0] : f32 from vector<1xf32>
        %mul3A_372 = vector.broadcast %squeeze3A_371 : f32 to vector<16xf32>
        %mul3A_373 = arith.mulf %get3A_369, %mul3A_372 : vector<16xf32>
        %add3A_374 = arith.constant 6 : i32
        %add3A_375 = arith.addi %mul3A_283, %add3A_374 : i32
        %swap3A_376 = arith.index_cast %add3A_375 : i32 to index
        %swap3A_377 = arith.constant 0 : index
        %swap3A_378 = tpu.vector_load %arg16[%swap3A_376, %swap3A_377] {strides = array<i32>} : memref<128x16xf32, #tpu.memory_space<vmem>>, vector<16xf32>,
        tpu.vector_store %arg16[%swap3A_376, %swap3A_377], %mul3A_373 {strides = array<i32>} : memref<128x16xf32, #tpu.memory_space<vmem>>, vector<16xf32>,
        %add3A_379 = arith.constant 7 : i32
        %add3A_380 = arith.addi %mul3A_283, %add3A_379 : i32
        %get3A_381 = arith.index_cast %add3A_380 : i32 to index
        %get3A_382 = arith.constant 0 : index
        %get3A_383 = tpu.vector_load %arg16[%get3A_381, %get3A_382] {strides = array<i32>} : memref<128x16xf32, #tpu.memory_space<vmem>>, vector<16xf32>,
        %slice3A_384 = vector.extract_strided_slice %get3A_281 {offsets = [7], sizes = [1], strides = [1]} : vector<16xf32> to vector<1xf32>
        %squeeze3A_385 = vector.extract %slice3A_384[0] : f32 from vector<1xf32>
        %mul3A_386 = vector.broadcast %squeeze3A_385 : f32 to vector<16xf32>
        %mul3A_387 = arith.mulf %get3A_383, %mul3A_386 : vector<16xf32>
        %add3A_388 = arith.constant 7 : i32
        %add3A_389 = arith.addi %mul3A_283, %add3A_388 : i32
        %swap3A_390 = arith.index_cast %add3A_389 : i32 to index
        %swap3A_391 = arith.constant 0 : index
        %swap3A_392 = tpu.vector_load %arg16[%swap3A_390, %swap3A_391] {strides = array<i32>} : memref<128x16xf32, #tpu.memory_space<vmem>>, vector<16xf32>,
        tpu.vector_store %arg16[%swap3A_390, %swap3A_391], %mul3A_387 {strides = array<i32>} : memref<128x16xf32, #tpu.memory_space<vmem>>, vector<16xf32>,
        %add3A_393 = arith.constant 8 : i32
        %add3A_394 = arith.addi %mul3A_283, %add3A_393 : i32
        %get3A_395 = arith.index_cast %add3A_394 : i32 to index
        %get3A_396 = arith.constant 0 : index
        %get3A_397 = tpu.vector_load %arg16[%get3A_395, %get3A_396] {strides = array<i32>} : memref<128x16xf32, #tpu.memory_space<vmem>>, vector<16xf32>,
        %slice3A_398 = vector.extract_strided_slice %get3A_281 {offsets = [8], sizes = [1], strides = [1]} : vector<16xf32> to vector<1xf32>
        %squeeze3A_399 = vector.extract %slice3A_398[0] : f32 from vector<1xf32>
        %mul3A_400 = vector.broadcast %squeeze3A_399 : f32 to vector<16xf32>
        %mul3A_401 = arith.mulf %get3A_397, %mul3A_400 : vector<16xf32>
        %add3A_402 = arith.constant 8 : i32
        %add3A_403 = arith.addi %mul3A_283, %add3A_402 : i32
        %swap3A_404 = arith.index_cast %add3A_403 : i32 to index
        %swap3A_405 = arith.constant 0 : index
        %swap3A_406 = tpu.vector_load %arg16[%swap3A_404, %swap3A_405] {strides = array<i32>} : memref<128x16xf32, #tpu.memory_space<vmem>>, vector<16xf32>,
        tpu.vector_store %arg16[%swap3A_404, %swap3A_405], %mul3A_401 {strides = array<i32>} : memref<128x16xf32, #tpu.memory_space<vmem>>, vector<16xf32>,
        %add3A_407 = arith.constant 9 : i32
        %add3A_408 = arith.addi %mul3A_283, %add3A_407 : i32
        %get3A_409 = arith.index_cast %add3A_408 : i32 to index
        %get3A_410 = arith.constant 0 : index
        %get3A_411 = tpu.vector_load %arg16[%get3A_409, %get3A_410] {strides = array<i32>} : memref<128x16xf32, #tpu.memory_space<vmem>>, vector<16xf32>,
        %slice3A_412 = vector.extract_strided_slice %get3A_281 {offsets = [9], sizes = [1], strides = [1]} : vector<16xf32> to vector<1xf32>
        %squeeze3A_413 = vector.extract %slice3A_412[0] : f32 from vector<1xf32>
        %mul3A_414 = vector.broadcast %squeeze3A_413 : f32 to vector<16xf32>
        %mul3A_415 = arith.mulf %get3A_411, %mul3A_414 : vector<16xf32>
        %add3A_416 = arith.constant 9 : i32
        %add3A_417 = arith.addi %mul3A_283, %add3A_416 : i32
        %swap3A_418 = arith.index_cast %add3A_417 : i32 to index
        %swap3A_419 = arith.constant 0 : index
        %swap3A_420 = tpu.vector_load %arg16[%swap3A_418, %swap3A_419] {strides = array<i32>} : memref<128x16xf32, #tpu.memory_space<vmem>>, vector<16xf32>,
        tpu.vector_store %arg16[%swap3A_418, %swap3A_419], %mul3A_415 {strides = array<i32>} : memref<128x16xf32, #tpu.memory_space<vmem>>, vector<16xf32>,
        %add3A_421 = arith.constant 10 : i32
        %add3A_422 = arith.addi %mul3A_283, %add3A_421 : i32
        %get3A_423 = arith.index_cast %add3A_422 : i32 to index
        %get3A_424 = arith.constant 0 : index
        %get3A_425 = tpu.vector_load %arg16[%get3A_423, %get3A_424] {strides = array<i32>} : memref<128x16xf32, #tpu.memory_space<vmem>>, vector<16xf32>,
        %slice3A_426 = vector.extract_strided_slice %get3A_281 {offsets = [10], sizes = [1], strides = [1]} : vector<16xf32> to vector<1xf32>
        %squeeze3A_427 = vector.extract %slice3A_426[0] : f32 from vector<1xf32>
        %mul3A_428 = vector.broadcast %squeeze3A_427 : f32 to vector<16xf32>
        %mul3A_429 = arith.mulf %get3A_425, %mul3A_428 : vector<16xf32>
        %add3A_430 = arith.constant 10 : i32
        %add3A_431 = arith.addi %mul3A_283, %add3A_430 : i32
        %swap3A_432 = arith.index_cast %add3A_431 : i32 to index
        %swap3A_433 = arith.constant 0 : index
        %swap3A_434 = tpu.vector_load %arg16[%swap3A_432, %swap3A_433] {strides = array<i32>} : memref<128x16xf32, #tpu.memory_space<vmem>>, vector<16xf32>,
        tpu.vector_store %arg16[%swap3A_432, %swap3A_433], %mul3A_429 {strides = array<i32>} : memref<128x16xf32, #tpu.memory_space<vmem>>, vector<16xf32>,
        %add3A_435 = arith.constant 11 : i32
        %add3A_436 = arith.addi %mul3A_283, %add3A_435 : i32
        %get3A_437 = arith.index_cast %add3A_436 : i32 to index
        %get3A_438 = arith.constant 0 : index
        %get3A_439 = tpu.vector_load %arg16[%get3A_437, %get3A_438] {strides = array<i32>} : memref<128x16xf32, #tpu.memory_space<vmem>>, vector<16xf32>,
        %slice3A_440 = vector.extract_strided_slice %get3A_281 {offsets = [11], sizes = [1], strides = [1]} : vector<16xf32> to vector<1xf32>
        %squeeze3A_441 = vector.extract %slice3A_440[0] : f32 from vector<1xf32>
        %mul3A_442 = vector.broadcast %squeeze3A_441 : f32 to vector<16xf32>
        %mul3A_443 = arith.mulf %get3A_439, %mul3A_442 : vector<16xf32>
        %add3A_444 = arith.constant 11 : i32
        %add3A_445 = arith.addi %mul3A_283, %add3A_444 : i32
        %swap3A_446 = arith.index_cast %add3A_445 : i32 to index
        %swap3A_447 = arith.constant 0 : index
        %swap3A_448 = tpu.vector_load %arg16[%swap3A_446, %swap3A_447] {strides = array<i32>} : memref<128x16xf32, #tpu.memory_space<vmem>>, vector<16xf32>,
        tpu.vector_store %arg16[%swap3A_446, %swap3A_447], %mul3A_443 {strides = array<i32>} : memref<128x16xf32, #tpu.memory_space<vmem>>, vector<16xf32>,
        %add3A_449 = arith.constant 12 : i32
        %add3A_450 = arith.addi %mul3A_283, %add3A_449 : i32
        %get3A_451 = arith.index_cast %add3A_450 : i32 to index
        %get3A_452 = arith.constant 0 : index
        %get3A_453 = tpu.vector_load %arg16[%get3A_451, %get3A_452] {strides = array<i32>} : memref<128x16xf32, #tpu.memory_space<vmem>>, vector<16xf32>,
        %slice3A_454 = vector.extract_strided_slice %get3A_281 {offsets = [12], sizes = [1], strides = [1]} : vector<16xf32> to vector<1xf32>
        %squeeze3A_455 = vector.extract %slice3A_454[0] : f32 from vector<1xf32>
        %mul3A_456 = vector.broadcast %squeeze3A_455 : f32 to vector<16xf32>
        %mul3A_457 = arith.mulf %get3A_453, %mul3A_456 : vector<16xf32>
        %add3A_458 = arith.constant 12 : i32
        %add3A_459 = arith.addi %mul3A_283, %add3A_458 : i32
        %swap3A_460 = arith.index_cast %add3A_459 : i32 to index
        %swap3A_461 = arith.constant 0 : index
        %swap3A_462 = tpu.vector_load %arg16[%swap3A_460, %swap3A_461] {strides = array<i32>} : memref<128x16xf32, #tpu.memory_space<vmem>>, vector<16xf32>,
        tpu.vector_store %arg16[%swap3A_460, %swap3A_461], %mul3A_457 {strides = array<i32>} : memref<128x16xf32, #tpu.memory_space<vmem>>, vector<16xf32>,
        %add3A_463 = arith.constant 13 : i32
        %add3A_464 = arith.addi %mul3A_283, %add3A_463 : i32
        %get3A_465 = arith.index_cast %add3A_464 : i32 to index
        %get3A_466 = arith.constant 0 : index
        %get3A_467 = tpu.vector_load %arg16[%get3A_465, %get3A_466] {strides = array<i32>} : memref<128x16xf32, #tpu.memory_space<vmem>>, vector<16xf32>,
        %slice3A_468 = vector.extract_strided_slice %get3A_281 {offsets = [13], sizes = [1], strides = [1]} : vector<16xf32> to vector<1xf32>
        %squeeze3A_469 = vector.extract %slice3A_468[0] : f32 from vector<1xf32>
        %mul3A_470 = vector.broadcast %squeeze3A_469 : f32 to vector<16xf32>
        %mul3A_471 = arith.mulf %get3A_467, %mul3A_470 : vector<16xf32>
        %add3A_472 = arith.constant 13 : i32
        %add3A_473 = arith.addi %mul3A_283, %add3A_472 : i32
        %swap3A_474 = arith.index_cast %add3A_473 : i32 to index
        %swap3A_475 = arith.constant 0 : index
        %swap3A_476 = tpu.vector_load %arg16[%swap3A_474, %swap3A_475] {strides = array<i32>} : memref<128x16xf32, #tpu.memory_space<vmem>>, vector<16xf32>,
        tpu.vector_store %arg16[%swap3A_474, %swap3A_475], %mul3A_471 {strides = array<i32>} : memref<128x16xf32, #tpu.memory_space<vmem>>, vector<16xf32>,
        %add3A_477 = arith.constant 14 : i32
        %add3A_478 = arith.addi %mul3A_283, %add3A_477 : i32
        %get3A_479 = arith.index_cast %add3A_478 : i32 to index
        %get3A_480 = arith.constant 0 : index
        %get3A_481 = tpu.vector_load %arg16[%get3A_479, %get3A_480] {strides = array<i32>} : memref<128x16xf32, #tpu.memory_space<vmem>>, vector<16xf32>,
        %slice3A_482 = vector.extract_strided_slice %get3A_281 {offsets = [14], sizes = [1], strides = [1]} : vector<16xf32> to vector<1xf32>
        %squeeze3A_483 = vector.extract %slice3A_482[0] : f32 from vector<1xf32>
        %mul3A_484 = vector.broadcast %squeeze3A_483 : f32 to vector<16xf32>
        %mul3A_485 = arith.mulf %get3A_481, %mul3A_484 : vector<16xf32>
        %add3A_486 = arith.constant 14 : i32
        %add3A_487 = arith.addi %mul3A_283, %add3A_486 : i32
        %swap3A_488 = arith.index_cast %add3A_487 : i32 to index
        %swap3A_489 = arith.constant 0 : index
        %swap3A_490 = tpu.vector_load %arg16[%swap3A_488, %swap3A_489] {strides = array<i32>} : memref<128x16xf32, #tpu.memory_space<vmem>>, vector<16xf32>,
        tpu.vector_store %arg16[%swap3A_488, %swap3A_489], %mul3A_485 {strides = array<i32>} : memref<128x16xf32, #tpu.memory_space<vmem>>, vector<16xf32>,
        %add3A_491 = arith.constant 15 : i32
        %add3A_492 = arith.addi %mul3A_283, %add3A_491 : i32
        %get3A_493 = arith.index_cast %add3A_492 : i32 to index
        %get3A_494 = arith.constant 0 : index
        %get3A_495 = tpu.vector_load %arg16[%get3A_493, %get3A_494] {strides = array<i32>} : memref<128x16xf32, #tpu.memory_space<vmem>>, vector<16xf32>,
        %slice3A_496 = vector.extract_strided_slice %get3A_281 {offsets = [15], sizes = [1], strides = [1]} : vector<16xf32> to vector<1xf32>
        %squeeze3A_497 = vector.extract %slice3A_496[0] : f32 from vector<1xf32>
        %mul3A_498 = vector.broadcast %squeeze3A_497 : f32 to vector<16xf32>
        %mul3A_499 = arith.mulf %get3A_495, %mul3A_498 : vector<16xf32>
        %add3A_500 = arith.constant 15 : i32
        %add3A_501 = arith.addi %mul3A_283, %add3A_500 : i32
        %swap3A_502 = arith.index_cast %add3A_501 : i32 to index
        %swap3A_503 = arith.constant 0 : index
        %swap3A_504 = tpu.vector_load %arg16[%swap3A_502, %swap3A_503] {strides = array<i32>} : memref<128x16xf32, #tpu.memory_space<vmem>>, vector<16xf32>,
        tpu.vector_store %arg16[%swap3A_502, %swap3A_503], %mul3A_499 {strides = array<i32>} : memref<128x16xf32, #tpu.memory_space<vmem>>, vector<16xf32>,
      }
      %scan3A_218 = arith.constant 8 : i32
      %dma_start3A_219 = arith.constant 0 : i32
      %dma_start3A_220 = tpu.memref_slice %arg10[%add3A_199, %dma_start3A_219] : memref<80x128xi32, #tpu.memory_space<vmem>> -> memref<1x128xi32, #tpu.memory_space<vmem>>
      %dma_start3A_221 = tpu.memref_squeeze %dma_start3A_220 : memref<1x128xi32, #tpu.memory_space<vmem>> -> memref<128xi32, #tpu.memory_space<vmem>>
      %dma_start3A_222 = arith.constant 0 : i32
      %dma_start3A_223 = arith.constant 0 : i32
      %dma_start3A_224 = tpu.memref_slice %arg20[%dma_start3A_222, %dma_start3A_223] : memref<10240x16xf32, #tpu.memory_space<vmem_shared>> -> memref<10240x16xf32, #tpu.memory_space<vmem_shared>>
      tpu.enqueue_indirect_dma source(%arg16 : memref<128x16xf32, #tpu.memory_space<vmem>>) target(%dma_start3A_224 : memref<10240x16xf32, #tpu.memory_space<vmem_shared>>) offsets(%dma_start3A_221 : memref<128xi32, #tpu.memory_space<vmem>>) semaphore(%arg28 : memref<!tpu.dma_semaphore, #tpu.memory_space<semaphore_mem>>) {add = true}
      %dma_start3A_225 = arith.constant 0 : i32
      %dma_start3A_226 = tpu.memref_slice %arg13[%add3A_199, %dma_start3A_225] : memref<80x128xf32, #tpu.memory_space<vmem>> -> memref<1x128xf32, #tpu.memory_space<vmem>>
      %dma_start3A_227 = tpu.memref_squeeze %dma_start3A_226 : memref<1x128xf32, #tpu.memory_space<vmem>> -> memref<128xf32, #tpu.memory_space<vmem>>
      %dma_start3A_228 = arith.constant 0 : i32
      %dma_start3A_229 = tpu.memref_slice %arg10[%add3A_199, %dma_start3A_228] : memref<80x128xi32, #tpu.memory_space<vmem>> -> memref<1x128xi32, #tpu.memory_space<vmem>>
      %dma_start3A_230 = tpu.memref_squeeze %dma_start3A_229 : memref<1x128xi32, #tpu.memory_space<vmem>> -> memref<128xi32, #tpu.memory_space<vmem>>
      %dma_start3A_231 = arith.constant 0 : i32
      %dma_start3A_232 = tpu.memref_slice %arg21[%dma_start3A_231] : memref<10240xf32, #tpu.memory_space<vmem_shared>> -> memref<10240xf32, #tpu.memory_space<vmem_shared>>
      tpu.enqueue_indirect_dma source(%dma_start3A_227 : memref<128xf32, #tpu.memory_space<vmem>>) target(%dma_start3A_232 : memref<10240xf32, #tpu.memory_space<vmem_shared>>) offsets(%dma_start3A_230 : memref<128xi32, #tpu.memory_space<vmem>>) semaphore(%arg32 : memref<!tpu.dma_semaphore, #tpu.memory_space<semaphore_mem>>) {add = true}
      %lt3A = arith.constant 19 : i32
      %lt3A_233 = arith.cmpi slt, %scan3A_102, %lt3A : i32
      %convert_element_type3A_234 = arith.extui %lt3A_233 : i1 to i32
      %cond3A_235 = arith.constant 0 : i32
      %cond3A_236 = arith.cmpi ne, %convert_element_type3A_234, %cond3A_235 : i32
      scf.if %cond3A_236 {
        %dma_wait3A_277 = arith.constant 0 : i32
        %dma_wait3A_278 = arith.constant 0 : i32
        %dma_wait3A_279 = tpu.memref_slice %arg10[%dma_wait3A_277, %dma_wait3A_278] : memref<80x128xi32, #tpu.memory_space<vmem>> -> memref<1x128xi32, #tpu.memory_space<vmem>>
        %dma_wait3A_280 = tpu.memref_squeeze %dma_wait3A_279 : memref<1x128xi32, #tpu.memory_space<vmem>> -> memref<128xi32, #tpu.memory_space<vmem>>
        %dma_wait3A_281 = arith.constant 0 : i32
        %dma_wait3A_282 = arith.constant 0 : i32
        %dma_wait3A_283 = tpu.memref_slice %arg20[%dma_wait3A_281, %dma_wait3A_282] : memref<10240x16xf32, #tpu.memory_space<vmem_shared>> -> memref<10240x16xf32, #tpu.memory_space<vmem_shared>>
        tpu.wait_indirect_dma semaphore(%arg26 : memref<!tpu.dma_semaphore, #tpu.memory_space<semaphore_mem>>) src(%arg14 : memref<128x16xf32, #tpu.memory_space<vmem>>) dst(%dma_wait3A_283 : memref<10240x16xf32, #tpu.memory_space<vmem_shared>>)
        %dma_wait3A_284 = arith.constant 0 : i32
        %dma_wait3A_285 = arith.constant 0 : i32
        %dma_wait3A_286 = arith.constant 0 : i32
        %dma_wait3A_287 = tpu.memref_slice %arg13[%dma_wait3A_284, %dma_wait3A_286] : memref<80x128xf32, #tpu.memory_space<vmem>> -> memref<1x128xf32, #tpu.memory_space<vmem>>
        %dma_wait3A_288 = tpu.memref_squeeze %dma_wait3A_287 : memref<1x128xf32, #tpu.memory_space<vmem>> -> memref<128xf32, #tpu.memory_space<vmem>>
        %dma_wait3A_289 = arith.constant 0 : i32
        %dma_wait3A_290 = tpu.memref_slice %arg10[%dma_wait3A_285, %dma_wait3A_289] : memref<80x128xi32, #tpu.memory_space<vmem>> -> memref<1x128xi32, #tpu.memory_space<vmem>>
        %dma_wait3A_291 = tpu.memref_squeeze %dma_wait3A_290 : memref<1x128xi32, #tpu.memory_space<vmem>> -> memref<128xi32, #tpu.memory_space<vmem>>
        %dma_wait3A_292 = arith.constant 0 : i32
        %dma_wait3A_293 = tpu.memref_slice %arg21[%dma_wait3A_292] : memref<10240xf32, #tpu.memory_space<vmem_shared>> -> memref<10240xf32, #tpu.memory_space<vmem_shared>>
        tpu.wait_indirect_dma semaphore(%arg30 : memref<!tpu.dma_semaphore, #tpu.memory_space<semaphore_mem>>) src(%dma_wait3A_288 : memref<128xf32, #tpu.memory_space<vmem>>) dst(%dma_wait3A_293 : memref<10240xf32, #tpu.memory_space<vmem_shared>>)
        %add3A_294 = arith.constant 2 : i32
        %add3A_295 = arith.addi %add3A_199, %add3A_294 : i32
        %dma_start3A_296 = arith.constant 0 : i32
        %dma_start3A_297 = tpu.memref_slice %arg9[%add3A_295, %dma_start3A_296] : memref<80x128xi32, #tpu.memory_space<vmem>> -> memref<1x128xi32, #tpu.memory_space<vmem>>
        %dma_start3A_298 = tpu.memref_squeeze %dma_start3A_297 : memref<1x128xi32, #tpu.memory_space<vmem>> -> memref<128xi32, #tpu.memory_space<vmem>>
        %dma_start3A_299 = arith.constant 0 : i32
        %dma_start3A_300 = arith.constant 0 : i32
        %dma_start3A_301 = tpu.memref_slice %arg6[%dma_start3A_299, %dma_start3A_300] : memref<10000x16xf32, #tpu.memory_space<hbm>> -> memref<10000x16xf32, #tpu.memory_space<hbm>>
        tpu.enqueue_indirect_dma source(%dma_start3A_301 : memref<10000x16xf32, #tpu.memory_space<hbm>>) target(%arg14 : memref<128x16xf32, #tpu.memory_space<vmem>>) offsets(%dma_start3A_298 : memref<128xi32, #tpu.memory_space<vmem>>) semaphore(%arg22 : memref<!tpu.dma_semaphore, #tpu.memory_space<semaphore_mem>>)
      } else {
      }
      %add3A_237 = arith.constant 3 : i32
      %add3A_238 = arith.addi %mul3A_104, %add3A_237 : i32
      %scan3A_239 = arith.constant 0 : i32
      %scan3A_240 = arith.constant 0 : i32
      %scan3A_241 = arith.constant 8 : i32
      %scan3A_242 = arith.addi %scan3A_240, %scan3A_241 : i32
      %scan3A_243 = arith.constant 1 : i32
      scf.for %scan3A_277 = %scan3A_240 to %scan3A_242 step %scan3A_243  : i32 {
        %mul3A_278 = arith.constant 16 : i32
        %mul3A_279 = arith.muli %scan3A_277, %mul3A_278 : i32
        %get3A = arith.index_cast %add3A_238 : i32 to index
        %get3A_280 = arith.index_cast %mul3A_279 : i32 to index
        %get3A_281 = tpu.vector_load %arg9[%get3A, %get3A_280] {strides = array<i32>} : memref<80x128xi32, #tpu.memory_space<vmem>>, vector<16xi32>,
        %mul3A_282 = arith.constant 16 : i32
        %mul3A_283 = arith.muli %scan3A_277, %mul3A_282 : i32
        %get3A_284 = arith.index_cast %add3A_238 : i32 to index
        %get3A_285 = arith.index_cast %mul3A_283 : i32 to index
        %get3A_286 = tpu.vector_load %arg10[%get3A_284, %get3A_285] {strides = array<i32>} : memref<80x128xi32, #tpu.memory_space<vmem>>, vector<16xi32>,
        %gather3A = tpu.vector_load_idx %arg11[%get3A_281] : memref<10240xf32, #tpu.memory_space<vmem>>[vector<16xi32>], vector<16xf32>,
        %gather3A_287 = tpu.vector_load_idx %arg12[%get3A_286] : memref<10240xf32, #tpu.memory_space<vmem>>[vector<16xi32>], vector<16xf32>,
        %add3A_288 = arith.addf %gather3A, %gather3A_287 : vector<16xf32>
        %ge3A = arith.constant 0.000000e+00 : f32
        %ge3A_289 = vector.broadcast %ge3A : f32 to vector<16xf32>
        %ge3A_290 = arith.cmpf oge, %add3A_288, %ge3A_289 : vector<16xf32>
        %mul3A_291 = arith.constant 2.000000e-01 : f32
        %mul3A_292 = vector.broadcast %mul3A_291 : f32 to vector<16xf32>
        %mul3A_293 = arith.mulf %mul3A_292, %add3A_288 : vector<16xf32>
        %select_n3A = arith.select %ge3A_290, %add3A_288, %mul3A_293 : vector<16xi1>, vector<16xf32>
        %exp3A = math.exp %select_n3A : vector<16xf32>
        %mul3A_294 = arith.constant 16 : i32
        %mul3A_295 = arith.muli %scan3A_277, %mul3A_294 : i32
        %swap3A = arith.index_cast %add3A_238 : i32 to index
        %swap3A_296 = arith.index_cast %mul3A_295 : i32 to index
        %swap3A_297 = tpu.vector_load %arg13[%swap3A, %swap3A_296] {strides = array<i32>} : memref<80x128xf32, #tpu.memory_space<vmem>>, vector<16xf32>,
        tpu.vector_store %arg13[%swap3A, %swap3A_296], %exp3A {strides = array<i32>} : memref<80x128xf32, #tpu.memory_space<vmem>>, vector<16xf32>,
      }
      %scan3A_244 = arith.constant 8 : i32
      %dma_wait3A_245 = arith.constant 0 : i32
      %dma_wait3A_246 = arith.constant 0 : i32
      %dma_wait3A_247 = tpu.memref_slice %arg9[%dma_wait3A_245, %dma_wait3A_246] : memref<80x128xi32, #tpu.memory_space<vmem>> -> memref<1x128xi32, #tpu.memory_space<vmem>>
      %dma_wait3A_248 = tpu.memref_squeeze %dma_wait3A_247 : memref<1x128xi32, #tpu.memory_space<vmem>> -> memref<128xi32, #tpu.memory_space<vmem>>
      %dma_wait3A_249 = arith.constant 0 : i32
      %dma_wait3A_250 = arith.constant 0 : i32
      %dma_wait3A_251 = tpu.memref_slice %arg6[%dma_wait3A_249, %dma_wait3A_250] : memref<10000x16xf32, #tpu.memory_space<hbm>> -> memref<10000x16xf32, #tpu.memory_space<hbm>>
      tpu.wait_indirect_dma semaphore(%arg25 : memref<!tpu.dma_semaphore, #tpu.memory_space<semaphore_mem>>) src(%dma_wait3A_251 : memref<10000x16xf32, #tpu.memory_space<hbm>>) dst(%arg17 : memref<128x16xf32, #tpu.memory_space<vmem>>)
      %scan3A_252 = arith.constant 0 : i32
      %scan3A_253 = arith.constant 0 : i32
      %scan3A_254 = arith.constant 8 : i32
      %scan3A_255 = arith.addi %scan3A_253, %scan3A_254 : i32
      %scan3A_256 = arith.constant 1 : i32
      scf.for %scan3A_277 = %scan3A_253 to %scan3A_255 step %scan3A_256  : i32 {
        %mul3A_278 = arith.constant 16 : i32
        %mul3A_279 = arith.muli %scan3A_277, %mul3A_278 : i32
        %get3A = arith.index_cast %add3A_238 : i32 to index
        %get3A_280 = arith.index_cast %mul3A_279 : i32 to index
        %get3A_281 = tpu.vector_load %arg13[%get3A, %get3A_280] {strides = array<i32>} : memref<80x128xf32, #tpu.memory_space<vmem>>, vector<16xf32>,
        %mul3A_282 = arith.constant 16 : i32
        %mul3A_283 = arith.muli %scan3A_277, %mul3A_282 : i32
        %add3A_284 = arith.constant 0 : i32
        %add3A_285 = arith.addi %mul3A_283, %add3A_284 : i32
        %get3A_286 = arith.index_cast %add3A_285 : i32 to index
        %get3A_287 = arith.constant 0 : index
        %get3A_288 = tpu.vector_load %arg17[%get3A_286, %get3A_287] {strides = array<i32>} : memref<128x16xf32, #tpu.memory_space<vmem>>, vector<16xf32>,
        %slice3A = vector.extract_strided_slice %get3A_281 {offsets = [0], sizes = [1], strides = [1]} : vector<16xf32> to vector<1xf32>
        %squeeze3A = vector.extract %slice3A[0] : f32 from vector<1xf32>
        %mul3A_289 = vector.broadcast %squeeze3A : f32 to vector<16xf32>
        %mul3A_290 = arith.mulf %get3A_288, %mul3A_289 : vector<16xf32>
        %add3A_291 = arith.constant 0 : i32
        %add3A_292 = arith.addi %mul3A_283, %add3A_291 : i32
        %swap3A = arith.index_cast %add3A_292 : i32 to index
        %swap3A_293 = arith.constant 0 : index
        %swap3A_294 = tpu.vector_load %arg17[%swap3A, %swap3A_293] {strides = array<i32>} : memref<128x16xf32, #tpu.memory_space<vmem>>, vector<16xf32>,
        tpu.vector_store %arg17[%swap3A, %swap3A_293], %mul3A_290 {strides = array<i32>} : memref<128x16xf32, #tpu.memory_space<vmem>>, vector<16xf32>,
        %add3A_295 = arith.constant 1 : i32
        %add3A_296 = arith.addi %mul3A_283, %add3A_295 : i32
        %get3A_297 = arith.index_cast %add3A_296 : i32 to index
        %get3A_298 = arith.constant 0 : index
        %get3A_299 = tpu.vector_load %arg17[%get3A_297, %get3A_298] {strides = array<i32>} : memref<128x16xf32, #tpu.memory_space<vmem>>, vector<16xf32>,
        %slice3A_300 = vector.extract_strided_slice %get3A_281 {offsets = [1], sizes = [1], strides = [1]} : vector<16xf32> to vector<1xf32>
        %squeeze3A_301 = vector.extract %slice3A_300[0] : f32 from vector<1xf32>
        %mul3A_302 = vector.broadcast %squeeze3A_301 : f32 to vector<16xf32>
        %mul3A_303 = arith.mulf %get3A_299, %mul3A_302 : vector<16xf32>
        %add3A_304 = arith.constant 1 : i32
        %add3A_305 = arith.addi %mul3A_283, %add3A_304 : i32
        %swap3A_306 = arith.index_cast %add3A_305 : i32 to index
        %swap3A_307 = arith.constant 0 : index
        %swap3A_308 = tpu.vector_load %arg17[%swap3A_306, %swap3A_307] {strides = array<i32>} : memref<128x16xf32, #tpu.memory_space<vmem>>, vector<16xf32>,
        tpu.vector_store %arg17[%swap3A_306, %swap3A_307], %mul3A_303 {strides = array<i32>} : memref<128x16xf32, #tpu.memory_space<vmem>>, vector<16xf32>,
        %add3A_309 = arith.constant 2 : i32
        %add3A_310 = arith.addi %mul3A_283, %add3A_309 : i32
        %get3A_311 = arith.index_cast %add3A_310 : i32 to index
        %get3A_312 = arith.constant 0 : index
        %get3A_313 = tpu.vector_load %arg17[%get3A_311, %get3A_312] {strides = array<i32>} : memref<128x16xf32, #tpu.memory_space<vmem>>, vector<16xf32>,
        %slice3A_314 = vector.extract_strided_slice %get3A_281 {offsets = [2], sizes = [1], strides = [1]} : vector<16xf32> to vector<1xf32>
        %squeeze3A_315 = vector.extract %slice3A_314[0] : f32 from vector<1xf32>
        %mul3A_316 = vector.broadcast %squeeze3A_315 : f32 to vector<16xf32>
        %mul3A_317 = arith.mulf %get3A_313, %mul3A_316 : vector<16xf32>
        %add3A_318 = arith.constant 2 : i32
        %add3A_319 = arith.addi %mul3A_283, %add3A_318 : i32
        %swap3A_320 = arith.index_cast %add3A_319 : i32 to index
        %swap3A_321 = arith.constant 0 : index
        %swap3A_322 = tpu.vector_load %arg17[%swap3A_320, %swap3A_321] {strides = array<i32>} : memref<128x16xf32, #tpu.memory_space<vmem>>, vector<16xf32>,
        tpu.vector_store %arg17[%swap3A_320, %swap3A_321], %mul3A_317 {strides = array<i32>} : memref<128x16xf32, #tpu.memory_space<vmem>>, vector<16xf32>,
        %add3A_323 = arith.constant 3 : i32
        %add3A_324 = arith.addi %mul3A_283, %add3A_323 : i32
        %get3A_325 = arith.index_cast %add3A_324 : i32 to index
        %get3A_326 = arith.constant 0 : index
        %get3A_327 = tpu.vector_load %arg17[%get3A_325, %get3A_326] {strides = array<i32>} : memref<128x16xf32, #tpu.memory_space<vmem>>, vector<16xf32>,
        %slice3A_328 = vector.extract_strided_slice %get3A_281 {offsets = [3], sizes = [1], strides = [1]} : vector<16xf32> to vector<1xf32>
        %squeeze3A_329 = vector.extract %slice3A_328[0] : f32 from vector<1xf32>
        %mul3A_330 = vector.broadcast %squeeze3A_329 : f32 to vector<16xf32>
        %mul3A_331 = arith.mulf %get3A_327, %mul3A_330 : vector<16xf32>
        %add3A_332 = arith.constant 3 : i32
        %add3A_333 = arith.addi %mul3A_283, %add3A_332 : i32
        %swap3A_334 = arith.index_cast %add3A_333 : i32 to index
        %swap3A_335 = arith.constant 0 : index
        %swap3A_336 = tpu.vector_load %arg17[%swap3A_334, %swap3A_335] {strides = array<i32>} : memref<128x16xf32, #tpu.memory_space<vmem>>, vector<16xf32>,
        tpu.vector_store %arg17[%swap3A_334, %swap3A_335], %mul3A_331 {strides = array<i32>} : memref<128x16xf32, #tpu.memory_space<vmem>>, vector<16xf32>,
        %add3A_337 = arith.constant 4 : i32
        %add3A_338 = arith.addi %mul3A_283, %add3A_337 : i32
        %get3A_339 = arith.index_cast %add3A_338 : i32 to index
        %get3A_340 = arith.constant 0 : index
        %get3A_341 = tpu.vector_load %arg17[%get3A_339, %get3A_340] {strides = array<i32>} : memref<128x16xf32, #tpu.memory_space<vmem>>, vector<16xf32>,
        %slice3A_342 = vector.extract_strided_slice %get3A_281 {offsets = [4], sizes = [1], strides = [1]} : vector<16xf32> to vector<1xf32>
        %squeeze3A_343 = vector.extract %slice3A_342[0] : f32 from vector<1xf32>
        %mul3A_344 = vector.broadcast %squeeze3A_343 : f32 to vector<16xf32>
        %mul3A_345 = arith.mulf %get3A_341, %mul3A_344 : vector<16xf32>
        %add3A_346 = arith.constant 4 : i32
        %add3A_347 = arith.addi %mul3A_283, %add3A_346 : i32
        %swap3A_348 = arith.index_cast %add3A_347 : i32 to index
        %swap3A_349 = arith.constant 0 : index
        %swap3A_350 = tpu.vector_load %arg17[%swap3A_348, %swap3A_349] {strides = array<i32>} : memref<128x16xf32, #tpu.memory_space<vmem>>, vector<16xf32>,
        tpu.vector_store %arg17[%swap3A_348, %swap3A_349], %mul3A_345 {strides = array<i32>} : memref<128x16xf32, #tpu.memory_space<vmem>>, vector<16xf32>,
        %add3A_351 = arith.constant 5 : i32
        %add3A_352 = arith.addi %mul3A_283, %add3A_351 : i32
        %get3A_353 = arith.index_cast %add3A_352 : i32 to index
        %get3A_354 = arith.constant 0 : index
        %get3A_355 = tpu.vector_load %arg17[%get3A_353, %get3A_354] {strides = array<i32>} : memref<128x16xf32, #tpu.memory_space<vmem>>, vector<16xf32>,
        %slice3A_356 = vector.extract_strided_slice %get3A_281 {offsets = [5], sizes = [1], strides = [1]} : vector<16xf32> to vector<1xf32>
        %squeeze3A_357 = vector.extract %slice3A_356[0] : f32 from vector<1xf32>
        %mul3A_358 = vector.broadcast %squeeze3A_357 : f32 to vector<16xf32>
        %mul3A_359 = arith.mulf %get3A_355, %mul3A_358 : vector<16xf32>
        %add3A_360 = arith.constant 5 : i32
        %add3A_361 = arith.addi %mul3A_283, %add3A_360 : i32
        %swap3A_362 = arith.index_cast %add3A_361 : i32 to index
        %swap3A_363 = arith.constant 0 : index
        %swap3A_364 = tpu.vector_load %arg17[%swap3A_362, %swap3A_363] {strides = array<i32>} : memref<128x16xf32, #tpu.memory_space<vmem>>, vector<16xf32>,
        tpu.vector_store %arg17[%swap3A_362, %swap3A_363], %mul3A_359 {strides = array<i32>} : memref<128x16xf32, #tpu.memory_space<vmem>>, vector<16xf32>,
        %add3A_365 = arith.constant 6 : i32
        %add3A_366 = arith.addi %mul3A_283, %add3A_365 : i32
        %get3A_367 = arith.index_cast %add3A_366 : i32 to index
        %get3A_368 = arith.constant 0 : index
        %get3A_369 = tpu.vector_load %arg17[%get3A_367, %get3A_368] {strides = array<i32>} : memref<128x16xf32, #tpu.memory_space<vmem>>, vector<16xf32>,
        %slice3A_370 = vector.extract_strided_slice %get3A_281 {offsets = [6], sizes = [1], strides = [1]} : vector<16xf32> to vector<1xf32>
        %squeeze3A_371 = vector.extract %slice3A_370[0] : f32 from vector<1xf32>
        %mul3A_372 = vector.broadcast %squeeze3A_371 : f32 to vector<16xf32>
        %mul3A_373 = arith.mulf %get3A_369, %mul3A_372 : vector<16xf32>
        %add3A_374 = arith.constant 6 : i32
        %add3A_375 = arith.addi %mul3A_283, %add3A_374 : i32
        %swap3A_376 = arith.index_cast %add3A_375 : i32 to index
        %swap3A_377 = arith.constant 0 : index
        %swap3A_378 = tpu.vector_load %arg17[%swap3A_376, %swap3A_377] {strides = array<i32>} : memref<128x16xf32, #tpu.memory_space<vmem>>, vector<16xf32>,
        tpu.vector_store %arg17[%swap3A_376, %swap3A_377], %mul3A_373 {strides = array<i32>} : memref<128x16xf32, #tpu.memory_space<vmem>>, vector<16xf32>,
        %add3A_379 = arith.constant 7 : i32
        %add3A_380 = arith.addi %mul3A_283, %add3A_379 : i32
        %get3A_381 = arith.index_cast %add3A_380 : i32 to index
        %get3A_382 = arith.constant 0 : index
        %get3A_383 = tpu.vector_load %arg17[%get3A_381, %get3A_382] {strides = array<i32>} : memref<128x16xf32, #tpu.memory_space<vmem>>, vector<16xf32>,
        %slice3A_384 = vector.extract_strided_slice %get3A_281 {offsets = [7], sizes = [1], strides = [1]} : vector<16xf32> to vector<1xf32>
        %squeeze3A_385 = vector.extract %slice3A_384[0] : f32 from vector<1xf32>
        %mul3A_386 = vector.broadcast %squeeze3A_385 : f32 to vector<16xf32>
        %mul3A_387 = arith.mulf %get3A_383, %mul3A_386 : vector<16xf32>
        %add3A_388 = arith.constant 7 : i32
        %add3A_389 = arith.addi %mul3A_283, %add3A_388 : i32
        %swap3A_390 = arith.index_cast %add3A_389 : i32 to index
        %swap3A_391 = arith.constant 0 : index
        %swap3A_392 = tpu.vector_load %arg17[%swap3A_390, %swap3A_391] {strides = array<i32>} : memref<128x16xf32, #tpu.memory_space<vmem>>, vector<16xf32>,
        tpu.vector_store %arg17[%swap3A_390, %swap3A_391], %mul3A_387 {strides = array<i32>} : memref<128x16xf32, #tpu.memory_space<vmem>>, vector<16xf32>,
        %add3A_393 = arith.constant 8 : i32
        %add3A_394 = arith.addi %mul3A_283, %add3A_393 : i32
        %get3A_395 = arith.index_cast %add3A_394 : i32 to index
        %get3A_396 = arith.constant 0 : index
        %get3A_397 = tpu.vector_load %arg17[%get3A_395, %get3A_396] {strides = array<i32>} : memref<128x16xf32, #tpu.memory_space<vmem>>, vector<16xf32>,
        %slice3A_398 = vector.extract_strided_slice %get3A_281 {offsets = [8], sizes = [1], strides = [1]} : vector<16xf32> to vector<1xf32>
        %squeeze3A_399 = vector.extract %slice3A_398[0] : f32 from vector<1xf32>
        %mul3A_400 = vector.broadcast %squeeze3A_399 : f32 to vector<16xf32>
        %mul3A_401 = arith.mulf %get3A_397, %mul3A_400 : vector<16xf32>
        %add3A_402 = arith.constant 8 : i32
        %add3A_403 = arith.addi %mul3A_283, %add3A_402 : i32
        %swap3A_404 = arith.index_cast %add3A_403 : i32 to index
        %swap3A_405 = arith.constant 0 : index
        %swap3A_406 = tpu.vector_load %arg17[%swap3A_404, %swap3A_405] {strides = array<i32>} : memref<128x16xf32, #tpu.memory_space<vmem>>, vector<16xf32>,
        tpu.vector_store %arg17[%swap3A_404, %swap3A_405], %mul3A_401 {strides = array<i32>} : memref<128x16xf32, #tpu.memory_space<vmem>>, vector<16xf32>,
        %add3A_407 = arith.constant 9 : i32
        %add3A_408 = arith.addi %mul3A_283, %add3A_407 : i32
        %get3A_409 = arith.index_cast %add3A_408 : i32 to index
        %get3A_410 = arith.constant 0 : index
        %get3A_411 = tpu.vector_load %arg17[%get3A_409, %get3A_410] {strides = array<i32>} : memref<128x16xf32, #tpu.memory_space<vmem>>, vector<16xf32>,
        %slice3A_412 = vector.extract_strided_slice %get3A_281 {offsets = [9], sizes = [1], strides = [1]} : vector<16xf32> to vector<1xf32>
        %squeeze3A_413 = vector.extract %slice3A_412[0] : f32 from vector<1xf32>
        %mul3A_414 = vector.broadcast %squeeze3A_413 : f32 to vector<16xf32>
        %mul3A_415 = arith.mulf %get3A_411, %mul3A_414 : vector<16xf32>
        %add3A_416 = arith.constant 9 : i32
        %add3A_417 = arith.addi %mul3A_283, %add3A_416 : i32
        %swap3A_418 = arith.index_cast %add3A_417 : i32 to index
        %swap3A_419 = arith.constant 0 : index
        %swap3A_420 = tpu.vector_load %arg17[%swap3A_418, %swap3A_419] {strides = array<i32>} : memref<128x16xf32, #tpu.memory_space<vmem>>, vector<16xf32>,
        tpu.vector_store %arg17[%swap3A_418, %swap3A_419], %mul3A_415 {strides = array<i32>} : memref<128x16xf32, #tpu.memory_space<vmem>>, vector<16xf32>,
        %add3A_421 = arith.constant 10 : i32
        %add3A_422 = arith.addi %mul3A_283, %add3A_421 : i32
        %get3A_423 = arith.index_cast %add3A_422 : i32 to index
        %get3A_424 = arith.constant 0 : index
        %get3A_425 = tpu.vector_load %arg17[%get3A_423, %get3A_424] {strides = array<i32>} : memref<128x16xf32, #tpu.memory_space<vmem>>, vector<16xf32>,
        %slice3A_426 = vector.extract_strided_slice %get3A_281 {offsets = [10], sizes = [1], strides = [1]} : vector<16xf32> to vector<1xf32>
        %squeeze3A_427 = vector.extract %slice3A_426[0] : f32 from vector<1xf32>
        %mul3A_428 = vector.broadcast %squeeze3A_427 : f32 to vector<16xf32>
        %mul3A_429 = arith.mulf %get3A_425, %mul3A_428 : vector<16xf32>
        %add3A_430 = arith.constant 10 : i32
        %add3A_431 = arith.addi %mul3A_283, %add3A_430 : i32
        %swap3A_432 = arith.index_cast %add3A_431 : i32 to index
        %swap3A_433 = arith.constant 0 : index
        %swap3A_434 = tpu.vector_load %arg17[%swap3A_432, %swap3A_433] {strides = array<i32>} : memref<128x16xf32, #tpu.memory_space<vmem>>, vector<16xf32>,
        tpu.vector_store %arg17[%swap3A_432, %swap3A_433], %mul3A_429 {strides = array<i32>} : memref<128x16xf32, #tpu.memory_space<vmem>>, vector<16xf32>,
        %add3A_435 = arith.constant 11 : i32
        %add3A_436 = arith.addi %mul3A_283, %add3A_435 : i32
        %get3A_437 = arith.index_cast %add3A_436 : i32 to index
        %get3A_438 = arith.constant 0 : index
        %get3A_439 = tpu.vector_load %arg17[%get3A_437, %get3A_438] {strides = array<i32>} : memref<128x16xf32, #tpu.memory_space<vmem>>, vector<16xf32>,
        %slice3A_440 = vector.extract_strided_slice %get3A_281 {offsets = [11], sizes = [1], strides = [1]} : vector<16xf32> to vector<1xf32>
        %squeeze3A_441 = vector.extract %slice3A_440[0] : f32 from vector<1xf32>
        %mul3A_442 = vector.broadcast %squeeze3A_441 : f32 to vector<16xf32>
        %mul3A_443 = arith.mulf %get3A_439, %mul3A_442 : vector<16xf32>
        %add3A_444 = arith.constant 11 : i32
        %add3A_445 = arith.addi %mul3A_283, %add3A_444 : i32
        %swap3A_446 = arith.index_cast %add3A_445 : i32 to index
        %swap3A_447 = arith.constant 0 : index
        %swap3A_448 = tpu.vector_load %arg17[%swap3A_446, %swap3A_447] {strides = array<i32>} : memref<128x16xf32, #tpu.memory_space<vmem>>, vector<16xf32>,
        tpu.vector_store %arg17[%swap3A_446, %swap3A_447], %mul3A_443 {strides = array<i32>} : memref<128x16xf32, #tpu.memory_space<vmem>>, vector<16xf32>,
        %add3A_449 = arith.constant 12 : i32
        %add3A_450 = arith.addi %mul3A_283, %add3A_449 : i32
        %get3A_451 = arith.index_cast %add3A_450 : i32 to index
        %get3A_452 = arith.constant 0 : index
        %get3A_453 = tpu.vector_load %arg17[%get3A_451, %get3A_452] {strides = array<i32>} : memref<128x16xf32, #tpu.memory_space<vmem>>, vector<16xf32>,
        %slice3A_454 = vector.extract_strided_slice %get3A_281 {offsets = [12], sizes = [1], strides = [1]} : vector<16xf32> to vector<1xf32>
        %squeeze3A_455 = vector.extract %slice3A_454[0] : f32 from vector<1xf32>
        %mul3A_456 = vector.broadcast %squeeze3A_455 : f32 to vector<16xf32>
        %mul3A_457 = arith.mulf %get3A_453, %mul3A_456 : vector<16xf32>
        %add3A_458 = arith.constant 12 : i32
        %add3A_459 = arith.addi %mul3A_283, %add3A_458 : i32
        %swap3A_460 = arith.index_cast %add3A_459 : i32 to index
        %swap3A_461 = arith.constant 0 : index
        %swap3A_462 = tpu.vector_load %arg17[%swap3A_460, %swap3A_461] {strides = array<i32>} : memref<128x16xf32, #tpu.memory_space<vmem>>, vector<16xf32>,
        tpu.vector_store %arg17[%swap3A_460, %swap3A_461], %mul3A_457 {strides = array<i32>} : memref<128x16xf32, #tpu.memory_space<vmem>>, vector<16xf32>,
        %add3A_463 = arith.constant 13 : i32
        %add3A_464 = arith.addi %mul3A_283, %add3A_463 : i32
        %get3A_465 = arith.index_cast %add3A_464 : i32 to index
        %get3A_466 = arith.constant 0 : index
        %get3A_467 = tpu.vector_load %arg17[%get3A_465, %get3A_466] {strides = array<i32>} : memref<128x16xf32, #tpu.memory_space<vmem>>, vector<16xf32>,
        %slice3A_468 = vector.extract_strided_slice %get3A_281 {offsets = [13], sizes = [1], strides = [1]} : vector<16xf32> to vector<1xf32>
        %squeeze3A_469 = vector.extract %slice3A_468[0] : f32 from vector<1xf32>
        %mul3A_470 = vector.broadcast %squeeze3A_469 : f32 to vector<16xf32>
        %mul3A_471 = arith.mulf %get3A_467, %mul3A_470 : vector<16xf32>
        %add3A_472 = arith.constant 13 : i32
        %add3A_473 = arith.addi %mul3A_283, %add3A_472 : i32
        %swap3A_474 = arith.index_cast %add3A_473 : i32 to index
        %swap3A_475 = arith.constant 0 : index
        %swap3A_476 = tpu.vector_load %arg17[%swap3A_474, %swap3A_475] {strides = array<i32>} : memref<128x16xf32, #tpu.memory_space<vmem>>, vector<16xf32>,
        tpu.vector_store %arg17[%swap3A_474, %swap3A_475], %mul3A_471 {strides = array<i32>} : memref<128x16xf32, #tpu.memory_space<vmem>>, vector<16xf32>,
        %add3A_477 = arith.constant 14 : i32
        %add3A_478 = arith.addi %mul3A_283, %add3A_477 : i32
        %get3A_479 = arith.index_cast %add3A_478 : i32 to index
        %get3A_480 = arith.constant 0 : index
        %get3A_481 = tpu.vector_load %arg17[%get3A_479, %get3A_480] {strides = array<i32>} : memref<128x16xf32, #tpu.memory_space<vmem>>, vector<16xf32>,
        %slice3A_482 = vector.extract_strided_slice %get3A_281 {offsets = [14], sizes = [1], strides = [1]} : vector<16xf32> to vector<1xf32>
        %squeeze3A_483 = vector.extract %slice3A_482[0] : f32 from vector<1xf32>
        %mul3A_484 = vector.broadcast %squeeze3A_483 : f32 to vector<16xf32>
        %mul3A_485 = arith.mulf %get3A_481, %mul3A_484 : vector<16xf32>
        %add3A_486 = arith.constant 14 : i32
        %add3A_487 = arith.addi %mul3A_283, %add3A_486 : i32
        %swap3A_488 = arith.index_cast %add3A_487 : i32 to index
        %swap3A_489 = arith.constant 0 : index
        %swap3A_490 = tpu.vector_load %arg17[%swap3A_488, %swap3A_489] {strides = array<i32>} : memref<128x16xf32, #tpu.memory_space<vmem>>, vector<16xf32>,
        tpu.vector_store %arg17[%swap3A_488, %swap3A_489], %mul3A_485 {strides = array<i32>} : memref<128x16xf32, #tpu.memory_space<vmem>>, vector<16xf32>,
        %add3A_491 = arith.constant 15 : i32
        %add3A_492 = arith.addi %mul3A_283, %add3A_491 : i32
        %get3A_493 = arith.index_cast %add3A_492 : i32 to index
        %get3A_494 = arith.constant 0 : index
        %get3A_495 = tpu.vector_load %arg17[%get3A_493, %get3A_494] {strides = array<i32>} : memref<128x16xf32, #tpu.memory_space<vmem>>, vector<16xf32>,
        %slice3A_496 = vector.extract_strided_slice %get3A_281 {offsets = [15], sizes = [1], strides = [1]} : vector<16xf32> to vector<1xf32>
        %squeeze3A_497 = vector.extract %slice3A_496[0] : f32 from vector<1xf32>
        %mul3A_498 = vector.broadcast %squeeze3A_497 : f32 to vector<16xf32>
        %mul3A_499 = arith.mulf %get3A_495, %mul3A_498 : vector<16xf32>
        %add3A_500 = arith.constant 15 : i32
        %add3A_501 = arith.addi %mul3A_283, %add3A_500 : i32
        %swap3A_502 = arith.index_cast %add3A_501 : i32 to index
        %swap3A_503 = arith.constant 0 : index
        %swap3A_504 = tpu.vector_load %arg17[%swap3A_502, %swap3A_503] {strides = array<i32>} : memref<128x16xf32, #tpu.memory_space<vmem>>, vector<16xf32>,
        tpu.vector_store %arg17[%swap3A_502, %swap3A_503], %mul3A_499 {strides = array<i32>} : memref<128x16xf32, #tpu.memory_space<vmem>>, vector<16xf32>,
      }
      %scan3A_257 = arith.constant 8 : i32
      %dma_start3A_258 = arith.constant 0 : i32
      %dma_start3A_259 = tpu.memref_slice %arg10[%add3A_238, %dma_start3A_258] : memref<80x128xi32, #tpu.memory_space<vmem>> -> memref<1x128xi32, #tpu.memory_space<vmem>>
      %dma_start3A_260 = tpu.memref_squeeze %dma_start3A_259 : memref<1x128xi32, #tpu.memory_space<vmem>> -> memref<128xi32, #tpu.memory_space<vmem>>
      %dma_start3A_261 = arith.constant 0 : i32
      %dma_start3A_262 = arith.constant 0 : i32
      %dma_start3A_263 = tpu.memref_slice %arg20[%dma_start3A_261, %dma_start3A_262] : memref<10240x16xf32, #tpu.memory_space<vmem_shared>> -> memref<10240x16xf32, #tpu.memory_space<vmem_shared>>
      tpu.enqueue_indirect_dma source(%arg17 : memref<128x16xf32, #tpu.memory_space<vmem>>) target(%dma_start3A_263 : memref<10240x16xf32, #tpu.memory_space<vmem_shared>>) offsets(%dma_start3A_260 : memref<128xi32, #tpu.memory_space<vmem>>) semaphore(%arg29 : memref<!tpu.dma_semaphore, #tpu.memory_space<semaphore_mem>>) {add = true}
      %dma_start3A_264 = arith.constant 0 : i32
      %dma_start3A_265 = tpu.memref_slice %arg13[%add3A_238, %dma_start3A_264] : memref<80x128xf32, #tpu.memory_space<vmem>> -> memref<1x128xf32, #tpu.memory_space<vmem>>
      %dma_start3A_266 = tpu.memref_squeeze %dma_start3A_265 : memref<1x128xf32, #tpu.memory_space<vmem>> -> memref<128xf32, #tpu.memory_space<vmem>>
      %dma_start3A_267 = arith.constant 0 : i32
      %dma_start3A_268 = tpu.memref_slice %arg10[%add3A_238, %dma_start3A_267] : memref<80x128xi32, #tpu.memory_space<vmem>> -> memref<1x128xi32, #tpu.memory_space<vmem>>
      %dma_start3A_269 = tpu.memref_squeeze %dma_start3A_268 : memref<1x128xi32, #tpu.memory_space<vmem>> -> memref<128xi32, #tpu.memory_space<vmem>>
      %dma_start3A_270 = arith.constant 0 : i32
      %dma_start3A_271 = tpu.memref_slice %arg21[%dma_start3A_270] : memref<10240xf32, #tpu.memory_space<vmem_shared>> -> memref<10240xf32, #tpu.memory_space<vmem_shared>>
      tpu.enqueue_indirect_dma source(%dma_start3A_266 : memref<128xf32, #tpu.memory_space<vmem>>) target(%dma_start3A_271 : memref<10240xf32, #tpu.memory_space<vmem_shared>>) offsets(%dma_start3A_269 : memref<128xi32, #tpu.memory_space<vmem>>) semaphore(%arg33 : memref<!tpu.dma_semaphore, #tpu.memory_space<semaphore_mem>>) {add = true}
      %lt3A_272 = arith.constant 19 : i32
      %lt3A_273 = arith.cmpi slt, %scan3A_102, %lt3A_272 : i32
      %convert_element_type3A_274 = arith.extui %lt3A_273 : i1 to i32
      %cond3A_275 = arith.constant 0 : i32
      %cond3A_276 = arith.cmpi ne, %convert_element_type3A_274, %cond3A_275 : i32
      scf.if %cond3A_276 {
        %dma_wait3A_277 = arith.constant 0 : i32
        %dma_wait3A_278 = arith.constant 0 : i32
        %dma_wait3A_279 = tpu.memref_slice %arg10[%dma_wait3A_277, %dma_wait3A_278] : memref<80x128xi32, #tpu.memory_space<vmem>> -> memref<1x128xi32, #tpu.memory_space<vmem>>
        %dma_wait3A_280 = tpu.memref_squeeze %dma_wait3A_279 : memref<1x128xi32, #tpu.memory_space<vmem>> -> memref<128xi32, #tpu.memory_space<vmem>>
        %dma_wait3A_281 = arith.constant 0 : i32
        %dma_wait3A_282 = arith.constant 0 : i32
        %dma_wait3A_283 = tpu.memref_slice %arg20[%dma_wait3A_281, %dma_wait3A_282] : memref<10240x16xf32, #tpu.memory_space<vmem_shared>> -> memref<10240x16xf32, #tpu.memory_space<vmem_shared>>
        tpu.wait_indirect_dma semaphore(%arg27 : memref<!tpu.dma_semaphore, #tpu.memory_space<semaphore_mem>>) src(%arg15 : memref<128x16xf32, #tpu.memory_space<vmem>>) dst(%dma_wait3A_283 : memref<10240x16xf32, #tpu.memory_space<vmem_shared>>)
        %dma_wait3A_284 = arith.constant 0 : i32
        %dma_wait3A_285 = arith.constant 0 : i32
        %dma_wait3A_286 = arith.constant 0 : i32
        %dma_wait3A_287 = tpu.memref_slice %arg13[%dma_wait3A_284, %dma_wait3A_286] : memref<80x128xf32, #tpu.memory_space<vmem>> -> memref<1x128xf32, #tpu.memory_space<vmem>>
        %dma_wait3A_288 = tpu.memref_squeeze %dma_wait3A_287 : memref<1x128xf32, #tpu.memory_space<vmem>> -> memref<128xf32, #tpu.memory_space<vmem>>
        %dma_wait3A_289 = arith.constant 0 : i32
        %dma_wait3A_290 = tpu.memref_slice %arg10[%dma_wait3A_285, %dma_wait3A_289] : memref<80x128xi32, #tpu.memory_space<vmem>> -> memref<1x128xi32, #tpu.memory_space<vmem>>
        %dma_wait3A_291 = tpu.memref_squeeze %dma_wait3A_290 : memref<1x128xi32, #tpu.memory_space<vmem>> -> memref<128xi32, #tpu.memory_space<vmem>>
        %dma_wait3A_292 = arith.constant 0 : i32
        %dma_wait3A_293 = tpu.memref_slice %arg21[%dma_wait3A_292] : memref<10240xf32, #tpu.memory_space<vmem_shared>> -> memref<10240xf32, #tpu.memory_space<vmem_shared>>
        tpu.wait_indirect_dma semaphore(%arg31 : memref<!tpu.dma_semaphore, #tpu.memory_space<semaphore_mem>>) src(%dma_wait3A_288 : memref<128xf32, #tpu.memory_space<vmem>>) dst(%dma_wait3A_293 : memref<10240xf32, #tpu.memory_space<vmem_shared>>)
        %add3A_294 = arith.constant 2 : i32
        %add3A_295 = arith.addi %add3A_238, %add3A_294 : i32
        %dma_start3A_296 = arith.constant 0 : i32
        %dma_start3A_297 = tpu.memref_slice %arg9[%add3A_295, %dma_start3A_296] : memref<80x128xi32, #tpu.memory_space<vmem>> -> memref<1x128xi32, #tpu.memory_space<vmem>>
        %dma_start3A_298 = tpu.memref_squeeze %dma_start3A_297 : memref<1x128xi32, #tpu.memory_space<vmem>> -> memref<128xi32, #tpu.memory_space<vmem>>
        %dma_start3A_299 = arith.constant 0 : i32
        %dma_start3A_300 = arith.constant 0 : i32
        %dma_start3A_301 = tpu.memref_slice %arg6[%dma_start3A_299, %dma_start3A_300] : memref<10000x16xf32, #tpu.memory_space<hbm>> -> memref<10000x16xf32, #tpu.memory_space<hbm>>
        tpu.enqueue_indirect_dma source(%dma_start3A_301 : memref<10000x16xf32, #tpu.memory_space<hbm>>) target(%arg15 : memref<128x16xf32, #tpu.memory_space<vmem>>) offsets(%dma_start3A_298 : memref<128xi32, #tpu.memory_space<vmem>>) semaphore(%arg23 : memref<!tpu.dma_semaphore, #tpu.memory_space<semaphore_mem>>)
      } else {
      }
    }
    %scan3A_33 = arith.constant 20 : i32
    %dma_wait3A = arith.constant 0 : i32
    %dma_wait3A_34 = arith.constant 0 : i32
    %dma_wait3A_35 = tpu.memref_slice %arg10[%dma_wait3A, %dma_wait3A_34] : memref<80x128xi32, #tpu.memory_space<vmem>> -> memref<1x128xi32, #tpu.memory_space<vmem>>
    %dma_wait3A_36 = tpu.memref_squeeze %dma_wait3A_35 : memref<1x128xi32, #tpu.memory_space<vmem>> -> memref<128xi32, #tpu.memory_space<vmem>>
    %dma_wait3A_37 = arith.constant 0 : i32
    %dma_wait3A_38 = arith.constant 0 : i32
    %dma_wait3A_39 = tpu.memref_slice %arg20[%dma_wait3A_37, %dma_wait3A_38] : memref<10240x16xf32, #tpu.memory_space<vmem_shared>> -> memref<10240x16xf32, #tpu.memory_space<vmem_shared>>
    tpu.wait_indirect_dma semaphore(%arg26 : memref<!tpu.dma_semaphore, #tpu.memory_space<semaphore_mem>>) src(%arg14 : memref<128x16xf32, #tpu.memory_space<vmem>>) dst(%dma_wait3A_39 : memref<10240x16xf32, #tpu.memory_space<vmem_shared>>)
    %dma_wait3A_40 = arith.constant 0 : i32
    %dma_wait3A_41 = arith.constant 0 : i32
    %dma_wait3A_42 = arith.constant 0 : i32
    %dma_wait3A_43 = tpu.memref_slice %arg13[%dma_wait3A_40, %dma_wait3A_42] : memref<80x128xf32, #tpu.memory_space<vmem>> -> memref<1x128xf32, #tpu.memory_space<vmem>>
    %dma_wait3A_44 = tpu.memref_squeeze %dma_wait3A_43 : memref<1x128xf32, #tpu.memory_space<vmem>> -> memref<128xf32, #tpu.memory_space<vmem>>
    %dma_wait3A_45 = arith.constant 0 : i32
    %dma_wait3A_46 = tpu.memref_slice %arg10[%dma_wait3A_41, %dma_wait3A_45] : memref<80x128xi32, #tpu.memory_space<vmem>> -> memref<1x128xi32, #tpu.memory_space<vmem>>
    %dma_wait3A_47 = tpu.memref_squeeze %dma_wait3A_46 : memref<1x128xi32, #tpu.memory_space<vmem>> -> memref<128xi32, #tpu.memory_space<vmem>>
    %dma_wait3A_48 = arith.constant 0 : i32
    %dma_wait3A_49 = tpu.memref_slice %arg21[%dma_wait3A_48] : memref<10240xf32, #tpu.memory_space<vmem_shared>> -> memref<10240xf32, #tpu.memory_space<vmem_shared>>
    tpu.wait_indirect_dma semaphore(%arg30 : memref<!tpu.dma_semaphore, #tpu.memory_space<semaphore_mem>>) src(%dma_wait3A_44 : memref<128xf32, #tpu.memory_space<vmem>>) dst(%dma_wait3A_49 : memref<10240xf32, #tpu.memory_space<vmem_shared>>)
    %dma_wait3A_50 = arith.constant 0 : i32
    %dma_wait3A_51 = arith.constant 0 : i32
    %dma_wait3A_52 = tpu.memref_slice %arg10[%dma_wait3A_50, %dma_wait3A_51] : memref<80x128xi32, #tpu.memory_space<vmem>> -> memref<1x128xi32, #tpu.memory_space<vmem>>
    %dma_wait3A_53 = tpu.memref_squeeze %dma_wait3A_52 : memref<1x128xi32, #tpu.memory_space<vmem>> -> memref<128xi32, #tpu.memory_space<vmem>>
    %dma_wait3A_54 = arith.constant 0 : i32
    %dma_wait3A_55 = arith.constant 0 : i32
    %dma_wait3A_56 = tpu.memref_slice %arg20[%dma_wait3A_54, %dma_wait3A_55] : memref<10240x16xf32, #tpu.memory_space<vmem_shared>> -> memref<10240x16xf32, #tpu.memory_space<vmem_shared>>
    tpu.wait_indirect_dma semaphore(%arg27 : memref<!tpu.dma_semaphore, #tpu.memory_space<semaphore_mem>>) src(%arg15 : memref<128x16xf32, #tpu.memory_space<vmem>>) dst(%dma_wait3A_56 : memref<10240x16xf32, #tpu.memory_space<vmem_shared>>)
    %dma_wait3A_57 = arith.constant 0 : i32
    %dma_wait3A_58 = arith.constant 0 : i32
    %dma_wait3A_59 = arith.constant 0 : i32
    %dma_wait3A_60 = tpu.memref_slice %arg13[%dma_wait3A_57, %dma_wait3A_59] : memref<80x128xf32, #tpu.memory_space<vmem>> -> memref<1x128xf32, #tpu.memory_space<vmem>>
    %dma_wait3A_61 = tpu.memref_squeeze %dma_wait3A_60 : memref<1x128xf32, #tpu.memory_space<vmem>> -> memref<128xf32, #tpu.memory_space<vmem>>
    %dma_wait3A_62 = arith.constant 0 : i32
    %dma_wait3A_63 = tpu.memref_slice %arg10[%dma_wait3A_58, %dma_wait3A_62] : memref<80x128xi32, #tpu.memory_space<vmem>> -> memref<1x128xi32, #tpu.memory_space<vmem>>
    %dma_wait3A_64 = tpu.memref_squeeze %dma_wait3A_63 : memref<1x128xi32, #tpu.memory_space<vmem>> -> memref<128xi32, #tpu.memory_space<vmem>>
    %dma_wait3A_65 = arith.constant 0 : i32
    %dma_wait3A_66 = tpu.memref_slice %arg21[%dma_wait3A_65] : memref<10240xf32, #tpu.memory_space<vmem_shared>> -> memref<10240xf32, #tpu.memory_space<vmem_shared>>
    tpu.wait_indirect_dma semaphore(%arg31 : memref<!tpu.dma_semaphore, #tpu.memory_space<semaphore_mem>>) src(%dma_wait3A_61 : memref<128xf32, #tpu.memory_space<vmem>>) dst(%dma_wait3A_66 : memref<10240xf32, #tpu.memory_space<vmem_shared>>)
    %dma_wait3A_67 = arith.constant 0 : i32
    %dma_wait3A_68 = arith.constant 0 : i32
    %dma_wait3A_69 = tpu.memref_slice %arg10[%dma_wait3A_67, %dma_wait3A_68] : memref<80x128xi32, #tpu.memory_space<vmem>> -> memref<1x128xi32, #tpu.memory_space<vmem>>
    %dma_wait3A_70 = tpu.memref_squeeze %dma_wait3A_69 : memref<1x128xi32, #tpu.memory_space<vmem>> -> memref<128xi32, #tpu.memory_space<vmem>>
    %dma_wait3A_71 = arith.constant 0 : i32
    %dma_wait3A_72 = arith.constant 0 : i32
    %dma_wait3A_73 = tpu.memref_slice %arg20[%dma_wait3A_71, %dma_wait3A_72] : memref<10240x16xf32, #tpu.memory_space<vmem_shared>> -> memref<10240x16xf32, #tpu.memory_space<vmem_shared>>
    tpu.wait_indirect_dma semaphore(%arg28 : memref<!tpu.dma_semaphore, #tpu.memory_space<semaphore_mem>>) src(%arg16 : memref<128x16xf32, #tpu.memory_space<vmem>>) dst(%dma_wait3A_73 : memref<10240x16xf32, #tpu.memory_space<vmem_shared>>)
    %dma_wait3A_74 = arith.constant 0 : i32
    %dma_wait3A_75 = arith.constant 0 : i32
    %dma_wait3A_76 = arith.constant 0 : i32
    %dma_wait3A_77 = tpu.memref_slice %arg13[%dma_wait3A_74, %dma_wait3A_76] : memref<80x128xf32, #tpu.memory_space<vmem>> -> memref<1x128xf32, #tpu.memory_space<vmem>>
    %dma_wait3A_78 = tpu.memref_squeeze %dma_wait3A_77 : memref<1x128xf32, #tpu.memory_space<vmem>> -> memref<128xf32, #tpu.memory_space<vmem>>
    %dma_wait3A_79 = arith.constant 0 : i32
    %dma_wait3A_80 = tpu.memref_slice %arg10[%dma_wait3A_75, %dma_wait3A_79] : memref<80x128xi32, #tpu.memory_space<vmem>> -> memref<1x128xi32, #tpu.memory_space<vmem>>
    %dma_wait3A_81 = tpu.memref_squeeze %dma_wait3A_80 : memref<1x128xi32, #tpu.memory_space<vmem>> -> memref<128xi32, #tpu.memory_space<vmem>>
    %dma_wait3A_82 = arith.constant 0 : i32
    %dma_wait3A_83 = tpu.memref_slice %arg21[%dma_wait3A_82] : memref<10240xf32, #tpu.memory_space<vmem_shared>> -> memref<10240xf32, #tpu.memory_space<vmem_shared>>
    tpu.wait_indirect_dma semaphore(%arg32 : memref<!tpu.dma_semaphore, #tpu.memory_space<semaphore_mem>>) src(%dma_wait3A_78 : memref<128xf32, #tpu.memory_space<vmem>>) dst(%dma_wait3A_83 : memref<10240xf32, #tpu.memory_space<vmem_shared>>)
    %dma_wait3A_84 = arith.constant 0 : i32
    %dma_wait3A_85 = arith.constant 0 : i32
    %dma_wait3A_86 = tpu.memref_slice %arg10[%dma_wait3A_84, %dma_wait3A_85] : memref<80x128xi32, #tpu.memory_space<vmem>> -> memref<1x128xi32, #tpu.memory_space<vmem>>
    %dma_wait3A_87 = tpu.memref_squeeze %dma_wait3A_86 : memref<1x128xi32, #tpu.memory_space<vmem>> -> memref<128xi32, #tpu.memory_space<vmem>>
    %dma_wait3A_88 = arith.constant 0 : i32
    %dma_wait3A_89 = arith.constant 0 : i32
    %dma_wait3A_90 = tpu.memref_slice %arg20[%dma_wait3A_88, %dma_wait3A_89] : memref<10240x16xf32, #tpu.memory_space<vmem_shared>> -> memref<10240x16xf32, #tpu.memory_space<vmem_shared>>
    tpu.wait_indirect_dma semaphore(%arg29 : memref<!tpu.dma_semaphore, #tpu.memory_space<semaphore_mem>>) src(%arg17 : memref<128x16xf32, #tpu.memory_space<vmem>>) dst(%dma_wait3A_90 : memref<10240x16xf32, #tpu.memory_space<vmem_shared>>)
    %dma_wait3A_91 = arith.constant 0 : i32
    %dma_wait3A_92 = arith.constant 0 : i32
    %dma_wait3A_93 = arith.constant 0 : i32
    %dma_wait3A_94 = tpu.memref_slice %arg13[%dma_wait3A_91, %dma_wait3A_93] : memref<80x128xf32, #tpu.memory_space<vmem>> -> memref<1x128xf32, #tpu.memory_space<vmem>>
    %dma_wait3A_95 = tpu.memref_squeeze %dma_wait3A_94 : memref<1x128xf32, #tpu.memory_space<vmem>> -> memref<128xf32, #tpu.memory_space<vmem>>
    %dma_wait3A_96 = arith.constant 0 : i32
    %dma_wait3A_97 = tpu.memref_slice %arg10[%dma_wait3A_92, %dma_wait3A_96] : memref<80x128xi32, #tpu.memory_space<vmem>> -> memref<1x128xi32, #tpu.memory_space<vmem>>
    %dma_wait3A_98 = tpu.memref_squeeze %dma_wait3A_97 : memref<1x128xi32, #tpu.memory_space<vmem>> -> memref<128xi32, #tpu.memory_space<vmem>>
    %dma_wait3A_99 = arith.constant 0 : i32
    %dma_wait3A_100 = tpu.memref_slice %arg21[%dma_wait3A_99] : memref<10240xf32, #tpu.memory_space<vmem_shared>> -> memref<10240xf32, #tpu.memory_space<vmem_shared>>
    tpu.wait_indirect_dma semaphore(%arg33 : memref<!tpu.dma_semaphore, #tpu.memory_space<semaphore_mem>>) src(%dma_wait3A_95 : memref<128xf32, #tpu.memory_space<vmem>>) dst(%dma_wait3A_100 : memref<10240xf32, #tpu.memory_space<vmem_shared>>)
    %barrier3A_101 = arith.constant 0 : index
    tpu.barrier barrier_id(%barrier3A_101)
    "tpu.region"() ({
      %run_scoped3A = tpu.sem_alloc : memref<!tpu.dma_semaphore, #tpu.memory_space<semaphore_mem>>
      %dma_start3A_102 = arith.constant 0 : i32
      %dma_start3A_103 = tpu.memref_slice %arg7[%arg0, %mul3A_8, %dma_start3A_102] : memref<2x10240x16xf32, #tpu.memory_space<hbm>> -> memref<1x640x16xf32, #tpu.memory_space<hbm>>
      %dma_start3A_104 = tpu.memref_squeeze %dma_start3A_103 : memref<1x640x16xf32, #tpu.memory_space<hbm>> -> memref<640x16xf32, #tpu.memory_space<hbm>>
      %dma_start3A_105 = arith.constant 0 : i32
      %dma_start3A_106 = tpu.memref_slice %arg20[%mul3A_8, %dma_start3A_105] : memref<10240x16xf32, #tpu.memory_space<vmem_shared>> -> memref<640x16xf32, #tpu.memory_space<vmem_shared>>
      tpu.enqueue_dma source(%dma_start3A_106 : memref<640x16xf32, #tpu.memory_space<vmem_shared>>) target(%dma_start3A_104 : memref<640x16xf32, #tpu.memory_space<hbm>>) target_semaphore(%run_scoped3A : memref<!tpu.dma_semaphore, #tpu.memory_space<semaphore_mem>>)
      %dma_wait3A_107 = arith.constant 0 : i32
      %dma_wait3A_108 = tpu.memref_slice %arg7[%arg0, %mul3A_8, %dma_wait3A_107] : memref<2x10240x16xf32, #tpu.memory_space<hbm>> -> memref<1x640x16xf32, #tpu.memory_space<hbm>>
      %dma_wait3A_109 = tpu.memref_squeeze %dma_wait3A_108 : memref<1x640x16xf32, #tpu.memory_space<hbm>> -> memref<640x16xf32, #tpu.memory_space<hbm>>
      %dma_wait3A_110 = arith.constant 0 : i32
      %dma_wait3A_111 = tpu.memref_slice %arg20[%mul3A_8, %dma_wait3A_110] : memref<10240x16xf32, #tpu.memory_space<vmem_shared>> -> memref<640x16xf32, #tpu.memory_space<vmem_shared>>
      tpu.wait_dma2 semaphore(%run_scoped3A : memref<!tpu.dma_semaphore, #tpu.memory_space<semaphore_mem>>) src(%dma_wait3A_111 : memref<640x16xf32, #tpu.memory_space<vmem_shared>>) dst(%dma_wait3A_109 : memref<640x16xf32, #tpu.memory_space<hbm>>)
      tpu.yield
    }) : () -> ()
    "tpu.region"() ({
      %run_scoped3A = tpu.sem_alloc : memref<!tpu.dma_semaphore, #tpu.memory_space<semaphore_mem>>
      %dma_start3A_102 = tpu.memref_slice %arg8[%arg0, %mul3A_8] : memref<2x10240xf32, #tpu.memory_space<hbm>> -> memref<1x640xf32, #tpu.memory_space<hbm>>
      %dma_start3A_103 = tpu.memref_squeeze %dma_start3A_102 : memref<1x640xf32, #tpu.memory_space<hbm>> -> memref<640xf32, #tpu.memory_space<hbm>>
      %dma_start3A_104 = tpu.memref_slice %arg21[%mul3A_8] : memref<10240xf32, #tpu.memory_space<vmem_shared>> -> memref<640xf32, #tpu.memory_space<vmem_shared>>
      tpu.enqueue_dma source(%dma_start3A_104 : memref<640xf32, #tpu.memory_space<vmem_shared>>) target(%dma_start3A_103 : memref<640xf32, #tpu.memory_space<hbm>>) target_semaphore(%run_scoped3A : memref<!tpu.dma_semaphore, #tpu.memory_space<semaphore_mem>>)
      %dma_wait3A_105 = tpu.memref_slice %arg8[%arg0, %mul3A_8] : memref<2x10240xf32, #tpu.memory_space<hbm>> -> memref<1x640xf32, #tpu.memory_space<hbm>>
      %dma_wait3A_106 = tpu.memref_squeeze %dma_wait3A_105 : memref<1x640xf32, #tpu.memory_space<hbm>> -> memref<640xf32, #tpu.memory_space<hbm>>
      %dma_wait3A_107 = tpu.memref_slice %arg21[%mul3A_8] : memref<10240xf32, #tpu.memory_space<vmem_shared>> -> memref<640xf32, #tpu.memory_space<vmem_shared>>
      tpu.wait_dma2 semaphore(%run_scoped3A : memref<!tpu.dma_semaphore, #tpu.memory_space<semaphore_mem>>) src(%dma_wait3A_107 : memref<640xf32, #tpu.memory_space<vmem_shared>>) dst(%dma_wait3A_106 : memref<640xf32, #tpu.memory_space<hbm>>)
      tpu.yield
    }) : () -> ()
    return
  }
}

#map = affine_map<(d0, d1) -> (0, 0, 0)>
#map1 = affine_map<(d0, d1) -> (0)>
#map2 = affine_map<(d0, d1) -> (0, 0)>
module attributes {stable_mosaic.version = 14 : i64} {
  func.func @_sc_edge_body(%arg0: i32, %arg1: i32, %arg2: memref<32x80x128xi32, #tpu.memory_space<hbm>>, %arg3: memref<32x80x128xi32, #tpu.memory_space<hbm>>, %arg4: memref<10240xf32, #tpu.memory_space<hbm>>, %arg5: memref<10240xf32, #tpu.memory_space<hbm>>, %arg6: memref<10000x16xf32, #tpu.memory_space<hbm>>, %arg7: memref<2x10240x16xf32, #tpu.memory_space<hbm>>, %arg8: memref<80x128xi32, #tpu.memory_space<vmem>>, %arg9: memref<80x128xi32, #tpu.memory_space<vmem>>, %arg10: memref<10240xf32, #tpu.memory_space<vmem>>, %arg11: memref<10240xf32, #tpu.memory_space<vmem>>, %arg12: memref<80x128xf32, #tpu.memory_space<vmem>>, %arg13: memref<128x16xf32, #tpu.memory_space<vmem>>, %arg14: memref<128x16xf32, #tpu.memory_space<vmem>>, %arg15: memref<128x16xf32, #tpu.memory_space<vmem>>, %arg16: memref<128x16xf32, #tpu.memory_space<vmem>>, %arg17: memref<640x16xf32, #tpu.memory_space<vmem>>, %arg18: memref<10240x16xf32, #tpu.memory_space<vmem_shared>>, %arg19: memref<!tpu.dma_semaphore, #tpu.memory_space<semaphore_mem>>, %arg20: memref<!tpu.dma_semaphore, #tpu.memory_space<semaphore_mem>>, %arg21: memref<!tpu.dma_semaphore, #tpu.memory_space<semaphore_mem>>, %arg22: memref<!tpu.dma_semaphore, #tpu.memory_space<semaphore_mem>>, %arg23: memref<!tpu.dma_semaphore, #tpu.memory_space<semaphore_mem>>, %arg24: memref<!tpu.dma_semaphore, #tpu.memory_space<semaphore_mem>>, %arg25: memref<!tpu.dma_semaphore, #tpu.memory_space<semaphore_mem>>, %arg26: memref<!tpu.dma_semaphore, #tpu.memory_space<semaphore_mem>>) attributes {dimension_semantics = [#tpu.dimension_semantics<core_parallel>, #tpu.dimension_semantics<subcore_parallel>], iteration_bounds = array<i64: 2, 16>, scalar_prefetch = 0 : i64, scratch_operands = 19 : i64, tpu.core_type = #tpu.core_type<sc_vector_subcore>, window_params = [{transform_indices = #map}, {transform_indices = #map}, {transform_indices = #map1}, {transform_indices = #map1}, {transform_indices = #map2}, {transform_indices = #map}]} {
    %mul3A = arith.constant 16 : i32
    %mul3A_0 = arith.muli %arg0, %mul3A : i32
    %add3A = arith.addi %mul3A_0, %arg1 : i32
    "tpu.region"() ({
      %run_scoped3A = tpu.sem_alloc : memref<!tpu.dma_semaphore, #tpu.memory_space<semaphore_mem>>
      %dma_start3A_56 = arith.constant 0 : i32
      %dma_start3A_57 = arith.constant 0 : i32
      %dma_start3A_58 = tpu.memref_slice %arg2[%add3A, %dma_start3A_56, %dma_start3A_57] : memref<32x80x128xi32, #tpu.memory_space<hbm>> -> memref<1x80x128xi32, #tpu.memory_space<hbm>>
      %dma_start3A_59 = tpu.memref_squeeze %dma_start3A_58 : memref<1x80x128xi32, #tpu.memory_space<hbm>> -> memref<80x128xi32, #tpu.memory_space<hbm>>
      %dma_start3A_60 = arith.constant 0 : i32
      %dma_start3A_61 = arith.constant 0 : i32
      %dma_start3A_62 = tpu.memref_slice %arg2[%add3A, %dma_start3A_60, %dma_start3A_61] : memref<32x80x128xi32, #tpu.memory_space<hbm>> -> memref<1x80x128xi32, #tpu.memory_space<hbm>>
      %dma_start3A_63 = tpu.memref_squeeze %dma_start3A_62 : memref<1x80x128xi32, #tpu.memory_space<hbm>> -> memref<80x128xi32, #tpu.memory_space<hbm>>
      tpu.enqueue_dma source(%dma_start3A_63 : memref<80x128xi32, #tpu.memory_space<hbm>>) target(%arg8 : memref<80x128xi32, #tpu.memory_space<vmem>>) target_semaphore(%run_scoped3A : memref<!tpu.dma_semaphore, #tpu.memory_space<semaphore_mem>>)
      %dma_wait3A_64 = arith.constant 0 : i32
      %dma_wait3A_65 = arith.constant 0 : i32
      %dma_wait3A_66 = tpu.memref_slice %arg2[%add3A, %dma_wait3A_64, %dma_wait3A_65] : memref<32x80x128xi32, #tpu.memory_space<hbm>> -> memref<1x80x128xi32, #tpu.memory_space<hbm>>
      %dma_wait3A_67 = tpu.memref_squeeze %dma_wait3A_66 : memref<1x80x128xi32, #tpu.memory_space<hbm>> -> memref<80x128xi32, #tpu.memory_space<hbm>>
      %dma_wait3A_68 = arith.constant 0 : i32
      %dma_wait3A_69 = arith.constant 0 : i32
      %dma_wait3A_70 = tpu.memref_slice %arg2[%add3A, %dma_wait3A_68, %dma_wait3A_69] : memref<32x80x128xi32, #tpu.memory_space<hbm>> -> memref<1x80x128xi32, #tpu.memory_space<hbm>>
      %dma_wait3A_71 = tpu.memref_squeeze %dma_wait3A_70 : memref<1x80x128xi32, #tpu.memory_space<hbm>> -> memref<80x128xi32, #tpu.memory_space<hbm>>
      tpu.wait_dma2 semaphore(%run_scoped3A : memref<!tpu.dma_semaphore, #tpu.memory_space<semaphore_mem>>) src(%dma_wait3A_71 : memref<80x128xi32, #tpu.memory_space<hbm>>) dst(%arg8 : memref<80x128xi32, #tpu.memory_space<vmem>>)
      tpu.yield
    }) : () -> ()
    "tpu.region"() ({
      %run_scoped3A = tpu.sem_alloc : memref<!tpu.dma_semaphore, #tpu.memory_space<semaphore_mem>>
      %dma_start3A_56 = arith.constant 0 : i32
      %dma_start3A_57 = arith.constant 0 : i32
      %dma_start3A_58 = tpu.memref_slice %arg3[%add3A, %dma_start3A_56, %dma_start3A_57] : memref<32x80x128xi32, #tpu.memory_space<hbm>> -> memref<1x80x128xi32, #tpu.memory_space<hbm>>
      %dma_start3A_59 = tpu.memref_squeeze %dma_start3A_58 : memref<1x80x128xi32, #tpu.memory_space<hbm>> -> memref<80x128xi32, #tpu.memory_space<hbm>>
      %dma_start3A_60 = arith.constant 0 : i32
      %dma_start3A_61 = arith.constant 0 : i32
      %dma_start3A_62 = tpu.memref_slice %arg3[%add3A, %dma_start3A_60, %dma_start3A_61] : memref<32x80x128xi32, #tpu.memory_space<hbm>> -> memref<1x80x128xi32, #tpu.memory_space<hbm>>
      %dma_start3A_63 = tpu.memref_squeeze %dma_start3A_62 : memref<1x80x128xi32, #tpu.memory_space<hbm>> -> memref<80x128xi32, #tpu.memory_space<hbm>>
      tpu.enqueue_dma source(%dma_start3A_63 : memref<80x128xi32, #tpu.memory_space<hbm>>) target(%arg9 : memref<80x128xi32, #tpu.memory_space<vmem>>) target_semaphore(%run_scoped3A : memref<!tpu.dma_semaphore, #tpu.memory_space<semaphore_mem>>)
      %dma_wait3A_64 = arith.constant 0 : i32
      %dma_wait3A_65 = arith.constant 0 : i32
      %dma_wait3A_66 = tpu.memref_slice %arg3[%add3A, %dma_wait3A_64, %dma_wait3A_65] : memref<32x80x128xi32, #tpu.memory_space<hbm>> -> memref<1x80x128xi32, #tpu.memory_space<hbm>>
      %dma_wait3A_67 = tpu.memref_squeeze %dma_wait3A_66 : memref<1x80x128xi32, #tpu.memory_space<hbm>> -> memref<80x128xi32, #tpu.memory_space<hbm>>
      %dma_wait3A_68 = arith.constant 0 : i32
      %dma_wait3A_69 = arith.constant 0 : i32
      %dma_wait3A_70 = tpu.memref_slice %arg3[%add3A, %dma_wait3A_68, %dma_wait3A_69] : memref<32x80x128xi32, #tpu.memory_space<hbm>> -> memref<1x80x128xi32, #tpu.memory_space<hbm>>
      %dma_wait3A_71 = tpu.memref_squeeze %dma_wait3A_70 : memref<1x80x128xi32, #tpu.memory_space<hbm>> -> memref<80x128xi32, #tpu.memory_space<hbm>>
      tpu.wait_dma2 semaphore(%run_scoped3A : memref<!tpu.dma_semaphore, #tpu.memory_space<semaphore_mem>>) src(%dma_wait3A_71 : memref<80x128xi32, #tpu.memory_space<hbm>>) dst(%arg9 : memref<80x128xi32, #tpu.memory_space<vmem>>)
      tpu.yield
    }) : () -> ()
    "tpu.region"() ({
      %run_scoped3A = tpu.sem_alloc : memref<!tpu.dma_semaphore, #tpu.memory_space<semaphore_mem>>
      tpu.enqueue_dma source(%arg4 : memref<10240xf32, #tpu.memory_space<hbm>>) target(%arg10 : memref<10240xf32, #tpu.memory_space<vmem>>) target_semaphore(%run_scoped3A : memref<!tpu.dma_semaphore, #tpu.memory_space<semaphore_mem>>)
      tpu.wait_dma2 semaphore(%run_scoped3A : memref<!tpu.dma_semaphore, #tpu.memory_space<semaphore_mem>>) src(%arg4 : memref<10240xf32, #tpu.memory_space<hbm>>) dst(%arg10 : memref<10240xf32, #tpu.memory_space<vmem>>)
      tpu.yield
    }) : () -> ()
    "tpu.region"() ({
      %run_scoped3A = tpu.sem_alloc : memref<!tpu.dma_semaphore, #tpu.memory_space<semaphore_mem>>
      tpu.enqueue_dma source(%arg5 : memref<10240xf32, #tpu.memory_space<hbm>>) target(%arg11 : memref<10240xf32, #tpu.memory_space<vmem>>) target_semaphore(%run_scoped3A : memref<!tpu.dma_semaphore, #tpu.memory_space<semaphore_mem>>)
      tpu.wait_dma2 semaphore(%run_scoped3A : memref<!tpu.dma_semaphore, #tpu.memory_space<semaphore_mem>>) src(%arg5 : memref<10240xf32, #tpu.memory_space<hbm>>) dst(%arg11 : memref<10240xf32, #tpu.memory_space<vmem>>)
      tpu.yield
    }) : () -> ()
    %broadcast_in_dim3A = arith.constant 0.000000e+00 : f32
    %broadcast_in_dim3A_1 = vector.broadcast %broadcast_in_dim3A : f32 to vector<16xf32>
    %scan3A = arith.constant 0 : i32
    %scan3A_2 = arith.constant 0 : i32
    %scan3A_3 = arith.constant 640 : i32
    %scan3A_4 = arith.addi %scan3A_2, %scan3A_3 : i32
    %scan3A_5 = arith.constant 1 : i32
    scf.for %scan3A_56 = %scan3A_2 to %scan3A_4 step %scan3A_5  : i32 {
      %swap3A = arith.index_cast %scan3A_56 : i32 to index
      %swap3A_57 = arith.constant 0 : index
      %swap3A_58 = tpu.vector_load %arg17[%swap3A, %swap3A_57] {strides = array<i32>} : memref<640x16xf32, #tpu.memory_space<vmem>>, vector<16xf32>,
      tpu.vector_store %arg17[%swap3A, %swap3A_57], %broadcast_in_dim3A_1 {strides = array<i32>} : memref<640x16xf32, #tpu.memory_space<vmem>>, vector<16xf32>,
    }
    %scan3A_6 = arith.constant 640 : i32
    %mul3A_7 = arith.constant 640 : i32
    %mul3A_8 = arith.muli %arg1, %mul3A_7 : i32
    "tpu.region"() ({
      %run_scoped3A = tpu.sem_alloc : memref<!tpu.dma_semaphore, #tpu.memory_space<semaphore_mem>>
      %dma_start3A_56 = arith.constant 0 : i32
      %dma_start3A_57 = tpu.memref_slice %arg18[%mul3A_8, %dma_start3A_56] : memref<10240x16xf32, #tpu.memory_space<vmem_shared>> -> memref<640x16xf32, #tpu.memory_space<vmem_shared>>
      %dma_start3A_58 = arith.constant 0 : i32
      %dma_start3A_59 = tpu.memref_slice %arg18[%mul3A_8, %dma_start3A_58] : memref<10240x16xf32, #tpu.memory_space<vmem_shared>> -> memref<640x16xf32, #tpu.memory_space<vmem_shared>>
      tpu.enqueue_dma source(%arg17 : memref<640x16xf32, #tpu.memory_space<vmem>>) target(%dma_start3A_59 : memref<640x16xf32, #tpu.memory_space<vmem_shared>>) target_semaphore(%run_scoped3A : memref<!tpu.dma_semaphore, #tpu.memory_space<semaphore_mem>>)
      %dma_wait3A_60 = arith.constant 0 : i32
      %dma_wait3A_61 = tpu.memref_slice %arg18[%mul3A_8, %dma_wait3A_60] : memref<10240x16xf32, #tpu.memory_space<vmem_shared>> -> memref<640x16xf32, #tpu.memory_space<vmem_shared>>
      %dma_wait3A_62 = arith.constant 0 : i32
      %dma_wait3A_63 = tpu.memref_slice %arg18[%mul3A_8, %dma_wait3A_62] : memref<10240x16xf32, #tpu.memory_space<vmem_shared>> -> memref<640x16xf32, #tpu.memory_space<vmem_shared>>
      tpu.wait_dma2 semaphore(%run_scoped3A : memref<!tpu.dma_semaphore, #tpu.memory_space<semaphore_mem>>) src(%arg17 : memref<640x16xf32, #tpu.memory_space<vmem>>) dst(%dma_wait3A_63 : memref<640x16xf32, #tpu.memory_space<vmem_shared>>)
      tpu.yield
    }) : () -> ()
    %barrier3A = arith.constant 0 : index
    tpu.barrier barrier_id(%barrier3A)
    %dma_start3A = arith.constant 0 : i32
    %dma_start3A_9 = arith.constant 0 : i32
    %dma_start3A_10 = tpu.memref_slice %arg8[%dma_start3A, %dma_start3A_9] : memref<80x128xi32, #tpu.memory_space<vmem>> -> memref<1x128xi32, #tpu.memory_space<vmem>>
    %dma_start3A_11 = tpu.memref_squeeze %dma_start3A_10 : memref<1x128xi32, #tpu.memory_space<vmem>> -> memref<128xi32, #tpu.memory_space<vmem>>
    %dma_start3A_12 = arith.constant 0 : i32
    %dma_start3A_13 = arith.constant 0 : i32
    %dma_start3A_14 = tpu.memref_slice %arg6[%dma_start3A_12, %dma_start3A_13] : memref<10000x16xf32, #tpu.memory_space<hbm>> -> memref<10000x16xf32, #tpu.memory_space<hbm>>
    tpu.enqueue_indirect_dma source(%dma_start3A_14 : memref<10000x16xf32, #tpu.memory_space<hbm>>) target(%arg13 : memref<128x16xf32, #tpu.memory_space<vmem>>) offsets(%dma_start3A_11 : memref<128xi32, #tpu.memory_space<vmem>>) semaphore(%arg19 : memref<!tpu.dma_semaphore, #tpu.memory_space<semaphore_mem>>)
    %dma_start3A_15 = arith.constant 1 : i32
    %dma_start3A_16 = arith.constant 0 : i32
    %dma_start3A_17 = tpu.memref_slice %arg8[%dma_start3A_15, %dma_start3A_16] : memref<80x128xi32, #tpu.memory_space<vmem>> -> memref<1x128xi32, #tpu.memory_space<vmem>>
    %dma_start3A_18 = tpu.memref_squeeze %dma_start3A_17 : memref<1x128xi32, #tpu.memory_space<vmem>> -> memref<128xi32, #tpu.memory_space<vmem>>
    %dma_start3A_19 = arith.constant 0 : i32
    %dma_start3A_20 = arith.constant 0 : i32
    %dma_start3A_21 = tpu.memref_slice %arg6[%dma_start3A_19, %dma_start3A_20] : memref<10000x16xf32, #tpu.memory_space<hbm>> -> memref<10000x16xf32, #tpu.memory_space<hbm>>
    tpu.enqueue_indirect_dma source(%dma_start3A_21 : memref<10000x16xf32, #tpu.memory_space<hbm>>) target(%arg14 : memref<128x16xf32, #tpu.memory_space<vmem>>) offsets(%dma_start3A_18 : memref<128xi32, #tpu.memory_space<vmem>>) semaphore(%arg20 : memref<!tpu.dma_semaphore, #tpu.memory_space<semaphore_mem>>)
    %scan3A_22 = arith.constant 0 : i32
    %scan3A_23 = arith.constant 0 : i32
    %scan3A_24 = arith.constant 20 : i32
    %scan3A_25 = arith.addi %scan3A_23, %scan3A_24 : i32
    %scan3A_26 = arith.constant 1 : i32
    scf.for %scan3A_56 = %scan3A_23 to %scan3A_25 step %scan3A_26  : i32 {
      %mul3A_57 = arith.constant 4 : i32
      %mul3A_58 = arith.muli %mul3A_57, %scan3A_56 : i32
      %add3A_59 = arith.constant 0 : i32
      %add3A_60 = arith.addi %mul3A_58, %add3A_59 : i32
      %scan3A_61 = arith.constant 0 : i32
      %scan3A_62 = arith.constant 0 : i32
      %scan3A_63 = arith.constant 8 : i32
      %scan3A_64 = arith.addi %scan3A_62, %scan3A_63 : i32
      %scan3A_65 = arith.constant 1 : i32
      scf.for %scan3A_199 = %scan3A_62 to %scan3A_64 step %scan3A_65  : i32 {
        %mul3A_200 = arith.constant 16 : i32
        %mul3A_201 = arith.muli %scan3A_199, %mul3A_200 : i32
        %get3A = arith.index_cast %add3A_60 : i32 to index
        %get3A_202 = arith.index_cast %mul3A_201 : i32 to index
        %get3A_203 = tpu.vector_load %arg8[%get3A, %get3A_202] {strides = array<i32>} : memref<80x128xi32, #tpu.memory_space<vmem>>, vector<16xi32>,
        %mul3A_204 = arith.constant 16 : i32
        %mul3A_205 = arith.muli %scan3A_199, %mul3A_204 : i32
        %get3A_206 = arith.index_cast %add3A_60 : i32 to index
        %get3A_207 = arith.index_cast %mul3A_205 : i32 to index
        %get3A_208 = tpu.vector_load %arg9[%get3A_206, %get3A_207] {strides = array<i32>} : memref<80x128xi32, #tpu.memory_space<vmem>>, vector<16xi32>,
        %gather3A = tpu.vector_load_idx %arg10[%get3A_203] : memref<10240xf32, #tpu.memory_space<vmem>>[vector<16xi32>], vector<16xf32>,
        %gather3A_209 = tpu.vector_load_idx %arg11[%get3A_208] : memref<10240xf32, #tpu.memory_space<vmem>>[vector<16xi32>], vector<16xf32>,
        %add3A_210 = arith.addf %gather3A, %gather3A_209 : vector<16xf32>
        %ge3A = arith.constant 0.000000e+00 : f32
        %ge3A_211 = vector.broadcast %ge3A : f32 to vector<16xf32>
        %ge3A_212 = arith.cmpf oge, %add3A_210, %ge3A_211 : vector<16xf32>
        %mul3A_213 = arith.constant 2.000000e-01 : f32
        %mul3A_214 = vector.broadcast %mul3A_213 : f32 to vector<16xf32>
        %mul3A_215 = arith.mulf %mul3A_214, %add3A_210 : vector<16xf32>
        %select_n3A = arith.select %ge3A_212, %add3A_210, %mul3A_215 : vector<16xi1>, vector<16xf32>
        %exp3A = math.exp %select_n3A : vector<16xf32>
        %mul3A_216 = arith.constant 16 : i32
        %mul3A_217 = arith.muli %scan3A_199, %mul3A_216 : i32
        %swap3A = arith.index_cast %add3A_60 : i32 to index
        %swap3A_218 = arith.index_cast %mul3A_217 : i32 to index
        %swap3A_219 = tpu.vector_load %arg12[%swap3A, %swap3A_218] {strides = array<i32>} : memref<80x128xf32, #tpu.memory_space<vmem>>, vector<16xf32>,
        tpu.vector_store %arg12[%swap3A, %swap3A_218], %exp3A {strides = array<i32>} : memref<80x128xf32, #tpu.memory_space<vmem>>, vector<16xf32>,
      }
      %scan3A_66 = arith.constant 8 : i32
      %dma_wait3A_67 = arith.constant 0 : i32
      %dma_wait3A_68 = arith.constant 0 : i32
      %dma_wait3A_69 = tpu.memref_slice %arg8[%dma_wait3A_67, %dma_wait3A_68] : memref<80x128xi32, #tpu.memory_space<vmem>> -> memref<1x128xi32, #tpu.memory_space<vmem>>
      %dma_wait3A_70 = tpu.memref_squeeze %dma_wait3A_69 : memref<1x128xi32, #tpu.memory_space<vmem>> -> memref<128xi32, #tpu.memory_space<vmem>>
      %dma_wait3A_71 = arith.constant 0 : i32
      %dma_wait3A_72 = arith.constant 0 : i32
      %dma_wait3A_73 = tpu.memref_slice %arg6[%dma_wait3A_71, %dma_wait3A_72] : memref<10000x16xf32, #tpu.memory_space<hbm>> -> memref<10000x16xf32, #tpu.memory_space<hbm>>
      tpu.wait_indirect_dma semaphore(%arg19 : memref<!tpu.dma_semaphore, #tpu.memory_space<semaphore_mem>>) src(%dma_wait3A_73 : memref<10000x16xf32, #tpu.memory_space<hbm>>) dst(%arg13 : memref<128x16xf32, #tpu.memory_space<vmem>>)
      %scan3A_74 = arith.constant 0 : i32
      %scan3A_75 = arith.constant 0 : i32
      %scan3A_76 = arith.constant 8 : i32
      %scan3A_77 = arith.addi %scan3A_75, %scan3A_76 : i32
      %scan3A_78 = arith.constant 1 : i32
      scf.for %scan3A_199 = %scan3A_75 to %scan3A_77 step %scan3A_78  : i32 {
        %mul3A_200 = arith.constant 16 : i32
        %mul3A_201 = arith.muli %scan3A_199, %mul3A_200 : i32
        %get3A = arith.index_cast %add3A_60 : i32 to index
        %get3A_202 = arith.index_cast %mul3A_201 : i32 to index
        %get3A_203 = tpu.vector_load %arg12[%get3A, %get3A_202] {strides = array<i32>} : memref<80x128xf32, #tpu.memory_space<vmem>>, vector<16xf32>,
        %mul3A_204 = arith.constant 16 : i32
        %mul3A_205 = arith.muli %scan3A_199, %mul3A_204 : i32
        %add3A_206 = arith.constant 0 : i32
        %add3A_207 = arith.addi %mul3A_205, %add3A_206 : i32
        %get3A_208 = arith.index_cast %add3A_207 : i32 to index
        %get3A_209 = arith.constant 0 : index
        %get3A_210 = tpu.vector_load %arg13[%get3A_208, %get3A_209] {strides = array<i32>} : memref<128x16xf32, #tpu.memory_space<vmem>>, vector<16xf32>,
        %slice3A = vector.extract_strided_slice %get3A_203 {offsets = [0], sizes = [1], strides = [1]} : vector<16xf32> to vector<1xf32>
        %squeeze3A = vector.extract %slice3A[0] : f32 from vector<1xf32>
        %mul3A_211 = vector.broadcast %squeeze3A : f32 to vector<16xf32>
        %mul3A_212 = arith.mulf %get3A_210, %mul3A_211 : vector<16xf32>
        %add3A_213 = arith.constant 0 : i32
        %add3A_214 = arith.addi %mul3A_205, %add3A_213 : i32
        %swap3A = arith.index_cast %add3A_214 : i32 to index
        %swap3A_215 = arith.constant 0 : index
        %swap3A_216 = tpu.vector_load %arg13[%swap3A, %swap3A_215] {strides = array<i32>} : memref<128x16xf32, #tpu.memory_space<vmem>>, vector<16xf32>,
        tpu.vector_store %arg13[%swap3A, %swap3A_215], %mul3A_212 {strides = array<i32>} : memref<128x16xf32, #tpu.memory_space<vmem>>, vector<16xf32>,
        %add3A_217 = arith.constant 1 : i32
        %add3A_218 = arith.addi %mul3A_205, %add3A_217 : i32
        %get3A_219 = arith.index_cast %add3A_218 : i32 to index
        %get3A_220 = arith.constant 0 : index
        %get3A_221 = tpu.vector_load %arg13[%get3A_219, %get3A_220] {strides = array<i32>} : memref<128x16xf32, #tpu.memory_space<vmem>>, vector<16xf32>,
        %slice3A_222 = vector.extract_strided_slice %get3A_203 {offsets = [1], sizes = [1], strides = [1]} : vector<16xf32> to vector<1xf32>
        %squeeze3A_223 = vector.extract %slice3A_222[0] : f32 from vector<1xf32>
        %mul3A_224 = vector.broadcast %squeeze3A_223 : f32 to vector<16xf32>
        %mul3A_225 = arith.mulf %get3A_221, %mul3A_224 : vector<16xf32>
        %add3A_226 = arith.constant 1 : i32
        %add3A_227 = arith.addi %mul3A_205, %add3A_226 : i32
        %swap3A_228 = arith.index_cast %add3A_227 : i32 to index
        %swap3A_229 = arith.constant 0 : index
        %swap3A_230 = tpu.vector_load %arg13[%swap3A_228, %swap3A_229] {strides = array<i32>} : memref<128x16xf32, #tpu.memory_space<vmem>>, vector<16xf32>,
        tpu.vector_store %arg13[%swap3A_228, %swap3A_229], %mul3A_225 {strides = array<i32>} : memref<128x16xf32, #tpu.memory_space<vmem>>, vector<16xf32>,
        %add3A_231 = arith.constant 2 : i32
        %add3A_232 = arith.addi %mul3A_205, %add3A_231 : i32
        %get3A_233 = arith.index_cast %add3A_232 : i32 to index
        %get3A_234 = arith.constant 0 : index
        %get3A_235 = tpu.vector_load %arg13[%get3A_233, %get3A_234] {strides = array<i32>} : memref<128x16xf32, #tpu.memory_space<vmem>>, vector<16xf32>,
        %slice3A_236 = vector.extract_strided_slice %get3A_203 {offsets = [2], sizes = [1], strides = [1]} : vector<16xf32> to vector<1xf32>
        %squeeze3A_237 = vector.extract %slice3A_236[0] : f32 from vector<1xf32>
        %mul3A_238 = vector.broadcast %squeeze3A_237 : f32 to vector<16xf32>
        %mul3A_239 = arith.mulf %get3A_235, %mul3A_238 : vector<16xf32>
        %add3A_240 = arith.constant 2 : i32
        %add3A_241 = arith.addi %mul3A_205, %add3A_240 : i32
        %swap3A_242 = arith.index_cast %add3A_241 : i32 to index
        %swap3A_243 = arith.constant 0 : index
        %swap3A_244 = tpu.vector_load %arg13[%swap3A_242, %swap3A_243] {strides = array<i32>} : memref<128x16xf32, #tpu.memory_space<vmem>>, vector<16xf32>,
        tpu.vector_store %arg13[%swap3A_242, %swap3A_243], %mul3A_239 {strides = array<i32>} : memref<128x16xf32, #tpu.memory_space<vmem>>, vector<16xf32>,
        %add3A_245 = arith.constant 3 : i32
        %add3A_246 = arith.addi %mul3A_205, %add3A_245 : i32
        %get3A_247 = arith.index_cast %add3A_246 : i32 to index
        %get3A_248 = arith.constant 0 : index
        %get3A_249 = tpu.vector_load %arg13[%get3A_247, %get3A_248] {strides = array<i32>} : memref<128x16xf32, #tpu.memory_space<vmem>>, vector<16xf32>,
        %slice3A_250 = vector.extract_strided_slice %get3A_203 {offsets = [3], sizes = [1], strides = [1]} : vector<16xf32> to vector<1xf32>
        %squeeze3A_251 = vector.extract %slice3A_250[0] : f32 from vector<1xf32>
        %mul3A_252 = vector.broadcast %squeeze3A_251 : f32 to vector<16xf32>
        %mul3A_253 = arith.mulf %get3A_249, %mul3A_252 : vector<16xf32>
        %add3A_254 = arith.constant 3 : i32
        %add3A_255 = arith.addi %mul3A_205, %add3A_254 : i32
        %swap3A_256 = arith.index_cast %add3A_255 : i32 to index
        %swap3A_257 = arith.constant 0 : index
        %swap3A_258 = tpu.vector_load %arg13[%swap3A_256, %swap3A_257] {strides = array<i32>} : memref<128x16xf32, #tpu.memory_space<vmem>>, vector<16xf32>,
        tpu.vector_store %arg13[%swap3A_256, %swap3A_257], %mul3A_253 {strides = array<i32>} : memref<128x16xf32, #tpu.memory_space<vmem>>, vector<16xf32>,
        %add3A_259 = arith.constant 4 : i32
        %add3A_260 = arith.addi %mul3A_205, %add3A_259 : i32
        %get3A_261 = arith.index_cast %add3A_260 : i32 to index
        %get3A_262 = arith.constant 0 : index
        %get3A_263 = tpu.vector_load %arg13[%get3A_261, %get3A_262] {strides = array<i32>} : memref<128x16xf32, #tpu.memory_space<vmem>>, vector<16xf32>,
        %slice3A_264 = vector.extract_strided_slice %get3A_203 {offsets = [4], sizes = [1], strides = [1]} : vector<16xf32> to vector<1xf32>
        %squeeze3A_265 = vector.extract %slice3A_264[0] : f32 from vector<1xf32>
        %mul3A_266 = vector.broadcast %squeeze3A_265 : f32 to vector<16xf32>
        %mul3A_267 = arith.mulf %get3A_263, %mul3A_266 : vector<16xf32>
        %add3A_268 = arith.constant 4 : i32
        %add3A_269 = arith.addi %mul3A_205, %add3A_268 : i32
        %swap3A_270 = arith.index_cast %add3A_269 : i32 to index
        %swap3A_271 = arith.constant 0 : index
        %swap3A_272 = tpu.vector_load %arg13[%swap3A_270, %swap3A_271] {strides = array<i32>} : memref<128x16xf32, #tpu.memory_space<vmem>>, vector<16xf32>,
        tpu.vector_store %arg13[%swap3A_270, %swap3A_271], %mul3A_267 {strides = array<i32>} : memref<128x16xf32, #tpu.memory_space<vmem>>, vector<16xf32>,
        %add3A_273 = arith.constant 5 : i32
        %add3A_274 = arith.addi %mul3A_205, %add3A_273 : i32
        %get3A_275 = arith.index_cast %add3A_274 : i32 to index
        %get3A_276 = arith.constant 0 : index
        %get3A_277 = tpu.vector_load %arg13[%get3A_275, %get3A_276] {strides = array<i32>} : memref<128x16xf32, #tpu.memory_space<vmem>>, vector<16xf32>,
        %slice3A_278 = vector.extract_strided_slice %get3A_203 {offsets = [5], sizes = [1], strides = [1]} : vector<16xf32> to vector<1xf32>
        %squeeze3A_279 = vector.extract %slice3A_278[0] : f32 from vector<1xf32>
        %mul3A_280 = vector.broadcast %squeeze3A_279 : f32 to vector<16xf32>
        %mul3A_281 = arith.mulf %get3A_277, %mul3A_280 : vector<16xf32>
        %add3A_282 = arith.constant 5 : i32
        %add3A_283 = arith.addi %mul3A_205, %add3A_282 : i32
        %swap3A_284 = arith.index_cast %add3A_283 : i32 to index
        %swap3A_285 = arith.constant 0 : index
        %swap3A_286 = tpu.vector_load %arg13[%swap3A_284, %swap3A_285] {strides = array<i32>} : memref<128x16xf32, #tpu.memory_space<vmem>>, vector<16xf32>,
        tpu.vector_store %arg13[%swap3A_284, %swap3A_285], %mul3A_281 {strides = array<i32>} : memref<128x16xf32, #tpu.memory_space<vmem>>, vector<16xf32>,
        %add3A_287 = arith.constant 6 : i32
        %add3A_288 = arith.addi %mul3A_205, %add3A_287 : i32
        %get3A_289 = arith.index_cast %add3A_288 : i32 to index
        %get3A_290 = arith.constant 0 : index
        %get3A_291 = tpu.vector_load %arg13[%get3A_289, %get3A_290] {strides = array<i32>} : memref<128x16xf32, #tpu.memory_space<vmem>>, vector<16xf32>,
        %slice3A_292 = vector.extract_strided_slice %get3A_203 {offsets = [6], sizes = [1], strides = [1]} : vector<16xf32> to vector<1xf32>
        %squeeze3A_293 = vector.extract %slice3A_292[0] : f32 from vector<1xf32>
        %mul3A_294 = vector.broadcast %squeeze3A_293 : f32 to vector<16xf32>
        %mul3A_295 = arith.mulf %get3A_291, %mul3A_294 : vector<16xf32>
        %add3A_296 = arith.constant 6 : i32
        %add3A_297 = arith.addi %mul3A_205, %add3A_296 : i32
        %swap3A_298 = arith.index_cast %add3A_297 : i32 to index
        %swap3A_299 = arith.constant 0 : index
        %swap3A_300 = tpu.vector_load %arg13[%swap3A_298, %swap3A_299] {strides = array<i32>} : memref<128x16xf32, #tpu.memory_space<vmem>>, vector<16xf32>,
        tpu.vector_store %arg13[%swap3A_298, %swap3A_299], %mul3A_295 {strides = array<i32>} : memref<128x16xf32, #tpu.memory_space<vmem>>, vector<16xf32>,
        %add3A_301 = arith.constant 7 : i32
        %add3A_302 = arith.addi %mul3A_205, %add3A_301 : i32
        %get3A_303 = arith.index_cast %add3A_302 : i32 to index
        %get3A_304 = arith.constant 0 : index
        %get3A_305 = tpu.vector_load %arg13[%get3A_303, %get3A_304] {strides = array<i32>} : memref<128x16xf32, #tpu.memory_space<vmem>>, vector<16xf32>,
        %slice3A_306 = vector.extract_strided_slice %get3A_203 {offsets = [7], sizes = [1], strides = [1]} : vector<16xf32> to vector<1xf32>
        %squeeze3A_307 = vector.extract %slice3A_306[0] : f32 from vector<1xf32>
        %mul3A_308 = vector.broadcast %squeeze3A_307 : f32 to vector<16xf32>
        %mul3A_309 = arith.mulf %get3A_305, %mul3A_308 : vector<16xf32>
        %add3A_310 = arith.constant 7 : i32
        %add3A_311 = arith.addi %mul3A_205, %add3A_310 : i32
        %swap3A_312 = arith.index_cast %add3A_311 : i32 to index
        %swap3A_313 = arith.constant 0 : index
        %swap3A_314 = tpu.vector_load %arg13[%swap3A_312, %swap3A_313] {strides = array<i32>} : memref<128x16xf32, #tpu.memory_space<vmem>>, vector<16xf32>,
        tpu.vector_store %arg13[%swap3A_312, %swap3A_313], %mul3A_309 {strides = array<i32>} : memref<128x16xf32, #tpu.memory_space<vmem>>, vector<16xf32>,
        %add3A_315 = arith.constant 8 : i32
        %add3A_316 = arith.addi %mul3A_205, %add3A_315 : i32
        %get3A_317 = arith.index_cast %add3A_316 : i32 to index
        %get3A_318 = arith.constant 0 : index
        %get3A_319 = tpu.vector_load %arg13[%get3A_317, %get3A_318] {strides = array<i32>} : memref<128x16xf32, #tpu.memory_space<vmem>>, vector<16xf32>,
        %slice3A_320 = vector.extract_strided_slice %get3A_203 {offsets = [8], sizes = [1], strides = [1]} : vector<16xf32> to vector<1xf32>
        %squeeze3A_321 = vector.extract %slice3A_320[0] : f32 from vector<1xf32>
        %mul3A_322 = vector.broadcast %squeeze3A_321 : f32 to vector<16xf32>
        %mul3A_323 = arith.mulf %get3A_319, %mul3A_322 : vector<16xf32>
        %add3A_324 = arith.constant 8 : i32
        %add3A_325 = arith.addi %mul3A_205, %add3A_324 : i32
        %swap3A_326 = arith.index_cast %add3A_325 : i32 to index
        %swap3A_327 = arith.constant 0 : index
        %swap3A_328 = tpu.vector_load %arg13[%swap3A_326, %swap3A_327] {strides = array<i32>} : memref<128x16xf32, #tpu.memory_space<vmem>>, vector<16xf32>,
        tpu.vector_store %arg13[%swap3A_326, %swap3A_327], %mul3A_323 {strides = array<i32>} : memref<128x16xf32, #tpu.memory_space<vmem>>, vector<16xf32>,
        %add3A_329 = arith.constant 9 : i32
        %add3A_330 = arith.addi %mul3A_205, %add3A_329 : i32
        %get3A_331 = arith.index_cast %add3A_330 : i32 to index
        %get3A_332 = arith.constant 0 : index
        %get3A_333 = tpu.vector_load %arg13[%get3A_331, %get3A_332] {strides = array<i32>} : memref<128x16xf32, #tpu.memory_space<vmem>>, vector<16xf32>,
        %slice3A_334 = vector.extract_strided_slice %get3A_203 {offsets = [9], sizes = [1], strides = [1]} : vector<16xf32> to vector<1xf32>
        %squeeze3A_335 = vector.extract %slice3A_334[0] : f32 from vector<1xf32>
        %mul3A_336 = vector.broadcast %squeeze3A_335 : f32 to vector<16xf32>
        %mul3A_337 = arith.mulf %get3A_333, %mul3A_336 : vector<16xf32>
        %add3A_338 = arith.constant 9 : i32
        %add3A_339 = arith.addi %mul3A_205, %add3A_338 : i32
        %swap3A_340 = arith.index_cast %add3A_339 : i32 to index
        %swap3A_341 = arith.constant 0 : index
        %swap3A_342 = tpu.vector_load %arg13[%swap3A_340, %swap3A_341] {strides = array<i32>} : memref<128x16xf32, #tpu.memory_space<vmem>>, vector<16xf32>,
        tpu.vector_store %arg13[%swap3A_340, %swap3A_341], %mul3A_337 {strides = array<i32>} : memref<128x16xf32, #tpu.memory_space<vmem>>, vector<16xf32>,
        %add3A_343 = arith.constant 10 : i32
        %add3A_344 = arith.addi %mul3A_205, %add3A_343 : i32
        %get3A_345 = arith.index_cast %add3A_344 : i32 to index
        %get3A_346 = arith.constant 0 : index
        %get3A_347 = tpu.vector_load %arg13[%get3A_345, %get3A_346] {strides = array<i32>} : memref<128x16xf32, #tpu.memory_space<vmem>>, vector<16xf32>,
        %slice3A_348 = vector.extract_strided_slice %get3A_203 {offsets = [10], sizes = [1], strides = [1]} : vector<16xf32> to vector<1xf32>
        %squeeze3A_349 = vector.extract %slice3A_348[0] : f32 from vector<1xf32>
        %mul3A_350 = vector.broadcast %squeeze3A_349 : f32 to vector<16xf32>
        %mul3A_351 = arith.mulf %get3A_347, %mul3A_350 : vector<16xf32>
        %add3A_352 = arith.constant 10 : i32
        %add3A_353 = arith.addi %mul3A_205, %add3A_352 : i32
        %swap3A_354 = arith.index_cast %add3A_353 : i32 to index
        %swap3A_355 = arith.constant 0 : index
        %swap3A_356 = tpu.vector_load %arg13[%swap3A_354, %swap3A_355] {strides = array<i32>} : memref<128x16xf32, #tpu.memory_space<vmem>>, vector<16xf32>,
        tpu.vector_store %arg13[%swap3A_354, %swap3A_355], %mul3A_351 {strides = array<i32>} : memref<128x16xf32, #tpu.memory_space<vmem>>, vector<16xf32>,
        %add3A_357 = arith.constant 11 : i32
        %add3A_358 = arith.addi %mul3A_205, %add3A_357 : i32
        %get3A_359 = arith.index_cast %add3A_358 : i32 to index
        %get3A_360 = arith.constant 0 : index
        %get3A_361 = tpu.vector_load %arg13[%get3A_359, %get3A_360] {strides = array<i32>} : memref<128x16xf32, #tpu.memory_space<vmem>>, vector<16xf32>,
        %slice3A_362 = vector.extract_strided_slice %get3A_203 {offsets = [11], sizes = [1], strides = [1]} : vector<16xf32> to vector<1xf32>
        %squeeze3A_363 = vector.extract %slice3A_362[0] : f32 from vector<1xf32>
        %mul3A_364 = vector.broadcast %squeeze3A_363 : f32 to vector<16xf32>
        %mul3A_365 = arith.mulf %get3A_361, %mul3A_364 : vector<16xf32>
        %add3A_366 = arith.constant 11 : i32
        %add3A_367 = arith.addi %mul3A_205, %add3A_366 : i32
        %swap3A_368 = arith.index_cast %add3A_367 : i32 to index
        %swap3A_369 = arith.constant 0 : index
        %swap3A_370 = tpu.vector_load %arg13[%swap3A_368, %swap3A_369] {strides = array<i32>} : memref<128x16xf32, #tpu.memory_space<vmem>>, vector<16xf32>,
        tpu.vector_store %arg13[%swap3A_368, %swap3A_369], %mul3A_365 {strides = array<i32>} : memref<128x16xf32, #tpu.memory_space<vmem>>, vector<16xf32>,
        %add3A_371 = arith.constant 12 : i32
        %add3A_372 = arith.addi %mul3A_205, %add3A_371 : i32
        %get3A_373 = arith.index_cast %add3A_372 : i32 to index
        %get3A_374 = arith.constant 0 : index
        %get3A_375 = tpu.vector_load %arg13[%get3A_373, %get3A_374] {strides = array<i32>} : memref<128x16xf32, #tpu.memory_space<vmem>>, vector<16xf32>,
        %slice3A_376 = vector.extract_strided_slice %get3A_203 {offsets = [12], sizes = [1], strides = [1]} : vector<16xf32> to vector<1xf32>
        %squeeze3A_377 = vector.extract %slice3A_376[0] : f32 from vector<1xf32>
        %mul3A_378 = vector.broadcast %squeeze3A_377 : f32 to vector<16xf32>
        %mul3A_379 = arith.mulf %get3A_375, %mul3A_378 : vector<16xf32>
        %add3A_380 = arith.constant 12 : i32
        %add3A_381 = arith.addi %mul3A_205, %add3A_380 : i32
        %swap3A_382 = arith.index_cast %add3A_381 : i32 to index
        %swap3A_383 = arith.constant 0 : index
        %swap3A_384 = tpu.vector_load %arg13[%swap3A_382, %swap3A_383] {strides = array<i32>} : memref<128x16xf32, #tpu.memory_space<vmem>>, vector<16xf32>,
        tpu.vector_store %arg13[%swap3A_382, %swap3A_383], %mul3A_379 {strides = array<i32>} : memref<128x16xf32, #tpu.memory_space<vmem>>, vector<16xf32>,
        %add3A_385 = arith.constant 13 : i32
        %add3A_386 = arith.addi %mul3A_205, %add3A_385 : i32
        %get3A_387 = arith.index_cast %add3A_386 : i32 to index
        %get3A_388 = arith.constant 0 : index
        %get3A_389 = tpu.vector_load %arg13[%get3A_387, %get3A_388] {strides = array<i32>} : memref<128x16xf32, #tpu.memory_space<vmem>>, vector<16xf32>,
        %slice3A_390 = vector.extract_strided_slice %get3A_203 {offsets = [13], sizes = [1], strides = [1]} : vector<16xf32> to vector<1xf32>
        %squeeze3A_391 = vector.extract %slice3A_390[0] : f32 from vector<1xf32>
        %mul3A_392 = vector.broadcast %squeeze3A_391 : f32 to vector<16xf32>
        %mul3A_393 = arith.mulf %get3A_389, %mul3A_392 : vector<16xf32>
        %add3A_394 = arith.constant 13 : i32
        %add3A_395 = arith.addi %mul3A_205, %add3A_394 : i32
        %swap3A_396 = arith.index_cast %add3A_395 : i32 to index
        %swap3A_397 = arith.constant 0 : index
        %swap3A_398 = tpu.vector_load %arg13[%swap3A_396, %swap3A_397] {strides = array<i32>} : memref<128x16xf32, #tpu.memory_space<vmem>>, vector<16xf32>,
        tpu.vector_store %arg13[%swap3A_396, %swap3A_397], %mul3A_393 {strides = array<i32>} : memref<128x16xf32, #tpu.memory_space<vmem>>, vector<16xf32>,
        %add3A_399 = arith.constant 14 : i32
        %add3A_400 = arith.addi %mul3A_205, %add3A_399 : i32
        %get3A_401 = arith.index_cast %add3A_400 : i32 to index
        %get3A_402 = arith.constant 0 : index
        %get3A_403 = tpu.vector_load %arg13[%get3A_401, %get3A_402] {strides = array<i32>} : memref<128x16xf32, #tpu.memory_space<vmem>>, vector<16xf32>,
        %slice3A_404 = vector.extract_strided_slice %get3A_203 {offsets = [14], sizes = [1], strides = [1]} : vector<16xf32> to vector<1xf32>
        %squeeze3A_405 = vector.extract %slice3A_404[0] : f32 from vector<1xf32>
        %mul3A_406 = vector.broadcast %squeeze3A_405 : f32 to vector<16xf32>
        %mul3A_407 = arith.mulf %get3A_403, %mul3A_406 : vector<16xf32>
        %add3A_408 = arith.constant 14 : i32
        %add3A_409 = arith.addi %mul3A_205, %add3A_408 : i32
        %swap3A_410 = arith.index_cast %add3A_409 : i32 to index
        %swap3A_411 = arith.constant 0 : index
        %swap3A_412 = tpu.vector_load %arg13[%swap3A_410, %swap3A_411] {strides = array<i32>} : memref<128x16xf32, #tpu.memory_space<vmem>>, vector<16xf32>,
        tpu.vector_store %arg13[%swap3A_410, %swap3A_411], %mul3A_407 {strides = array<i32>} : memref<128x16xf32, #tpu.memory_space<vmem>>, vector<16xf32>,
        %add3A_413 = arith.constant 15 : i32
        %add3A_414 = arith.addi %mul3A_205, %add3A_413 : i32
        %get3A_415 = arith.index_cast %add3A_414 : i32 to index
        %get3A_416 = arith.constant 0 : index
        %get3A_417 = tpu.vector_load %arg13[%get3A_415, %get3A_416] {strides = array<i32>} : memref<128x16xf32, #tpu.memory_space<vmem>>, vector<16xf32>,
        %slice3A_418 = vector.extract_strided_slice %get3A_203 {offsets = [15], sizes = [1], strides = [1]} : vector<16xf32> to vector<1xf32>
        %squeeze3A_419 = vector.extract %slice3A_418[0] : f32 from vector<1xf32>
        %mul3A_420 = vector.broadcast %squeeze3A_419 : f32 to vector<16xf32>
        %mul3A_421 = arith.mulf %get3A_417, %mul3A_420 : vector<16xf32>
        %add3A_422 = arith.constant 15 : i32
        %add3A_423 = arith.addi %mul3A_205, %add3A_422 : i32
        %swap3A_424 = arith.index_cast %add3A_423 : i32 to index
        %swap3A_425 = arith.constant 0 : index
        %swap3A_426 = tpu.vector_load %arg13[%swap3A_424, %swap3A_425] {strides = array<i32>} : memref<128x16xf32, #tpu.memory_space<vmem>>, vector<16xf32>,
        tpu.vector_store %arg13[%swap3A_424, %swap3A_425], %mul3A_421 {strides = array<i32>} : memref<128x16xf32, #tpu.memory_space<vmem>>, vector<16xf32>,
      }
      %scan3A_79 = arith.constant 8 : i32
      %dma_start3A_80 = arith.constant 0 : i32
      %dma_start3A_81 = tpu.memref_slice %arg9[%add3A_60, %dma_start3A_80] : memref<80x128xi32, #tpu.memory_space<vmem>> -> memref<1x128xi32, #tpu.memory_space<vmem>>
      %dma_start3A_82 = tpu.memref_squeeze %dma_start3A_81 : memref<1x128xi32, #tpu.memory_space<vmem>> -> memref<128xi32, #tpu.memory_space<vmem>>
      %dma_start3A_83 = arith.constant 0 : i32
      %dma_start3A_84 = arith.constant 0 : i32
      %dma_start3A_85 = tpu.memref_slice %arg18[%dma_start3A_83, %dma_start3A_84] : memref<10240x16xf32, #tpu.memory_space<vmem_shared>> -> memref<10240x16xf32, #tpu.memory_space<vmem_shared>>
      tpu.enqueue_indirect_dma source(%arg13 : memref<128x16xf32, #tpu.memory_space<vmem>>) target(%dma_start3A_85 : memref<10240x16xf32, #tpu.memory_space<vmem_shared>>) offsets(%dma_start3A_82 : memref<128xi32, #tpu.memory_space<vmem>>) semaphore(%arg23 : memref<!tpu.dma_semaphore, #tpu.memory_space<semaphore_mem>>) {add = true}
      %gt3A = arith.constant 0 : i32
      %gt3A_86 = arith.cmpi sgt, %scan3A_56, %gt3A : i32
      %convert_element_type3A = arith.extui %gt3A_86 : i1 to i32
      %cond3A = arith.constant 0 : i32
      %cond3A_87 = arith.cmpi ne, %convert_element_type3A, %cond3A : i32
      scf.if %cond3A_87 {
        %dma_wait3A_199 = arith.constant 0 : i32
        %dma_wait3A_200 = arith.constant 0 : i32
        %dma_wait3A_201 = tpu.memref_slice %arg9[%dma_wait3A_199, %dma_wait3A_200] : memref<80x128xi32, #tpu.memory_space<vmem>> -> memref<1x128xi32, #tpu.memory_space<vmem>>
        %dma_wait3A_202 = tpu.memref_squeeze %dma_wait3A_201 : memref<1x128xi32, #tpu.memory_space<vmem>> -> memref<128xi32, #tpu.memory_space<vmem>>
        %dma_wait3A_203 = arith.constant 0 : i32
        %dma_wait3A_204 = arith.constant 0 : i32
        %dma_wait3A_205 = tpu.memref_slice %arg18[%dma_wait3A_203, %dma_wait3A_204] : memref<10240x16xf32, #tpu.memory_space<vmem_shared>> -> memref<10240x16xf32, #tpu.memory_space<vmem_shared>>
        tpu.wait_indirect_dma semaphore(%arg25 : memref<!tpu.dma_semaphore, #tpu.memory_space<semaphore_mem>>) src(%arg15 : memref<128x16xf32, #tpu.memory_space<vmem>>) dst(%dma_wait3A_205 : memref<10240x16xf32, #tpu.memory_space<vmem_shared>>)
      } else {
      }
      %add3A_88 = arith.constant 2 : i32
      %add3A_89 = arith.addi %add3A_60, %add3A_88 : i32
      %dma_start3A_90 = arith.constant 0 : i32
      %dma_start3A_91 = tpu.memref_slice %arg8[%add3A_89, %dma_start3A_90] : memref<80x128xi32, #tpu.memory_space<vmem>> -> memref<1x128xi32, #tpu.memory_space<vmem>>
      %dma_start3A_92 = tpu.memref_squeeze %dma_start3A_91 : memref<1x128xi32, #tpu.memory_space<vmem>> -> memref<128xi32, #tpu.memory_space<vmem>>
      %dma_start3A_93 = arith.constant 0 : i32
      %dma_start3A_94 = arith.constant 0 : i32
      %dma_start3A_95 = tpu.memref_slice %arg6[%dma_start3A_93, %dma_start3A_94] : memref<10000x16xf32, #tpu.memory_space<hbm>> -> memref<10000x16xf32, #tpu.memory_space<hbm>>
      tpu.enqueue_indirect_dma source(%dma_start3A_95 : memref<10000x16xf32, #tpu.memory_space<hbm>>) target(%arg15 : memref<128x16xf32, #tpu.memory_space<vmem>>) offsets(%dma_start3A_92 : memref<128xi32, #tpu.memory_space<vmem>>) semaphore(%arg21 : memref<!tpu.dma_semaphore, #tpu.memory_space<semaphore_mem>>)
      %add3A_96 = arith.constant 1 : i32
      %add3A_97 = arith.addi %mul3A_58, %add3A_96 : i32
      %scan3A_98 = arith.constant 0 : i32
      %scan3A_99 = arith.constant 0 : i32
      %scan3A_100 = arith.constant 8 : i32
      %scan3A_101 = arith.addi %scan3A_99, %scan3A_100 : i32
      %scan3A_102 = arith.constant 1 : i32
      scf.for %scan3A_199 = %scan3A_99 to %scan3A_101 step %scan3A_102  : i32 {
        %mul3A_200 = arith.constant 16 : i32
        %mul3A_201 = arith.muli %scan3A_199, %mul3A_200 : i32
        %get3A = arith.index_cast %add3A_97 : i32 to index
        %get3A_202 = arith.index_cast %mul3A_201 : i32 to index
        %get3A_203 = tpu.vector_load %arg8[%get3A, %get3A_202] {strides = array<i32>} : memref<80x128xi32, #tpu.memory_space<vmem>>, vector<16xi32>,
        %mul3A_204 = arith.constant 16 : i32
        %mul3A_205 = arith.muli %scan3A_199, %mul3A_204 : i32
        %get3A_206 = arith.index_cast %add3A_97 : i32 to index
        %get3A_207 = arith.index_cast %mul3A_205 : i32 to index
        %get3A_208 = tpu.vector_load %arg9[%get3A_206, %get3A_207] {strides = array<i32>} : memref<80x128xi32, #tpu.memory_space<vmem>>, vector<16xi32>,
        %gather3A = tpu.vector_load_idx %arg10[%get3A_203] : memref<10240xf32, #tpu.memory_space<vmem>>[vector<16xi32>], vector<16xf32>,
        %gather3A_209 = tpu.vector_load_idx %arg11[%get3A_208] : memref<10240xf32, #tpu.memory_space<vmem>>[vector<16xi32>], vector<16xf32>,
        %add3A_210 = arith.addf %gather3A, %gather3A_209 : vector<16xf32>
        %ge3A = arith.constant 0.000000e+00 : f32
        %ge3A_211 = vector.broadcast %ge3A : f32 to vector<16xf32>
        %ge3A_212 = arith.cmpf oge, %add3A_210, %ge3A_211 : vector<16xf32>
        %mul3A_213 = arith.constant 2.000000e-01 : f32
        %mul3A_214 = vector.broadcast %mul3A_213 : f32 to vector<16xf32>
        %mul3A_215 = arith.mulf %mul3A_214, %add3A_210 : vector<16xf32>
        %select_n3A = arith.select %ge3A_212, %add3A_210, %mul3A_215 : vector<16xi1>, vector<16xf32>
        %exp3A = math.exp %select_n3A : vector<16xf32>
        %mul3A_216 = arith.constant 16 : i32
        %mul3A_217 = arith.muli %scan3A_199, %mul3A_216 : i32
        %swap3A = arith.index_cast %add3A_97 : i32 to index
        %swap3A_218 = arith.index_cast %mul3A_217 : i32 to index
        %swap3A_219 = tpu.vector_load %arg12[%swap3A, %swap3A_218] {strides = array<i32>} : memref<80x128xf32, #tpu.memory_space<vmem>>, vector<16xf32>,
        tpu.vector_store %arg12[%swap3A, %swap3A_218], %exp3A {strides = array<i32>} : memref<80x128xf32, #tpu.memory_space<vmem>>, vector<16xf32>,
      }
      %scan3A_103 = arith.constant 8 : i32
      %dma_wait3A_104 = arith.constant 0 : i32
      %dma_wait3A_105 = arith.constant 0 : i32
      %dma_wait3A_106 = tpu.memref_slice %arg8[%dma_wait3A_104, %dma_wait3A_105] : memref<80x128xi32, #tpu.memory_space<vmem>> -> memref<1x128xi32, #tpu.memory_space<vmem>>
      %dma_wait3A_107 = tpu.memref_squeeze %dma_wait3A_106 : memref<1x128xi32, #tpu.memory_space<vmem>> -> memref<128xi32, #tpu.memory_space<vmem>>
      %dma_wait3A_108 = arith.constant 0 : i32
      %dma_wait3A_109 = arith.constant 0 : i32
      %dma_wait3A_110 = tpu.memref_slice %arg6[%dma_wait3A_108, %dma_wait3A_109] : memref<10000x16xf32, #tpu.memory_space<hbm>> -> memref<10000x16xf32, #tpu.memory_space<hbm>>
      tpu.wait_indirect_dma semaphore(%arg20 : memref<!tpu.dma_semaphore, #tpu.memory_space<semaphore_mem>>) src(%dma_wait3A_110 : memref<10000x16xf32, #tpu.memory_space<hbm>>) dst(%arg14 : memref<128x16xf32, #tpu.memory_space<vmem>>)
      %scan3A_111 = arith.constant 0 : i32
      %scan3A_112 = arith.constant 0 : i32
      %scan3A_113 = arith.constant 8 : i32
      %scan3A_114 = arith.addi %scan3A_112, %scan3A_113 : i32
      %scan3A_115 = arith.constant 1 : i32
      scf.for %scan3A_199 = %scan3A_112 to %scan3A_114 step %scan3A_115  : i32 {
        %mul3A_200 = arith.constant 16 : i32
        %mul3A_201 = arith.muli %scan3A_199, %mul3A_200 : i32
        %get3A = arith.index_cast %add3A_97 : i32 to index
        %get3A_202 = arith.index_cast %mul3A_201 : i32 to index
        %get3A_203 = tpu.vector_load %arg12[%get3A, %get3A_202] {strides = array<i32>} : memref<80x128xf32, #tpu.memory_space<vmem>>, vector<16xf32>,
        %mul3A_204 = arith.constant 16 : i32
        %mul3A_205 = arith.muli %scan3A_199, %mul3A_204 : i32
        %add3A_206 = arith.constant 0 : i32
        %add3A_207 = arith.addi %mul3A_205, %add3A_206 : i32
        %get3A_208 = arith.index_cast %add3A_207 : i32 to index
        %get3A_209 = arith.constant 0 : index
        %get3A_210 = tpu.vector_load %arg14[%get3A_208, %get3A_209] {strides = array<i32>} : memref<128x16xf32, #tpu.memory_space<vmem>>, vector<16xf32>,
        %slice3A = vector.extract_strided_slice %get3A_203 {offsets = [0], sizes = [1], strides = [1]} : vector<16xf32> to vector<1xf32>
        %squeeze3A = vector.extract %slice3A[0] : f32 from vector<1xf32>
        %mul3A_211 = vector.broadcast %squeeze3A : f32 to vector<16xf32>
        %mul3A_212 = arith.mulf %get3A_210, %mul3A_211 : vector<16xf32>
        %add3A_213 = arith.constant 0 : i32
        %add3A_214 = arith.addi %mul3A_205, %add3A_213 : i32
        %swap3A = arith.index_cast %add3A_214 : i32 to index
        %swap3A_215 = arith.constant 0 : index
        %swap3A_216 = tpu.vector_load %arg14[%swap3A, %swap3A_215] {strides = array<i32>} : memref<128x16xf32, #tpu.memory_space<vmem>>, vector<16xf32>,
        tpu.vector_store %arg14[%swap3A, %swap3A_215], %mul3A_212 {strides = array<i32>} : memref<128x16xf32, #tpu.memory_space<vmem>>, vector<16xf32>,
        %add3A_217 = arith.constant 1 : i32
        %add3A_218 = arith.addi %mul3A_205, %add3A_217 : i32
        %get3A_219 = arith.index_cast %add3A_218 : i32 to index
        %get3A_220 = arith.constant 0 : index
        %get3A_221 = tpu.vector_load %arg14[%get3A_219, %get3A_220] {strides = array<i32>} : memref<128x16xf32, #tpu.memory_space<vmem>>, vector<16xf32>,
        %slice3A_222 = vector.extract_strided_slice %get3A_203 {offsets = [1], sizes = [1], strides = [1]} : vector<16xf32> to vector<1xf32>
        %squeeze3A_223 = vector.extract %slice3A_222[0] : f32 from vector<1xf32>
        %mul3A_224 = vector.broadcast %squeeze3A_223 : f32 to vector<16xf32>
        %mul3A_225 = arith.mulf %get3A_221, %mul3A_224 : vector<16xf32>
        %add3A_226 = arith.constant 1 : i32
        %add3A_227 = arith.addi %mul3A_205, %add3A_226 : i32
        %swap3A_228 = arith.index_cast %add3A_227 : i32 to index
        %swap3A_229 = arith.constant 0 : index
        %swap3A_230 = tpu.vector_load %arg14[%swap3A_228, %swap3A_229] {strides = array<i32>} : memref<128x16xf32, #tpu.memory_space<vmem>>, vector<16xf32>,
        tpu.vector_store %arg14[%swap3A_228, %swap3A_229], %mul3A_225 {strides = array<i32>} : memref<128x16xf32, #tpu.memory_space<vmem>>, vector<16xf32>,
        %add3A_231 = arith.constant 2 : i32
        %add3A_232 = arith.addi %mul3A_205, %add3A_231 : i32
        %get3A_233 = arith.index_cast %add3A_232 : i32 to index
        %get3A_234 = arith.constant 0 : index
        %get3A_235 = tpu.vector_load %arg14[%get3A_233, %get3A_234] {strides = array<i32>} : memref<128x16xf32, #tpu.memory_space<vmem>>, vector<16xf32>,
        %slice3A_236 = vector.extract_strided_slice %get3A_203 {offsets = [2], sizes = [1], strides = [1]} : vector<16xf32> to vector<1xf32>
        %squeeze3A_237 = vector.extract %slice3A_236[0] : f32 from vector<1xf32>
        %mul3A_238 = vector.broadcast %squeeze3A_237 : f32 to vector<16xf32>
        %mul3A_239 = arith.mulf %get3A_235, %mul3A_238 : vector<16xf32>
        %add3A_240 = arith.constant 2 : i32
        %add3A_241 = arith.addi %mul3A_205, %add3A_240 : i32
        %swap3A_242 = arith.index_cast %add3A_241 : i32 to index
        %swap3A_243 = arith.constant 0 : index
        %swap3A_244 = tpu.vector_load %arg14[%swap3A_242, %swap3A_243] {strides = array<i32>} : memref<128x16xf32, #tpu.memory_space<vmem>>, vector<16xf32>,
        tpu.vector_store %arg14[%swap3A_242, %swap3A_243], %mul3A_239 {strides = array<i32>} : memref<128x16xf32, #tpu.memory_space<vmem>>, vector<16xf32>,
        %add3A_245 = arith.constant 3 : i32
        %add3A_246 = arith.addi %mul3A_205, %add3A_245 : i32
        %get3A_247 = arith.index_cast %add3A_246 : i32 to index
        %get3A_248 = arith.constant 0 : index
        %get3A_249 = tpu.vector_load %arg14[%get3A_247, %get3A_248] {strides = array<i32>} : memref<128x16xf32, #tpu.memory_space<vmem>>, vector<16xf32>,
        %slice3A_250 = vector.extract_strided_slice %get3A_203 {offsets = [3], sizes = [1], strides = [1]} : vector<16xf32> to vector<1xf32>
        %squeeze3A_251 = vector.extract %slice3A_250[0] : f32 from vector<1xf32>
        %mul3A_252 = vector.broadcast %squeeze3A_251 : f32 to vector<16xf32>
        %mul3A_253 = arith.mulf %get3A_249, %mul3A_252 : vector<16xf32>
        %add3A_254 = arith.constant 3 : i32
        %add3A_255 = arith.addi %mul3A_205, %add3A_254 : i32
        %swap3A_256 = arith.index_cast %add3A_255 : i32 to index
        %swap3A_257 = arith.constant 0 : index
        %swap3A_258 = tpu.vector_load %arg14[%swap3A_256, %swap3A_257] {strides = array<i32>} : memref<128x16xf32, #tpu.memory_space<vmem>>, vector<16xf32>,
        tpu.vector_store %arg14[%swap3A_256, %swap3A_257], %mul3A_253 {strides = array<i32>} : memref<128x16xf32, #tpu.memory_space<vmem>>, vector<16xf32>,
        %add3A_259 = arith.constant 4 : i32
        %add3A_260 = arith.addi %mul3A_205, %add3A_259 : i32
        %get3A_261 = arith.index_cast %add3A_260 : i32 to index
        %get3A_262 = arith.constant 0 : index
        %get3A_263 = tpu.vector_load %arg14[%get3A_261, %get3A_262] {strides = array<i32>} : memref<128x16xf32, #tpu.memory_space<vmem>>, vector<16xf32>,
        %slice3A_264 = vector.extract_strided_slice %get3A_203 {offsets = [4], sizes = [1], strides = [1]} : vector<16xf32> to vector<1xf32>
        %squeeze3A_265 = vector.extract %slice3A_264[0] : f32 from vector<1xf32>
        %mul3A_266 = vector.broadcast %squeeze3A_265 : f32 to vector<16xf32>
        %mul3A_267 = arith.mulf %get3A_263, %mul3A_266 : vector<16xf32>
        %add3A_268 = arith.constant 4 : i32
        %add3A_269 = arith.addi %mul3A_205, %add3A_268 : i32
        %swap3A_270 = arith.index_cast %add3A_269 : i32 to index
        %swap3A_271 = arith.constant 0 : index
        %swap3A_272 = tpu.vector_load %arg14[%swap3A_270, %swap3A_271] {strides = array<i32>} : memref<128x16xf32, #tpu.memory_space<vmem>>, vector<16xf32>,
        tpu.vector_store %arg14[%swap3A_270, %swap3A_271], %mul3A_267 {strides = array<i32>} : memref<128x16xf32, #tpu.memory_space<vmem>>, vector<16xf32>,
        %add3A_273 = arith.constant 5 : i32
        %add3A_274 = arith.addi %mul3A_205, %add3A_273 : i32
        %get3A_275 = arith.index_cast %add3A_274 : i32 to index
        %get3A_276 = arith.constant 0 : index
        %get3A_277 = tpu.vector_load %arg14[%get3A_275, %get3A_276] {strides = array<i32>} : memref<128x16xf32, #tpu.memory_space<vmem>>, vector<16xf32>,
        %slice3A_278 = vector.extract_strided_slice %get3A_203 {offsets = [5], sizes = [1], strides = [1]} : vector<16xf32> to vector<1xf32>
        %squeeze3A_279 = vector.extract %slice3A_278[0] : f32 from vector<1xf32>
        %mul3A_280 = vector.broadcast %squeeze3A_279 : f32 to vector<16xf32>
        %mul3A_281 = arith.mulf %get3A_277, %mul3A_280 : vector<16xf32>
        %add3A_282 = arith.constant 5 : i32
        %add3A_283 = arith.addi %mul3A_205, %add3A_282 : i32
        %swap3A_284 = arith.index_cast %add3A_283 : i32 to index
        %swap3A_285 = arith.constant 0 : index
        %swap3A_286 = tpu.vector_load %arg14[%swap3A_284, %swap3A_285] {strides = array<i32>} : memref<128x16xf32, #tpu.memory_space<vmem>>, vector<16xf32>,
        tpu.vector_store %arg14[%swap3A_284, %swap3A_285], %mul3A_281 {strides = array<i32>} : memref<128x16xf32, #tpu.memory_space<vmem>>, vector<16xf32>,
        %add3A_287 = arith.constant 6 : i32
        %add3A_288 = arith.addi %mul3A_205, %add3A_287 : i32
        %get3A_289 = arith.index_cast %add3A_288 : i32 to index
        %get3A_290 = arith.constant 0 : index
        %get3A_291 = tpu.vector_load %arg14[%get3A_289, %get3A_290] {strides = array<i32>} : memref<128x16xf32, #tpu.memory_space<vmem>>, vector<16xf32>,
        %slice3A_292 = vector.extract_strided_slice %get3A_203 {offsets = [6], sizes = [1], strides = [1]} : vector<16xf32> to vector<1xf32>
        %squeeze3A_293 = vector.extract %slice3A_292[0] : f32 from vector<1xf32>
        %mul3A_294 = vector.broadcast %squeeze3A_293 : f32 to vector<16xf32>
        %mul3A_295 = arith.mulf %get3A_291, %mul3A_294 : vector<16xf32>
        %add3A_296 = arith.constant 6 : i32
        %add3A_297 = arith.addi %mul3A_205, %add3A_296 : i32
        %swap3A_298 = arith.index_cast %add3A_297 : i32 to index
        %swap3A_299 = arith.constant 0 : index
        %swap3A_300 = tpu.vector_load %arg14[%swap3A_298, %swap3A_299] {strides = array<i32>} : memref<128x16xf32, #tpu.memory_space<vmem>>, vector<16xf32>,
        tpu.vector_store %arg14[%swap3A_298, %swap3A_299], %mul3A_295 {strides = array<i32>} : memref<128x16xf32, #tpu.memory_space<vmem>>, vector<16xf32>,
        %add3A_301 = arith.constant 7 : i32
        %add3A_302 = arith.addi %mul3A_205, %add3A_301 : i32
        %get3A_303 = arith.index_cast %add3A_302 : i32 to index
        %get3A_304 = arith.constant 0 : index
        %get3A_305 = tpu.vector_load %arg14[%get3A_303, %get3A_304] {strides = array<i32>} : memref<128x16xf32, #tpu.memory_space<vmem>>, vector<16xf32>,
        %slice3A_306 = vector.extract_strided_slice %get3A_203 {offsets = [7], sizes = [1], strides = [1]} : vector<16xf32> to vector<1xf32>
        %squeeze3A_307 = vector.extract %slice3A_306[0] : f32 from vector<1xf32>
        %mul3A_308 = vector.broadcast %squeeze3A_307 : f32 to vector<16xf32>
        %mul3A_309 = arith.mulf %get3A_305, %mul3A_308 : vector<16xf32>
        %add3A_310 = arith.constant 7 : i32
        %add3A_311 = arith.addi %mul3A_205, %add3A_310 : i32
        %swap3A_312 = arith.index_cast %add3A_311 : i32 to index
        %swap3A_313 = arith.constant 0 : index
        %swap3A_314 = tpu.vector_load %arg14[%swap3A_312, %swap3A_313] {strides = array<i32>} : memref<128x16xf32, #tpu.memory_space<vmem>>, vector<16xf32>,
        tpu.vector_store %arg14[%swap3A_312, %swap3A_313], %mul3A_309 {strides = array<i32>} : memref<128x16xf32, #tpu.memory_space<vmem>>, vector<16xf32>,
        %add3A_315 = arith.constant 8 : i32
        %add3A_316 = arith.addi %mul3A_205, %add3A_315 : i32
        %get3A_317 = arith.index_cast %add3A_316 : i32 to index
        %get3A_318 = arith.constant 0 : index
        %get3A_319 = tpu.vector_load %arg14[%get3A_317, %get3A_318] {strides = array<i32>} : memref<128x16xf32, #tpu.memory_space<vmem>>, vector<16xf32>,
        %slice3A_320 = vector.extract_strided_slice %get3A_203 {offsets = [8], sizes = [1], strides = [1]} : vector<16xf32> to vector<1xf32>
        %squeeze3A_321 = vector.extract %slice3A_320[0] : f32 from vector<1xf32>
        %mul3A_322 = vector.broadcast %squeeze3A_321 : f32 to vector<16xf32>
        %mul3A_323 = arith.mulf %get3A_319, %mul3A_322 : vector<16xf32>
        %add3A_324 = arith.constant 8 : i32
        %add3A_325 = arith.addi %mul3A_205, %add3A_324 : i32
        %swap3A_326 = arith.index_cast %add3A_325 : i32 to index
        %swap3A_327 = arith.constant 0 : index
        %swap3A_328 = tpu.vector_load %arg14[%swap3A_326, %swap3A_327] {strides = array<i32>} : memref<128x16xf32, #tpu.memory_space<vmem>>, vector<16xf32>,
        tpu.vector_store %arg14[%swap3A_326, %swap3A_327], %mul3A_323 {strides = array<i32>} : memref<128x16xf32, #tpu.memory_space<vmem>>, vector<16xf32>,
        %add3A_329 = arith.constant 9 : i32
        %add3A_330 = arith.addi %mul3A_205, %add3A_329 : i32
        %get3A_331 = arith.index_cast %add3A_330 : i32 to index
        %get3A_332 = arith.constant 0 : index
        %get3A_333 = tpu.vector_load %arg14[%get3A_331, %get3A_332] {strides = array<i32>} : memref<128x16xf32, #tpu.memory_space<vmem>>, vector<16xf32>,
        %slice3A_334 = vector.extract_strided_slice %get3A_203 {offsets = [9], sizes = [1], strides = [1]} : vector<16xf32> to vector<1xf32>
        %squeeze3A_335 = vector.extract %slice3A_334[0] : f32 from vector<1xf32>
        %mul3A_336 = vector.broadcast %squeeze3A_335 : f32 to vector<16xf32>
        %mul3A_337 = arith.mulf %get3A_333, %mul3A_336 : vector<16xf32>
        %add3A_338 = arith.constant 9 : i32
        %add3A_339 = arith.addi %mul3A_205, %add3A_338 : i32
        %swap3A_340 = arith.index_cast %add3A_339 : i32 to index
        %swap3A_341 = arith.constant 0 : index
        %swap3A_342 = tpu.vector_load %arg14[%swap3A_340, %swap3A_341] {strides = array<i32>} : memref<128x16xf32, #tpu.memory_space<vmem>>, vector<16xf32>,
        tpu.vector_store %arg14[%swap3A_340, %swap3A_341], %mul3A_337 {strides = array<i32>} : memref<128x16xf32, #tpu.memory_space<vmem>>, vector<16xf32>,
        %add3A_343 = arith.constant 10 : i32
        %add3A_344 = arith.addi %mul3A_205, %add3A_343 : i32
        %get3A_345 = arith.index_cast %add3A_344 : i32 to index
        %get3A_346 = arith.constant 0 : index
        %get3A_347 = tpu.vector_load %arg14[%get3A_345, %get3A_346] {strides = array<i32>} : memref<128x16xf32, #tpu.memory_space<vmem>>, vector<16xf32>,
        %slice3A_348 = vector.extract_strided_slice %get3A_203 {offsets = [10], sizes = [1], strides = [1]} : vector<16xf32> to vector<1xf32>
        %squeeze3A_349 = vector.extract %slice3A_348[0] : f32 from vector<1xf32>
        %mul3A_350 = vector.broadcast %squeeze3A_349 : f32 to vector<16xf32>
        %mul3A_351 = arith.mulf %get3A_347, %mul3A_350 : vector<16xf32>
        %add3A_352 = arith.constant 10 : i32
        %add3A_353 = arith.addi %mul3A_205, %add3A_352 : i32
        %swap3A_354 = arith.index_cast %add3A_353 : i32 to index
        %swap3A_355 = arith.constant 0 : index
        %swap3A_356 = tpu.vector_load %arg14[%swap3A_354, %swap3A_355] {strides = array<i32>} : memref<128x16xf32, #tpu.memory_space<vmem>>, vector<16xf32>,
        tpu.vector_store %arg14[%swap3A_354, %swap3A_355], %mul3A_351 {strides = array<i32>} : memref<128x16xf32, #tpu.memory_space<vmem>>, vector<16xf32>,
        %add3A_357 = arith.constant 11 : i32
        %add3A_358 = arith.addi %mul3A_205, %add3A_357 : i32
        %get3A_359 = arith.index_cast %add3A_358 : i32 to index
        %get3A_360 = arith.constant 0 : index
        %get3A_361 = tpu.vector_load %arg14[%get3A_359, %get3A_360] {strides = array<i32>} : memref<128x16xf32, #tpu.memory_space<vmem>>, vector<16xf32>,
        %slice3A_362 = vector.extract_strided_slice %get3A_203 {offsets = [11], sizes = [1], strides = [1]} : vector<16xf32> to vector<1xf32>
        %squeeze3A_363 = vector.extract %slice3A_362[0] : f32 from vector<1xf32>
        %mul3A_364 = vector.broadcast %squeeze3A_363 : f32 to vector<16xf32>
        %mul3A_365 = arith.mulf %get3A_361, %mul3A_364 : vector<16xf32>
        %add3A_366 = arith.constant 11 : i32
        %add3A_367 = arith.addi %mul3A_205, %add3A_366 : i32
        %swap3A_368 = arith.index_cast %add3A_367 : i32 to index
        %swap3A_369 = arith.constant 0 : index
        %swap3A_370 = tpu.vector_load %arg14[%swap3A_368, %swap3A_369] {strides = array<i32>} : memref<128x16xf32, #tpu.memory_space<vmem>>, vector<16xf32>,
        tpu.vector_store %arg14[%swap3A_368, %swap3A_369], %mul3A_365 {strides = array<i32>} : memref<128x16xf32, #tpu.memory_space<vmem>>, vector<16xf32>,
        %add3A_371 = arith.constant 12 : i32
        %add3A_372 = arith.addi %mul3A_205, %add3A_371 : i32
        %get3A_373 = arith.index_cast %add3A_372 : i32 to index
        %get3A_374 = arith.constant 0 : index
        %get3A_375 = tpu.vector_load %arg14[%get3A_373, %get3A_374] {strides = array<i32>} : memref<128x16xf32, #tpu.memory_space<vmem>>, vector<16xf32>,
        %slice3A_376 = vector.extract_strided_slice %get3A_203 {offsets = [12], sizes = [1], strides = [1]} : vector<16xf32> to vector<1xf32>
        %squeeze3A_377 = vector.extract %slice3A_376[0] : f32 from vector<1xf32>
        %mul3A_378 = vector.broadcast %squeeze3A_377 : f32 to vector<16xf32>
        %mul3A_379 = arith.mulf %get3A_375, %mul3A_378 : vector<16xf32>
        %add3A_380 = arith.constant 12 : i32
        %add3A_381 = arith.addi %mul3A_205, %add3A_380 : i32
        %swap3A_382 = arith.index_cast %add3A_381 : i32 to index
        %swap3A_383 = arith.constant 0 : index
        %swap3A_384 = tpu.vector_load %arg14[%swap3A_382, %swap3A_383] {strides = array<i32>} : memref<128x16xf32, #tpu.memory_space<vmem>>, vector<16xf32>,
        tpu.vector_store %arg14[%swap3A_382, %swap3A_383], %mul3A_379 {strides = array<i32>} : memref<128x16xf32, #tpu.memory_space<vmem>>, vector<16xf32>,
        %add3A_385 = arith.constant 13 : i32
        %add3A_386 = arith.addi %mul3A_205, %add3A_385 : i32
        %get3A_387 = arith.index_cast %add3A_386 : i32 to index
        %get3A_388 = arith.constant 0 : index
        %get3A_389 = tpu.vector_load %arg14[%get3A_387, %get3A_388] {strides = array<i32>} : memref<128x16xf32, #tpu.memory_space<vmem>>, vector<16xf32>,
        %slice3A_390 = vector.extract_strided_slice %get3A_203 {offsets = [13], sizes = [1], strides = [1]} : vector<16xf32> to vector<1xf32>
        %squeeze3A_391 = vector.extract %slice3A_390[0] : f32 from vector<1xf32>
        %mul3A_392 = vector.broadcast %squeeze3A_391 : f32 to vector<16xf32>
        %mul3A_393 = arith.mulf %get3A_389, %mul3A_392 : vector<16xf32>
        %add3A_394 = arith.constant 13 : i32
        %add3A_395 = arith.addi %mul3A_205, %add3A_394 : i32
        %swap3A_396 = arith.index_cast %add3A_395 : i32 to index
        %swap3A_397 = arith.constant 0 : index
        %swap3A_398 = tpu.vector_load %arg14[%swap3A_396, %swap3A_397] {strides = array<i32>} : memref<128x16xf32, #tpu.memory_space<vmem>>, vector<16xf32>,
        tpu.vector_store %arg14[%swap3A_396, %swap3A_397], %mul3A_393 {strides = array<i32>} : memref<128x16xf32, #tpu.memory_space<vmem>>, vector<16xf32>,
        %add3A_399 = arith.constant 14 : i32
        %add3A_400 = arith.addi %mul3A_205, %add3A_399 : i32
        %get3A_401 = arith.index_cast %add3A_400 : i32 to index
        %get3A_402 = arith.constant 0 : index
        %get3A_403 = tpu.vector_load %arg14[%get3A_401, %get3A_402] {strides = array<i32>} : memref<128x16xf32, #tpu.memory_space<vmem>>, vector<16xf32>,
        %slice3A_404 = vector.extract_strided_slice %get3A_203 {offsets = [14], sizes = [1], strides = [1]} : vector<16xf32> to vector<1xf32>
        %squeeze3A_405 = vector.extract %slice3A_404[0] : f32 from vector<1xf32>
        %mul3A_406 = vector.broadcast %squeeze3A_405 : f32 to vector<16xf32>
        %mul3A_407 = arith.mulf %get3A_403, %mul3A_406 : vector<16xf32>
        %add3A_408 = arith.constant 14 : i32
        %add3A_409 = arith.addi %mul3A_205, %add3A_408 : i32
        %swap3A_410 = arith.index_cast %add3A_409 : i32 to index
        %swap3A_411 = arith.constant 0 : index
        %swap3A_412 = tpu.vector_load %arg14[%swap3A_410, %swap3A_411] {strides = array<i32>} : memref<128x16xf32, #tpu.memory_space<vmem>>, vector<16xf32>,
        tpu.vector_store %arg14[%swap3A_410, %swap3A_411], %mul3A_407 {strides = array<i32>} : memref<128x16xf32, #tpu.memory_space<vmem>>, vector<16xf32>,
        %add3A_413 = arith.constant 15 : i32
        %add3A_414 = arith.addi %mul3A_205, %add3A_413 : i32
        %get3A_415 = arith.index_cast %add3A_414 : i32 to index
        %get3A_416 = arith.constant 0 : index
        %get3A_417 = tpu.vector_load %arg14[%get3A_415, %get3A_416] {strides = array<i32>} : memref<128x16xf32, #tpu.memory_space<vmem>>, vector<16xf32>,
        %slice3A_418 = vector.extract_strided_slice %get3A_203 {offsets = [15], sizes = [1], strides = [1]} : vector<16xf32> to vector<1xf32>
        %squeeze3A_419 = vector.extract %slice3A_418[0] : f32 from vector<1xf32>
        %mul3A_420 = vector.broadcast %squeeze3A_419 : f32 to vector<16xf32>
        %mul3A_421 = arith.mulf %get3A_417, %mul3A_420 : vector<16xf32>
        %add3A_422 = arith.constant 15 : i32
        %add3A_423 = arith.addi %mul3A_205, %add3A_422 : i32
        %swap3A_424 = arith.index_cast %add3A_423 : i32 to index
        %swap3A_425 = arith.constant 0 : index
        %swap3A_426 = tpu.vector_load %arg14[%swap3A_424, %swap3A_425] {strides = array<i32>} : memref<128x16xf32, #tpu.memory_space<vmem>>, vector<16xf32>,
        tpu.vector_store %arg14[%swap3A_424, %swap3A_425], %mul3A_421 {strides = array<i32>} : memref<128x16xf32, #tpu.memory_space<vmem>>, vector<16xf32>,
      }
      %scan3A_116 = arith.constant 8 : i32
      %dma_start3A_117 = arith.constant 0 : i32
      %dma_start3A_118 = tpu.memref_slice %arg9[%add3A_97, %dma_start3A_117] : memref<80x128xi32, #tpu.memory_space<vmem>> -> memref<1x128xi32, #tpu.memory_space<vmem>>
      %dma_start3A_119 = tpu.memref_squeeze %dma_start3A_118 : memref<1x128xi32, #tpu.memory_space<vmem>> -> memref<128xi32, #tpu.memory_space<vmem>>
      %dma_start3A_120 = arith.constant 0 : i32
      %dma_start3A_121 = arith.constant 0 : i32
      %dma_start3A_122 = tpu.memref_slice %arg18[%dma_start3A_120, %dma_start3A_121] : memref<10240x16xf32, #tpu.memory_space<vmem_shared>> -> memref<10240x16xf32, #tpu.memory_space<vmem_shared>>
      tpu.enqueue_indirect_dma source(%arg14 : memref<128x16xf32, #tpu.memory_space<vmem>>) target(%dma_start3A_122 : memref<10240x16xf32, #tpu.memory_space<vmem_shared>>) offsets(%dma_start3A_119 : memref<128xi32, #tpu.memory_space<vmem>>) semaphore(%arg24 : memref<!tpu.dma_semaphore, #tpu.memory_space<semaphore_mem>>) {add = true}
      %gt3A_123 = arith.constant 0 : i32
      %gt3A_124 = arith.cmpi sgt, %scan3A_56, %gt3A_123 : i32
      %convert_element_type3A_125 = arith.extui %gt3A_124 : i1 to i32
      %cond3A_126 = arith.constant 0 : i32
      %cond3A_127 = arith.cmpi ne, %convert_element_type3A_125, %cond3A_126 : i32
      scf.if %cond3A_127 {
        %dma_wait3A_199 = arith.constant 0 : i32
        %dma_wait3A_200 = arith.constant 0 : i32
        %dma_wait3A_201 = tpu.memref_slice %arg9[%dma_wait3A_199, %dma_wait3A_200] : memref<80x128xi32, #tpu.memory_space<vmem>> -> memref<1x128xi32, #tpu.memory_space<vmem>>
        %dma_wait3A_202 = tpu.memref_squeeze %dma_wait3A_201 : memref<1x128xi32, #tpu.memory_space<vmem>> -> memref<128xi32, #tpu.memory_space<vmem>>
        %dma_wait3A_203 = arith.constant 0 : i32
        %dma_wait3A_204 = arith.constant 0 : i32
        %dma_wait3A_205 = tpu.memref_slice %arg18[%dma_wait3A_203, %dma_wait3A_204] : memref<10240x16xf32, #tpu.memory_space<vmem_shared>> -> memref<10240x16xf32, #tpu.memory_space<vmem_shared>>
        tpu.wait_indirect_dma semaphore(%arg26 : memref<!tpu.dma_semaphore, #tpu.memory_space<semaphore_mem>>) src(%arg16 : memref<128x16xf32, #tpu.memory_space<vmem>>) dst(%dma_wait3A_205 : memref<10240x16xf32, #tpu.memory_space<vmem_shared>>)
      } else {
      }
      %add3A_128 = arith.constant 2 : i32
      %add3A_129 = arith.addi %add3A_97, %add3A_128 : i32
      %dma_start3A_130 = arith.constant 0 : i32
      %dma_start3A_131 = tpu.memref_slice %arg8[%add3A_129, %dma_start3A_130] : memref<80x128xi32, #tpu.memory_space<vmem>> -> memref<1x128xi32, #tpu.memory_space<vmem>>
      %dma_start3A_132 = tpu.memref_squeeze %dma_start3A_131 : memref<1x128xi32, #tpu.memory_space<vmem>> -> memref<128xi32, #tpu.memory_space<vmem>>
      %dma_start3A_133 = arith.constant 0 : i32
      %dma_start3A_134 = arith.constant 0 : i32
      %dma_start3A_135 = tpu.memref_slice %arg6[%dma_start3A_133, %dma_start3A_134] : memref<10000x16xf32, #tpu.memory_space<hbm>> -> memref<10000x16xf32, #tpu.memory_space<hbm>>
      tpu.enqueue_indirect_dma source(%dma_start3A_135 : memref<10000x16xf32, #tpu.memory_space<hbm>>) target(%arg16 : memref<128x16xf32, #tpu.memory_space<vmem>>) offsets(%dma_start3A_132 : memref<128xi32, #tpu.memory_space<vmem>>) semaphore(%arg22 : memref<!tpu.dma_semaphore, #tpu.memory_space<semaphore_mem>>)
      %add3A_136 = arith.constant 2 : i32
      %add3A_137 = arith.addi %mul3A_58, %add3A_136 : i32
      %scan3A_138 = arith.constant 0 : i32
      %scan3A_139 = arith.constant 0 : i32
      %scan3A_140 = arith.constant 8 : i32
      %scan3A_141 = arith.addi %scan3A_139, %scan3A_140 : i32
      %scan3A_142 = arith.constant 1 : i32
      scf.for %scan3A_199 = %scan3A_139 to %scan3A_141 step %scan3A_142  : i32 {
        %mul3A_200 = arith.constant 16 : i32
        %mul3A_201 = arith.muli %scan3A_199, %mul3A_200 : i32
        %get3A = arith.index_cast %add3A_137 : i32 to index
        %get3A_202 = arith.index_cast %mul3A_201 : i32 to index
        %get3A_203 = tpu.vector_load %arg8[%get3A, %get3A_202] {strides = array<i32>} : memref<80x128xi32, #tpu.memory_space<vmem>>, vector<16xi32>,
        %mul3A_204 = arith.constant 16 : i32
        %mul3A_205 = arith.muli %scan3A_199, %mul3A_204 : i32
        %get3A_206 = arith.index_cast %add3A_137 : i32 to index
        %get3A_207 = arith.index_cast %mul3A_205 : i32 to index
        %get3A_208 = tpu.vector_load %arg9[%get3A_206, %get3A_207] {strides = array<i32>} : memref<80x128xi32, #tpu.memory_space<vmem>>, vector<16xi32>,
        %gather3A = tpu.vector_load_idx %arg10[%get3A_203] : memref<10240xf32, #tpu.memory_space<vmem>>[vector<16xi32>], vector<16xf32>,
        %gather3A_209 = tpu.vector_load_idx %arg11[%get3A_208] : memref<10240xf32, #tpu.memory_space<vmem>>[vector<16xi32>], vector<16xf32>,
        %add3A_210 = arith.addf %gather3A, %gather3A_209 : vector<16xf32>
        %ge3A = arith.constant 0.000000e+00 : f32
        %ge3A_211 = vector.broadcast %ge3A : f32 to vector<16xf32>
        %ge3A_212 = arith.cmpf oge, %add3A_210, %ge3A_211 : vector<16xf32>
        %mul3A_213 = arith.constant 2.000000e-01 : f32
        %mul3A_214 = vector.broadcast %mul3A_213 : f32 to vector<16xf32>
        %mul3A_215 = arith.mulf %mul3A_214, %add3A_210 : vector<16xf32>
        %select_n3A = arith.select %ge3A_212, %add3A_210, %mul3A_215 : vector<16xi1>, vector<16xf32>
        %exp3A = math.exp %select_n3A : vector<16xf32>
        %mul3A_216 = arith.constant 16 : i32
        %mul3A_217 = arith.muli %scan3A_199, %mul3A_216 : i32
        %swap3A = arith.index_cast %add3A_137 : i32 to index
        %swap3A_218 = arith.index_cast %mul3A_217 : i32 to index
        %swap3A_219 = tpu.vector_load %arg12[%swap3A, %swap3A_218] {strides = array<i32>} : memref<80x128xf32, #tpu.memory_space<vmem>>, vector<16xf32>,
        tpu.vector_store %arg12[%swap3A, %swap3A_218], %exp3A {strides = array<i32>} : memref<80x128xf32, #tpu.memory_space<vmem>>, vector<16xf32>,
      }
      %scan3A_143 = arith.constant 8 : i32
      %dma_wait3A_144 = arith.constant 0 : i32
      %dma_wait3A_145 = arith.constant 0 : i32
      %dma_wait3A_146 = tpu.memref_slice %arg8[%dma_wait3A_144, %dma_wait3A_145] : memref<80x128xi32, #tpu.memory_space<vmem>> -> memref<1x128xi32, #tpu.memory_space<vmem>>
      %dma_wait3A_147 = tpu.memref_squeeze %dma_wait3A_146 : memref<1x128xi32, #tpu.memory_space<vmem>> -> memref<128xi32, #tpu.memory_space<vmem>>
      %dma_wait3A_148 = arith.constant 0 : i32
      %dma_wait3A_149 = arith.constant 0 : i32
      %dma_wait3A_150 = tpu.memref_slice %arg6[%dma_wait3A_148, %dma_wait3A_149] : memref<10000x16xf32, #tpu.memory_space<hbm>> -> memref<10000x16xf32, #tpu.memory_space<hbm>>
      tpu.wait_indirect_dma semaphore(%arg21 : memref<!tpu.dma_semaphore, #tpu.memory_space<semaphore_mem>>) src(%dma_wait3A_150 : memref<10000x16xf32, #tpu.memory_space<hbm>>) dst(%arg15 : memref<128x16xf32, #tpu.memory_space<vmem>>)
      %scan3A_151 = arith.constant 0 : i32
      %scan3A_152 = arith.constant 0 : i32
      %scan3A_153 = arith.constant 8 : i32
      %scan3A_154 = arith.addi %scan3A_152, %scan3A_153 : i32
      %scan3A_155 = arith.constant 1 : i32
      scf.for %scan3A_199 = %scan3A_152 to %scan3A_154 step %scan3A_155  : i32 {
        %mul3A_200 = arith.constant 16 : i32
        %mul3A_201 = arith.muli %scan3A_199, %mul3A_200 : i32
        %get3A = arith.index_cast %add3A_137 : i32 to index
        %get3A_202 = arith.index_cast %mul3A_201 : i32 to index
        %get3A_203 = tpu.vector_load %arg12[%get3A, %get3A_202] {strides = array<i32>} : memref<80x128xf32, #tpu.memory_space<vmem>>, vector<16xf32>,
        %mul3A_204 = arith.constant 16 : i32
        %mul3A_205 = arith.muli %scan3A_199, %mul3A_204 : i32
        %add3A_206 = arith.constant 0 : i32
        %add3A_207 = arith.addi %mul3A_205, %add3A_206 : i32
        %get3A_208 = arith.index_cast %add3A_207 : i32 to index
        %get3A_209 = arith.constant 0 : index
        %get3A_210 = tpu.vector_load %arg15[%get3A_208, %get3A_209] {strides = array<i32>} : memref<128x16xf32, #tpu.memory_space<vmem>>, vector<16xf32>,
        %slice3A = vector.extract_strided_slice %get3A_203 {offsets = [0], sizes = [1], strides = [1]} : vector<16xf32> to vector<1xf32>
        %squeeze3A = vector.extract %slice3A[0] : f32 from vector<1xf32>
        %mul3A_211 = vector.broadcast %squeeze3A : f32 to vector<16xf32>
        %mul3A_212 = arith.mulf %get3A_210, %mul3A_211 : vector<16xf32>
        %add3A_213 = arith.constant 0 : i32
        %add3A_214 = arith.addi %mul3A_205, %add3A_213 : i32
        %swap3A = arith.index_cast %add3A_214 : i32 to index
        %swap3A_215 = arith.constant 0 : index
        %swap3A_216 = tpu.vector_load %arg15[%swap3A, %swap3A_215] {strides = array<i32>} : memref<128x16xf32, #tpu.memory_space<vmem>>, vector<16xf32>,
        tpu.vector_store %arg15[%swap3A, %swap3A_215], %mul3A_212 {strides = array<i32>} : memref<128x16xf32, #tpu.memory_space<vmem>>, vector<16xf32>,
        %add3A_217 = arith.constant 1 : i32
        %add3A_218 = arith.addi %mul3A_205, %add3A_217 : i32
        %get3A_219 = arith.index_cast %add3A_218 : i32 to index
        %get3A_220 = arith.constant 0 : index
        %get3A_221 = tpu.vector_load %arg15[%get3A_219, %get3A_220] {strides = array<i32>} : memref<128x16xf32, #tpu.memory_space<vmem>>, vector<16xf32>,
        %slice3A_222 = vector.extract_strided_slice %get3A_203 {offsets = [1], sizes = [1], strides = [1]} : vector<16xf32> to vector<1xf32>
        %squeeze3A_223 = vector.extract %slice3A_222[0] : f32 from vector<1xf32>
        %mul3A_224 = vector.broadcast %squeeze3A_223 : f32 to vector<16xf32>
        %mul3A_225 = arith.mulf %get3A_221, %mul3A_224 : vector<16xf32>
        %add3A_226 = arith.constant 1 : i32
        %add3A_227 = arith.addi %mul3A_205, %add3A_226 : i32
        %swap3A_228 = arith.index_cast %add3A_227 : i32 to index
        %swap3A_229 = arith.constant 0 : index
        %swap3A_230 = tpu.vector_load %arg15[%swap3A_228, %swap3A_229] {strides = array<i32>} : memref<128x16xf32, #tpu.memory_space<vmem>>, vector<16xf32>,
        tpu.vector_store %arg15[%swap3A_228, %swap3A_229], %mul3A_225 {strides = array<i32>} : memref<128x16xf32, #tpu.memory_space<vmem>>, vector<16xf32>,
        %add3A_231 = arith.constant 2 : i32
        %add3A_232 = arith.addi %mul3A_205, %add3A_231 : i32
        %get3A_233 = arith.index_cast %add3A_232 : i32 to index
        %get3A_234 = arith.constant 0 : index
        %get3A_235 = tpu.vector_load %arg15[%get3A_233, %get3A_234] {strides = array<i32>} : memref<128x16xf32, #tpu.memory_space<vmem>>, vector<16xf32>,
        %slice3A_236 = vector.extract_strided_slice %get3A_203 {offsets = [2], sizes = [1], strides = [1]} : vector<16xf32> to vector<1xf32>
        %squeeze3A_237 = vector.extract %slice3A_236[0] : f32 from vector<1xf32>
        %mul3A_238 = vector.broadcast %squeeze3A_237 : f32 to vector<16xf32>
        %mul3A_239 = arith.mulf %get3A_235, %mul3A_238 : vector<16xf32>
        %add3A_240 = arith.constant 2 : i32
        %add3A_241 = arith.addi %mul3A_205, %add3A_240 : i32
        %swap3A_242 = arith.index_cast %add3A_241 : i32 to index
        %swap3A_243 = arith.constant 0 : index
        %swap3A_244 = tpu.vector_load %arg15[%swap3A_242, %swap3A_243] {strides = array<i32>} : memref<128x16xf32, #tpu.memory_space<vmem>>, vector<16xf32>,
        tpu.vector_store %arg15[%swap3A_242, %swap3A_243], %mul3A_239 {strides = array<i32>} : memref<128x16xf32, #tpu.memory_space<vmem>>, vector<16xf32>,
        %add3A_245 = arith.constant 3 : i32
        %add3A_246 = arith.addi %mul3A_205, %add3A_245 : i32
        %get3A_247 = arith.index_cast %add3A_246 : i32 to index
        %get3A_248 = arith.constant 0 : index
        %get3A_249 = tpu.vector_load %arg15[%get3A_247, %get3A_248] {strides = array<i32>} : memref<128x16xf32, #tpu.memory_space<vmem>>, vector<16xf32>,
        %slice3A_250 = vector.extract_strided_slice %get3A_203 {offsets = [3], sizes = [1], strides = [1]} : vector<16xf32> to vector<1xf32>
        %squeeze3A_251 = vector.extract %slice3A_250[0] : f32 from vector<1xf32>
        %mul3A_252 = vector.broadcast %squeeze3A_251 : f32 to vector<16xf32>
        %mul3A_253 = arith.mulf %get3A_249, %mul3A_252 : vector<16xf32>
        %add3A_254 = arith.constant 3 : i32
        %add3A_255 = arith.addi %mul3A_205, %add3A_254 : i32
        %swap3A_256 = arith.index_cast %add3A_255 : i32 to index
        %swap3A_257 = arith.constant 0 : index
        %swap3A_258 = tpu.vector_load %arg15[%swap3A_256, %swap3A_257] {strides = array<i32>} : memref<128x16xf32, #tpu.memory_space<vmem>>, vector<16xf32>,
        tpu.vector_store %arg15[%swap3A_256, %swap3A_257], %mul3A_253 {strides = array<i32>} : memref<128x16xf32, #tpu.memory_space<vmem>>, vector<16xf32>,
        %add3A_259 = arith.constant 4 : i32
        %add3A_260 = arith.addi %mul3A_205, %add3A_259 : i32
        %get3A_261 = arith.index_cast %add3A_260 : i32 to index
        %get3A_262 = arith.constant 0 : index
        %get3A_263 = tpu.vector_load %arg15[%get3A_261, %get3A_262] {strides = array<i32>} : memref<128x16xf32, #tpu.memory_space<vmem>>, vector<16xf32>,
        %slice3A_264 = vector.extract_strided_slice %get3A_203 {offsets = [4], sizes = [1], strides = [1]} : vector<16xf32> to vector<1xf32>
        %squeeze3A_265 = vector.extract %slice3A_264[0] : f32 from vector<1xf32>
        %mul3A_266 = vector.broadcast %squeeze3A_265 : f32 to vector<16xf32>
        %mul3A_267 = arith.mulf %get3A_263, %mul3A_266 : vector<16xf32>
        %add3A_268 = arith.constant 4 : i32
        %add3A_269 = arith.addi %mul3A_205, %add3A_268 : i32
        %swap3A_270 = arith.index_cast %add3A_269 : i32 to index
        %swap3A_271 = arith.constant 0 : index
        %swap3A_272 = tpu.vector_load %arg15[%swap3A_270, %swap3A_271] {strides = array<i32>} : memref<128x16xf32, #tpu.memory_space<vmem>>, vector<16xf32>,
        tpu.vector_store %arg15[%swap3A_270, %swap3A_271], %mul3A_267 {strides = array<i32>} : memref<128x16xf32, #tpu.memory_space<vmem>>, vector<16xf32>,
        %add3A_273 = arith.constant 5 : i32
        %add3A_274 = arith.addi %mul3A_205, %add3A_273 : i32
        %get3A_275 = arith.index_cast %add3A_274 : i32 to index
        %get3A_276 = arith.constant 0 : index
        %get3A_277 = tpu.vector_load %arg15[%get3A_275, %get3A_276] {strides = array<i32>} : memref<128x16xf32, #tpu.memory_space<vmem>>, vector<16xf32>,
        %slice3A_278 = vector.extract_strided_slice %get3A_203 {offsets = [5], sizes = [1], strides = [1]} : vector<16xf32> to vector<1xf32>
        %squeeze3A_279 = vector.extract %slice3A_278[0] : f32 from vector<1xf32>
        %mul3A_280 = vector.broadcast %squeeze3A_279 : f32 to vector<16xf32>
        %mul3A_281 = arith.mulf %get3A_277, %mul3A_280 : vector<16xf32>
        %add3A_282 = arith.constant 5 : i32
        %add3A_283 = arith.addi %mul3A_205, %add3A_282 : i32
        %swap3A_284 = arith.index_cast %add3A_283 : i32 to index
        %swap3A_285 = arith.constant 0 : index
        %swap3A_286 = tpu.vector_load %arg15[%swap3A_284, %swap3A_285] {strides = array<i32>} : memref<128x16xf32, #tpu.memory_space<vmem>>, vector<16xf32>,
        tpu.vector_store %arg15[%swap3A_284, %swap3A_285], %mul3A_281 {strides = array<i32>} : memref<128x16xf32, #tpu.memory_space<vmem>>, vector<16xf32>,
        %add3A_287 = arith.constant 6 : i32
        %add3A_288 = arith.addi %mul3A_205, %add3A_287 : i32
        %get3A_289 = arith.index_cast %add3A_288 : i32 to index
        %get3A_290 = arith.constant 0 : index
        %get3A_291 = tpu.vector_load %arg15[%get3A_289, %get3A_290] {strides = array<i32>} : memref<128x16xf32, #tpu.memory_space<vmem>>, vector<16xf32>,
        %slice3A_292 = vector.extract_strided_slice %get3A_203 {offsets = [6], sizes = [1], strides = [1]} : vector<16xf32> to vector<1xf32>
        %squeeze3A_293 = vector.extract %slice3A_292[0] : f32 from vector<1xf32>
        %mul3A_294 = vector.broadcast %squeeze3A_293 : f32 to vector<16xf32>
        %mul3A_295 = arith.mulf %get3A_291, %mul3A_294 : vector<16xf32>
        %add3A_296 = arith.constant 6 : i32
        %add3A_297 = arith.addi %mul3A_205, %add3A_296 : i32
        %swap3A_298 = arith.index_cast %add3A_297 : i32 to index
        %swap3A_299 = arith.constant 0 : index
        %swap3A_300 = tpu.vector_load %arg15[%swap3A_298, %swap3A_299] {strides = array<i32>} : memref<128x16xf32, #tpu.memory_space<vmem>>, vector<16xf32>,
        tpu.vector_store %arg15[%swap3A_298, %swap3A_299], %mul3A_295 {strides = array<i32>} : memref<128x16xf32, #tpu.memory_space<vmem>>, vector<16xf32>,
        %add3A_301 = arith.constant 7 : i32
        %add3A_302 = arith.addi %mul3A_205, %add3A_301 : i32
        %get3A_303 = arith.index_cast %add3A_302 : i32 to index
        %get3A_304 = arith.constant 0 : index
        %get3A_305 = tpu.vector_load %arg15[%get3A_303, %get3A_304] {strides = array<i32>} : memref<128x16xf32, #tpu.memory_space<vmem>>, vector<16xf32>,
        %slice3A_306 = vector.extract_strided_slice %get3A_203 {offsets = [7], sizes = [1], strides = [1]} : vector<16xf32> to vector<1xf32>
        %squeeze3A_307 = vector.extract %slice3A_306[0] : f32 from vector<1xf32>
        %mul3A_308 = vector.broadcast %squeeze3A_307 : f32 to vector<16xf32>
        %mul3A_309 = arith.mulf %get3A_305, %mul3A_308 : vector<16xf32>
        %add3A_310 = arith.constant 7 : i32
        %add3A_311 = arith.addi %mul3A_205, %add3A_310 : i32
        %swap3A_312 = arith.index_cast %add3A_311 : i32 to index
        %swap3A_313 = arith.constant 0 : index
        %swap3A_314 = tpu.vector_load %arg15[%swap3A_312, %swap3A_313] {strides = array<i32>} : memref<128x16xf32, #tpu.memory_space<vmem>>, vector<16xf32>,
        tpu.vector_store %arg15[%swap3A_312, %swap3A_313], %mul3A_309 {strides = array<i32>} : memref<128x16xf32, #tpu.memory_space<vmem>>, vector<16xf32>,
        %add3A_315 = arith.constant 8 : i32
        %add3A_316 = arith.addi %mul3A_205, %add3A_315 : i32
        %get3A_317 = arith.index_cast %add3A_316 : i32 to index
        %get3A_318 = arith.constant 0 : index
        %get3A_319 = tpu.vector_load %arg15[%get3A_317, %get3A_318] {strides = array<i32>} : memref<128x16xf32, #tpu.memory_space<vmem>>, vector<16xf32>,
        %slice3A_320 = vector.extract_strided_slice %get3A_203 {offsets = [8], sizes = [1], strides = [1]} : vector<16xf32> to vector<1xf32>
        %squeeze3A_321 = vector.extract %slice3A_320[0] : f32 from vector<1xf32>
        %mul3A_322 = vector.broadcast %squeeze3A_321 : f32 to vector<16xf32>
        %mul3A_323 = arith.mulf %get3A_319, %mul3A_322 : vector<16xf32>
        %add3A_324 = arith.constant 8 : i32
        %add3A_325 = arith.addi %mul3A_205, %add3A_324 : i32
        %swap3A_326 = arith.index_cast %add3A_325 : i32 to index
        %swap3A_327 = arith.constant 0 : index
        %swap3A_328 = tpu.vector_load %arg15[%swap3A_326, %swap3A_327] {strides = array<i32>} : memref<128x16xf32, #tpu.memory_space<vmem>>, vector<16xf32>,
        tpu.vector_store %arg15[%swap3A_326, %swap3A_327], %mul3A_323 {strides = array<i32>} : memref<128x16xf32, #tpu.memory_space<vmem>>, vector<16xf32>,
        %add3A_329 = arith.constant 9 : i32
        %add3A_330 = arith.addi %mul3A_205, %add3A_329 : i32
        %get3A_331 = arith.index_cast %add3A_330 : i32 to index
        %get3A_332 = arith.constant 0 : index
        %get3A_333 = tpu.vector_load %arg15[%get3A_331, %get3A_332] {strides = array<i32>} : memref<128x16xf32, #tpu.memory_space<vmem>>, vector<16xf32>,
        %slice3A_334 = vector.extract_strided_slice %get3A_203 {offsets = [9], sizes = [1], strides = [1]} : vector<16xf32> to vector<1xf32>
        %squeeze3A_335 = vector.extract %slice3A_334[0] : f32 from vector<1xf32>
        %mul3A_336 = vector.broadcast %squeeze3A_335 : f32 to vector<16xf32>
        %mul3A_337 = arith.mulf %get3A_333, %mul3A_336 : vector<16xf32>
        %add3A_338 = arith.constant 9 : i32
        %add3A_339 = arith.addi %mul3A_205, %add3A_338 : i32
        %swap3A_340 = arith.index_cast %add3A_339 : i32 to index
        %swap3A_341 = arith.constant 0 : index
        %swap3A_342 = tpu.vector_load %arg15[%swap3A_340, %swap3A_341] {strides = array<i32>} : memref<128x16xf32, #tpu.memory_space<vmem>>, vector<16xf32>,
        tpu.vector_store %arg15[%swap3A_340, %swap3A_341], %mul3A_337 {strides = array<i32>} : memref<128x16xf32, #tpu.memory_space<vmem>>, vector<16xf32>,
        %add3A_343 = arith.constant 10 : i32
        %add3A_344 = arith.addi %mul3A_205, %add3A_343 : i32
        %get3A_345 = arith.index_cast %add3A_344 : i32 to index
        %get3A_346 = arith.constant 0 : index
        %get3A_347 = tpu.vector_load %arg15[%get3A_345, %get3A_346] {strides = array<i32>} : memref<128x16xf32, #tpu.memory_space<vmem>>, vector<16xf32>,
        %slice3A_348 = vector.extract_strided_slice %get3A_203 {offsets = [10], sizes = [1], strides = [1]} : vector<16xf32> to vector<1xf32>
        %squeeze3A_349 = vector.extract %slice3A_348[0] : f32 from vector<1xf32>
        %mul3A_350 = vector.broadcast %squeeze3A_349 : f32 to vector<16xf32>
        %mul3A_351 = arith.mulf %get3A_347, %mul3A_350 : vector<16xf32>
        %add3A_352 = arith.constant 10 : i32
        %add3A_353 = arith.addi %mul3A_205, %add3A_352 : i32
        %swap3A_354 = arith.index_cast %add3A_353 : i32 to index
        %swap3A_355 = arith.constant 0 : index
        %swap3A_356 = tpu.vector_load %arg15[%swap3A_354, %swap3A_355] {strides = array<i32>} : memref<128x16xf32, #tpu.memory_space<vmem>>, vector<16xf32>,
        tpu.vector_store %arg15[%swap3A_354, %swap3A_355], %mul3A_351 {strides = array<i32>} : memref<128x16xf32, #tpu.memory_space<vmem>>, vector<16xf32>,
        %add3A_357 = arith.constant 11 : i32
        %add3A_358 = arith.addi %mul3A_205, %add3A_357 : i32
        %get3A_359 = arith.index_cast %add3A_358 : i32 to index
        %get3A_360 = arith.constant 0 : index
        %get3A_361 = tpu.vector_load %arg15[%get3A_359, %get3A_360] {strides = array<i32>} : memref<128x16xf32, #tpu.memory_space<vmem>>, vector<16xf32>,
        %slice3A_362 = vector.extract_strided_slice %get3A_203 {offsets = [11], sizes = [1], strides = [1]} : vector<16xf32> to vector<1xf32>
        %squeeze3A_363 = vector.extract %slice3A_362[0] : f32 from vector<1xf32>
        %mul3A_364 = vector.broadcast %squeeze3A_363 : f32 to vector<16xf32>
        %mul3A_365 = arith.mulf %get3A_361, %mul3A_364 : vector<16xf32>
        %add3A_366 = arith.constant 11 : i32
        %add3A_367 = arith.addi %mul3A_205, %add3A_366 : i32
        %swap3A_368 = arith.index_cast %add3A_367 : i32 to index
        %swap3A_369 = arith.constant 0 : index
        %swap3A_370 = tpu.vector_load %arg15[%swap3A_368, %swap3A_369] {strides = array<i32>} : memref<128x16xf32, #tpu.memory_space<vmem>>, vector<16xf32>,
        tpu.vector_store %arg15[%swap3A_368, %swap3A_369], %mul3A_365 {strides = array<i32>} : memref<128x16xf32, #tpu.memory_space<vmem>>, vector<16xf32>,
        %add3A_371 = arith.constant 12 : i32
        %add3A_372 = arith.addi %mul3A_205, %add3A_371 : i32
        %get3A_373 = arith.index_cast %add3A_372 : i32 to index
        %get3A_374 = arith.constant 0 : index
        %get3A_375 = tpu.vector_load %arg15[%get3A_373, %get3A_374] {strides = array<i32>} : memref<128x16xf32, #tpu.memory_space<vmem>>, vector<16xf32>,
        %slice3A_376 = vector.extract_strided_slice %get3A_203 {offsets = [12], sizes = [1], strides = [1]} : vector<16xf32> to vector<1xf32>
        %squeeze3A_377 = vector.extract %slice3A_376[0] : f32 from vector<1xf32>
        %mul3A_378 = vector.broadcast %squeeze3A_377 : f32 to vector<16xf32>
        %mul3A_379 = arith.mulf %get3A_375, %mul3A_378 : vector<16xf32>
        %add3A_380 = arith.constant 12 : i32
        %add3A_381 = arith.addi %mul3A_205, %add3A_380 : i32
        %swap3A_382 = arith.index_cast %add3A_381 : i32 to index
        %swap3A_383 = arith.constant 0 : index
        %swap3A_384 = tpu.vector_load %arg15[%swap3A_382, %swap3A_383] {strides = array<i32>} : memref<128x16xf32, #tpu.memory_space<vmem>>, vector<16xf32>,
        tpu.vector_store %arg15[%swap3A_382, %swap3A_383], %mul3A_379 {strides = array<i32>} : memref<128x16xf32, #tpu.memory_space<vmem>>, vector<16xf32>,
        %add3A_385 = arith.constant 13 : i32
        %add3A_386 = arith.addi %mul3A_205, %add3A_385 : i32
        %get3A_387 = arith.index_cast %add3A_386 : i32 to index
        %get3A_388 = arith.constant 0 : index
        %get3A_389 = tpu.vector_load %arg15[%get3A_387, %get3A_388] {strides = array<i32>} : memref<128x16xf32, #tpu.memory_space<vmem>>, vector<16xf32>,
        %slice3A_390 = vector.extract_strided_slice %get3A_203 {offsets = [13], sizes = [1], strides = [1]} : vector<16xf32> to vector<1xf32>
        %squeeze3A_391 = vector.extract %slice3A_390[0] : f32 from vector<1xf32>
        %mul3A_392 = vector.broadcast %squeeze3A_391 : f32 to vector<16xf32>
        %mul3A_393 = arith.mulf %get3A_389, %mul3A_392 : vector<16xf32>
        %add3A_394 = arith.constant 13 : i32
        %add3A_395 = arith.addi %mul3A_205, %add3A_394 : i32
        %swap3A_396 = arith.index_cast %add3A_395 : i32 to index
        %swap3A_397 = arith.constant 0 : index
        %swap3A_398 = tpu.vector_load %arg15[%swap3A_396, %swap3A_397] {strides = array<i32>} : memref<128x16xf32, #tpu.memory_space<vmem>>, vector<16xf32>,
        tpu.vector_store %arg15[%swap3A_396, %swap3A_397], %mul3A_393 {strides = array<i32>} : memref<128x16xf32, #tpu.memory_space<vmem>>, vector<16xf32>,
        %add3A_399 = arith.constant 14 : i32
        %add3A_400 = arith.addi %mul3A_205, %add3A_399 : i32
        %get3A_401 = arith.index_cast %add3A_400 : i32 to index
        %get3A_402 = arith.constant 0 : index
        %get3A_403 = tpu.vector_load %arg15[%get3A_401, %get3A_402] {strides = array<i32>} : memref<128x16xf32, #tpu.memory_space<vmem>>, vector<16xf32>,
        %slice3A_404 = vector.extract_strided_slice %get3A_203 {offsets = [14], sizes = [1], strides = [1]} : vector<16xf32> to vector<1xf32>
        %squeeze3A_405 = vector.extract %slice3A_404[0] : f32 from vector<1xf32>
        %mul3A_406 = vector.broadcast %squeeze3A_405 : f32 to vector<16xf32>
        %mul3A_407 = arith.mulf %get3A_403, %mul3A_406 : vector<16xf32>
        %add3A_408 = arith.constant 14 : i32
        %add3A_409 = arith.addi %mul3A_205, %add3A_408 : i32
        %swap3A_410 = arith.index_cast %add3A_409 : i32 to index
        %swap3A_411 = arith.constant 0 : index
        %swap3A_412 = tpu.vector_load %arg15[%swap3A_410, %swap3A_411] {strides = array<i32>} : memref<128x16xf32, #tpu.memory_space<vmem>>, vector<16xf32>,
        tpu.vector_store %arg15[%swap3A_410, %swap3A_411], %mul3A_407 {strides = array<i32>} : memref<128x16xf32, #tpu.memory_space<vmem>>, vector<16xf32>,
        %add3A_413 = arith.constant 15 : i32
        %add3A_414 = arith.addi %mul3A_205, %add3A_413 : i32
        %get3A_415 = arith.index_cast %add3A_414 : i32 to index
        %get3A_416 = arith.constant 0 : index
        %get3A_417 = tpu.vector_load %arg15[%get3A_415, %get3A_416] {strides = array<i32>} : memref<128x16xf32, #tpu.memory_space<vmem>>, vector<16xf32>,
        %slice3A_418 = vector.extract_strided_slice %get3A_203 {offsets = [15], sizes = [1], strides = [1]} : vector<16xf32> to vector<1xf32>
        %squeeze3A_419 = vector.extract %slice3A_418[0] : f32 from vector<1xf32>
        %mul3A_420 = vector.broadcast %squeeze3A_419 : f32 to vector<16xf32>
        %mul3A_421 = arith.mulf %get3A_417, %mul3A_420 : vector<16xf32>
        %add3A_422 = arith.constant 15 : i32
        %add3A_423 = arith.addi %mul3A_205, %add3A_422 : i32
        %swap3A_424 = arith.index_cast %add3A_423 : i32 to index
        %swap3A_425 = arith.constant 0 : index
        %swap3A_426 = tpu.vector_load %arg15[%swap3A_424, %swap3A_425] {strides = array<i32>} : memref<128x16xf32, #tpu.memory_space<vmem>>, vector<16xf32>,
        tpu.vector_store %arg15[%swap3A_424, %swap3A_425], %mul3A_421 {strides = array<i32>} : memref<128x16xf32, #tpu.memory_space<vmem>>, vector<16xf32>,
      }
      %scan3A_156 = arith.constant 8 : i32
      %dma_start3A_157 = arith.constant 0 : i32
      %dma_start3A_158 = tpu.memref_slice %arg9[%add3A_137, %dma_start3A_157] : memref<80x128xi32, #tpu.memory_space<vmem>> -> memref<1x128xi32, #tpu.memory_space<vmem>>
      %dma_start3A_159 = tpu.memref_squeeze %dma_start3A_158 : memref<1x128xi32, #tpu.memory_space<vmem>> -> memref<128xi32, #tpu.memory_space<vmem>>
      %dma_start3A_160 = arith.constant 0 : i32
      %dma_start3A_161 = arith.constant 0 : i32
      %dma_start3A_162 = tpu.memref_slice %arg18[%dma_start3A_160, %dma_start3A_161] : memref<10240x16xf32, #tpu.memory_space<vmem_shared>> -> memref<10240x16xf32, #tpu.memory_space<vmem_shared>>
      tpu.enqueue_indirect_dma source(%arg15 : memref<128x16xf32, #tpu.memory_space<vmem>>) target(%dma_start3A_162 : memref<10240x16xf32, #tpu.memory_space<vmem_shared>>) offsets(%dma_start3A_159 : memref<128xi32, #tpu.memory_space<vmem>>) semaphore(%arg25 : memref<!tpu.dma_semaphore, #tpu.memory_space<semaphore_mem>>) {add = true}
      %lt3A = arith.constant 19 : i32
      %lt3A_163 = arith.cmpi slt, %scan3A_56, %lt3A : i32
      %convert_element_type3A_164 = arith.extui %lt3A_163 : i1 to i32
      %cond3A_165 = arith.constant 0 : i32
      %cond3A_166 = arith.cmpi ne, %convert_element_type3A_164, %cond3A_165 : i32
      scf.if %cond3A_166 {
        %dma_wait3A_199 = arith.constant 0 : i32
        %dma_wait3A_200 = arith.constant 0 : i32
        %dma_wait3A_201 = tpu.memref_slice %arg9[%dma_wait3A_199, %dma_wait3A_200] : memref<80x128xi32, #tpu.memory_space<vmem>> -> memref<1x128xi32, #tpu.memory_space<vmem>>
        %dma_wait3A_202 = tpu.memref_squeeze %dma_wait3A_201 : memref<1x128xi32, #tpu.memory_space<vmem>> -> memref<128xi32, #tpu.memory_space<vmem>>
        %dma_wait3A_203 = arith.constant 0 : i32
        %dma_wait3A_204 = arith.constant 0 : i32
        %dma_wait3A_205 = tpu.memref_slice %arg18[%dma_wait3A_203, %dma_wait3A_204] : memref<10240x16xf32, #tpu.memory_space<vmem_shared>> -> memref<10240x16xf32, #tpu.memory_space<vmem_shared>>
        tpu.wait_indirect_dma semaphore(%arg23 : memref<!tpu.dma_semaphore, #tpu.memory_space<semaphore_mem>>) src(%arg13 : memref<128x16xf32, #tpu.memory_space<vmem>>) dst(%dma_wait3A_205 : memref<10240x16xf32, #tpu.memory_space<vmem_shared>>)
        %add3A_206 = arith.constant 2 : i32
        %add3A_207 = arith.addi %add3A_137, %add3A_206 : i32
        %dma_start3A_208 = arith.constant 0 : i32
        %dma_start3A_209 = tpu.memref_slice %arg8[%add3A_207, %dma_start3A_208] : memref<80x128xi32, #tpu.memory_space<vmem>> -> memref<1x128xi32, #tpu.memory_space<vmem>>
        %dma_start3A_210 = tpu.memref_squeeze %dma_start3A_209 : memref<1x128xi32, #tpu.memory_space<vmem>> -> memref<128xi32, #tpu.memory_space<vmem>>
        %dma_start3A_211 = arith.constant 0 : i32
        %dma_start3A_212 = arith.constant 0 : i32
        %dma_start3A_213 = tpu.memref_slice %arg6[%dma_start3A_211, %dma_start3A_212] : memref<10000x16xf32, #tpu.memory_space<hbm>> -> memref<10000x16xf32, #tpu.memory_space<hbm>>
        tpu.enqueue_indirect_dma source(%dma_start3A_213 : memref<10000x16xf32, #tpu.memory_space<hbm>>) target(%arg13 : memref<128x16xf32, #tpu.memory_space<vmem>>) offsets(%dma_start3A_210 : memref<128xi32, #tpu.memory_space<vmem>>) semaphore(%arg19 : memref<!tpu.dma_semaphore, #tpu.memory_space<semaphore_mem>>)
      } else {
      }
      %add3A_167 = arith.constant 3 : i32
      %add3A_168 = arith.addi %mul3A_58, %add3A_167 : i32
      %scan3A_169 = arith.constant 0 : i32
      %scan3A_170 = arith.constant 0 : i32
      %scan3A_171 = arith.constant 8 : i32
      %scan3A_172 = arith.addi %scan3A_170, %scan3A_171 : i32
      %scan3A_173 = arith.constant 1 : i32
      scf.for %scan3A_199 = %scan3A_170 to %scan3A_172 step %scan3A_173  : i32 {
        %mul3A_200 = arith.constant 16 : i32
        %mul3A_201 = arith.muli %scan3A_199, %mul3A_200 : i32
        %get3A = arith.index_cast %add3A_168 : i32 to index
        %get3A_202 = arith.index_cast %mul3A_201 : i32 to index
        %get3A_203 = tpu.vector_load %arg8[%get3A, %get3A_202] {strides = array<i32>} : memref<80x128xi32, #tpu.memory_space<vmem>>, vector<16xi32>,
        %mul3A_204 = arith.constant 16 : i32
        %mul3A_205 = arith.muli %scan3A_199, %mul3A_204 : i32
        %get3A_206 = arith.index_cast %add3A_168 : i32 to index
        %get3A_207 = arith.index_cast %mul3A_205 : i32 to index
        %get3A_208 = tpu.vector_load %arg9[%get3A_206, %get3A_207] {strides = array<i32>} : memref<80x128xi32, #tpu.memory_space<vmem>>, vector<16xi32>,
        %gather3A = tpu.vector_load_idx %arg10[%get3A_203] : memref<10240xf32, #tpu.memory_space<vmem>>[vector<16xi32>], vector<16xf32>,
        %gather3A_209 = tpu.vector_load_idx %arg11[%get3A_208] : memref<10240xf32, #tpu.memory_space<vmem>>[vector<16xi32>], vector<16xf32>,
        %add3A_210 = arith.addf %gather3A, %gather3A_209 : vector<16xf32>
        %ge3A = arith.constant 0.000000e+00 : f32
        %ge3A_211 = vector.broadcast %ge3A : f32 to vector<16xf32>
        %ge3A_212 = arith.cmpf oge, %add3A_210, %ge3A_211 : vector<16xf32>
        %mul3A_213 = arith.constant 2.000000e-01 : f32
        %mul3A_214 = vector.broadcast %mul3A_213 : f32 to vector<16xf32>
        %mul3A_215 = arith.mulf %mul3A_214, %add3A_210 : vector<16xf32>
        %select_n3A = arith.select %ge3A_212, %add3A_210, %mul3A_215 : vector<16xi1>, vector<16xf32>
        %exp3A = math.exp %select_n3A : vector<16xf32>
        %mul3A_216 = arith.constant 16 : i32
        %mul3A_217 = arith.muli %scan3A_199, %mul3A_216 : i32
        %swap3A = arith.index_cast %add3A_168 : i32 to index
        %swap3A_218 = arith.index_cast %mul3A_217 : i32 to index
        %swap3A_219 = tpu.vector_load %arg12[%swap3A, %swap3A_218] {strides = array<i32>} : memref<80x128xf32, #tpu.memory_space<vmem>>, vector<16xf32>,
        tpu.vector_store %arg12[%swap3A, %swap3A_218], %exp3A {strides = array<i32>} : memref<80x128xf32, #tpu.memory_space<vmem>>, vector<16xf32>,
      }
      %scan3A_174 = arith.constant 8 : i32
      %dma_wait3A_175 = arith.constant 0 : i32
      %dma_wait3A_176 = arith.constant 0 : i32
      %dma_wait3A_177 = tpu.memref_slice %arg8[%dma_wait3A_175, %dma_wait3A_176] : memref<80x128xi32, #tpu.memory_space<vmem>> -> memref<1x128xi32, #tpu.memory_space<vmem>>
      %dma_wait3A_178 = tpu.memref_squeeze %dma_wait3A_177 : memref<1x128xi32, #tpu.memory_space<vmem>> -> memref<128xi32, #tpu.memory_space<vmem>>
      %dma_wait3A_179 = arith.constant 0 : i32
      %dma_wait3A_180 = arith.constant 0 : i32
      %dma_wait3A_181 = tpu.memref_slice %arg6[%dma_wait3A_179, %dma_wait3A_180] : memref<10000x16xf32, #tpu.memory_space<hbm>> -> memref<10000x16xf32, #tpu.memory_space<hbm>>
      tpu.wait_indirect_dma semaphore(%arg22 : memref<!tpu.dma_semaphore, #tpu.memory_space<semaphore_mem>>) src(%dma_wait3A_181 : memref<10000x16xf32, #tpu.memory_space<hbm>>) dst(%arg16 : memref<128x16xf32, #tpu.memory_space<vmem>>)
      %scan3A_182 = arith.constant 0 : i32
      %scan3A_183 = arith.constant 0 : i32
      %scan3A_184 = arith.constant 8 : i32
      %scan3A_185 = arith.addi %scan3A_183, %scan3A_184 : i32
      %scan3A_186 = arith.constant 1 : i32
      scf.for %scan3A_199 = %scan3A_183 to %scan3A_185 step %scan3A_186  : i32 {
        %mul3A_200 = arith.constant 16 : i32
        %mul3A_201 = arith.muli %scan3A_199, %mul3A_200 : i32
        %get3A = arith.index_cast %add3A_168 : i32 to index
        %get3A_202 = arith.index_cast %mul3A_201 : i32 to index
        %get3A_203 = tpu.vector_load %arg12[%get3A, %get3A_202] {strides = array<i32>} : memref<80x128xf32, #tpu.memory_space<vmem>>, vector<16xf32>,
        %mul3A_204 = arith.constant 16 : i32
        %mul3A_205 = arith.muli %scan3A_199, %mul3A_204 : i32
        %add3A_206 = arith.constant 0 : i32
        %add3A_207 = arith.addi %mul3A_205, %add3A_206 : i32
        %get3A_208 = arith.index_cast %add3A_207 : i32 to index
        %get3A_209 = arith.constant 0 : index
        %get3A_210 = tpu.vector_load %arg16[%get3A_208, %get3A_209] {strides = array<i32>} : memref<128x16xf32, #tpu.memory_space<vmem>>, vector<16xf32>,
        %slice3A = vector.extract_strided_slice %get3A_203 {offsets = [0], sizes = [1], strides = [1]} : vector<16xf32> to vector<1xf32>
        %squeeze3A = vector.extract %slice3A[0] : f32 from vector<1xf32>
        %mul3A_211 = vector.broadcast %squeeze3A : f32 to vector<16xf32>
        %mul3A_212 = arith.mulf %get3A_210, %mul3A_211 : vector<16xf32>
        %add3A_213 = arith.constant 0 : i32
        %add3A_214 = arith.addi %mul3A_205, %add3A_213 : i32
        %swap3A = arith.index_cast %add3A_214 : i32 to index
        %swap3A_215 = arith.constant 0 : index
        %swap3A_216 = tpu.vector_load %arg16[%swap3A, %swap3A_215] {strides = array<i32>} : memref<128x16xf32, #tpu.memory_space<vmem>>, vector<16xf32>,
        tpu.vector_store %arg16[%swap3A, %swap3A_215], %mul3A_212 {strides = array<i32>} : memref<128x16xf32, #tpu.memory_space<vmem>>, vector<16xf32>,
        %add3A_217 = arith.constant 1 : i32
        %add3A_218 = arith.addi %mul3A_205, %add3A_217 : i32
        %get3A_219 = arith.index_cast %add3A_218 : i32 to index
        %get3A_220 = arith.constant 0 : index
        %get3A_221 = tpu.vector_load %arg16[%get3A_219, %get3A_220] {strides = array<i32>} : memref<128x16xf32, #tpu.memory_space<vmem>>, vector<16xf32>,
        %slice3A_222 = vector.extract_strided_slice %get3A_203 {offsets = [1], sizes = [1], strides = [1]} : vector<16xf32> to vector<1xf32>
        %squeeze3A_223 = vector.extract %slice3A_222[0] : f32 from vector<1xf32>
        %mul3A_224 = vector.broadcast %squeeze3A_223 : f32 to vector<16xf32>
        %mul3A_225 = arith.mulf %get3A_221, %mul3A_224 : vector<16xf32>
        %add3A_226 = arith.constant 1 : i32
        %add3A_227 = arith.addi %mul3A_205, %add3A_226 : i32
        %swap3A_228 = arith.index_cast %add3A_227 : i32 to index
        %swap3A_229 = arith.constant 0 : index
        %swap3A_230 = tpu.vector_load %arg16[%swap3A_228, %swap3A_229] {strides = array<i32>} : memref<128x16xf32, #tpu.memory_space<vmem>>, vector<16xf32>,
        tpu.vector_store %arg16[%swap3A_228, %swap3A_229], %mul3A_225 {strides = array<i32>} : memref<128x16xf32, #tpu.memory_space<vmem>>, vector<16xf32>,
        %add3A_231 = arith.constant 2 : i32
        %add3A_232 = arith.addi %mul3A_205, %add3A_231 : i32
        %get3A_233 = arith.index_cast %add3A_232 : i32 to index
        %get3A_234 = arith.constant 0 : index
        %get3A_235 = tpu.vector_load %arg16[%get3A_233, %get3A_234] {strides = array<i32>} : memref<128x16xf32, #tpu.memory_space<vmem>>, vector<16xf32>,
        %slice3A_236 = vector.extract_strided_slice %get3A_203 {offsets = [2], sizes = [1], strides = [1]} : vector<16xf32> to vector<1xf32>
        %squeeze3A_237 = vector.extract %slice3A_236[0] : f32 from vector<1xf32>
        %mul3A_238 = vector.broadcast %squeeze3A_237 : f32 to vector<16xf32>
        %mul3A_239 = arith.mulf %get3A_235, %mul3A_238 : vector<16xf32>
        %add3A_240 = arith.constant 2 : i32
        %add3A_241 = arith.addi %mul3A_205, %add3A_240 : i32
        %swap3A_242 = arith.index_cast %add3A_241 : i32 to index
        %swap3A_243 = arith.constant 0 : index
        %swap3A_244 = tpu.vector_load %arg16[%swap3A_242, %swap3A_243] {strides = array<i32>} : memref<128x16xf32, #tpu.memory_space<vmem>>, vector<16xf32>,
        tpu.vector_store %arg16[%swap3A_242, %swap3A_243], %mul3A_239 {strides = array<i32>} : memref<128x16xf32, #tpu.memory_space<vmem>>, vector<16xf32>,
        %add3A_245 = arith.constant 3 : i32
        %add3A_246 = arith.addi %mul3A_205, %add3A_245 : i32
        %get3A_247 = arith.index_cast %add3A_246 : i32 to index
        %get3A_248 = arith.constant 0 : index
        %get3A_249 = tpu.vector_load %arg16[%get3A_247, %get3A_248] {strides = array<i32>} : memref<128x16xf32, #tpu.memory_space<vmem>>, vector<16xf32>,
        %slice3A_250 = vector.extract_strided_slice %get3A_203 {offsets = [3], sizes = [1], strides = [1]} : vector<16xf32> to vector<1xf32>
        %squeeze3A_251 = vector.extract %slice3A_250[0] : f32 from vector<1xf32>
        %mul3A_252 = vector.broadcast %squeeze3A_251 : f32 to vector<16xf32>
        %mul3A_253 = arith.mulf %get3A_249, %mul3A_252 : vector<16xf32>
        %add3A_254 = arith.constant 3 : i32
        %add3A_255 = arith.addi %mul3A_205, %add3A_254 : i32
        %swap3A_256 = arith.index_cast %add3A_255 : i32 to index
        %swap3A_257 = arith.constant 0 : index
        %swap3A_258 = tpu.vector_load %arg16[%swap3A_256, %swap3A_257] {strides = array<i32>} : memref<128x16xf32, #tpu.memory_space<vmem>>, vector<16xf32>,
        tpu.vector_store %arg16[%swap3A_256, %swap3A_257], %mul3A_253 {strides = array<i32>} : memref<128x16xf32, #tpu.memory_space<vmem>>, vector<16xf32>,
        %add3A_259 = arith.constant 4 : i32
        %add3A_260 = arith.addi %mul3A_205, %add3A_259 : i32
        %get3A_261 = arith.index_cast %add3A_260 : i32 to index
        %get3A_262 = arith.constant 0 : index
        %get3A_263 = tpu.vector_load %arg16[%get3A_261, %get3A_262] {strides = array<i32>} : memref<128x16xf32, #tpu.memory_space<vmem>>, vector<16xf32>,
        %slice3A_264 = vector.extract_strided_slice %get3A_203 {offsets = [4], sizes = [1], strides = [1]} : vector<16xf32> to vector<1xf32>
        %squeeze3A_265 = vector.extract %slice3A_264[0] : f32 from vector<1xf32>
        %mul3A_266 = vector.broadcast %squeeze3A_265 : f32 to vector<16xf32>
        %mul3A_267 = arith.mulf %get3A_263, %mul3A_266 : vector<16xf32>
        %add3A_268 = arith.constant 4 : i32
        %add3A_269 = arith.addi %mul3A_205, %add3A_268 : i32
        %swap3A_270 = arith.index_cast %add3A_269 : i32 to index
        %swap3A_271 = arith.constant 0 : index
        %swap3A_272 = tpu.vector_load %arg16[%swap3A_270, %swap3A_271] {strides = array<i32>} : memref<128x16xf32, #tpu.memory_space<vmem>>, vector<16xf32>,
        tpu.vector_store %arg16[%swap3A_270, %swap3A_271], %mul3A_267 {strides = array<i32>} : memref<128x16xf32, #tpu.memory_space<vmem>>, vector<16xf32>,
        %add3A_273 = arith.constant 5 : i32
        %add3A_274 = arith.addi %mul3A_205, %add3A_273 : i32
        %get3A_275 = arith.index_cast %add3A_274 : i32 to index
        %get3A_276 = arith.constant 0 : index
        %get3A_277 = tpu.vector_load %arg16[%get3A_275, %get3A_276] {strides = array<i32>} : memref<128x16xf32, #tpu.memory_space<vmem>>, vector<16xf32>,
        %slice3A_278 = vector.extract_strided_slice %get3A_203 {offsets = [5], sizes = [1], strides = [1]} : vector<16xf32> to vector<1xf32>
        %squeeze3A_279 = vector.extract %slice3A_278[0] : f32 from vector<1xf32>
        %mul3A_280 = vector.broadcast %squeeze3A_279 : f32 to vector<16xf32>
        %mul3A_281 = arith.mulf %get3A_277, %mul3A_280 : vector<16xf32>
        %add3A_282 = arith.constant 5 : i32
        %add3A_283 = arith.addi %mul3A_205, %add3A_282 : i32
        %swap3A_284 = arith.index_cast %add3A_283 : i32 to index
        %swap3A_285 = arith.constant 0 : index
        %swap3A_286 = tpu.vector_load %arg16[%swap3A_284, %swap3A_285] {strides = array<i32>} : memref<128x16xf32, #tpu.memory_space<vmem>>, vector<16xf32>,
        tpu.vector_store %arg16[%swap3A_284, %swap3A_285], %mul3A_281 {strides = array<i32>} : memref<128x16xf32, #tpu.memory_space<vmem>>, vector<16xf32>,
        %add3A_287 = arith.constant 6 : i32
        %add3A_288 = arith.addi %mul3A_205, %add3A_287 : i32
        %get3A_289 = arith.index_cast %add3A_288 : i32 to index
        %get3A_290 = arith.constant 0 : index
        %get3A_291 = tpu.vector_load %arg16[%get3A_289, %get3A_290] {strides = array<i32>} : memref<128x16xf32, #tpu.memory_space<vmem>>, vector<16xf32>,
        %slice3A_292 = vector.extract_strided_slice %get3A_203 {offsets = [6], sizes = [1], strides = [1]} : vector<16xf32> to vector<1xf32>
        %squeeze3A_293 = vector.extract %slice3A_292[0] : f32 from vector<1xf32>
        %mul3A_294 = vector.broadcast %squeeze3A_293 : f32 to vector<16xf32>
        %mul3A_295 = arith.mulf %get3A_291, %mul3A_294 : vector<16xf32>
        %add3A_296 = arith.constant 6 : i32
        %add3A_297 = arith.addi %mul3A_205, %add3A_296 : i32
        %swap3A_298 = arith.index_cast %add3A_297 : i32 to index
        %swap3A_299 = arith.constant 0 : index
        %swap3A_300 = tpu.vector_load %arg16[%swap3A_298, %swap3A_299] {strides = array<i32>} : memref<128x16xf32, #tpu.memory_space<vmem>>, vector<16xf32>,
        tpu.vector_store %arg16[%swap3A_298, %swap3A_299], %mul3A_295 {strides = array<i32>} : memref<128x16xf32, #tpu.memory_space<vmem>>, vector<16xf32>,
        %add3A_301 = arith.constant 7 : i32
        %add3A_302 = arith.addi %mul3A_205, %add3A_301 : i32
        %get3A_303 = arith.index_cast %add3A_302 : i32 to index
        %get3A_304 = arith.constant 0 : index
        %get3A_305 = tpu.vector_load %arg16[%get3A_303, %get3A_304] {strides = array<i32>} : memref<128x16xf32, #tpu.memory_space<vmem>>, vector<16xf32>,
        %slice3A_306 = vector.extract_strided_slice %get3A_203 {offsets = [7], sizes = [1], strides = [1]} : vector<16xf32> to vector<1xf32>
        %squeeze3A_307 = vector.extract %slice3A_306[0] : f32 from vector<1xf32>
        %mul3A_308 = vector.broadcast %squeeze3A_307 : f32 to vector<16xf32>
        %mul3A_309 = arith.mulf %get3A_305, %mul3A_308 : vector<16xf32>
        %add3A_310 = arith.constant 7 : i32
        %add3A_311 = arith.addi %mul3A_205, %add3A_310 : i32
        %swap3A_312 = arith.index_cast %add3A_311 : i32 to index
        %swap3A_313 = arith.constant 0 : index
        %swap3A_314 = tpu.vector_load %arg16[%swap3A_312, %swap3A_313] {strides = array<i32>} : memref<128x16xf32, #tpu.memory_space<vmem>>, vector<16xf32>,
        tpu.vector_store %arg16[%swap3A_312, %swap3A_313], %mul3A_309 {strides = array<i32>} : memref<128x16xf32, #tpu.memory_space<vmem>>, vector<16xf32>,
        %add3A_315 = arith.constant 8 : i32
        %add3A_316 = arith.addi %mul3A_205, %add3A_315 : i32
        %get3A_317 = arith.index_cast %add3A_316 : i32 to index
        %get3A_318 = arith.constant 0 : index
        %get3A_319 = tpu.vector_load %arg16[%get3A_317, %get3A_318] {strides = array<i32>} : memref<128x16xf32, #tpu.memory_space<vmem>>, vector<16xf32>,
        %slice3A_320 = vector.extract_strided_slice %get3A_203 {offsets = [8], sizes = [1], strides = [1]} : vector<16xf32> to vector<1xf32>
        %squeeze3A_321 = vector.extract %slice3A_320[0] : f32 from vector<1xf32>
        %mul3A_322 = vector.broadcast %squeeze3A_321 : f32 to vector<16xf32>
        %mul3A_323 = arith.mulf %get3A_319, %mul3A_322 : vector<16xf32>
        %add3A_324 = arith.constant 8 : i32
        %add3A_325 = arith.addi %mul3A_205, %add3A_324 : i32
        %swap3A_326 = arith.index_cast %add3A_325 : i32 to index
        %swap3A_327 = arith.constant 0 : index
        %swap3A_328 = tpu.vector_load %arg16[%swap3A_326, %swap3A_327] {strides = array<i32>} : memref<128x16xf32, #tpu.memory_space<vmem>>, vector<16xf32>,
        tpu.vector_store %arg16[%swap3A_326, %swap3A_327], %mul3A_323 {strides = array<i32>} : memref<128x16xf32, #tpu.memory_space<vmem>>, vector<16xf32>,
        %add3A_329 = arith.constant 9 : i32
        %add3A_330 = arith.addi %mul3A_205, %add3A_329 : i32
        %get3A_331 = arith.index_cast %add3A_330 : i32 to index
        %get3A_332 = arith.constant 0 : index
        %get3A_333 = tpu.vector_load %arg16[%get3A_331, %get3A_332] {strides = array<i32>} : memref<128x16xf32, #tpu.memory_space<vmem>>, vector<16xf32>,
        %slice3A_334 = vector.extract_strided_slice %get3A_203 {offsets = [9], sizes = [1], strides = [1]} : vector<16xf32> to vector<1xf32>
        %squeeze3A_335 = vector.extract %slice3A_334[0] : f32 from vector<1xf32>
        %mul3A_336 = vector.broadcast %squeeze3A_335 : f32 to vector<16xf32>
        %mul3A_337 = arith.mulf %get3A_333, %mul3A_336 : vector<16xf32>
        %add3A_338 = arith.constant 9 : i32
        %add3A_339 = arith.addi %mul3A_205, %add3A_338 : i32
        %swap3A_340 = arith.index_cast %add3A_339 : i32 to index
        %swap3A_341 = arith.constant 0 : index
        %swap3A_342 = tpu.vector_load %arg16[%swap3A_340, %swap3A_341] {strides = array<i32>} : memref<128x16xf32, #tpu.memory_space<vmem>>, vector<16xf32>,
        tpu.vector_store %arg16[%swap3A_340, %swap3A_341], %mul3A_337 {strides = array<i32>} : memref<128x16xf32, #tpu.memory_space<vmem>>, vector<16xf32>,
        %add3A_343 = arith.constant 10 : i32
        %add3A_344 = arith.addi %mul3A_205, %add3A_343 : i32
        %get3A_345 = arith.index_cast %add3A_344 : i32 to index
        %get3A_346 = arith.constant 0 : index
        %get3A_347 = tpu.vector_load %arg16[%get3A_345, %get3A_346] {strides = array<i32>} : memref<128x16xf32, #tpu.memory_space<vmem>>, vector<16xf32>,
        %slice3A_348 = vector.extract_strided_slice %get3A_203 {offsets = [10], sizes = [1], strides = [1]} : vector<16xf32> to vector<1xf32>
        %squeeze3A_349 = vector.extract %slice3A_348[0] : f32 from vector<1xf32>
        %mul3A_350 = vector.broadcast %squeeze3A_349 : f32 to vector<16xf32>
        %mul3A_351 = arith.mulf %get3A_347, %mul3A_350 : vector<16xf32>
        %add3A_352 = arith.constant 10 : i32
        %add3A_353 = arith.addi %mul3A_205, %add3A_352 : i32
        %swap3A_354 = arith.index_cast %add3A_353 : i32 to index
        %swap3A_355 = arith.constant 0 : index
        %swap3A_356 = tpu.vector_load %arg16[%swap3A_354, %swap3A_355] {strides = array<i32>} : memref<128x16xf32, #tpu.memory_space<vmem>>, vector<16xf32>,
        tpu.vector_store %arg16[%swap3A_354, %swap3A_355], %mul3A_351 {strides = array<i32>} : memref<128x16xf32, #tpu.memory_space<vmem>>, vector<16xf32>,
        %add3A_357 = arith.constant 11 : i32
        %add3A_358 = arith.addi %mul3A_205, %add3A_357 : i32
        %get3A_359 = arith.index_cast %add3A_358 : i32 to index
        %get3A_360 = arith.constant 0 : index
        %get3A_361 = tpu.vector_load %arg16[%get3A_359, %get3A_360] {strides = array<i32>} : memref<128x16xf32, #tpu.memory_space<vmem>>, vector<16xf32>,
        %slice3A_362 = vector.extract_strided_slice %get3A_203 {offsets = [11], sizes = [1], strides = [1]} : vector<16xf32> to vector<1xf32>
        %squeeze3A_363 = vector.extract %slice3A_362[0] : f32 from vector<1xf32>
        %mul3A_364 = vector.broadcast %squeeze3A_363 : f32 to vector<16xf32>
        %mul3A_365 = arith.mulf %get3A_361, %mul3A_364 : vector<16xf32>
        %add3A_366 = arith.constant 11 : i32
        %add3A_367 = arith.addi %mul3A_205, %add3A_366 : i32
        %swap3A_368 = arith.index_cast %add3A_367 : i32 to index
        %swap3A_369 = arith.constant 0 : index
        %swap3A_370 = tpu.vector_load %arg16[%swap3A_368, %swap3A_369] {strides = array<i32>} : memref<128x16xf32, #tpu.memory_space<vmem>>, vector<16xf32>,
        tpu.vector_store %arg16[%swap3A_368, %swap3A_369], %mul3A_365 {strides = array<i32>} : memref<128x16xf32, #tpu.memory_space<vmem>>, vector<16xf32>,
        %add3A_371 = arith.constant 12 : i32
        %add3A_372 = arith.addi %mul3A_205, %add3A_371 : i32
        %get3A_373 = arith.index_cast %add3A_372 : i32 to index
        %get3A_374 = arith.constant 0 : index
        %get3A_375 = tpu.vector_load %arg16[%get3A_373, %get3A_374] {strides = array<i32>} : memref<128x16xf32, #tpu.memory_space<vmem>>, vector<16xf32>,
        %slice3A_376 = vector.extract_strided_slice %get3A_203 {offsets = [12], sizes = [1], strides = [1]} : vector<16xf32> to vector<1xf32>
        %squeeze3A_377 = vector.extract %slice3A_376[0] : f32 from vector<1xf32>
        %mul3A_378 = vector.broadcast %squeeze3A_377 : f32 to vector<16xf32>
        %mul3A_379 = arith.mulf %get3A_375, %mul3A_378 : vector<16xf32>
        %add3A_380 = arith.constant 12 : i32
        %add3A_381 = arith.addi %mul3A_205, %add3A_380 : i32
        %swap3A_382 = arith.index_cast %add3A_381 : i32 to index
        %swap3A_383 = arith.constant 0 : index
        %swap3A_384 = tpu.vector_load %arg16[%swap3A_382, %swap3A_383] {strides = array<i32>} : memref<128x16xf32, #tpu.memory_space<vmem>>, vector<16xf32>,
        tpu.vector_store %arg16[%swap3A_382, %swap3A_383], %mul3A_379 {strides = array<i32>} : memref<128x16xf32, #tpu.memory_space<vmem>>, vector<16xf32>,
        %add3A_385 = arith.constant 13 : i32
        %add3A_386 = arith.addi %mul3A_205, %add3A_385 : i32
        %get3A_387 = arith.index_cast %add3A_386 : i32 to index
        %get3A_388 = arith.constant 0 : index
        %get3A_389 = tpu.vector_load %arg16[%get3A_387, %get3A_388] {strides = array<i32>} : memref<128x16xf32, #tpu.memory_space<vmem>>, vector<16xf32>,
        %slice3A_390 = vector.extract_strided_slice %get3A_203 {offsets = [13], sizes = [1], strides = [1]} : vector<16xf32> to vector<1xf32>
        %squeeze3A_391 = vector.extract %slice3A_390[0] : f32 from vector<1xf32>
        %mul3A_392 = vector.broadcast %squeeze3A_391 : f32 to vector<16xf32>
        %mul3A_393 = arith.mulf %get3A_389, %mul3A_392 : vector<16xf32>
        %add3A_394 = arith.constant 13 : i32
        %add3A_395 = arith.addi %mul3A_205, %add3A_394 : i32
        %swap3A_396 = arith.index_cast %add3A_395 : i32 to index
        %swap3A_397 = arith.constant 0 : index
        %swap3A_398 = tpu.vector_load %arg16[%swap3A_396, %swap3A_397] {strides = array<i32>} : memref<128x16xf32, #tpu.memory_space<vmem>>, vector<16xf32>,
        tpu.vector_store %arg16[%swap3A_396, %swap3A_397], %mul3A_393 {strides = array<i32>} : memref<128x16xf32, #tpu.memory_space<vmem>>, vector<16xf32>,
        %add3A_399 = arith.constant 14 : i32
        %add3A_400 = arith.addi %mul3A_205, %add3A_399 : i32
        %get3A_401 = arith.index_cast %add3A_400 : i32 to index
        %get3A_402 = arith.constant 0 : index
        %get3A_403 = tpu.vector_load %arg16[%get3A_401, %get3A_402] {strides = array<i32>} : memref<128x16xf32, #tpu.memory_space<vmem>>, vector<16xf32>,
        %slice3A_404 = vector.extract_strided_slice %get3A_203 {offsets = [14], sizes = [1], strides = [1]} : vector<16xf32> to vector<1xf32>
        %squeeze3A_405 = vector.extract %slice3A_404[0] : f32 from vector<1xf32>
        %mul3A_406 = vector.broadcast %squeeze3A_405 : f32 to vector<16xf32>
        %mul3A_407 = arith.mulf %get3A_403, %mul3A_406 : vector<16xf32>
        %add3A_408 = arith.constant 14 : i32
        %add3A_409 = arith.addi %mul3A_205, %add3A_408 : i32
        %swap3A_410 = arith.index_cast %add3A_409 : i32 to index
        %swap3A_411 = arith.constant 0 : index
        %swap3A_412 = tpu.vector_load %arg16[%swap3A_410, %swap3A_411] {strides = array<i32>} : memref<128x16xf32, #tpu.memory_space<vmem>>, vector<16xf32>,
        tpu.vector_store %arg16[%swap3A_410, %swap3A_411], %mul3A_407 {strides = array<i32>} : memref<128x16xf32, #tpu.memory_space<vmem>>, vector<16xf32>,
        %add3A_413 = arith.constant 15 : i32
        %add3A_414 = arith.addi %mul3A_205, %add3A_413 : i32
        %get3A_415 = arith.index_cast %add3A_414 : i32 to index
        %get3A_416 = arith.constant 0 : index
        %get3A_417 = tpu.vector_load %arg16[%get3A_415, %get3A_416] {strides = array<i32>} : memref<128x16xf32, #tpu.memory_space<vmem>>, vector<16xf32>,
        %slice3A_418 = vector.extract_strided_slice %get3A_203 {offsets = [15], sizes = [1], strides = [1]} : vector<16xf32> to vector<1xf32>
        %squeeze3A_419 = vector.extract %slice3A_418[0] : f32 from vector<1xf32>
        %mul3A_420 = vector.broadcast %squeeze3A_419 : f32 to vector<16xf32>
        %mul3A_421 = arith.mulf %get3A_417, %mul3A_420 : vector<16xf32>
        %add3A_422 = arith.constant 15 : i32
        %add3A_423 = arith.addi %mul3A_205, %add3A_422 : i32
        %swap3A_424 = arith.index_cast %add3A_423 : i32 to index
        %swap3A_425 = arith.constant 0 : index
        %swap3A_426 = tpu.vector_load %arg16[%swap3A_424, %swap3A_425] {strides = array<i32>} : memref<128x16xf32, #tpu.memory_space<vmem>>, vector<16xf32>,
        tpu.vector_store %arg16[%swap3A_424, %swap3A_425], %mul3A_421 {strides = array<i32>} : memref<128x16xf32, #tpu.memory_space<vmem>>, vector<16xf32>,
      }
      %scan3A_187 = arith.constant 8 : i32
      %dma_start3A_188 = arith.constant 0 : i32
      %dma_start3A_189 = tpu.memref_slice %arg9[%add3A_168, %dma_start3A_188] : memref<80x128xi32, #tpu.memory_space<vmem>> -> memref<1x128xi32, #tpu.memory_space<vmem>>
      %dma_start3A_190 = tpu.memref_squeeze %dma_start3A_189 : memref<1x128xi32, #tpu.memory_space<vmem>> -> memref<128xi32, #tpu.memory_space<vmem>>
      %dma_start3A_191 = arith.constant 0 : i32
      %dma_start3A_192 = arith.constant 0 : i32
      %dma_start3A_193 = tpu.memref_slice %arg18[%dma_start3A_191, %dma_start3A_192] : memref<10240x16xf32, #tpu.memory_space<vmem_shared>> -> memref<10240x16xf32, #tpu.memory_space<vmem_shared>>
      tpu.enqueue_indirect_dma source(%arg16 : memref<128x16xf32, #tpu.memory_space<vmem>>) target(%dma_start3A_193 : memref<10240x16xf32, #tpu.memory_space<vmem_shared>>) offsets(%dma_start3A_190 : memref<128xi32, #tpu.memory_space<vmem>>) semaphore(%arg26 : memref<!tpu.dma_semaphore, #tpu.memory_space<semaphore_mem>>) {add = true}
      %lt3A_194 = arith.constant 19 : i32
      %lt3A_195 = arith.cmpi slt, %scan3A_56, %lt3A_194 : i32
      %convert_element_type3A_196 = arith.extui %lt3A_195 : i1 to i32
      %cond3A_197 = arith.constant 0 : i32
      %cond3A_198 = arith.cmpi ne, %convert_element_type3A_196, %cond3A_197 : i32
      scf.if %cond3A_198 {
        %dma_wait3A_199 = arith.constant 0 : i32
        %dma_wait3A_200 = arith.constant 0 : i32
        %dma_wait3A_201 = tpu.memref_slice %arg9[%dma_wait3A_199, %dma_wait3A_200] : memref<80x128xi32, #tpu.memory_space<vmem>> -> memref<1x128xi32, #tpu.memory_space<vmem>>
        %dma_wait3A_202 = tpu.memref_squeeze %dma_wait3A_201 : memref<1x128xi32, #tpu.memory_space<vmem>> -> memref<128xi32, #tpu.memory_space<vmem>>
        %dma_wait3A_203 = arith.constant 0 : i32
        %dma_wait3A_204 = arith.constant 0 : i32
        %dma_wait3A_205 = tpu.memref_slice %arg18[%dma_wait3A_203, %dma_wait3A_204] : memref<10240x16xf32, #tpu.memory_space<vmem_shared>> -> memref<10240x16xf32, #tpu.memory_space<vmem_shared>>
        tpu.wait_indirect_dma semaphore(%arg24 : memref<!tpu.dma_semaphore, #tpu.memory_space<semaphore_mem>>) src(%arg14 : memref<128x16xf32, #tpu.memory_space<vmem>>) dst(%dma_wait3A_205 : memref<10240x16xf32, #tpu.memory_space<vmem_shared>>)
        %add3A_206 = arith.constant 2 : i32
        %add3A_207 = arith.addi %add3A_168, %add3A_206 : i32
        %dma_start3A_208 = arith.constant 0 : i32
        %dma_start3A_209 = tpu.memref_slice %arg8[%add3A_207, %dma_start3A_208] : memref<80x128xi32, #tpu.memory_space<vmem>> -> memref<1x128xi32, #tpu.memory_space<vmem>>
        %dma_start3A_210 = tpu.memref_squeeze %dma_start3A_209 : memref<1x128xi32, #tpu.memory_space<vmem>> -> memref<128xi32, #tpu.memory_space<vmem>>
        %dma_start3A_211 = arith.constant 0 : i32
        %dma_start3A_212 = arith.constant 0 : i32
        %dma_start3A_213 = tpu.memref_slice %arg6[%dma_start3A_211, %dma_start3A_212] : memref<10000x16xf32, #tpu.memory_space<hbm>> -> memref<10000x16xf32, #tpu.memory_space<hbm>>
        tpu.enqueue_indirect_dma source(%dma_start3A_213 : memref<10000x16xf32, #tpu.memory_space<hbm>>) target(%arg14 : memref<128x16xf32, #tpu.memory_space<vmem>>) offsets(%dma_start3A_210 : memref<128xi32, #tpu.memory_space<vmem>>) semaphore(%arg20 : memref<!tpu.dma_semaphore, #tpu.memory_space<semaphore_mem>>)
      } else {
      }
    }
    %scan3A_27 = arith.constant 20 : i32
    %dma_wait3A = arith.constant 0 : i32
    %dma_wait3A_28 = arith.constant 0 : i32
    %dma_wait3A_29 = tpu.memref_slice %arg9[%dma_wait3A, %dma_wait3A_28] : memref<80x128xi32, #tpu.memory_space<vmem>> -> memref<1x128xi32, #tpu.memory_space<vmem>>
    %dma_wait3A_30 = tpu.memref_squeeze %dma_wait3A_29 : memref<1x128xi32, #tpu.memory_space<vmem>> -> memref<128xi32, #tpu.memory_space<vmem>>
    %dma_wait3A_31 = arith.constant 0 : i32
    %dma_wait3A_32 = arith.constant 0 : i32
    %dma_wait3A_33 = tpu.memref_slice %arg18[%dma_wait3A_31, %dma_wait3A_32] : memref<10240x16xf32, #tpu.memory_space<vmem_shared>> -> memref<10240x16xf32, #tpu.memory_space<vmem_shared>>
    tpu.wait_indirect_dma semaphore(%arg23 : memref<!tpu.dma_semaphore, #tpu.memory_space<semaphore_mem>>) src(%arg13 : memref<128x16xf32, #tpu.memory_space<vmem>>) dst(%dma_wait3A_33 : memref<10240x16xf32, #tpu.memory_space<vmem_shared>>)
    %dma_wait3A_34 = arith.constant 0 : i32
    %dma_wait3A_35 = arith.constant 0 : i32
    %dma_wait3A_36 = tpu.memref_slice %arg9[%dma_wait3A_34, %dma_wait3A_35] : memref<80x128xi32, #tpu.memory_space<vmem>> -> memref<1x128xi32, #tpu.memory_space<vmem>>
    %dma_wait3A_37 = tpu.memref_squeeze %dma_wait3A_36 : memref<1x128xi32, #tpu.memory_space<vmem>> -> memref<128xi32, #tpu.memory_space<vmem>>
    %dma_wait3A_38 = arith.constant 0 : i32
    %dma_wait3A_39 = arith.constant 0 : i32
    %dma_wait3A_40 = tpu.memref_slice %arg18[%dma_wait3A_38, %dma_wait3A_39] : memref<10240x16xf32, #tpu.memory_space<vmem_shared>> -> memref<10240x16xf32, #tpu.memory_space<vmem_shared>>
    tpu.wait_indirect_dma semaphore(%arg24 : memref<!tpu.dma_semaphore, #tpu.memory_space<semaphore_mem>>) src(%arg14 : memref<128x16xf32, #tpu.memory_space<vmem>>) dst(%dma_wait3A_40 : memref<10240x16xf32, #tpu.memory_space<vmem_shared>>)
    %dma_wait3A_41 = arith.constant 0 : i32
    %dma_wait3A_42 = arith.constant 0 : i32
    %dma_wait3A_43 = tpu.memref_slice %arg9[%dma_wait3A_41, %dma_wait3A_42] : memref<80x128xi32, #tpu.memory_space<vmem>> -> memref<1x128xi32, #tpu.memory_space<vmem>>
    %dma_wait3A_44 = tpu.memref_squeeze %dma_wait3A_43 : memref<1x128xi32, #tpu.memory_space<vmem>> -> memref<128xi32, #tpu.memory_space<vmem>>
    %dma_wait3A_45 = arith.constant 0 : i32
    %dma_wait3A_46 = arith.constant 0 : i32
    %dma_wait3A_47 = tpu.memref_slice %arg18[%dma_wait3A_45, %dma_wait3A_46] : memref<10240x16xf32, #tpu.memory_space<vmem_shared>> -> memref<10240x16xf32, #tpu.memory_space<vmem_shared>>
    tpu.wait_indirect_dma semaphore(%arg25 : memref<!tpu.dma_semaphore, #tpu.memory_space<semaphore_mem>>) src(%arg15 : memref<128x16xf32, #tpu.memory_space<vmem>>) dst(%dma_wait3A_47 : memref<10240x16xf32, #tpu.memory_space<vmem_shared>>)
    %dma_wait3A_48 = arith.constant 0 : i32
    %dma_wait3A_49 = arith.constant 0 : i32
    %dma_wait3A_50 = tpu.memref_slice %arg9[%dma_wait3A_48, %dma_wait3A_49] : memref<80x128xi32, #tpu.memory_space<vmem>> -> memref<1x128xi32, #tpu.memory_space<vmem>>
    %dma_wait3A_51 = tpu.memref_squeeze %dma_wait3A_50 : memref<1x128xi32, #tpu.memory_space<vmem>> -> memref<128xi32, #tpu.memory_space<vmem>>
    %dma_wait3A_52 = arith.constant 0 : i32
    %dma_wait3A_53 = arith.constant 0 : i32
    %dma_wait3A_54 = tpu.memref_slice %arg18[%dma_wait3A_52, %dma_wait3A_53] : memref<10240x16xf32, #tpu.memory_space<vmem_shared>> -> memref<10240x16xf32, #tpu.memory_space<vmem_shared>>
    tpu.wait_indirect_dma semaphore(%arg26 : memref<!tpu.dma_semaphore, #tpu.memory_space<semaphore_mem>>) src(%arg16 : memref<128x16xf32, #tpu.memory_space<vmem>>) dst(%dma_wait3A_54 : memref<10240x16xf32, #tpu.memory_space<vmem_shared>>)
    %barrier3A_55 = arith.constant 0 : index
    tpu.barrier barrier_id(%barrier3A_55)
    "tpu.region"() ({
      %run_scoped3A = tpu.sem_alloc : memref<!tpu.dma_semaphore, #tpu.memory_space<semaphore_mem>>
      %dma_start3A_56 = arith.constant 0 : i32
      %dma_start3A_57 = tpu.memref_slice %arg7[%arg0, %mul3A_8, %dma_start3A_56] : memref<2x10240x16xf32, #tpu.memory_space<hbm>> -> memref<1x640x16xf32, #tpu.memory_space<hbm>>
      %dma_start3A_58 = tpu.memref_squeeze %dma_start3A_57 : memref<1x640x16xf32, #tpu.memory_space<hbm>> -> memref<640x16xf32, #tpu.memory_space<hbm>>
      %dma_start3A_59 = arith.constant 0 : i32
      %dma_start3A_60 = tpu.memref_slice %arg18[%mul3A_8, %dma_start3A_59] : memref<10240x16xf32, #tpu.memory_space<vmem_shared>> -> memref<640x16xf32, #tpu.memory_space<vmem_shared>>
      tpu.enqueue_dma source(%dma_start3A_60 : memref<640x16xf32, #tpu.memory_space<vmem_shared>>) target(%dma_start3A_58 : memref<640x16xf32, #tpu.memory_space<hbm>>) target_semaphore(%run_scoped3A : memref<!tpu.dma_semaphore, #tpu.memory_space<semaphore_mem>>)
      %dma_wait3A_61 = arith.constant 0 : i32
      %dma_wait3A_62 = tpu.memref_slice %arg7[%arg0, %mul3A_8, %dma_wait3A_61] : memref<2x10240x16xf32, #tpu.memory_space<hbm>> -> memref<1x640x16xf32, #tpu.memory_space<hbm>>
      %dma_wait3A_63 = tpu.memref_squeeze %dma_wait3A_62 : memref<1x640x16xf32, #tpu.memory_space<hbm>> -> memref<640x16xf32, #tpu.memory_space<hbm>>
      %dma_wait3A_64 = arith.constant 0 : i32
      %dma_wait3A_65 = tpu.memref_slice %arg18[%mul3A_8, %dma_wait3A_64] : memref<10240x16xf32, #tpu.memory_space<vmem_shared>> -> memref<640x16xf32, #tpu.memory_space<vmem_shared>>
      tpu.wait_dma2 semaphore(%run_scoped3A : memref<!tpu.dma_semaphore, #tpu.memory_space<semaphore_mem>>) src(%dma_wait3A_65 : memref<640x16xf32, #tpu.memory_space<vmem_shared>>) dst(%dma_wait3A_63 : memref<640x16xf32, #tpu.memory_space<hbm>>)
      tpu.yield
    }) : () -> ()
    return
  }
}

module attributes {stable_mosaic.version = 14 : i64} {
  func.func @_tc_layer1(%arg0: memref<10000x128xf32, #tpu.memory_space<vmem>>, %arg1: memref<128x16xf32, #tpu.memory_space<vmem>>, %arg2: memref<1x16xf32, #tpu.memory_space<vmem>>, %arg3: memref<1x16xf32, #tpu.memory_space<vmem>>, %arg4: memref<10000x16xf32, #tpu.memory_space<vmem>>, %arg5: memref<10000xf32, #tpu.memory_space<vmem>>, %arg6: memref<10000xf32, #tpu.memory_space<vmem>>) attributes {dimension_semantics = [], scalar_prefetch = 0 : i64, scratch_operands = 0 : i64, tpu.core_type = #tpu.core_type<tc>} {
    %get3A = arith.constant 0 : index
    %get3A_0 = arith.constant 0 : index
    %get3A_1 = vector.load %arg0[%get3A, %get3A_0] : memref<10000x128xf32, #tpu.memory_space<vmem>>, vector<10000x128xf32>
    %get3A_2 = arith.constant 0 : index
    %get3A_3 = arith.constant 0 : index
    %get3A_4 = vector.load %arg1[%get3A_2, %get3A_3] : memref<128x16xf32, #tpu.memory_space<vmem>>, vector<128x16xf32>
    %dot_general3A = arith.constant dense<0.000000e+00> : vector<10000x16xf32>
    %dot_general3A_5 = tpu.matmul %get3A_1, %get3A_4, %dot_general3A {dimension_numbers = #tpu.dot_dimension_numbers<[1], [0], [0], [1], [0, 0, 1, 1], [], []>, transpose_lhs_hint = false} : vector<10000x128xf32>, vector<128x16xf32>, vector<10000x16xf32> -> vector<10000x16xf32>
    %swap3A = arith.constant 0 : index
    %swap3A_6 = arith.constant 0 : index
    %swap3A_7 = vector.load %arg4[%swap3A, %swap3A_6] : memref<10000x16xf32, #tpu.memory_space<vmem>>, vector<10000x16xf32>
    tpu.vector_store %arg4[%swap3A, %swap3A_6], %dot_general3A_5 {strides = array<i32>} : memref<10000x16xf32, #tpu.memory_space<vmem>>, vector<10000x16xf32>,
    %get3A_8 = arith.constant 0 : index
    %get3A_9 = arith.constant 0 : index
    %get3A_10 = vector.load %arg2[%get3A_8, %get3A_9] : memref<1x16xf32, #tpu.memory_space<vmem>>, vector<1x16xf32>
    %mul3A = vector.broadcast %get3A_10 : vector<1x16xf32> to vector<10000x16xf32>
    %mul3A_11 = arith.mulf %dot_general3A_5, %mul3A : vector<10000x16xf32>
    %reduce_sum3A = arith.constant dense<0.000000e+00> : vector<10000xf32>
    %reduce_sum3A_12 = vector.multi_reduction <add>, %mul3A_11, %reduce_sum3A [1] : vector<10000x16xf32> to vector<10000xf32>
    %swap3A_13 = arith.constant 0 : index
    %swap3A_14 = vector.load %arg5[%swap3A_13] : memref<10000xf32, #tpu.memory_space<vmem>>, vector<10000xf32>
    tpu.vector_store %arg5[%swap3A_13], %reduce_sum3A_12 {strides = array<i32>} : memref<10000xf32, #tpu.memory_space<vmem>>, vector<10000xf32>,
    %get3A_15 = arith.constant 0 : index
    %get3A_16 = arith.constant 0 : index
    %get3A_17 = vector.load %arg3[%get3A_15, %get3A_16] : memref<1x16xf32, #tpu.memory_space<vmem>>, vector<1x16xf32>
    %mul3A_18 = vector.broadcast %get3A_17 : vector<1x16xf32> to vector<10000x16xf32>
    %mul3A_19 = arith.mulf %dot_general3A_5, %mul3A_18 : vector<10000x16xf32>
    %reduce_sum3A_20 = arith.constant dense<0.000000e+00> : vector<10000xf32>
    %reduce_sum3A_21 = vector.multi_reduction <add>, %mul3A_19, %reduce_sum3A_20 [1] : vector<10000x16xf32> to vector<10000xf32>
    %swap3A_22 = arith.constant 0 : index
    %swap3A_23 = vector.load %arg6[%swap3A_22] : memref<10000xf32, #tpu.memory_space<vmem>>, vector<10000xf32>
    tpu.vector_store %arg6[%swap3A_22], %reduce_sum3A_21 {strides = array<i32>} : memref<10000xf32, #tpu.memory_space<vmem>>, vector<10000xf32>,
    return
  }
}

module attributes {stable_mosaic.version = 14 : i64} {
  func.func @_tc_layer2(%arg0: memref<2x10240x16xf32, #tpu.memory_space<vmem>>, %arg1: memref<2x10240xf32, #tpu.memory_space<vmem>>, %arg2: memref<1x16xf32, #tpu.memory_space<vmem>>, %arg3: memref<16x16xf32, #tpu.memory_space<vmem>>, %arg4: memref<1x16xf32, #tpu.memory_space<vmem>>, %arg5: memref<1x16xf32, #tpu.memory_space<vmem>>, %arg6: memref<10000x16xf32, #tpu.memory_space<vmem>>, %arg7: memref<10000xf32, #tpu.memory_space<vmem>>, %arg8: memref<10000xf32, #tpu.memory_space<vmem>>) attributes {dimension_semantics = [], scalar_prefetch = 0 : i64, scratch_operands = 0 : i64, tpu.core_type = #tpu.core_type<tc>} {
    %get3A = arith.constant 0 : index
    %get3A_0 = arith.constant 0 : index
    %get3A_1 = arith.constant 0 : index
    %get3A_2 = vector.load %arg0[%get3A, %get3A_0, %get3A_1] : memref<2x10240x16xf32, #tpu.memory_space<vmem>>, vector<1x10240x16xf32>
    %get3A_3 = vector.shape_cast %get3A_2 : vector<1x10240x16xf32> to vector<10240x16xf32>
    %get3A_4 = arith.constant 1 : index
    %get3A_5 = arith.constant 0 : index
    %get3A_6 = arith.constant 0 : index
    %get3A_7 = vector.load %arg0[%get3A_4, %get3A_5, %get3A_6] : memref<2x10240x16xf32, #tpu.memory_space<vmem>>, vector<1x10240x16xf32>
    %get3A_8 = vector.shape_cast %get3A_7 : vector<1x10240x16xf32> to vector<10240x16xf32>
    %add3A = arith.addf %get3A_3, %get3A_8 : vector<10240x16xf32>
    %get3A_9 = arith.constant 0 : index
    %get3A_10 = arith.constant 0 : index
    %get3A_11 = vector.load %arg1[%get3A_9, %get3A_10] : memref<2x10240xf32, #tpu.memory_space<vmem>>, vector<1x10240xf32>
    %get3A_12 = vector.shape_cast %get3A_11 : vector<1x10240xf32> to vector<10240xf32>
    %get3A_13 = arith.constant 1 : index
    %get3A_14 = arith.constant 0 : index
    %get3A_15 = vector.load %arg1[%get3A_13, %get3A_14] : memref<2x10240xf32, #tpu.memory_space<vmem>>, vector<1x10240xf32>
    %get3A_16 = vector.shape_cast %get3A_15 : vector<1x10240xf32> to vector<10240xf32>
    %add3A_17 = arith.addf %get3A_12, %get3A_16 : vector<10240xf32>
    %slice3A = vector.extract_strided_slice %add3A {offsets = [0, 0], sizes = [10000, 16], strides = [1, 1]} : vector<10240x16xf32> to vector<10000x16xf32>
    %slice3A_18 = vector.extract_strided_slice %add3A_17 {offsets = [0], sizes = [10000], strides = [1]} : vector<10240xf32> to vector<10000xf32>
    %broadcast_in_dim3A = vector.shape_cast %slice3A_18 : vector<10000xf32> to vector<10000x1xf32>
    %add3A_19 = arith.constant 1.000000e-16 : f32
    %add3A_20 = vector.broadcast %add3A_19 : f32 to vector<10000x1xf32>
    %add3A_21 = arith.addf %broadcast_in_dim3A, %add3A_20 : vector<10000x1xf32>
    %div3A = vector.broadcast %add3A_21 : vector<10000x1xf32> to vector<10000x16xf32>
    %div3A_22 = arith.divf %slice3A, %div3A : vector<10000x16xf32>
    %get3A_23 = arith.constant 0 : index
    %get3A_24 = arith.constant 0 : index
    %get3A_25 = vector.load %arg2[%get3A_23, %get3A_24] : memref<1x16xf32, #tpu.memory_space<vmem>>, vector<1x16xf32>
    %add3A_26 = vector.broadcast %get3A_25 : vector<1x16xf32> to vector<10000x16xf32>
    %add3A_27 = arith.addf %div3A_22, %add3A_26 : vector<10000x16xf32>
    %max3A = arith.constant 0.000000e+00 : f32
    %max3A_28 = vector.broadcast %max3A : f32 to vector<10000x16xf32>
    %max3A_29 = arith.maximumf %add3A_27, %max3A_28 : vector<10000x16xf32>
    %get3A_30 = arith.constant 0 : index
    %get3A_31 = arith.constant 0 : index
    %get3A_32 = vector.load %arg3[%get3A_30, %get3A_31] : memref<16x16xf32, #tpu.memory_space<vmem>>, vector<16x16xf32>
    %dot_general3A = arith.constant dense<0.000000e+00> : vector<10000x16xf32>
    %dot_general3A_33 = tpu.matmul %max3A_29, %get3A_32, %dot_general3A {dimension_numbers = #tpu.dot_dimension_numbers<[1], [0], [0], [1], [0, 0, 1, 1], [], []>, transpose_lhs_hint = false} : vector<10000x16xf32>, vector<16x16xf32>, vector<10000x16xf32> -> vector<10000x16xf32>
    %iota3A = tpu.iota {dimensions = array<i32: 1>} : vector<10000x16xi32>
    %eq3A = arith.constant 8 : i32
    %eq3A_34 = vector.broadcast %eq3A : i32 to vector<10000x16xi32>
    %eq3A_35 = arith.cmpi eq, %iota3A, %eq3A_34 : vector<10000x16xi32>
    %jit3A = arith.constant 1.000000e+00 : f32
    %broadcast_in_dim3A_36 = vector.broadcast %jit3A : f32 to vector<10000x16xf32>
    %select_n3A = arith.select %eq3A_35, %broadcast_in_dim3A_36, %dot_general3A_33 : vector<10000x16xi1>, vector<10000x16xf32>
    %swap3A = arith.constant 0 : index
    %swap3A_37 = arith.constant 0 : index
    %swap3A_38 = vector.load %arg6[%swap3A, %swap3A_37] : memref<10000x16xf32, #tpu.memory_space<vmem>>, vector<10000x16xf32>
    tpu.vector_store %arg6[%swap3A, %swap3A_37], %select_n3A {strides = array<i32>} : memref<10000x16xf32, #tpu.memory_space<vmem>>, vector<10000x16xf32>,
    %get3A_39 = arith.constant 0 : index
    %get3A_40 = arith.constant 0 : index
    %get3A_41 = vector.load %arg4[%get3A_39, %get3A_40] : memref<1x16xf32, #tpu.memory_space<vmem>>, vector<1x16xf32>
    %mul3A = vector.broadcast %get3A_41 : vector<1x16xf32> to vector<10000x16xf32>
    %mul3A_42 = arith.mulf %dot_general3A_33, %mul3A : vector<10000x16xf32>
    %reduce_sum3A = arith.constant dense<0.000000e+00> : vector<10000xf32>
    %reduce_sum3A_43 = vector.multi_reduction <add>, %mul3A_42, %reduce_sum3A [1] : vector<10000x16xf32> to vector<10000xf32>
    %swap3A_44 = arith.constant 0 : index
    %swap3A_45 = vector.load %arg7[%swap3A_44] : memref<10000xf32, #tpu.memory_space<vmem>>, vector<10000xf32>
    tpu.vector_store %arg7[%swap3A_44], %reduce_sum3A_43 {strides = array<i32>} : memref<10000xf32, #tpu.memory_space<vmem>>, vector<10000xf32>,
    %get3A_46 = arith.constant 0 : index
    %get3A_47 = arith.constant 0 : index
    %get3A_48 = vector.load %arg5[%get3A_46, %get3A_47] : memref<1x16xf32, #tpu.memory_space<vmem>>, vector<1x16xf32>
    %mul3A_49 = vector.broadcast %get3A_48 : vector<1x16xf32> to vector<10000x16xf32>
    %mul3A_50 = arith.mulf %dot_general3A_33, %mul3A_49 : vector<10000x16xf32>
    %reduce_sum3A_51 = arith.constant dense<0.000000e+00> : vector<10000xf32>
    %reduce_sum3A_52 = vector.multi_reduction <add>, %mul3A_50, %reduce_sum3A_51 [1] : vector<10000x16xf32> to vector<10000xf32>
    %swap3A_53 = arith.constant 0 : index
    %swap3A_54 = vector.load %arg8[%swap3A_53] : memref<10000xf32, #tpu.memory_space<vmem>>, vector<10000xf32>
    tpu.vector_store %arg8[%swap3A_53], %reduce_sum3A_52 {strides = array<i32>} : memref<10000xf32, #tpu.memory_space<vmem>>, vector<10000xf32>,
    return
  }
}

module attributes {stable_mosaic.version = 14 : i64} {
  func.func @_tc_head(%arg0: memref<2x10240x16xf32, #tpu.memory_space<vmem>>, %arg1: memref<1x8xf32, #tpu.memory_space<vmem>>, %arg2: memref<8x1xf32, #tpu.memory_space<vmem>>, %arg3: memref<1x1xf32, #tpu.memory_space<vmem>>, %arg4: memref<10000x8xf32, #tpu.memory_space<vmem>>, %arg5: memref<10000x1xf32, #tpu.memory_space<vmem>>) attributes {dimension_semantics = [], scalar_prefetch = 0 : i64, scratch_operands = 0 : i64, tpu.core_type = #tpu.core_type<tc>} {
    %get3A = arith.constant 0 : index
    %get3A_0 = arith.constant 0 : index
    %get3A_1 = arith.constant 0 : index
    %get3A_2 = vector.load %arg0[%get3A, %get3A_0, %get3A_1] : memref<2x10240x16xf32, #tpu.memory_space<vmem>>, vector<1x10240x16xf32>
    %get3A_3 = vector.shape_cast %get3A_2 : vector<1x10240x16xf32> to vector<10240x16xf32>
    %get3A_4 = arith.constant 1 : index
    %get3A_5 = arith.constant 0 : index
    %get3A_6 = arith.constant 0 : index
    %get3A_7 = vector.load %arg0[%get3A_4, %get3A_5, %get3A_6] : memref<2x10240x16xf32, #tpu.memory_space<vmem>>, vector<1x10240x16xf32>
    %get3A_8 = vector.shape_cast %get3A_7 : vector<1x10240x16xf32> to vector<10240x16xf32>
    %add3A = arith.addf %get3A_3, %get3A_8 : vector<10240x16xf32>
    %slice3A = vector.extract_strided_slice %add3A {offsets = [0, 8], sizes = [10000, 1], strides = [1, 1]} : vector<10240x16xf32> to vector<10000x1xf32>
    %squeeze3A = vector.shape_cast %slice3A : vector<10000x1xf32> to vector<10000xf32>
    %slice3A_9 = vector.extract_strided_slice %add3A {offsets = [0, 0], sizes = [10000, 8], strides = [1, 1]} : vector<10240x16xf32> to vector<10000x8xf32>
    %broadcast_in_dim3A = vector.shape_cast %squeeze3A : vector<10000xf32> to vector<10000x1xf32>
    %add3A_10 = arith.constant 1.000000e-16 : f32
    %add3A_11 = vector.broadcast %add3A_10 : f32 to vector<10000x1xf32>
    %add3A_12 = arith.addf %broadcast_in_dim3A, %add3A_11 : vector<10000x1xf32>
    %div3A = vector.broadcast %add3A_12 : vector<10000x1xf32> to vector<10000x8xf32>
    %div3A_13 = arith.divf %slice3A_9, %div3A : vector<10000x8xf32>
    %get3A_14 = arith.constant 0 : index
    %get3A_15 = arith.constant 0 : index
    %get3A_16 = vector.load %arg1[%get3A_14, %get3A_15] : memref<1x8xf32, #tpu.memory_space<vmem>>, vector<1x8xf32>
    %add3A_17 = vector.broadcast %get3A_16 : vector<1x8xf32> to vector<10000x8xf32>
    %add3A_18 = arith.addf %div3A_13, %add3A_17 : vector<10000x8xf32>
    %max3A = arith.constant 0.000000e+00 : f32
    %max3A_19 = vector.broadcast %max3A : f32 to vector<10000x8xf32>
    %max3A_20 = arith.maximumf %add3A_18, %max3A_19 : vector<10000x8xf32>
    %swap3A = arith.constant 0 : index
    %swap3A_21 = arith.constant 0 : index
    %swap3A_22 = vector.load %arg4[%swap3A, %swap3A_21] : memref<10000x8xf32, #tpu.memory_space<vmem>>, vector<10000x8xf32>
    tpu.vector_store %arg4[%swap3A, %swap3A_21], %max3A_20 {strides = array<i32>} : memref<10000x8xf32, #tpu.memory_space<vmem>>, vector<10000x8xf32>,
    %get3A_23 = arith.constant 0 : index
    %get3A_24 = arith.constant 0 : index
    %get3A_25 = vector.load %arg2[%get3A_23, %get3A_24] : memref<8x1xf32, #tpu.memory_space<vmem>>, vector<8x1xf32>
    %dot_general3A = arith.constant dense<0.000000e+00> : vector<10000x1xf32>
    %dot_general3A_26 = tpu.matmul %max3A_20, %get3A_25, %dot_general3A {dimension_numbers = #tpu.dot_dimension_numbers<[1], [0], [0], [1], [0, 0, 1, 1], [], []>, transpose_lhs_hint = false} : vector<10000x8xf32>, vector<8x1xf32>, vector<10000x1xf32> -> vector<10000x1xf32>
    %get3A_27 = arith.constant 0 : index
    %get3A_28 = arith.constant 0 : index
    %get3A_29 = vector.load %arg3[%get3A_27, %get3A_28] : memref<1x1xf32, #tpu.memory_space<vmem>>, vector<1x1xf32>
    %add3A_30 = vector.broadcast %get3A_29 : vector<1x1xf32> to vector<10000x1xf32>
    %add3A_31 = arith.addf %dot_general3A_26, %add3A_30 : vector<10000x1xf32>
    %logistic3A = arith.negf %add3A_31 : vector<10000x1xf32>
    %logistic3A_32 = math.exp %logistic3A : vector<10000x1xf32>
    %logistic3A_33 = arith.constant 1.000000e+00 : f32
    %logistic3A_34 = vector.broadcast %logistic3A_33 : f32 to vector<10000x1xf32>
    %logistic3A_35 = arith.addf %logistic3A_34, %logistic3A_32 : vector<10000x1xf32>
    %logistic3A_36 = arith.divf %logistic3A_34, %logistic3A_35 : vector<10000x1xf32>
    %swap3A_37 = arith.constant 0 : index
    %swap3A_38 = arith.constant 0 : index
    %swap3A_39 = vector.load %arg5[%swap3A_37, %swap3A_38] : memref<10000x1xf32, #tpu.memory_space<vmem>>, vector<10000x1xf32>
    tpu.vector_store %arg5[%swap3A_37, %swap3A_38], %logistic3A_36 {strides = array<i32>} : memref<10000x1xf32, #tpu.memory_space<vmem>>, vector<10000x1xf32>,
    return
  }
}

</mosaic_0001>

<sc_bundles>
// kernel: kernel.10.cloned.1.call-start
scs
__scs_entry_jumppad:
0x0: {  	(pc) =	sbr.rel $0x88, $3  }
0x1: {  	(tag) =	ssettag $0x0;
	lr =	simm.s32 $0x1  }
0x2: {  	[smem:$0x3F95] =	sst lr;
	_ =	strace $0xD0000000  }
0x3: {  	_ = 	snop  }
0x4: {  	_ = 	snop  }
0x5: {  	_ = 	snop  }
0x6: {  	_ = 	snop  }
0x7: {  	_ = 	snop  }
__scs_overlays_trampoline_lowered:
0x8: {  	[smem:$0x3FA4] =	sst s0  }
0x9: {  	[smem:$0x3FA5] =	sst s1  }
0xa: {  	[smem:$0x3FA6] =	sst s2  }
0xb: {  	[smem:$0x3FA7] =	sst s3  }
0xc: {  	[smem:$0x3FA8] =	sst s4  }
0xd: {  	[smem:$0x3FA9] =	sst s5  }
0xe: {  	[smem:$0x3FAA] =	sst s6  }
0xf: {  	[smem:$0x3FAB] =	sst s7  }
0x10: {  	[smem:$0x3FAC] =	sst s8  }
0x11: {  	[smem:$0x3FAD] =	sst s9;
	s0 =	simm.s32 @!p0 $0x0  }
0x12: {  	s1 =	sld [smem:$0x3F93];
	s0 =	simm.s32 @p0 $0x1  }
0x13: {  	[smem:$0x3FAE] =	sst s0;
	s0 =	simm.s32 @!p1 $0x0  }
0x14: {  	s2 =	sld [smem:$0x3F92];
	s0 =	simm.s32 @p1 $0x1  }
0x15: {  	[smem:$0x3FAF] =	sst s0;
	s0 =	simm.s32 @!p2 $0x0  }
0x16: {  	s3 =	sld [smem:$0x3FDB];
	s0 =	simm.s32 @p2 $0x1  }
0x17: {  	s4 =	simm.s32 $0x1BF5;
	[smem:$0x3FB1] =	sst s0  }
0x18: {  	s0 =	sld [smem:$0x3F94];
	_ =	swait.ge [sflag:s4], $0x0  }
0x19: {  	s7 =	sld [smem:$0x3F95]  }
0x1a: {  	s8 =	sadd.s32 $0xFFFFE003, lr  }
0x1b: {  	s9 =	sadd.s32 $0xFFFFFEF7, lr;
	s5 =	simm.s32 $0xFFFFFFFF;
	p2 =	slt.u32 s8, $0xFFFFF086  }
0x1c: {  	p1 =	slt.u32 s9, $0xF7A;
	s5 =	simm.s32 @!p2 $0x0  }
0x1d: {  	s5 =	simm.s32 @p1 $0x1;
	p0 =	seq.s32 s7, s2  }
0x1e: {  	s7 =	smul.u32 @!p0 $0xF7A, s2;
	p2 =	seq.s32 @!p0 s5, $0x0  }
0x1f: {  	s9 =	smul.u32 $0xF7A, s1;
	s8 =	simm.s32 @!p0 $0x1BF5;
	p2 =	por !p2, p0  }
0x20: {  	[sflag:s8] =	ssyncset.s32 @!p0 $0xFFFFF086;
	s6 =	sadd.s32 @!p0 s3, s7;
	s7 =	simm.s32 @!p0 $0x108  }
0x21: {  	s3 =	sadd.s32 s3, s9;
	s6 =	sadd.s32 @!p0 $0x88, s6;
	s7 =	simm.s32 @p2 $0x1082  }
0x22: {  	[simem:s7], [sflag:s8] =	dma.local @!p0 [hbm:s6], $0xF7A  }
0x23: {  	s9 =	sor.u32 $0xD0000000, s2;
	s6 =	simm.s32 $0x108;
	_ =	swait.ge @!p0 [sflag:s8], $0x0  }
0x24: {  	s3 =	sadd.s32 $0x88, s3;
	s6 =	simm.s32 @!p1 $0x1082;
	[sflag:s4] =	ssyncset.s32 $0xFFFFF086  }
0x25: {  	[simem:s6], [sflag:s4] =	dma.local [hbm:s3], $0xF7A  }
0x26: {  	[smem:$0x3F95] =	sst s1;
	(tag) =	ssettag s2;
	_ =	strace s9  }
0x27: {  	s1 =	sld [smem:$0x3FA5]  }
0x28: {  	s2 =	sld [smem:$0x3FA6]  }
0x29: {  	s4 =	sld [smem:$0x3FA8]  }
0x2a: {  	p0 =	seq.s32 s5, $0x0;
	s5 =	sld [smem:$0x3FA9]  }
0x2b: {  	s6 =	sld [smem:$0x3FAA]  }
0x2c: {  	s7 =	sld [smem:$0x3FAB]  }
0x2d: {  	s3 =	simm.s32 $0x108;
	s8 =	sld [smem:$0x3FAC]  }
0x2e: {  	s3 =	simm.s32 @!p0 $0x1082;
	s9 =	sld [smem:$0x3FAD]  }
0x2f: {  	lr =	sadd.s32 s0, s3;
	s0 =	sld [smem:$0x3FA4]  }
0x30: {  	s3 =	sld [smem:$0x3FA7]  }
0x31: {  	[smem:$0x3FB0] =	sst s10  }
0x32: {  	s10 =	sld [smem:$0x3FAE];
	_ =	sdelay $0x3  }
0x33: {  	p0 =	seq.s32 s10, $0x1;
	s10 =	sld [smem:$0x3FB0];
	_ =	sdelay $0x3  }
0x34: {  	[smem:$0x3FB0] =	sst s10  }
0x35: {  	s10 =	sld [smem:$0x3FAF];
	_ =	sdelay $0x3  }
0x36: {  	p1 =	seq.s32 s10, $0x1;
	s10 =	sld [smem:$0x3FB0];
	_ =	sdelay $0x3  }
0x37: {  	[smem:$0x3FB0] =	sst s10  }
0x38: {  	s10 =	sld [smem:$0x3FB1]  }
0x39: {  	_ = 	snop;
	(pc) =	sbr.ind lr, $3  }
0x3a: {  	_ = 	snop  }
0x3b: {  	_ = 	snop  }
0x3c: {  	p2 =	seq.s32 s10, $0x1;
	s10 =	sld [smem:$0x3FB0]  }
0x3d: {  	_ =	shalt  }
0x3e: {  	_ =	shalt  }
0x3f: {  	_ =	shalt  }
0x40: {  	_ =	shalt  }
0x41: {  	_ =	shalt  }
0x42: {  	_ =	shalt  }
0x43: {  	_ =	shalt  }
0x44: {  	_ =	shalt  }
0x45: {  	_ =	shalt  }
0x46: {  	_ =	shalt  }
0x47: {  	_ =	shalt  }
0x48: {  	_ =	shalt  }
0x49: {  	_ =	shalt  }
0x4a: {  	_ =	shalt  }
0x4b: {  	_ =	shalt  }
0x4c: {  	_ =	shalt  }
0x4d: {  	_ =	shalt  }
0x4e: {  	_ =	shalt  }
0x4f: {  	_ =	shalt  }
0x50: {  	_ =	shalt  }
0x51: {  	_ =	shalt  }
0x52: {  	_ =	shalt  }
0x53: {  	_ =	shalt  }
0x54: {  	_ =	shalt  }
0x55: {  	_ =	shalt  }
0x56: {  	_ =	shalt  }
0x57: {  	_ =	shalt  }
0x58: {  	_ =	shalt  }
0x59: {  	_ =	shalt  }
0x5a: {  	_ =	shalt  }
0x5b: {  	_ =	shalt  }
0x5c: {  	_ =	shalt  }
0x5d: {  	_ =	shalt  }
0x5e: {  	_ =	shalt  }
0x5f: {  	_ =	shalt  }
0x60: {  	_ =	shalt  }
0x61: {  	_ =	shalt  }
0x62: {  	_ =	shalt  }
0x63: {  	_ =	shalt  }
0x64: {  	_ =	shalt  }
0x65: {  	_ =	shalt  }
0x66: {  	_ =	shalt  }
0x67: {  	_ =	shalt  }
0x68: {  	_ =	shalt  }
0x69: {  	_ =	shalt  }
0x6a: {  	_ =	shalt  }
0x6b: {  	_ =	shalt  }
0x6c: {  	_ =	shalt  }
0x6d: {  	_ =	shalt  }
0x6e: {  	_ =	shalt  }
0x6f: {  	_ =	shalt  }
0x70: {  	_ =	shalt  }
0x71: {  	_ =	shalt  }
0x72: {  	_ =	shalt  }
0x73: {  	_ =	shalt  }
0x74: {  	_ =	shalt  }
0x75: {  	_ =	shalt  }
0x76: {  	_ =	shalt  }
0x77: {  	_ =	shalt  }
0x78: {  	_ =	shalt  }
0x79: {  	_ =	shalt  }
0x7a: {  	_ =	shalt  }
0x7b: {  	_ =	shalt  }
0x7c: {  	_ =	shalt  }
0x7d: {  	_ =	shalt  }
0x7e: {  	_ =	shalt  }
0x7f: {  	_ =	shalt  }
0x80: {  	_ =	shalt  }
0x81: {  	_ =	shalt  }
0x82: {  	_ =	shalt  }
0x83: {  	_ =	shalt  }
0x84: {  	_ =	shalt  }
0x85: {  	_ =	shalt  }
0x86: {  	_ =	shalt  }
0x87: {  	_ =	shalt  }
.Lfunc_end0:
.L_simem_size_0:
called_computation.1_lowered:
.L_overlay_start_0:
0x88: {  	s2 =	sld [smem:$0x3FD9]  }
0x89: {  	s3 =	sld [smem:$0x3FFE];
	_ =	sdelay $0x1  }
0x8a: {  	s1 =	srdreg.scid  }
0x8b: {  	s0 =	sand.u32 $0x1, s1  }
0x8c: {  	s14 =	sshll.u32 s0, $0xA;
	s2 =	sadd.s32 s3, s2  }
0x8d: {  	s2 =	sadd.s32 s2, s14  }
0x8e: {  	[smem:$0x3FBC] =	sst s2  }
0x8f: {  	_ = 	snop  }
0x90: {  	s2 =	sld [smem:$0x3FD0];
	_ =	sdelay $0x2  }
0x91: {  	s15 =	simm.s32 $0xA;
	s4 =	simm.s32 $0x10  }
0x92: {  	[smem:s4], [sflag:s15] =	dma.local [hbm:s2], $0x1  }
0x93: {  	_ =	swait.eq [sflag:s15], $0x1  }
0x94: {  	[sflag:s15] =	ssyncset.done $0x0  }
0x95: {  	[sflag:s15] =	ssyncadd.s32 $0xFFFFFFFF  }
0x96: {  	s16 =	sld [smem:$0x10];
	(tm) =	ssettm $0x1  }
0x97: {  	s17 =	sld [smem:$0x3FFB];
	_ =	sdelay $0x3  }
0x98: {  	_ =	strace s17  }
0x99: {  	s3 =	sld [smem:$0x3FFC];
	_ =	sdelay $0x3  }
0x9a: {  	_ =	strace s3  }
0x9b: {  	s3 =	sld [smem:$0x3FFD];
	_ =	sdelay $0x3  }
0x9c: {  	_ =	strace s3  }
0x9d: {  	_ =	strace $0x8FFFFFFF  }
0x9e: {  	s18 =	sld [smem:$0x3FDB];
	_ =	sdelay $0x1  }
0x9f: {  	s19 =	simm.s32 $_scs_section_size  }
0xa0: {  	s5 =	simm.s32 $_size__tile_overlayer_lowered;
	s6 =	simm.s32 $_tile_overlayer_lowered  }
0xa1: {  	s22 =	simm.s32 $0x1BFF;
	s21 =	sshll.u32 s6, $0x1;
	s3 =	sadd.s32 s19, s18  }
0xa2: {  	s7 =	simm.s32 $0x0;
	s20 =	sshll.u32 s5, $0x1;
	s5 =	sadd.s32 s21, s3  }
0xa3: {  	[timem:s7], [sflag:s22] =	dma.local [hbm:s5], s20  }
0xa4: {  	_ =	swait.ge [sflag:s22], s20  }
0xa5: {  	s4 =	ssub.s32 $0x0, s20;
	[sflag:s22] =	ssyncset.done $0x0  }
0xa6: {  	[sflag:s22] =	ssyncadd.s32 s4;
	_ =	sdelay $0x1  }
0xa7: {  	s23 =	simm.s32 $0x1B8B  }
0xa8: {  	_ =	swait.ge [sflag:s23], $0x1  }
0xa9: {  	[sflag:s23] =	ssyncset.done $0x0  }
0xaa: {  	s25 =	simm.s32 $0x1B8E;
	s24 =	sld [smem:$0x3FFE];
	[sflag:s23] =	ssyncadd.s32 $0xFFFFFFFF  }
0xab: {  	s26 =	simm.s32 $execute0_lowered;
	[smem:$0x3FD2] =	sst s25  }
0xac: {  	s5 =	sshll.u32 s26, $0x1;
	_ =	strace $0x80000049;
	[dreg:$0x1] =	wrdreg $0xFFFFFFFF  }
0xad: {  	s28 =	simm.s32 $_size_execute0_lowered;
	s3 =	sadd.s32 s3, s5;
	[dreg:$0x0] =	wrdreg $0x0  }
0xae: {  	s5 =	sshll.u32 s28, $0x1;
	[dreg:$0x2] =	wrdreg s3  }
0xaf: {  	[dreg:$0x3] =	wrdreg s5  }
0xb0: {  	[dreg:$0x4] =	wrdreg $0xC0  }
0xb1: {  	_ =	task [dreg:s7], $0x5FFFF  }
0xb2: {  	[dreg:$0x1] =	wrdreg $0xFFFFFFFF  }
0xb3: {  	[dreg:$0x0] =	wrdreg $0x60  }
0xb4: {  	[dreg:$0x2] =	wrdreg s24  }
0xb5: {  	[dreg:$0x3] =	wrdreg s16  }
0xb6: {  	[dreg:$0x4] =	wrdreg $0x110000  }
0xb7: {  	[dreg:$0x5] =	wrdreg $0x9  }
0xb8: {  	_ =	task.clear_ibuf [dreg:s7], $0x6FFFF;
	_ =	strace $0x90000049  }
0xb9: {  	s29 =	simm.s32 $0x9;
	_ =	strace $0x8000004B  }
0xba: {  	_ =	swait.ge [sflag:s29], $0x1  }
0xbb: {  	[sflag:s29] =	ssyncadd.s32 $0xFFFFFFFF  }
0xbc: {  	_ =	strace $0x9000004B  }
0xbd: {  	_ =	sfence  }
0xbe: {  	s30 =	sld [smem:$0x0];
	_ =	sdelay $0x2  }
0xbf: {  	s31 =	sshll.u32 s1, $0xD;
	s1 =	sshrl.u32 s1, $0x2  }
0xc0: {  	s3 =	sand.u32 $0x4000, s31;
	s1 =	sadd.s32 s1, s30  }
0xc1: {  	s0 =	sor.u32 s3, s0;
	s1 =	sshll.u32 s1, $0x11  }
0xc2: {  	s0 =	sor.u32 s1, s0  }
0xc3: {  	s0 =	sadd.s32 $0x8F2B, s0  }
0xc4: {  	[sflag:s0] =	ssyncadd.remote.s32 $0x1  }
0xc5: {  	_ =	sfence.sel $0xFFFF  }
0xc6: {  	[dreg:$0x0] =	wrdreg $0xFFFFFFFF;
	(pc) =	sbr.abs _section_cstart, $3  }
0xc7: {  	[dreg:$0x1] =	wrdreg $0xFFFFFFFF  }
0xc8: {  	_ =	task.clear_ibuf [dreg:s7], $0x2FFFF;
	_ =	strace $0x9FFFFFFF  }
0xc9: {  	(tm) =	ssettm $0x7FFFFFFF  }
tec
execute0_lowered:
.L_overlay_start_1:
0x0: {  	(tag) =	ssettag $0x1  }
0x1: {  	s0 =	srdreg.scid;
	s1 =	rddreg [dreg:$0x0]  }
0x2: {  	s5 =	stileid.u32;
	s3 =	rddreg [dreg:$0x2];
	s4 =	simm.s32 $0x0  }
0x3: {  	s12 =	simm.s32 $0x9;
	s14 =	simm.s32 $0x5000;
	s15 =	simm.s32 $0x7800  }
0x4: {  	s17 =	simm.s32 $0x80;
	s18 =	simm.s32 $0xC800;
	s19 =	simm.s32 $0xD000  }
0x5: {  	s20 =	simm.s32 $0x1;
	s21 =	simm.s32 $0xD800;
	s22 =	simm.s32 $0x2  }
0x6: {  	s23 =	simm.s32 $0xE000;
	s24 =	simm.s32 $0x3;
	s25 =	simm.s32 $0x4  }
0x7: {  	s0 =	sand.u32 $0x1, s0;
	[smem:$0x7FF] =	sst s4;
	s7 =	sadd.s32 $0x1E00, s1  }
0x8: {  	s2 =	sshll.u32 s0, $0x4;
	s6 =	smul.u32 $0x28000, s0;
	s0 =	ssub.s32 $0x2, s0  }
0x9: {  	s2 =	sor.u32 s5, s2;
	s5 =	smul.u32 $0x2800, s5;
	s8 =	sshrl.u32 s0, $0x1  }
0xa: {  	_ =	strace $0x8000004A;
	s2 =	smul.u32 $0x500, s2;
	s0 =	ssub.s32 s0, s8  }
0xb: {  	[dreg:$0x4] =	wrdreg s7;
	s6 =	sadd.s32 s5, s6;
	s0 =	smax.u32 s0, $0x1  }
.Ltmp0:
0xc: {  	s2 =	sadd.s32 s2, s1;
	s29 =	sshrl.u32 s6, $0x3;
	(pc) =	sbr.rel .LBB2_1-.Ltmp0, $4  }
0xd: {  	s6 =	sadd.s32 $0x2400, s1;
	[dreg:$0x8] =	wrdreg s0;
	s30 =	sadd.s32 $0x11A00, s2  }
0xe: {  	s1 =	sadd.s32 s29, s1;
	s2 =	sadd.s32 $0x7A00, s2;
	[dreg:$0x5] =	wrdreg s30  }
0xf: {  	s28 =	simm.s32 $0x6;
	[dreg:$0x6] =	wrdreg s2;
	s1 =	sadd.s32 $0x1BA00, s1  }
0x10: {  	v0 =	vimm.f32 $0.0e+00;
	s31 =	simm.s32 $0x0;
	s9 =	sadd.s32 s5, s3;
	[dreg:$0x7] =	wrdreg s1  }
.LBB2_14:
0x11: {  	s0 =	simm.s32 $0x5  }
0x12: {  	_ =	swait.ge [sflag:s0], $0x800  }
0x13: {  	[sflag:s0] =	ssyncset.done $0x0  }
0x14: {  	[sflag:s0] =	ssyncadd.s32 $0xFFFFF800  }
0x15: {  	_ =	swait.ge [sflag:s28], $0x800  }
0x16: {  	[sflag:s28] =	ssyncset.done $0x0  }
0x17: {  	s16 =	simm.s32 $0x7;
	[sflag:s28] =	ssyncadd.s32 $0xFFFFF800  }
0x18: {  	_ =	swait.ge [sflag:s16], $0x800  }
0x19: {  	[sflag:s16] =	ssyncset.done $0x0  }
0x1a: {  	s26 =	simm.s32 $0x8;
	[sflag:s16] =	ssyncadd.s32 $0xFFFFF800  }
0x1b: {  	_ =	swait.ge [sflag:s26], $0x800  }
0x1c: {  	[sflag:s26] =	ssyncset.done $0x0  }
0x1d: {  	s29 =	stileid.u32;
	[sflag:s26] =	ssyncadd.s32 $0xFFFFF800  }
0x1e: {  	s0 =	sshll.u32 s29, $0x6;
	[bflag:$0x0] =	sbarrier.arrive $0xFFFF  }
0x1f: {  	s1 =	sshrl.u32 s9, $0x3;
	s0 =	sor.u32 $0x1C09, s0;
	s2 =	rddreg [dreg:$0x7]  }
0x20: {  	[hbm:s2], [sflag:s0] =	dma.local [spmem:s1], $0x500  }
0x21: {  	_ =	swait.ge [sflag:s12], $0x500  }
0x22: {  	s31 =	sadd.s32 $0x1, s31;
	s30 =	rddreg [dreg:$0x8]  }
0x23: {  	p0 =	sne.s32 s31, s30  }
.Ltmp1:
0x24: {  	_ = 	snop;
	(pc) =	sbr.rel @!p0 .LBB2_15-.Ltmp1, $3  }
0x25: {  	_ =	sdelay $0x1  }
0x26: {  	[sflag:s12] =	ssyncset.done $0x0  }
0x27: {  	[sflag:s12] =	ssyncadd.s32 $0xFFFFFB00  }
.LBB2_1:
0x28: {  	s0 =	rddreg [dreg:$0x5]  }
0x29: {  	[tilespmem:s4], [sflag:$0x9] =	stream.linear.gather [hbm4b:s0+s4], $0x2800, $0x38;
	[tilespmem:$0x13800] =	vst v63  }
0x2a: {  	_ =	swait.ge [sflag:s12], $0x2800  }
0x2b: {  	[sflag:s12] =	ssyncset.done $0x0  }
0x2c: {  	s1 =	simm.s32 $0x2800;
	s26 =	rddreg [dreg:$0x6];
	[sflag:s12] =	ssyncadd.s32 $0xFFFFD800  }
0x2d: {  	[tilespmem:s1], [sflag:$0x9] =	stream.linear.gather [hbm4b:s26+s4], $0x2800, $0x38;
	[tilespmem:$0x13800] =	vst v63  }
0x2e: {  	_ =	swait.ge [sflag:s12], $0x2800  }
0x2f: {  	[sflag:s12] =	ssyncset.done $0x0  }
0x30: {  	[sflag:s12] =	ssyncadd.s32 $0xFFFFD800  }
0x31: {  	s29 =	rddreg [dreg:$0x1]  }
0x32: {  	[tilespmem:s14], [sflag:$0x9] =	stream.linear.gather [hbm4b:s29+s4], $0x2800, $0x38;
	[tilespmem:$0x13800] =	vst v63  }
0x33: {  	_ =	swait.ge [sflag:s12], $0x2800  }
0x34: {  	[sflag:s12] =	ssyncset.done $0x0  }
0x35: {  	s30 =	rddreg [dreg:$0x4];
	[sflag:s12] =	ssyncadd.s32 $0xFFFFD800  }
0x36: {  	[tilespmem:s15], [sflag:$0x9] =	stream.linear.gather [hbm4b:s30+s4], $0x2800, $0x38;
	[tilespmem:$0x13800] =	vst v63  }
0x37: {  	_ =	swait.ge [sflag:s12], $0x2800  }
0x38: {  	[sflag:s12] =	ssyncset.done $0x0  }
0x39: {  	s0 =	simm.s32 $0x40;
	s1 =	simm.s32 $0x0;
	[sflag:s12] =	ssyncadd.s32 $0xFFFFD800  }
.LBB2_2:
0x3a: {  	p0 =	sne.s32 s0, $0x9FC0;
	[tilespmem:s1+$0xE800] =	vst v0;
	s1 =	smov.u32 s0;
	s0 =	sadd.s32 $0x40, s0  }
.Ltmp2:
0x3b: {  	(pc) =	sbr.rel @p0 .LBB2_2-.Ltmp2, $2  }
0x3c: {  	_ =	sdelay $0x2  }
0x3d: {  	s1 =	sshra.s32 s1, $0x2  }
0x3e: {  	[tilespmem:s1+$0xE800] =	vst v0;
	s0 =	simm.s32 $0xE800  }
0x3f: {  	[spmem:s9] =	stream.linear.scatter [tilespmem:s0], [sflag:$0x9], $0x2800, $0x38;
	[tilespmem:$0x13800] =	vst v63  }
0x40: {  	_ =	swait.ge [sflag:s12], $0x2800  }
0x41: {  	[sflag:s12] =	ssyncset.done $0x0  }
0x42: {  	[sflag:s12] =	ssyncadd.s32 $0xFFFFD800  }
0x43: {  	s1 =	simm.s32 $0x0;
	s2 =	simm.s32 $0xA000;
	[bflag:$0x0] =	sbarrier.arrive $0xFFFF  }
0x44: {  	[tilespmem:s18], [sflag:$0x1] =	stream.indirect.gather [hbm4b:s6+s17], $0x10, s1, s17, $0xb8;
	[tilespmem:$0x13800] =	vst v63  }
0x45: {  	s13 =	simm.s32 $0xA080;
	s16 =	simm.s32 $0xA100;
	s0 =	simm.s32 $0xA180  }
0x46: {  	[tilespmem:s19], [sflag:$0x2] =	stream.indirect.gather [hbm4b:s6+s17], $0x10, s17, s17, $0xb8;
	[tilespmem:$0x13800] =	vst v63  }
.LBB2_4:
0x47: {  	s5 =	sshll.u32 s1, $0x9  }
0x48: {  	v1 =	vld [tilespmem:s5+$0x0]  }
0x49: {  	v2 =	vld [tilespmem:s5+$0x2800];
	_ =	sdelay $0x6  }
0x4a: {  	v1 =	vld.idx.msk [tilespmem:v1+s14+$0x0], $0xffff  }
0x4b: {  	v2 =	vld.idx.msk [tilespmem:v2+s15+$0x0], $0xffff;
	_ =	sdelay $0x4  }
0x4c: {  	v1 =	vadd.f32 v2, v1;
	_ =	sdelay $0x1  }
0x4d: {  	v2 =	vmul.f32 $2.000000030e-01, v1  }
0x4e: {  	vm0 =	vge.f32 v1, $0.0e+00  }
0x4f: {  	v1 =	vsel vm0, v1, v2  }
0x50: {  	v1 =	vmul.f32 $1.442695020e+00, v1;
	_ =	sdelay $0x1  }
0x51: {  	(erf) = vpow2.f32 v1;
	_ =	sdelay $0x2  }
0x52: {  	v1 =	vld [tilespmem:s5+$0x10]  }
0x53: {  	v2 =	vld [tilespmem:s5+$0x2810];
	_ =	sdelay $0x4  }
0x54: {  	v3 =	vpop (erf)  }
0x55: {  	[tilespmem:s5+$0xA000] =	vst v3  }
0x56: {  	v1 =	vld.idx.msk [tilespmem:v1+s14+$0x0], $0xffff  }
0x57: {  	v2 =	vld.idx.msk [tilespmem:v2+s15+$0x0], $0xffff;
	_ =	sdelay $0x4  }
0x58: {  	v1 =	vadd.f32 v2, v1;
	_ =	sdelay $0x1  }
0x59: {  	v2 =	vmul.f32 $2.000000030e-01, v1  }
0x5a: {  	vm9 =	vge.f32 v1, $0.0e+00  }
0x5b: {  	v1 =	vsel vm9, v1, v2  }
0x5c: {  	v1 =	vmul.f32 $1.442695020e+00, v1;
	_ =	sdelay $0x1  }
0x5d: {  	(erf) = vpow2.f32 v1;
	_ =	sdelay $0x2  }
0x5e: {  	v1 =	vld [tilespmem:s5+$0x20]  }
0x5f: {  	v2 =	vld [tilespmem:s5+$0x2820];
	_ =	sdelay $0x4  }
0x60: {  	v3 =	vpop (erf)  }
0x61: {  	[tilespmem:s5+$0xA010] =	vst v3  }
0x62: {  	v1 =	vld.idx.msk [tilespmem:v1+s14+$0x0], $0xffff  }
0x63: {  	v2 =	vld.idx.msk [tilespmem:v2+s15+$0x0], $0xffff;
	_ =	sdelay $0x4  }
0x64: {  	v1 =	vadd.f32 v2, v1;
	_ =	sdelay $0x1  }
0x65: {  	v2 =	vmul.f32 $2.000000030e-01, v1  }
0x66: {  	vm10 =	vge.f32 v1, $0.0e+00  }
0x67: {  	v1 =	vsel vm10, v1, v2  }
0x68: {  	v1 =	vmul.f32 $1.442695020e+00, v1;
	_ =	sdelay $0x1  }
0x69: {  	(erf) = vpow2.f32 v1;
	_ =	sdelay $0x2  }
0x6a: {  	v1 =	vld [tilespmem:s5+$0x30]  }
0x6b: {  	v2 =	vld [tilespmem:s5+$0x2830];
	_ =	sdelay $0x4  }
0x6c: {  	v3 =	vpop (erf)  }
0x6d: {  	[tilespmem:s5+$0xA020] =	vst v3  }
0x6e: {  	v1 =	vld.idx.msk [tilespmem:v1+s14+$0x0], $0xffff  }
0x6f: {  	v2 =	vld.idx.msk [tilespmem:v2+s15+$0x0], $0xffff;
	_ =	sdelay $0x4  }
0x70: {  	v1 =	vadd.f32 v2, v1;
	_ =	sdelay $0x1  }
0x71: {  	v2 =	vmul.f32 $2.000000030e-01, v1  }
0x72: {  	vm11 =	vge.f32 v1, $0.0e+00  }
0x73: {  	v1 =	vsel vm11, v1, v2  }
0x74: {  	v1 =	vmul.f32 $1.442695020e+00, v1;
	_ =	sdelay $0x1  }
0x75: {  	(erf) = vpow2.f32 v1;
	_ =	sdelay $0x2  }
0x76: {  	v1 =	vld [tilespmem:s5+$0x40]  }
0x77: {  	v2 =	vld [tilespmem:s5+$0x2840];
	_ =	sdelay $0x4  }
0x78: {  	v3 =	vpop (erf)  }
0x79: {  	[tilespmem:s5+$0xA030] =	vst v3  }
0x7a: {  	v1 =	vld.idx.msk [tilespmem:v1+s14+$0x0], $0xffff  }
0x7b: {  	v2 =	vld.idx.msk [tilespmem:v2+s15+$0x0], $0xffff;
	_ =	sdelay $0x4  }
0x7c: {  	v1 =	vadd.f32 v2, v1;
	_ =	sdelay $0x1  }
0x7d: {  	v2 =	vmul.f32 $2.000000030e-01, v1  }
0x7e: {  	vm12 =	vge.f32 v1, $0.0e+00  }
0x7f: {  	v1 =	vsel vm12, v1, v2  }
0x80: {  	v1 =	vmul.f32 $1.442695020e+00, v1;
	_ =	sdelay $0x1  }
0x81: {  	(erf) = vpow2.f32 v1;
	_ =	sdelay $0x2  }
0x82: {  	v1 =	vld [tilespmem:s5+$0x50]  }
0x83: {  	v2 =	vld [tilespmem:s5+$0x2850];
	_ =	sdelay $0x4  }
0x84: {  	v3 =	vpop (erf)  }
0x85: {  	[tilespmem:s5+$0xA040] =	vst v3  }
0x86: {  	v1 =	vld.idx.msk [tilespmem:v1+s14+$0x0], $0xffff  }
0x87: {  	v2 =	vld.idx.msk [tilespmem:v2+s15+$0x0], $0xffff;
	_ =	sdelay $0x4  }
0x88: {  	v1 =	vadd.f32 v2, v1;
	_ =	sdelay $0x1  }
0x89: {  	v2 =	vmul.f32 $2.000000030e-01, v1  }
0x8a: {  	vm13 =	vge.f32 v1, $0.0e+00  }
0x8b: {  	v1 =	vsel vm13, v1, v2  }
0x8c: {  	v1 =	vmul.f32 $1.442695020e+00, v1;
	_ =	sdelay $0x1  }
0x8d: {  	(erf) = vpow2.f32 v1;
	_ =	sdelay $0x2  }
0x8e: {  	v1 =	vld [tilespmem:s5+$0x60]  }
0x8f: {  	v2 =	vld [tilespmem:s5+$0x2860];
	_ =	sdelay $0x4  }
0x90: {  	v3 =	vpop (erf)  }
0x91: {  	[tilespmem:s5+$0xA050] =	vst v3  }
0x92: {  	v1 =	vld.idx.msk [tilespmem:v1+s14+$0x0], $0xffff  }
0x93: {  	v2 =	vld.idx.msk [tilespmem:v2+s15+$0x0], $0xffff;
	_ =	sdelay $0x4  }
0x94: {  	v1 =	vadd.f32 v2, v1;
	_ =	sdelay $0x1  }
0x95: {  	v2 =	vmul.f32 $2.000000030e-01, v1  }
0x96: {  	vm14 =	vge.f32 v1, $0.0e+00  }
0x97: {  	v1 =	vsel vm14, v1, v2  }
0x98: {  	v1 =	vmul.f32 $1.442695020e+00, v1;
	_ =	sdelay $0x1  }
0x99: {  	(erf) = vpow2.f32 v1;
	_ =	sdelay $0x2  }
0x9a: {  	v1 =	vld [tilespmem:s5+$0x70]  }
0x9b: {  	v2 =	vld [tilespmem:s5+$0x2870];
	_ =	sdelay $0x4  }
0x9c: {  	v3 =	vpop (erf)  }
0x9d: {  	[tilespmem:s5+$0xA060] =	vst v3  }
0x9e: {  	v1 =	vld.idx.msk [tilespmem:v1+s14+$0x0], $0xffff  }
0x9f: {  	v2 =	vld.idx.msk [tilespmem:v2+s15+$0x0], $0xffff;
	_ =	sdelay $0x4  }
0xa0: {  	v1 =	vadd.f32 v2, v1;
	_ =	sdelay $0x1  }
0xa1: {  	v2 =	vmul.f32 $2.000000030e-01, v1  }
0xa2: {  	vm15 =	vge.f32 v1, $0.0e+00  }
0xa3: {  	v1 =	vsel vm15, v1, v2  }
0xa4: {  	v1 =	vmul.f32 $1.442695020e+00, v1;
	_ =	sdelay $0x1  }
0xa5: {  	(erf) = vpow2.f32 v1;
	_ =	sdelay $0x8  }
0xa6: {  	v1 =	vmov s2;
	v2 =	vpop (erf)  }
0xa7: {  	[tilespmem:s5+$0xA070] =	vst v2  }
0xa8: {  	_ =	swait.ge [sflag:s20], $0x800  }
0xa9: {  	[sflag:s20] =	ssyncset.done $0x0  }
0xaa: {  	s7 =	simm.s32 $0x0;
	[sflag:s20] =	ssyncadd.s32 $0xFFFFF800  }
0xab: {  	v2 =	vld.idx.msk [tilespmem:v1+s7+$0x0 ss:$0x1], $0xffff  }
0xac: {  	s7 =	simm.s32 $0xC880  }
0xad: {  	v3 =	vld [tilespmem:s7+$0xFFFFFF80]  }
0xae: {  	v4 =	vld [tilespmem:s7+$0xFFFFFF90]  }
0xaf: {  	v5 =	vld [tilespmem:s7+$0xFFFFFFA0]  }
0xb0: {  	v6 =	vld [tilespmem:s7+$0xFFFFFFB0];
	v7 =	vbroadcast v2, $0x0  }
0xb1: {  	v10 =	vld [tilespmem:s7+$0xFFFFFFD0];
	v8 =	vbroadcast v2, $0x1  }
0xb2: {  	v46 =	vld [tilespmem:s7+$0xFFFFFFE0];
	v11 =	vbroadcast v2, $0x2;
	v3 =	vmul.f32 v7, v3  }
0xb3: {  	v9 =	vld [tilespmem:s7+$0xFFFFFFC0];
	v45 =	vbroadcast v2, $0x3;
	v4 =	vmul.f32 v4, v8  }
0xb4: {  	v49 =	vld [tilespmem:s7+$0x10];
	v47 =	vbroadcast v2, $0x5;
	v5 =	vmul.f32 v5, v11;
	[tilespmem:s7+$0xFFFFFF80] =	vst v3  }
0xb5: {  	v59 =	vld [tilespmem:s7+$0x60];
	v13 =	vbroadcast v2, $0x6;
	v6 =	vmul.f32 v6, v45;
	[tilespmem:s7+$0xFFFFFF90] =	vst v4  }
0xb6: {  	v12 =	vld [tilespmem:s7+$0xFFFFFFF0];
	v7 =	vmul.f32 v10, v47;
	v3 =	vbroadcast v2, $0x4;
	[tilespmem:s7+$0xFFFFFFA0] =	vst v5  }
0xb7: {  	v48 =	vld [tilespmem:s7+$0x0];
	v53 =	vbroadcast v2, $0x9;
	v8 =	vmul.f32 v46, v13;
	[tilespmem:s7+$0xFFFFFFB0] =	vst v6  }
0xb8: {  	v52 =	vld [tilespmem:s7+$0x30];
	v62 =	vbroadcast v2, $0xE;
	[tilespmem:s7+$0xFFFFFFD0] =	vst v7;
	v3 =	vmul.f32 v9, v3  }
0xb9: {  	v55 =	vld [tilespmem:s7+$0x50];
	v50 =	vbroadcast v2, $0x7;
	v58 =	vmul.f32 v49, v53;
	[tilespmem:s7+$0xFFFFFFE0] =	vst v8  }
0xba: {  	v51 =	vld [tilespmem:s7+$0x20];
	v63 =	vmul.f32 v59, v62;
	[tilespmem:s7+$0xFFFFFFC0] =	vst v3;
	v3 =	vbroadcast v2, $0x8  }
0xbb: {  	v54 =	vld [tilespmem:s7+$0x40];
	v57 =	vbroadcast v2, $0xB;
	v5 =	vmul.f32 v12, v50;
	[tilespmem:s7+$0x10] =	vst v58  }
0xbc: {  	v60 =	vld [tilespmem:s7+$0x70];
	v61 =	vbroadcast v2, $0xD;
	[tilespmem:s7+$0x60] =	vst v63;
	v3 =	vmul.f32 v48, v3  }
0xbd: {  	v56 =	vbroadcast v2, $0xA;
	v4 =	vmul.f32 v52, v57;
	[tilespmem:s7+$0xFFFFFFF0] =	vst v5  }
0xbe: {  	v6 =	vmul.f32 v55, v61;
	[tilespmem:s7+$0x0] =	vst v3;
	v3 =	vbroadcast v2, $0xC  }
0xbf: {  	v9 =	vmul.f32 v51, v56;
	[tilespmem:s7+$0x30] =	vst v4;
	v2 =	vbroadcast v2, $0xF  }
0xc0: {  	[tilespmem:s7+$0x50] =	vst v6;
	v3 =	vmul.f32 v54, v3  }
0xc1: {  	[tilespmem:s7+$0x20] =	vst v9;
	v2 =	vmul.f32 v60, v2  }
0xc2: {  	[tilespmem:s7+$0x40] =	vst v3  }
0xc3: {  	s8 =	sshll.u32 s1, $0xB;
	s11 =	simm.s32 $0x10;
	s10 =	simm.s32 $0x80;
	[tilespmem:s7+$0x70] =	vst v2  }
.LBB2_5:
0xc4: {  	p0 =	sne.s32 s10, $0x1C0;
	v2 =	vld.idx.msk [tilespmem:v1+s11+$0x0 ss:$0x1], $0xffff;
	s7 =	sadd.s32 $0x100, s7  }
0xc5: {  	v3 =	vld [tilespmem:s7+$0xFFFFFFB0]  }
0xc6: {  	v4 =	vld [tilespmem:s7+$0xFFFFFF90]  }
0xc7: {  	v5 =	vld [tilespmem:s7+$0xFFFFFF80]  }
0xc8: {  	v6 =	vld [tilespmem:s7+$0xFFFFFFA0]  }
0xc9: {  	v7 =	vld [tilespmem:s7+$0xFFFFFFF0]  }
0xca: {  	v8 =	vbroadcast v2, $0x0;
	v9 =	vbroadcast v2, $0x1;
	v10 =	vld [tilespmem:s7+$0xFFFFFFD0]  }
0xcb: {  	v11 =	vbroadcast v2, $0x2;
	v12 =	vbroadcast v2, $0x3;
	v13 =	vld [tilespmem:s7+$0xFFFFFFC0]  }
0xcc: {  	v4 =	vmul.f32 v4, v9;
	v5 =	vmul.f32 v8, v5;
	v8 =	vld [tilespmem:s7+$0xFFFFFFE0]  }
0xcd: {  	v3 =	vmul.f32 v3, v12;
	v6 =	vmul.f32 v6, v11;
	v9 =	vld [tilespmem:s7+$0x30]  }
0xce: {  	v11 =	vbroadcast v2, $0x5;
	[tilespmem:s7+$0xFFFFFF80] =	vst v5;
	v5 =	vbroadcast v2, $0x4;
	v12 =	vld [tilespmem:s7+$0x10]  }
0xcf: {  	v14 =	vbroadcast v2, $0x7;
	[tilespmem:s7+$0xFFFFFF90] =	vst v4;
	v4 =	vbroadcast v2, $0x6;
	v15 =	vld [tilespmem:s7+$0x0]  }
0xd0: {  	[tilespmem:s7+$0xFFFFFFA0] =	vst v6;
	v5 =	vmul.f32 v13, v5;
	v6 =	vmul.f32 v10, v11;
	v10 =	vld [tilespmem:s7+$0x20]  }
0xd1: {  	[tilespmem:s7+$0xFFFFFFB0] =	vst v3;
	v3 =	vmul.f32 v8, v4;
	v4 =	vmul.f32 v7, v14;
	v7 =	vld [tilespmem:s7+$0x70]  }
0xd2: {  	v8 =	vbroadcast v2, $0x9;
	[tilespmem:s7+$0xFFFFFFC0] =	vst v5;
	v5 =	vbroadcast v2, $0x8;
	v11 =	vld [tilespmem:s7+$0x50]  }
0xd3: {  	v13 =	vbroadcast v2, $0xB;
	[tilespmem:s7+$0xFFFFFFD0] =	vst v6;
	v6 =	vbroadcast v2, $0xA;
	v14 =	vld [tilespmem:s7+$0x40]  }
0xd4: {  	[tilespmem:s7+$0xFFFFFFE0] =	vst v3;
	v3 =	vmul.f32 v15, v5;
	v5 =	vmul.f32 v12, v8;
	v8 =	vld [tilespmem:s7+$0x60]  }
0xd5: {  	[tilespmem:s7+$0xFFFFFFF0] =	vst v4;
	v4 =	vmul.f32 v10, v6;
	v6 =	vmul.f32 v9, v13  }
0xd6: {  	v9 =	vbroadcast v2, $0xD;
	[tilespmem:s7+$0x0] =	vst v3;
	v3 =	vbroadcast v2, $0xC  }
0xd7: {  	[tilespmem:s7+$0x10] =	vst v5;
	v5 =	vbroadcast v2, $0xE;
	v2 =	vbroadcast v2, $0xF  }
0xd8: {  	[tilespmem:s7+$0x20] =	vst v4;
	v3 =	vmul.f32 v14, v3;
	v4 =	vmul.f32 v11, v9  }
.Ltmp3:
0xd9: {  	[tilespmem:s7+$0x30] =	vst v6;
	v5 =	vmul.f32 v8, v5;
	v2 =	vmul.f32 v7, v2;
	(pc) =	sbr.rel @p0 .LBB2_5-.Ltmp3, $4  }
0xda: {  	[tilespmem:s7+$0x40] =	vst v3  }
0xdb: {  	[tilespmem:s7+$0x50] =	vst v4  }
0xdc: {  	[tilespmem:s7+$0x60] =	vst v5  }
0xdd: {  	s11 =	sshra.s32 s10, $0x2;
	s10 =	sadd.s32 $0x40, s10;
	[tilespmem:s7+$0x70] =	vst v2  }
0xde: {  	_ =	sdelay $0x3  }
0xdf: {  	v1 =	vld.idx.msk [tilespmem:v1+s11+$0x0 ss:$0x1], $0xffff  }
0xe0: {  	s10 =	sadd.s32 $0x100, s7  }
0xe1: {  	v2 =	vld [tilespmem:s10+$0xFFFFFF80]  }
0xe2: {  	v3 =	vld [tilespmem:s10+$0xFFFFFF90]  }
0xe3: {  	v4 =	vld [tilespmem:s10+$0xFFFFFFA0]  }
0xe4: {  	v5 =	vld [tilespmem:s10+$0xFFFFFFB0];
	v6 =	vbroadcast v1, $0x0  }
0xe5: {  	v9 =	vld [tilespmem:s10+$0xFFFFFFD0];
	v7 =	vbroadcast v1, $0x1  }
0xe6: {  	v8 =	vld [tilespmem:s10+$0xFFFFFFC0];
	v10 =	vbroadcast v1, $0x2;
	v2 =	vmul.f32 v6, v2  }
0xe7: {  	v21 =	vld [tilespmem:s10+$0xFFFFFFE0];
	v20 =	vbroadcast v1, $0x3;
	v3 =	vmul.f32 v3, v7  }
0xe8: {  	v23 =	vld [tilespmem:s10+$0x10];
	v22 =	vbroadcast v1, $0x5;
	v4 =	vmul.f32 v4, v10;
	[tilespmem:s10+$0xFFFFFF80] =	vst v2  }
0xe9: {  	v11 =	vld [tilespmem:s10+$0xFFFFFFF0];
	v5 =	vmul.f32 v5, v20;
	v2 =	vbroadcast v1, $0x4;
	[tilespmem:s10+$0xFFFFFF90] =	vst v3  }
0xea: {  	v12 =	vbroadcast v1, $0x6;
	v6 =	vmul.f32 v9, v22;
	v3 =	vld [tilespmem:s10+$0x0];
	[tilespmem:s10+$0xFFFFFFA0] =	vst v4  }
0xeb: {  	v29 =	vld [tilespmem:s10+$0x50];
	v27 =	vbroadcast v1, $0x9;
	[tilespmem:s10+$0xFFFFFFB0] =	vst v5;
	v2 =	vmul.f32 v8, v2  }
0xec: {  	v25 =	vld [tilespmem:s10+$0x20];
	v24 =	vbroadcast v1, $0x7;
	v7 =	vmul.f32 v21, v12;
	[tilespmem:s10+$0xFFFFFFD0] =	vst v6  }
0xed: {  	v26 =	vld [tilespmem:s10+$0x30];
	v31 =	vmul.f32 v23, v27;
	[tilespmem:s10+$0xFFFFFFC0] =	vst v2;
	v2 =	vbroadcast v1, $0x8  }
0xee: {  	v28 =	vld [tilespmem:s10+$0x40];
	v34 =	vbroadcast v1, $0xD;
	v4 =	vmul.f32 v11, v24;
	[tilespmem:s10+$0xFFFFFFE0] =	vst v7  }
0xef: {  	v32 =	vld [tilespmem:s10+$0x60];
	v30 =	vbroadcast v1, $0xA;
	[tilespmem:s10+$0x10] =	vst v31;
	v2 =	vmul.f32 v3, v2  }
0xf0: {  	v33 =	vld [tilespmem:s10+$0x70];
	v5 =	vmul.f32 v29, v34;
	[tilespmem:s10+$0xFFFFFFF0] =	vst v4;
	v3 =	vbroadcast v1, $0xB  }
0xf1: {  	v8 =	vmul.f32 v25, v30;
	[tilespmem:s10+$0x0] =	vst v2;
	v2 =	vbroadcast v1, $0xC  }
0xf2: {  	v35 =	vbroadcast v1, $0xE;
	[tilespmem:s10+$0x50] =	vst v5;
	v3 =	vmul.f32 v26, v3  }
0xf3: {  	[tilespmem:s10+$0x20] =	vst v8;
	v1 =	vbroadcast v1, $0xF;
	v2 =	vmul.f32 v28, v2  }
0xf4: {  	[tilespmem:s10+$0x30] =	vst v3;
	v3 =	vmul.f32 v32, v35  }
0xf5: {  	v1 =	vmul.f32 v33, v1;
	[tilespmem:s10+$0x40] =	vst v2  }
0xf6: {  	s7 =	sshrl.u32 s8, $0x2;
	p0 =	seq.s32 s1, $0x0;
	[tilespmem:s10+$0x60] =	vst v3  }
0xf7: {  	s26 =	sadd.s32 $0x2800, s7;
	[tilespmem:s10+$0x70] =	vst v1;
	s10 =	simm.s32 @!p0 $0x7  }
0xf8: {  	[spmem:s3] =	stream.indirect.scatter.add.f32 [tilespmem:s18], [sflag:$0x5], $0x10, s26, s17, $0xb8;
	[tilespmem:$0x13800] =	vst v63  }
0xf9: {  	_ =	swait.ge @!p0 [sflag:s10], $0x800  }
0xfa: {  	s26 =	sshll.u32 s1, $0x2;
	[sflag:s10] =	ssyncset.done @!p0 $0x0  }
0xfb: {  	s11 =	sor.u32 $0x100, s5;
	[sflag:s10] =	ssyncadd.s32 @!p0 $0xFFFFF800;
	s10 =	sor.u32 $0x1, s26  }
0xfc: {  	[tilespmem:s21], [sflag:$0x3] =	stream.indirect.gather [hbm4b:s6+s17], $0x10, s11, s17, $0xb8;
	[tilespmem:$0x13800] =	vst v63  }
0xfd: {  	s26 =	sshll.u32 s10, $0x7  }
0xfe: {  	v1 =	vld [tilespmem:s26+$0x0]  }
0xff: {  	v2 =	vld [tilespmem:s26+$0x2800];
	_ =	sdelay $0x6  }
0x100: {  	v1 =	vld.idx.msk [tilespmem:v1+s14+$0x0], $0xffff  }
0x101: {  	v2 =	vld.idx.msk [tilespmem:v2+s15+$0x0], $0xffff;
	_ =	sdelay $0x4  }
0x102: {  	v1 =	vadd.f32 v2, v1;
	_ =	sdelay $0x1  }
0x103: {  	v2 =	vmul.f32 $2.000000030e-01, v1  }
0x104: {  	vm0 =	vge.f32 v1, $0.0e+00  }
0x105: {  	v1 =	vsel vm0, v1, v2  }
0x106: {  	v1 =	vmul.f32 $1.442695020e+00, v1;
	_ =	sdelay $0x1  }
0x107: {  	(erf) = vpow2.f32 v1;
	_ =	sdelay $0x2  }
0x108: {  	v1 =	vld [tilespmem:s26+$0x10]  }
0x109: {  	v2 =	vld [tilespmem:s26+$0x2810];
	_ =	sdelay $0x4  }
0x10a: {  	v3 =	vpop (erf)  }
0x10b: {  	[tilespmem:s26+$0xA000] =	vst v3  }
0x10c: {  	v1 =	vld.idx.msk [tilespmem:v1+s14+$0x0], $0xffff  }
0x10d: {  	v2 =	vld.idx.msk [tilespmem:v2+s15+$0x0], $0xffff;
	_ =	sdelay $0x4  }
0x10e: {  	v1 =	vadd.f32 v2, v1;
	_ =	sdelay $0x1  }
0x10f: {  	v2 =	vmul.f32 $2.000000030e-01, v1  }
0x110: {  	vm9 =	vge.f32 v1, $0.0e+00  }
0x111: {  	v1 =	vsel vm9, v1, v2  }
0x112: {  	v1 =	vmul.f32 $1.442695020e+00, v1;
	_ =	sdelay $0x1  }
0x113: {  	(erf) = vpow2.f32 v1;
	_ =	sdelay $0x2  }
0x114: {  	v1 =	vld [tilespmem:s26+$0x20]  }
0x115: {  	v2 =	vld [tilespmem:s26+$0x2820];
	_ =	sdelay $0x4  }
0x116: {  	v3 =	vpop (erf)  }
0x117: {  	[tilespmem:s26+$0xA010] =	vst v3  }
0x118: {  	v1 =	vld.idx.msk [tilespmem:v1+s14+$0x0], $0xffff  }
0x119: {  	v2 =	vld.idx.msk [tilespmem:v2+s15+$0x0], $0xffff;
	_ =	sdelay $0x4  }
0x11a: {  	v1 =	vadd.f32 v2, v1;
	_ =	sdelay $0x1  }
0x11b: {  	v2 =	vmul.f32 $2.000000030e-01, v1  }
0x11c: {  	vm10 =	vge.f32 v1, $0.0e+00  }
0x11d: {  	v1 =	vsel vm10, v1, v2  }
0x11e: {  	v1 =	vmul.f32 $1.442695020e+00, v1;
	_ =	sdelay $0x1  }
0x11f: {  	(erf) = vpow2.f32 v1;
	_ =	sdelay $0x2  }
0x120: {  	v1 =	vld [tilespmem:s26+$0x30]  }
0x121: {  	v2 =	vld [tilespmem:s26+$0x2830];
	_ =	sdelay $0x4  }
0x122: {  	v3 =	vpop (erf)  }
0x123: {  	[tilespmem:s26+$0xA020] =	vst v3  }
0x124: {  	v1 =	vld.idx.msk [tilespmem:v1+s14+$0x0], $0xffff  }
0x125: {  	v2 =	vld.idx.msk [tilespmem:v2+s15+$0x0], $0xffff;
	_ =	sdelay $0x4  }
0x126: {  	v1 =	vadd.f32 v2, v1;
	_ =	sdelay $0x1  }
0x127: {  	v2 =	vmul.f32 $2.000000030e-01, v1  }
0x128: {  	vm11 =	vge.f32 v1, $0.0e+00  }
0x129: {  	v1 =	vsel vm11, v1, v2  }
0x12a: {  	v1 =	vmul.f32 $1.442695020e+00, v1;
	_ =	sdelay $0x1  }
0x12b: {  	(erf) = vpow2.f32 v1;
	_ =	sdelay $0x2  }
0x12c: {  	v1 =	vld [tilespmem:s26+$0x40]  }
0x12d: {  	v2 =	vld [tilespmem:s26+$0x2840];
	_ =	sdelay $0x4  }
0x12e: {  	v3 =	vpop (erf)  }
0x12f: {  	[tilespmem:s26+$0xA030] =	vst v3  }
0x130: {  	v1 =	vld.idx.msk [tilespmem:v1+s14+$0x0], $0xffff  }
0x131: {  	v2 =	vld.idx.msk [tilespmem:v2+s15+$0x0], $0xffff;
	_ =	sdelay $0x4  }
0x132: {  	v1 =	vadd.f32 v2, v1;
	_ =	sdelay $0x1  }
0x133: {  	v2 =	vmul.f32 $2.000000030e-01, v1  }
0x134: {  	vm12 =	vge.f32 v1, $0.0e+00  }
0x135: {  	v1 =	vsel vm12, v1, v2  }
0x136: {  	v1 =	vmul.f32 $1.442695020e+00, v1;
	_ =	sdelay $0x1  }
0x137: {  	(erf) = vpow2.f32 v1;
	_ =	sdelay $0x2  }
0x138: {  	v1 =	vld [tilespmem:s26+$0x50]  }
0x139: {  	v2 =	vld [tilespmem:s26+$0x2850];
	_ =	sdelay $0x4  }
0x13a: {  	v3 =	vpop (erf)  }
0x13b: {  	[tilespmem:s26+$0xA040] =	vst v3  }
0x13c: {  	v1 =	vld.idx.msk [tilespmem:v1+s14+$0x0], $0xffff  }
0x13d: {  	v2 =	vld.idx.msk [tilespmem:v2+s15+$0x0], $0xffff;
	_ =	sdelay $0x4  }
0x13e: {  	v1 =	vadd.f32 v2, v1;
	_ =	sdelay $0x1  }
0x13f: {  	v2 =	vmul.f32 $2.000000030e-01, v1  }
0x140: {  	vm13 =	vge.f32 v1, $0.0e+00  }
0x141: {  	v1 =	vsel vm13, v1, v2  }
0x142: {  	v1 =	vmul.f32 $1.442695020e+00, v1;
	_ =	sdelay $0x1  }
0x143: {  	(erf) = vpow2.f32 v1;
	_ =	sdelay $0x2  }
0x144: {  	v1 =	vld [tilespmem:s26+$0x60]  }
0x145: {  	v2 =	vld [tilespmem:s26+$0x2860];
	_ =	sdelay $0x4  }
0x146: {  	v3 =	vpop (erf)  }
0x147: {  	[tilespmem:s26+$0xA050] =	vst v3  }
0x148: {  	v1 =	vld.idx.msk [tilespmem:v1+s14+$0x0], $0xffff  }
0x149: {  	v2 =	vld.idx.msk [tilespmem:v2+s15+$0x0], $0xffff;
	_ =	sdelay $0x4  }
0x14a: {  	v1 =	vadd.f32 v2, v1;
	_ =	sdelay $0x1  }
0x14b: {  	v2 =	vmul.f32 $2.000000030e-01, v1  }
0x14c: {  	vm14 =	vge.f32 v1, $0.0e+00  }
0x14d: {  	v1 =	vsel vm14, v1, v2  }
0x14e: {  	v1 =	vmul.f32 $1.442695020e+00, v1;
	_ =	sdelay $0x1  }
0x14f: {  	(erf) = vpow2.f32 v1;
	_ =	sdelay $0x2  }
0x150: {  	v1 =	vld [tilespmem:s26+$0x70]  }
0x151: {  	v2 =	vld [tilespmem:s26+$0x2870];
	_ =	sdelay $0x4  }
0x152: {  	v3 =	vpop (erf)  }
0x153: {  	[tilespmem:s26+$0xA060] =	vst v3  }
0x154: {  	v1 =	vld.idx.msk [tilespmem:v1+s14+$0x0], $0xffff  }
0x155: {  	v2 =	vld.idx.msk [tilespmem:v2+s15+$0x0], $0xffff;
	_ =	sdelay $0x4  }
0x156: {  	v1 =	vadd.f32 v2, v1;
	_ =	sdelay $0x1  }
0x157: {  	v2 =	vmul.f32 $2.000000030e-01, v1  }
0x158: {  	vm15 =	vge.f32 v1, $0.0e+00  }
0x159: {  	v1 =	vsel vm15, v1, v2  }
0x15a: {  	v1 =	vmul.f32 $1.442695020e+00, v1;
	_ =	sdelay $0x1  }
0x15b: {  	(erf) = vpow2.f32 v1;
	_ =	sdelay $0x8  }
0x15c: {  	v1 =	vmov s13;
	v2 =	vpop (erf)  }
0x15d: {  	[tilespmem:s26+$0xA070] =	vst v2  }
0x15e: {  	_ =	swait.ge [sflag:s22], $0x800  }
0x15f: {  	[sflag:s22] =	ssyncset.done $0x0  }
0x160: {  	s26 =	simm.s32 $0x0;
	[sflag:s22] =	ssyncadd.s32 $0xFFFFF800  }
0x161: {  	v2 =	vld.idx.msk [tilespmem:v1+s26+$0x0 ss:$0x1], $0xffff  }
0x162: {  	s26 =	simm.s32 $0xD080  }
0x163: {  	v3 =	vld [tilespmem:s26+$0xFFFFFF80]  }
0x164: {  	v36 =	vld [tilespmem:s26+$0xFFFFFF90]  }
0x165: {  	v37 =	vld [tilespmem:s26+$0xFFFFFFA0]  }
0x166: {  	v38 =	vld [tilespmem:s26+$0xFFFFFFB0];
	v39 =	vbroadcast v2, $0x0  }
0x167: {  	v42 =	vld [tilespmem:s26+$0xFFFFFFD0];
	v40 =	vbroadcast v2, $0x1  }
0x168: {  	v45 =	vld [tilespmem:s26+$0xFFFFFFE0];
	v43 =	vbroadcast v2, $0x2;
	v3 =	vmul.f32 v39, v3  }
0x169: {  	v41 =	vld [tilespmem:s26+$0xFFFFFFC0];
	v44 =	vbroadcast v2, $0x3;
	v4 =	vmul.f32 v36, v40  }
0x16a: {  	v49 =	vld [tilespmem:s26+$0x10];
	v47 =	vbroadcast v2, $0x5;
	v5 =	vmul.f32 v37, v43;
	[tilespmem:s26+$0xFFFFFF80] =	vst v3  }
0x16b: {  	v51 =	vld [tilespmem:s26+$0x20];
	v13 =	vbroadcast v2, $0x6;
	v6 =	vmul.f32 v38, v44;
	[tilespmem:s26+$0xFFFFFF90] =	vst v4  }
0x16c: {  	v59 =	vld [tilespmem:s26+$0x60];
	v7 =	vmul.f32 v42, v47;
	v3 =	vbroadcast v2, $0x4;
	[tilespmem:s26+$0xFFFFFFA0] =	vst v5  }
0x16d: {  	v48 =	vld [tilespmem:s26+$0x0];
	v53 =	vbroadcast v2, $0x9;
	v8 =	vmul.f32 v45, v13;
	[tilespmem:s26+$0xFFFFFFB0] =	vst v6  }
0x16e: {  	v46 =	vld [tilespmem:s26+$0xFFFFFFF0];
	v56 =	vbroadcast v2, $0xA;
	[tilespmem:s26+$0xFFFFFFD0] =	vst v7;
	v3 =	vmul.f32 v41, v3  }
0x16f: {  	v52 =	vld [tilespmem:s26+$0x30];
	v62 =	vbroadcast v2, $0xE;
	v58 =	vmul.f32 v49, v53;
	[tilespmem:s26+$0xFFFFFFE0] =	vst v8  }
0x170: {  	v55 =	vld [tilespmem:s26+$0x50];
	v9 =	vmul.f32 v51, v56;
	[tilespmem:s26+$0xFFFFFFC0] =	vst v3;
	v3 =	vbroadcast v2, $0x8  }
0x171: {  	v54 =	vld [tilespmem:s26+$0x40];
	v50 =	vbroadcast v2, $0x7;
	v63 =	vmul.f32 v59, v62;
	[tilespmem:s26+$0x10] =	vst v58  }
0x172: {  	v60 =	vld [tilespmem:s26+$0x70];
	v57 =	vbroadcast v2, $0xB;
	[tilespmem:s26+$0x20] =	vst v9;
	v3 =	vmul.f32 v48, v3  }
0x173: {  	v61 =	vbroadcast v2, $0xD;
	v5 =	vmul.f32 v46, v50;
	[tilespmem:s26+$0x60] =	vst v63  }
0x174: {  	v4 =	vmul.f32 v52, v57;
	[tilespmem:s26+$0x0] =	vst v3;
	v3 =	vbroadcast v2, $0xC  }
0x175: {  	v6 =	vmul.f32 v55, v61;
	[tilespmem:s26+$0xFFFFFFF0] =	vst v5;
	v2 =	vbroadcast v2, $0xF  }
0x176: {  	[tilespmem:s26+$0x30] =	vst v4;
	v3 =	vmul.f32 v54, v3  }
0x177: {  	[tilespmem:s26+$0x50] =	vst v6;
	v2 =	vmul.f32 v60, v2  }
0x178: {  	[tilespmem:s26+$0x40] =	vst v3  }
0x179: {  	s30 =	simm.s32 $0x10;
	s29 =	simm.s32 $0x80;
	s10 =	sshll.u32 s10, $0x9;
	[tilespmem:s26+$0x70] =	vst v2  }
.LBB2_7:
0x17a: {  	p1 =	sne.s32 s29, $0x1C0;
	v2 =	vld.idx.msk [tilespmem:v1+s30+$0x0 ss:$0x1], $0xffff;
	s26 =	sadd.s32 $0x100, s26  }
0x17b: {  	v3 =	vld [tilespmem:s26+$0xFFFFFFB0]  }
0x17c: {  	v4 =	vld [tilespmem:s26+$0xFFFFFF90]  }
0x17d: {  	v5 =	vld [tilespmem:s26+$0xFFFFFF80]  }
0x17e: {  	v6 =	vld [tilespmem:s26+$0xFFFFFFA0]  }
0x17f: {  	v7 =	vld [tilespmem:s26+$0xFFFFFFF0]  }
0x180: {  	v8 =	vbroadcast v2, $0x0;
	v9 =	vbroadcast v2, $0x1;
	v10 =	vld [tilespmem:s26+$0xFFFFFFD0]  }
0x181: {  	v11 =	vbroadcast v2, $0x2;
	v12 =	vbroadcast v2, $0x3;
	v13 =	vld [tilespmem:s26+$0xFFFFFFC0]  }
0x182: {  	v4 =	vmul.f32 v4, v9;
	v5 =	vmul.f32 v8, v5;
	v8 =	vld [tilespmem:s26+$0xFFFFFFE0]  }
0x183: {  	v3 =	vmul.f32 v3, v12;
	v6 =	vmul.f32 v6, v11;
	v9 =	vld [tilespmem:s26+$0x30]  }
0x184: {  	v11 =	vbroadcast v2, $0x5;
	[tilespmem:s26+$0xFFFFFF80] =	vst v5;
	v5 =	vbroadcast v2, $0x4;
	v12 =	vld [tilespmem:s26+$0x10]  }
0x185: {  	v14 =	vbroadcast v2, $0x7;
	[tilespmem:s26+$0xFFFFFF90] =	vst v4;
	v4 =	vbroadcast v2, $0x6;
	v15 =	vld [tilespmem:s26+$0x0]  }
0x186: {  	[tilespmem:s26+$0xFFFFFFA0] =	vst v6;
	v5 =	vmul.f32 v13, v5;
	v6 =	vmul.f32 v10, v11;
	v10 =	vld [tilespmem:s26+$0x20]  }
0x187: {  	[tilespmem:s26+$0xFFFFFFB0] =	vst v3;
	v3 =	vmul.f32 v8, v4;
	v4 =	vmul.f32 v7, v14;
	v7 =	vld [tilespmem:s26+$0x70]  }
0x188: {  	v8 =	vbroadcast v2, $0x9;
	[tilespmem:s26+$0xFFFFFFC0] =	vst v5;
	v5 =	vbroadcast v2, $0x8;
	v11 =	vld [tilespmem:s26+$0x50]  }
0x189: {  	v13 =	vbroadcast v2, $0xB;
	[tilespmem:s26+$0xFFFFFFD0] =	vst v6;
	v6 =	vbroadcast v2, $0xA;
	v14 =	vld [tilespmem:s26+$0x40]  }
0x18a: {  	[tilespmem:s26+$0xFFFFFFE0] =	vst v3;
	v3 =	vmul.f32 v15, v5;
	v5 =	vmul.f32 v12, v8;
	v8 =	vld [tilespmem:s26+$0x60]  }
0x18b: {  	[tilespmem:s26+$0xFFFFFFF0] =	vst v4;
	v4 =	vmul.f32 v10, v6;
	v6 =	vmul.f32 v9, v13  }
0x18c: {  	v9 =	vbroadcast v2, $0xD;
	[tilespmem:s26+$0x0] =	vst v3;
	v3 =	vbroadcast v2, $0xC  }
0x18d: {  	[tilespmem:s26+$0x10] =	vst v5;
	v5 =	vbroadcast v2, $0xE;
	v2 =	vbroadcast v2, $0xF  }
0x18e: {  	[tilespmem:s26+$0x20] =	vst v4;
	v3 =	vmul.f32 v14, v3;
	v4 =	vmul.f32 v11, v9  }
.Ltmp4:
0x18f: {  	[tilespmem:s26+$0x30] =	vst v6;
	v5 =	vmul.f32 v8, v5;
	v2 =	vmul.f32 v7, v2;
	(pc) =	sbr.rel @p1 .LBB2_7-.Ltmp4, $4  }
0x190: {  	[tilespmem:s26+$0x40] =	vst v3  }
0x191: {  	[tilespmem:s26+$0x50] =	vst v4  }
0x192: {  	[tilespmem:s26+$0x60] =	vst v5  }
0x193: {  	s30 =	sshra.s32 s29, $0x2;
	s29 =	sadd.s32 $0x40, s29;
	[tilespmem:s26+$0x70] =	vst v2  }
0x194: {  	_ =	sdelay $0x3  }
0x195: {  	v1 =	vld.idx.msk [tilespmem:v1+s30+$0x0 ss:$0x1], $0xffff  }
0x196: {  	s26 =	sadd.s32 $0x100, s26  }
0x197: {  	v2 =	vld [tilespmem:s26+$0xFFFFFF80]  }
0x198: {  	v3 =	vld [tilespmem:s26+$0xFFFFFF90]  }
0x199: {  	v4 =	vld [tilespmem:s26+$0xFFFFFFA0]  }
0x19a: {  	v5 =	vld [tilespmem:s26+$0xFFFFFFB0];
	v6 =	vbroadcast v1, $0x0  }
0x19b: {  	v9 =	vld [tilespmem:s26+$0xFFFFFFD0];
	v7 =	vbroadcast v1, $0x1  }
0x19c: {  	v8 =	vld [tilespmem:s26+$0xFFFFFFC0];
	v10 =	vbroadcast v1, $0x2;
	v2 =	vmul.f32 v6, v2  }
0x19d: {  	v21 =	vld [tilespmem:s26+$0xFFFFFFE0];
	v20 =	vbroadcast v1, $0x3;
	v3 =	vmul.f32 v3, v7  }
0x19e: {  	v23 =	vld [tilespmem:s26+$0x10];
	v22 =	vbroadcast v1, $0x5;
	v4 =	vmul.f32 v4, v10;
	[tilespmem:s26+$0xFFFFFF80] =	vst v2  }
0x19f: {  	v11 =	vld [tilespmem:s26+$0xFFFFFFF0];
	v5 =	vmul.f32 v5, v20;
	v2 =	vbroadcast v1, $0x4;
	[tilespmem:s26+$0xFFFFFF90] =	vst v3  }
0x1a0: {  	v12 =	vbroadcast v1, $0x6;
	v6 =	vmul.f32 v9, v22;
	v3 =	vld [tilespmem:s26+$0x0];
	[tilespmem:s26+$0xFFFFFFA0] =	vst v4  }
0x1a1: {  	v29 =	vld [tilespmem:s26+$0x50];
	v27 =	vbroadcast v1, $0x9;
	[tilespmem:s26+$0xFFFFFFB0] =	vst v5;
	v2 =	vmul.f32 v8, v2  }
0x1a2: {  	v25 =	vld [tilespmem:s26+$0x20];
	v24 =	vbroadcast v1, $0x7;
	v7 =	vmul.f32 v21, v12;
	[tilespmem:s26+$0xFFFFFFD0] =	vst v6  }
0x1a3: {  	v26 =	vld [tilespmem:s26+$0x30];
	v31 =	vmul.f32 v23, v27;
	[tilespmem:s26+$0xFFFFFFC0] =	vst v2;
	v2 =	vbroadcast v1, $0x8  }
0x1a4: {  	v28 =	vld [tilespmem:s26+$0x40];
	v34 =	vbroadcast v1, $0xD;
	v4 =	vmul.f32 v11, v24;
	[tilespmem:s26+$0xFFFFFFE0] =	vst v7  }
0x1a5: {  	v32 =	vld [tilespmem:s26+$0x60];
	v30 =	vbroadcast v1, $0xA;
	[tilespmem:s26+$0x10] =	vst v31;
	v2 =	vmul.f32 v3, v2  }
0x1a6: {  	v33 =	vld [tilespmem:s26+$0x70];
	v5 =	vmul.f32 v29, v34;
	[tilespmem:s26+$0xFFFFFFF0] =	vst v4;
	v3 =	vbroadcast v1, $0xB  }
0x1a7: {  	v8 =	vmul.f32 v25, v30;
	[tilespmem:s26+$0x0] =	vst v2;
	v2 =	vbroadcast v1, $0xC  }
0x1a8: {  	v35 =	vbroadcast v1, $0xE;
	[tilespmem:s26+$0x50] =	vst v5;
	v3 =	vmul.f32 v26, v3  }
0x1a9: {  	[tilespmem:s26+$0x20] =	vst v8;
	v1 =	vbroadcast v1, $0xF;
	v2 =	vmul.f32 v28, v2  }
0x1aa: {  	[tilespmem:s26+$0x30] =	vst v3;
	v3 =	vmul.f32 v32, v35  }
0x1ab: {  	v1 =	vmul.f32 v33, v1;
	[tilespmem:s26+$0x40] =	vst v2  }
0x1ac: {  	s10 =	sshrl.u32 s10, $0x2;
	[tilespmem:s26+$0x60] =	vst v3  }
0x1ad: {  	s10 =	sadd.s32 $0x2800, s10;
	[tilespmem:s26+$0x70] =	vst v1  }
0x1ae: {  	[spmem:s3] =	stream.indirect.scatter.add.f32 [tilespmem:s19], [sflag:$0x6], $0x10, s10, s17, $0xb8;
	[tilespmem:$0x13800] =	vst v63  }
0x1af: {  	s10 =	simm.s32 @!p0 $0x8  }
0x1b0: {  	_ =	swait.ge @!p0 [sflag:s10], $0x800  }
0x1b1: {  	[sflag:s10] =	ssyncset.done @!p0 $0x0  }
0x1b2: {  	[sflag:s10] =	ssyncadd.s32 @!p0 $0xFFFFF800;
	s10 =	sor.u32 $0x180, s5  }
0x1b3: {  	[tilespmem:s23], [sflag:$0x4] =	stream.indirect.gather [hbm4b:s6+s17], $0x10, s10, s17, $0xb8;
	[tilespmem:$0x13800] =	vst v63  }
0x1b4: {  	v1 =	vld [tilespmem:s11+$0x0]  }
0x1b5: {  	v2 =	vld [tilespmem:s11+$0x2800];
	_ =	sdelay $0x6  }
0x1b6: {  	v1 =	vld.idx.msk [tilespmem:v1+s14+$0x0], $0xffff  }
0x1b7: {  	v2 =	vld.idx.msk [tilespmem:v2+s15+$0x0], $0xffff;
	_ =	sdelay $0x4  }
0x1b8: {  	v1 =	vadd.f32 v2, v1;
	_ =	sdelay $0x1  }
0x1b9: {  	v2 =	vmul.f32 $2.000000030e-01, v1  }
0x1ba: {  	vm0 =	vge.f32 v1, $0.0e+00  }
0x1bb: {  	v1 =	vsel vm0, v1, v2  }
0x1bc: {  	v1 =	vmul.f32 $1.442695020e+00, v1;
	_ =	sdelay $0x1  }
0x1bd: {  	(erf) = vpow2.f32 v1;
	_ =	sdelay $0x8  }
0x1be: {  	v1 =	vpop (erf)  }
0x1bf: {  	s26 =	sor.u32 $0x110, s5;
	[tilespmem:s11+$0xA000] =	vst v1  }
0x1c0: {  	v1 =	vld [tilespmem:s26+$0x0]  }
0x1c1: {  	v2 =	vld [tilespmem:s5+$0x2910];
	_ =	sdelay $0x6  }
0x1c2: {  	v1 =	vld.idx.msk [tilespmem:v1+s14+$0x0], $0xffff  }
0x1c3: {  	v2 =	vld.idx.msk [tilespmem:v2+s15+$0x0], $0xffff;
	_ =	sdelay $0x4  }
0x1c4: {  	v1 =	vadd.f32 v2, v1;
	_ =	sdelay $0x1  }
0x1c5: {  	v2 =	vmul.f32 $2.000000030e-01, v1  }
0x1c6: {  	vm9 =	vge.f32 v1, $0.0e+00  }
0x1c7: {  	v1 =	vsel vm9, v1, v2  }
0x1c8: {  	v1 =	vmul.f32 $1.442695020e+00, v1;
	_ =	sdelay $0x1  }
0x1c9: {  	(erf) = vpow2.f32 v1;
	_ =	sdelay $0x8  }
0x1ca: {  	v1 =	vpop (erf)  }
0x1cb: {  	s26 =	sor.u32 $0x120, s5;
	v2 =	vld [tilespmem:s5+$0x2920];
	[tilespmem:s5+$0xA110] =	vst v1  }
0x1cc: {  	v1 =	vld [tilespmem:s26+$0x0];
	_ =	sdelay $0x6  }
0x1cd: {  	v2 =	vld.idx.msk [tilespmem:v2+s15+$0x0], $0xffff  }
0x1ce: {  	v1 =	vld.idx.msk [tilespmem:v1+s14+$0x0], $0xffff;
	_ =	sdelay $0x4  }
0x1cf: {  	v1 =	vadd.f32 v2, v1;
	_ =	sdelay $0x1  }
0x1d0: {  	v2 =	vmul.f32 $2.000000030e-01, v1  }
0x1d1: {  	vm10 =	vge.f32 v1, $0.0e+00  }
0x1d2: {  	v1 =	vsel vm10, v1, v2  }
0x1d3: {  	v1 =	vmul.f32 $1.442695020e+00, v1;
	_ =	sdelay $0x1  }
0x1d4: {  	(erf) = vpow2.f32 v1;
	_ =	sdelay $0x8  }
0x1d5: {  	v1 =	vpop (erf)  }
0x1d6: {  	s26 =	sor.u32 $0x130, s5;
	v2 =	vld [tilespmem:s5+$0x2930];
	[tilespmem:s5+$0xA120] =	vst v1  }
0x1d7: {  	v1 =	vld [tilespmem:s26+$0x0];
	_ =	sdelay $0x6  }
0x1d8: {  	v2 =	vld.idx.msk [tilespmem:v2+s15+$0x0], $0xffff  }
0x1d9: {  	v1 =	vld.idx.msk [tilespmem:v1+s14+$0x0], $0xffff;
	_ =	sdelay $0x4  }
0x1da: {  	v1 =	vadd.f32 v2, v1;
	_ =	sdelay $0x1  }
0x1db: {  	v2 =	vmul.f32 $2.000000030e-01, v1  }
0x1dc: {  	vm11 =	vge.f32 v1, $0.0e+00  }
0x1dd: {  	v1 =	vsel vm11, v1, v2  }
0x1de: {  	v1 =	vmul.f32 $1.442695020e+00, v1;
	_ =	sdelay $0x1  }
0x1df: {  	(erf) = vpow2.f32 v1;
	_ =	sdelay $0x8  }
0x1e0: {  	v1 =	vpop (erf)  }
0x1e1: {  	s26 =	sor.u32 $0x140, s5;
	v2 =	vld [tilespmem:s5+$0x2940];
	[tilespmem:s5+$0xA130] =	vst v1  }
0x1e2: {  	v1 =	vld [tilespmem:s26+$0x0];
	_ =	sdelay $0x6  }
0x1e3: {  	v2 =	vld.idx.msk [tilespmem:v2+s15+$0x0], $0xffff  }
0x1e4: {  	v1 =	vld.idx.msk [tilespmem:v1+s14+$0x0], $0xffff;
	_ =	sdelay $0x4  }
0x1e5: {  	v1 =	vadd.f32 v2, v1;
	_ =	sdelay $0x1  }
0x1e6: {  	v2 =	vmul.f32 $2.000000030e-01, v1  }
0x1e7: {  	vm12 =	vge.f32 v1, $0.0e+00  }
0x1e8: {  	v1 =	vsel vm12, v1, v2  }
0x1e9: {  	v1 =	vmul.f32 $1.442695020e+00, v1;
	_ =	sdelay $0x1  }
0x1ea: {  	(erf) = vpow2.f32 v1;
	_ =	sdelay $0x8  }
0x1eb: {  	v1 =	vpop (erf)  }
0x1ec: {  	s26 =	sor.u32 $0x150, s5;
	v2 =	vld [tilespmem:s5+$0x2950];
	[tilespmem:s5+$0xA140] =	vst v1  }
0x1ed: {  	v1 =	vld [tilespmem:s26+$0x0];
	_ =	sdelay $0x6  }
0x1ee: {  	v2 =	vld.idx.msk [tilespmem:v2+s15+$0x0], $0xffff  }
0x1ef: {  	v1 =	vld.idx.msk [tilespmem:v1+s14+$0x0], $0xffff;
	_ =	sdelay $0x4  }
0x1f0: {  	v1 =	vadd.f32 v2, v1;
	_ =	sdelay $0x1  }
0x1f1: {  	v2 =	vmul.f32 $2.000000030e-01, v1  }
0x1f2: {  	vm13 =	vge.f32 v1, $0.0e+00  }
0x1f3: {  	v1 =	vsel vm13, v1, v2  }
0x1f4: {  	v1 =	vmul.f32 $1.442695020e+00, v1;
	_ =	sdelay $0x1  }
0x1f5: {  	(erf) = vpow2.f32 v1;
	_ =	sdelay $0x8  }
0x1f6: {  	v1 =	vpop (erf)  }
0x1f7: {  	s26 =	sor.u32 $0x160, s5;
	v2 =	vld [tilespmem:s5+$0x2960];
	[tilespmem:s5+$0xA150] =	vst v1  }
0x1f8: {  	v1 =	vld [tilespmem:s26+$0x0];
	_ =	sdelay $0x6  }
0x1f9: {  	v2 =	vld.idx.msk [tilespmem:v2+s15+$0x0], $0xffff  }
0x1fa: {  	v1 =	vld.idx.msk [tilespmem:v1+s14+$0x0], $0xffff;
	_ =	sdelay $0x4  }
0x1fb: {  	v1 =	vadd.f32 v2, v1;
	_ =	sdelay $0x1  }
0x1fc: {  	v2 =	vmul.f32 $2.000000030e-01, v1  }
0x1fd: {  	vm14 =	vge.f32 v1, $0.0e+00  }
0x1fe: {  	v1 =	vsel vm14, v1, v2  }
0x1ff: {  	v1 =	vmul.f32 $1.442695020e+00, v1;
	_ =	sdelay $0x1  }
0x200: {  	(erf) = vpow2.f32 v1;
	_ =	sdelay $0x8  }
0x201: {  	v1 =	vpop (erf)  }
0x202: {  	s26 =	sor.u32 $0x170, s5;
	v2 =	vld [tilespmem:s5+$0x2970];
	[tilespmem:s5+$0xA160] =	vst v1  }
0x203: {  	v1 =	vld [tilespmem:s26+$0x0];
	_ =	sdelay $0x6  }
0x204: {  	v2 =	vld.idx.msk [tilespmem:v2+s15+$0x0], $0xffff  }
0x205: {  	v1 =	vld.idx.msk [tilespmem:v1+s14+$0x0], $0xffff;
	_ =	sdelay $0x4  }
0x206: {  	v1 =	vadd.f32 v2, v1;
	_ =	sdelay $0x1  }
0x207: {  	v2 =	vmul.f32 $2.000000030e-01, v1  }
0x208: {  	vm15 =	vge.f32 v1, $0.0e+00  }
0x209: {  	v1 =	vsel vm15, v1, v2  }
0x20a: {  	v1 =	vmul.f32 $1.442695020e+00, v1;
	_ =	sdelay $0x1  }
0x20b: {  	(erf) = vpow2.f32 v1;
	_ =	sdelay $0x8  }
0x20c: {  	v1 =	vmov s16;
	v2 =	vpop (erf)  }
0x20d: {  	[tilespmem:s5+$0xA170] =	vst v2  }
0x20e: {  	_ =	swait.ge [sflag:s24], $0x800  }
0x20f: {  	[sflag:s24] =	ssyncset.done $0x0  }
0x210: {  	s26 =	simm.s32 $0x0;
	[sflag:s24] =	ssyncadd.s32 $0xFFFFF800  }
0x211: {  	v2 =	vld.idx.msk [tilespmem:v1+s26+$0x0 ss:$0x1], $0xffff  }
0x212: {  	s26 =	simm.s32 $0xD880  }
0x213: {  	v3 =	vld [tilespmem:s26+$0xFFFFFF80]  }
0x214: {  	v36 =	vld [tilespmem:s26+$0xFFFFFF90]  }
0x215: {  	v37 =	vld [tilespmem:s26+$0xFFFFFFA0]  }
0x216: {  	v38 =	vld [tilespmem:s26+$0xFFFFFFB0];
	v39 =	vbroadcast v2, $0x0  }
0x217: {  	v42 =	vld [tilespmem:s26+$0xFFFFFFD0];
	v40 =	vbroadcast v2, $0x1  }
0x218: {  	v45 =	vld [tilespmem:s26+$0xFFFFFFE0];
	v43 =	vbroadcast v2, $0x2;
	v3 =	vmul.f32 v39, v3  }
0x219: {  	v41 =	vld [tilespmem:s26+$0xFFFFFFC0];
	v44 =	vbroadcast v2, $0x3;
	v4 =	vmul.f32 v36, v40  }
0x21a: {  	v49 =	vld [tilespmem:s26+$0x10];
	v47 =	vbroadcast v2, $0x5;
	v5 =	vmul.f32 v37, v43;
	[tilespmem:s26+$0xFFFFFF80] =	vst v3  }
0x21b: {  	v51 =	vld [tilespmem:s26+$0x20];
	v13 =	vbroadcast v2, $0x6;
	v6 =	vmul.f32 v38, v44;
	[tilespmem:s26+$0xFFFFFF90] =	vst v4  }
0x21c: {  	v59 =	vld [tilespmem:s26+$0x60];
	v7 =	vmul.f32 v42, v47;
	v3 =	vbroadcast v2, $0x4;
	[tilespmem:s26+$0xFFFFFFA0] =	vst v5  }
0x21d: {  	v48 =	vld [tilespmem:s26+$0x0];
	v53 =	vbroadcast v2, $0x9;
	v8 =	vmul.f32 v45, v13;
	[tilespmem:s26+$0xFFFFFFB0] =	vst v6  }
0x21e: {  	v46 =	vld [tilespmem:s26+$0xFFFFFFF0];
	v56 =	vbroadcast v2, $0xA;
	[tilespmem:s26+$0xFFFFFFD0] =	vst v7;
	v3 =	vmul.f32 v41, v3  }
0x21f: {  	v52 =	vld [tilespmem:s26+$0x30];
	v62 =	vbroadcast v2, $0xE;
	v58 =	vmul.f32 v49, v53;
	[tilespmem:s26+$0xFFFFFFE0] =	vst v8  }
0x220: {  	v55 =	vld [tilespmem:s26+$0x50];
	v9 =	vmul.f32 v51, v56;
	[tilespmem:s26+$0xFFFFFFC0] =	vst v3;
	v3 =	vbroadcast v2, $0x8  }
0x221: {  	v54 =	vld [tilespmem:s26+$0x40];
	v50 =	vbroadcast v2, $0x7;
	v63 =	vmul.f32 v59, v62;
	[tilespmem:s26+$0x10] =	vst v58  }
0x222: {  	v60 =	vld [tilespmem:s26+$0x70];
	v57 =	vbroadcast v2, $0xB;
	[tilespmem:s26+$0x20] =	vst v9;
	v3 =	vmul.f32 v48, v3  }
0x223: {  	v61 =	vbroadcast v2, $0xD;
	v5 =	vmul.f32 v46, v50;
	[tilespmem:s26+$0x60] =	vst v63  }
0x224: {  	v4 =	vmul.f32 v52, v57;
	[tilespmem:s26+$0x0] =	vst v3;
	v3 =	vbroadcast v2, $0xC  }
0x225: {  	v6 =	vmul.f32 v55, v61;
	[tilespmem:s26+$0xFFFFFFF0] =	vst v5;
	v2 =	vbroadcast v2, $0xF  }
0x226: {  	[tilespmem:s26+$0x30] =	vst v4;
	v3 =	vmul.f32 v54, v3  }
0x227: {  	[tilespmem:s26+$0x50] =	vst v6;
	v2 =	vmul.f32 v60, v2  }
0x228: {  	[tilespmem:s26+$0x40] =	vst v3  }
0x229: {  	s30 =	simm.s32 $0x10;
	s29 =	simm.s32 $0x80;
	s11 =	sadd.s32 $0x2800, s11;
	[tilespmem:s26+$0x70] =	vst v2  }
.LBB2_9:
0x22a: {  	p0 =	sne.s32 s29, $0x1C0;
	v2 =	vld.idx.msk [tilespmem:v1+s30+$0x0 ss:$0x1], $0xffff;
	s26 =	sadd.s32 $0x100, s26  }
0x22b: {  	v3 =	vld [tilespmem:s26+$0xFFFFFFB0]  }
0x22c: {  	v4 =	vld [tilespmem:s26+$0xFFFFFF90]  }
0x22d: {  	v5 =	vld [tilespmem:s26+$0xFFFFFF80]  }
0x22e: {  	v6 =	vld [tilespmem:s26+$0xFFFFFFA0]  }
0x22f: {  	v7 =	vld [tilespmem:s26+$0xFFFFFFF0]  }
0x230: {  	v8 =	vbroadcast v2, $0x0;
	v9 =	vbroadcast v2, $0x1;
	v10 =	vld [tilespmem:s26+$0xFFFFFFD0]  }
0x231: {  	v11 =	vbroadcast v2, $0x2;
	v12 =	vbroadcast v2, $0x3;
	v13 =	vld [tilespmem:s26+$0xFFFFFFC0]  }
0x232: {  	v4 =	vmul.f32 v4, v9;
	v5 =	vmul.f32 v8, v5;
	v8 =	vld [tilespmem:s26+$0xFFFFFFE0]  }
0x233: {  	v3 =	vmul.f32 v3, v12;
	v6 =	vmul.f32 v6, v11;
	v9 =	vld [tilespmem:s26+$0x30]  }
0x234: {  	v11 =	vbroadcast v2, $0x5;
	[tilespmem:s26+$0xFFFFFF80] =	vst v5;
	v5 =	vbroadcast v2, $0x4;
	v12 =	vld [tilespmem:s26+$0x10]  }
0x235: {  	v14 =	vbroadcast v2, $0x7;
	[tilespmem:s26+$0xFFFFFF90] =	vst v4;
	v4 =	vbroadcast v2, $0x6;
	v15 =	vld [tilespmem:s26+$0x0]  }
0x236: {  	[tilespmem:s26+$0xFFFFFFA0] =	vst v6;
	v5 =	vmul.f32 v13, v5;
	v6 =	vmul.f32 v10, v11;
	v10 =	vld [tilespmem:s26+$0x20]  }
0x237: {  	[tilespmem:s26+$0xFFFFFFB0] =	vst v3;
	v3 =	vmul.f32 v8, v4;
	v4 =	vmul.f32 v7, v14;
	v7 =	vld [tilespmem:s26+$0x70]  }
0x238: {  	v8 =	vbroadcast v2, $0x9;
	[tilespmem:s26+$0xFFFFFFC0] =	vst v5;
	v5 =	vbroadcast v2, $0x8;
	v11 =	vld [tilespmem:s26+$0x50]  }
0x239: {  	v13 =	vbroadcast v2, $0xB;
	[tilespmem:s26+$0xFFFFFFD0] =	vst v6;
	v6 =	vbroadcast v2, $0xA;
	v14 =	vld [tilespmem:s26+$0x40]  }
0x23a: {  	[tilespmem:s26+$0xFFFFFFE0] =	vst v3;
	v3 =	vmul.f32 v15, v5;
	v5 =	vmul.f32 v12, v8;
	v8 =	vld [tilespmem:s26+$0x60]  }
0x23b: {  	[tilespmem:s26+$0xFFFFFFF0] =	vst v4;
	v4 =	vmul.f32 v10, v6;
	v6 =	vmul.f32 v9, v13  }
0x23c: {  	v9 =	vbroadcast v2, $0xD;
	[tilespmem:s26+$0x0] =	vst v3;
	v3 =	vbroadcast v2, $0xC  }
0x23d: {  	[tilespmem:s26+$0x10] =	vst v5;
	v5 =	vbroadcast v2, $0xE;
	v2 =	vbroadcast v2, $0xF  }
0x23e: {  	[tilespmem:s26+$0x20] =	vst v4;
	v3 =	vmul.f32 v14, v3;
	v4 =	vmul.f32 v11, v9  }
.Ltmp5:
0x23f: {  	[tilespmem:s26+$0x30] =	vst v6;
	v5 =	vmul.f32 v8, v5;
	v2 =	vmul.f32 v7, v2;
	(pc) =	sbr.rel @p0 .LBB2_9-.Ltmp5, $4  }
0x240: {  	[tilespmem:s26+$0x40] =	vst v3  }
0x241: {  	[tilespmem:s26+$0x50] =	vst v4  }
0x242: {  	[tilespmem:s26+$0x60] =	vst v5  }
0x243: {  	s30 =	sshra.s32 s29, $0x2;
	s29 =	sadd.s32 $0x40, s29;
	[tilespmem:s26+$0x70] =	vst v2  }
0x244: {  	_ =	sdelay $0x3  }
0x245: {  	v1 =	vld.idx.msk [tilespmem:v1+s30+$0x0 ss:$0x1], $0xffff  }
0x246: {  	s26 =	sadd.s32 $0x100, s26  }
0x247: {  	v2 =	vld [tilespmem:s26+$0xFFFFFF80]  }
0x248: {  	v3 =	vld [tilespmem:s26+$0xFFFFFF90]  }
0x249: {  	v4 =	vld [tilespmem:s26+$0xFFFFFFA0]  }
0x24a: {  	v5 =	vld [tilespmem:s26+$0xFFFFFFB0];
	v6 =	vbroadcast v1, $0x0  }
0x24b: {  	v9 =	vld [tilespmem:s26+$0xFFFFFFD0];
	v7 =	vbroadcast v1, $0x1  }
0x24c: {  	v8 =	vld [tilespmem:s26+$0xFFFFFFC0];
	v10 =	vbroadcast v1, $0x2;
	v2 =	vmul.f32 v6, v2  }
0x24d: {  	v21 =	vld [tilespmem:s26+$0xFFFFFFE0];
	v20 =	vbroadcast v1, $0x3;
	v3 =	vmul.f32 v3, v7  }
0x24e: {  	v23 =	vld [tilespmem:s26+$0x10];
	v22 =	vbroadcast v1, $0x5;
	v4 =	vmul.f32 v4, v10;
	[tilespmem:s26+$0xFFFFFF80] =	vst v2  }
0x24f: {  	v11 =	vld [tilespmem:s26+$0xFFFFFFF0];
	v5 =	vmul.f32 v5, v20;
	v2 =	vbroadcast v1, $0x4;
	[tilespmem:s26+$0xFFFFFF90] =	vst v3  }
0x250: {  	v12 =	vbroadcast v1, $0x6;
	v6 =	vmul.f32 v9, v22;
	v3 =	vld [tilespmem:s26+$0x0];
	[tilespmem:s26+$0xFFFFFFA0] =	vst v4  }
0x251: {  	v29 =	vld [tilespmem:s26+$0x50];
	v27 =	vbroadcast v1, $0x9;
	[tilespmem:s26+$0xFFFFFFB0] =	vst v5;
	v2 =	vmul.f32 v8, v2  }
0x252: {  	v25 =	vld [tilespmem:s26+$0x20];
	v24 =	vbroadcast v1, $0x7;
	v7 =	vmul.f32 v21, v12;
	[tilespmem:s26+$0xFFFFFFD0] =	vst v6  }
0x253: {  	v26 =	vld [tilespmem:s26+$0x30];
	v31 =	vmul.f32 v23, v27;
	[tilespmem:s26+$0xFFFFFFC0] =	vst v2;
	v2 =	vbroadcast v1, $0x8  }
0x254: {  	v28 =	vld [tilespmem:s26+$0x40];
	v34 =	vbroadcast v1, $0xD;
	v4 =	vmul.f32 v11, v24;
	[tilespmem:s26+$0xFFFFFFE0] =	vst v7  }
0x255: {  	v32 =	vld [tilespmem:s26+$0x60];
	v30 =	vbroadcast v1, $0xA;
	[tilespmem:s26+$0x10] =	vst v31;
	v2 =	vmul.f32 v3, v2  }
0x256: {  	v33 =	vld [tilespmem:s26+$0x70];
	v5 =	vmul.f32 v29, v34;
	[tilespmem:s26+$0xFFFFFFF0] =	vst v4;
	v3 =	vbroadcast v1, $0xB  }
0x257: {  	v8 =	vmul.f32 v25, v30;
	[tilespmem:s26+$0x0] =	vst v2;
	v2 =	vbroadcast v1, $0xC  }
0x258: {  	v35 =	vbroadcast v1, $0xE;
	[tilespmem:s26+$0x50] =	vst v5;
	v3 =	vmul.f32 v26, v3  }
0x259: {  	[tilespmem:s26+$0x20] =	vst v8;
	v1 =	vbroadcast v1, $0xF;
	v2 =	vmul.f32 v28, v2  }
0x25a: {  	[tilespmem:s26+$0x30] =	vst v3;
	v3 =	vmul.f32 v32, v35  }
0x25b: {  	v1 =	vmul.f32 v33, v1;
	[tilespmem:s26+$0x40] =	vst v2  }
0x25c: {  	[tilespmem:s26+$0x60] =	vst v3  }
0x25d: {  	p0 =	seq.s32 s1, $0x13;
	[tilespmem:s26+$0x70] =	vst v1  }
0x25e: {  	[spmem:s3] =	stream.indirect.scatter.add.f32 [tilespmem:s21], [sflag:$0x7], $0x10, s11, s17, $0xb8;
	[tilespmem:$0x13800] =	vst v63  }
0x25f: {  	s11 =	simm.s32 @!p0 $0x5  }
0x260: {  	s8 =	sshrl.u32 @!p0 s8, $0x2;
	_ =	swait.ge @!p0 [sflag:s11], $0x800  }
0x261: {  	s8 =	sadd.s32 @!p0 $0x200, s8;
	[sflag:s11] =	ssyncset.done @!p0 $0x0  }
0x262: {  	s26 =	simm.s32 @!p0 $0xC800;
	[sflag:s11] =	ssyncadd.s32 @!p0 $0xFFFFF800;
	s11 =	simm.s32 @!p0 $0x80  }
0x263: {  	[tilespmem:s26], [sflag:$0x1] =	stream.indirect.gather @!p0 [hbm4b:s6+s11], $0x10, s8, s11, $0xb8;
	[tilespmem:$0x13800] =	vst v63  }
0x264: {  	v1 =	vld [tilespmem:s10+$0x0]  }
0x265: {  	v2 =	vld [tilespmem:s10+$0x2800];
	_ =	sdelay $0x6  }
0x266: {  	v1 =	vld.idx.msk [tilespmem:v1+s14+$0x0], $0xffff  }
0x267: {  	v2 =	vld.idx.msk [tilespmem:v2+s15+$0x0], $0xffff;
	_ =	sdelay $0x4  }
0x268: {  	v1 =	vadd.f32 v2, v1;
	_ =	sdelay $0x1  }
0x269: {  	v2 =	vmul.f32 $2.000000030e-01, v1  }
0x26a: {  	vm0 =	vge.f32 v1, $0.0e+00  }
0x26b: {  	v1 =	vsel vm0, v1, v2  }
0x26c: {  	v1 =	vmul.f32 $1.442695020e+00, v1;
	_ =	sdelay $0x1  }
0x26d: {  	(erf) = vpow2.f32 v1;
	_ =	sdelay $0x8  }
0x26e: {  	v1 =	vpop (erf)  }
0x26f: {  	s11 =	sor.u32 $0x190, s5;
	[tilespmem:s10+$0xA000] =	vst v1  }
0x270: {  	v1 =	vld [tilespmem:s11+$0x0]  }
0x271: {  	v2 =	vld [tilespmem:s5+$0x2990];
	_ =	sdelay $0x6  }
0x272: {  	v1 =	vld.idx.msk [tilespmem:v1+s14+$0x0], $0xffff  }
0x273: {  	v2 =	vld.idx.msk [tilespmem:v2+s15+$0x0], $0xffff;
	_ =	sdelay $0x4  }
0x274: {  	v1 =	vadd.f32 v2, v1;
	_ =	sdelay $0x1  }
0x275: {  	v2 =	vmul.f32 $2.000000030e-01, v1  }
0x276: {  	vm9 =	vge.f32 v1, $0.0e+00  }
0x277: {  	v1 =	vsel vm9, v1, v2  }
0x278: {  	v1 =	vmul.f32 $1.442695020e+00, v1;
	_ =	sdelay $0x1  }
0x279: {  	(erf) = vpow2.f32 v1;
	_ =	sdelay $0x8  }
0x27a: {  	v1 =	vpop (erf)  }
0x27b: {  	s26 =	sor.u32 $0x1A0, s5;
	v2 =	vld [tilespmem:s5+$0x29A0];
	[tilespmem:s5+$0xA190] =	vst v1  }
0x27c: {  	v1 =	vld [tilespmem:s26+$0x0];
	_ =	sdelay $0x6  }
0x27d: {  	v2 =	vld.idx.msk [tilespmem:v2+s15+$0x0], $0xffff  }
0x27e: {  	v1 =	vld.idx.msk [tilespmem:v1+s14+$0x0], $0xffff;
	_ =	sdelay $0x4  }
0x27f: {  	v1 =	vadd.f32 v2, v1;
	_ =	sdelay $0x1  }
0x280: {  	v2 =	vmul.f32 $2.000000030e-01, v1  }
0x281: {  	vm10 =	vge.f32 v1, $0.0e+00  }
0x282: {  	v1 =	vsel vm10, v1, v2  }
0x283: {  	v1 =	vmul.f32 $1.442695020e+00, v1;
	_ =	sdelay $0x1  }
0x284: {  	(erf) = vpow2.f32 v1;
	_ =	sdelay $0x8  }
0x285: {  	v1 =	vpop (erf)  }
0x286: {  	s29 =	sor.u32 $0x1B0, s5;
	v2 =	vld [tilespmem:s5+$0x29B0];
	[tilespmem:s5+$0xA1A0] =	vst v1  }
0x287: {  	v1 =	vld [tilespmem:s29+$0x0];
	_ =	sdelay $0x6  }
0x288: {  	v2 =	vld.idx.msk [tilespmem:v2+s15+$0x0], $0xffff  }
0x289: {  	v1 =	vld.idx.msk [tilespmem:v1+s14+$0x0], $0xffff;
	_ =	sdelay $0x4  }
0x28a: {  	v1 =	vadd.f32 v2, v1;
	_ =	sdelay $0x1  }
0x28b: {  	v2 =	vmul.f32 $2.000000030e-01, v1  }
0x28c: {  	vm11 =	vge.f32 v1, $0.0e+00  }
0x28d: {  	v1 =	vsel vm11, v1, v2  }
0x28e: {  	v1 =	vmul.f32 $1.442695020e+00, v1;
	_ =	sdelay $0x1  }
0x28f: {  	(erf) = vpow2.f32 v1;
	_ =	sdelay $0x8  }
0x290: {  	v1 =	vpop (erf)  }
0x291: {  	s30 =	sor.u32 $0x1C0, s5;
	v2 =	vld [tilespmem:s5+$0x29C0];
	[tilespmem:s5+$0xA1B0] =	vst v1  }
0x292: {  	v1 =	vld [tilespmem:s30+$0x0];
	_ =	sdelay $0x6  }
0x293: {  	v2 =	vld.idx.msk [tilespmem:v2+s15+$0x0], $0xffff  }
0x294: {  	v1 =	vld.idx.msk [tilespmem:v1+s14+$0x0], $0xffff;
	_ =	sdelay $0x4  }
0x295: {  	v1 =	vadd.f32 v2, v1;
	_ =	sdelay $0x1  }
0x296: {  	v2 =	vmul.f32 $2.000000030e-01, v1  }
0x297: {  	vm12 =	vge.f32 v1, $0.0e+00  }
0x298: {  	v1 =	vsel vm12, v1, v2  }
0x299: {  	v1 =	vmul.f32 $1.442695020e+00, v1;
	_ =	sdelay $0x1  }
0x29a: {  	(erf) = vpow2.f32 v1;
	_ =	sdelay $0x8  }
0x29b: {  	v1 =	vpop (erf)  }
0x29c: {  	s11 =	sor.u32 $0x1D0, s5;
	v2 =	vld [tilespmem:s5+$0x29D0];
	[tilespmem:s5+$0xA1C0] =	vst v1  }
0x29d: {  	v1 =	vld [tilespmem:s11+$0x0];
	_ =	sdelay $0x6  }
0x29e: {  	v2 =	vld.idx.msk [tilespmem:v2+s15+$0x0], $0xffff  }
0x29f: {  	v1 =	vld.idx.msk [tilespmem:v1+s14+$0x0], $0xffff;
	_ =	sdelay $0x4  }
0x2a0: {  	v1 =	vadd.f32 v2, v1;
	_ =	sdelay $0x1  }
0x2a1: {  	v2 =	vmul.f32 $2.000000030e-01, v1  }
0x2a2: {  	vm13 =	vge.f32 v1, $0.0e+00  }
0x2a3: {  	v1 =	vsel vm13, v1, v2  }
0x2a4: {  	v1 =	vmul.f32 $1.442695020e+00, v1;
	_ =	sdelay $0x1  }
0x2a5: {  	(erf) = vpow2.f32 v1;
	_ =	sdelay $0x8  }
0x2a6: {  	v1 =	vpop (erf)  }
0x2a7: {  	s26 =	sor.u32 $0x1E0, s5;
	v2 =	vld [tilespmem:s5+$0x29E0];
	[tilespmem:s5+$0xA1D0] =	vst v1  }
0x2a8: {  	v1 =	vld [tilespmem:s26+$0x0];
	_ =	sdelay $0x6  }
0x2a9: {  	v2 =	vld.idx.msk [tilespmem:v2+s15+$0x0], $0xffff  }
0x2aa: {  	v1 =	vld.idx.msk [tilespmem:v1+s14+$0x0], $0xffff;
	_ =	sdelay $0x4  }
0x2ab: {  	v1 =	vadd.f32 v2, v1;
	_ =	sdelay $0x1  }
0x2ac: {  	v2 =	vmul.f32 $2.000000030e-01, v1  }
0x2ad: {  	vm14 =	vge.f32 v1, $0.0e+00  }
0x2ae: {  	v1 =	vsel vm14, v1, v2  }
0x2af: {  	v1 =	vmul.f32 $1.442695020e+00, v1;
	_ =	sdelay $0x1  }
0x2b0: {  	(erf) = vpow2.f32 v1;
	_ =	sdelay $0x8  }
0x2b1: {  	v1 =	vpop (erf)  }
0x2b2: {  	s29 =	sor.u32 $0x1F0, s5;
	v2 =	vld [tilespmem:s5+$0x29F0];
	[tilespmem:s5+$0xA1E0] =	vst v1  }
0x2b3: {  	v1 =	vld [tilespmem:s29+$0x0];
	_ =	sdelay $0x6  }
0x2b4: {  	v2 =	vld.idx.msk [tilespmem:v2+s15+$0x0], $0xffff  }
0x2b5: {  	v1 =	vld.idx.msk [tilespmem:v1+s14+$0x0], $0xffff;
	_ =	sdelay $0x4  }
0x2b6: {  	v1 =	vadd.f32 v2, v1;
	_ =	sdelay $0x1  }
0x2b7: {  	v2 =	vmul.f32 $2.000000030e-01, v1  }
0x2b8: {  	vm15 =	vge.f32 v1, $0.0e+00  }
0x2b9: {  	v1 =	vsel vm15, v1, v2  }
0x2ba: {  	v1 =	vmul.f32 $1.442695020e+00, v1;
	_ =	sdelay $0x1  }
0x2bb: {  	(erf) = vpow2.f32 v1;
	_ =	sdelay $0x8  }
0x2bc: {  	v1 =	vmov s0;
	v2 =	vpop (erf)  }
0x2bd: {  	[tilespmem:s5+$0xA1F0] =	vst v2  }
0x2be: {  	_ =	swait.ge [sflag:s25], $0x800  }
0x2bf: {  	[sflag:s25] =	ssyncset.done $0x0  }
0x2c0: {  	s30 =	simm.s32 $0x0;
	[sflag:s25] =	ssyncadd.s32 $0xFFFFF800  }
0x2c1: {  	v2 =	vld.idx.msk [tilespmem:v1+s30+$0x0 ss:$0x1], $0xffff  }
0x2c2: {  	s8 =	simm.s32 $0xE080  }
0x2c3: {  	v3 =	vld [tilespmem:s8+$0xFFFFFF80]  }
0x2c4: {  	v36 =	vld [tilespmem:s8+$0xFFFFFF90]  }
0x2c5: {  	v37 =	vld [tilespmem:s8+$0xFFFFFFA0]  }
0x2c6: {  	v38 =	vld [tilespmem:s8+$0xFFFFFFB0];
	v39 =	vbroadcast v2, $0x0  }
0x2c7: {  	v42 =	vld [tilespmem:s8+$0xFFFFFFD0];
	v40 =	vbroadcast v2, $0x1  }
0x2c8: {  	v45 =	vld [tilespmem:s8+$0xFFFFFFE0];
	v43 =	vbroadcast v2, $0x2;
	v3 =	vmul.f32 v39, v3  }
0x2c9: {  	v41 =	vld [tilespmem:s8+$0xFFFFFFC0];
	v44 =	vbroadcast v2, $0x3;
	v4 =	vmul.f32 v36, v40  }
0x2ca: {  	v49 =	vld [tilespmem:s8+$0x10];
	v47 =	vbroadcast v2, $0x5;
	v5 =	vmul.f32 v37, v43;
	[tilespmem:s8+$0xFFFFFF80] =	vst v3  }
0x2cb: {  	v51 =	vld [tilespmem:s8+$0x20];
	v13 =	vbroadcast v2, $0x6;
	v6 =	vmul.f32 v38, v44;
	[tilespmem:s8+$0xFFFFFF90] =	vst v4  }
0x2cc: {  	v59 =	vld [tilespmem:s8+$0x60];
	v7 =	vmul.f32 v42, v47;
	v3 =	vbroadcast v2, $0x4;
	[tilespmem:s8+$0xFFFFFFA0] =	vst v5  }
0x2cd: {  	v48 =	vld [tilespmem:s8+$0x0];
	v53 =	vbroadcast v2, $0x9;
	v8 =	vmul.f32 v45, v13;
	[tilespmem:s8+$0xFFFFFFB0] =	vst v6  }
0x2ce: {  	v46 =	vld [tilespmem:s8+$0xFFFFFFF0];
	v56 =	vbroadcast v2, $0xA;
	[tilespmem:s8+$0xFFFFFFD0] =	vst v7;
	v3 =	vmul.f32 v41, v3  }
0x2cf: {  	v52 =	vld [tilespmem:s8+$0x30];
	v62 =	vbroadcast v2, $0xE;
	v58 =	vmul.f32 v49, v53;
	[tilespmem:s8+$0xFFFFFFE0] =	vst v8  }
0x2d0: {  	v55 =	vld [tilespmem:s8+$0x50];
	v9 =	vmul.f32 v51, v56;
	[tilespmem:s8+$0xFFFFFFC0] =	vst v3;
	v3 =	vbroadcast v2, $0x8  }
0x2d1: {  	v54 =	vld [tilespmem:s8+$0x40];
	v50 =	vbroadcast v2, $0x7;
	v63 =	vmul.f32 v59, v62;
	[tilespmem:s8+$0x10] =	vst v58  }
0x2d2: {  	v60 =	vld [tilespmem:s8+$0x70];
	v57 =	vbroadcast v2, $0xB;
	[tilespmem:s8+$0x20] =	vst v9;
	v3 =	vmul.f32 v48, v3  }
0x2d3: {  	v61 =	vbroadcast v2, $0xD;
	v5 =	vmul.f32 v46, v50;
	[tilespmem:s8+$0x60] =	vst v63  }
0x2d4: {  	v4 =	vmul.f32 v52, v57;
	[tilespmem:s8+$0x0] =	vst v3;
	v3 =	vbroadcast v2, $0xC  }
0x2d5: {  	v6 =	vmul.f32 v55, v61;
	[tilespmem:s8+$0xFFFFFFF0] =	vst v5;
	v2 =	vbroadcast v2, $0xF  }
0x2d6: {  	[tilespmem:s8+$0x30] =	vst v4;
	v3 =	vmul.f32 v54, v3  }
0x2d7: {  	[tilespmem:s8+$0x50] =	vst v6;
	v2 =	vmul.f32 v60, v2  }
0x2d8: {  	[tilespmem:s8+$0x40] =	vst v3  }
0x2d9: {  	s11 =	simm.s32 $0x10;
	s5 =	sadd.s32 $0x2800, s10;
	s10 =	simm.s32 $0x80;
	[tilespmem:s8+$0x70] =	vst v2  }
.LBB2_11:
0x2da: {  	p1 =	sne.s32 s10, $0x1C0;
	v2 =	vld.idx.msk [tilespmem:v1+s11+$0x0 ss:$0x1], $0xffff;
	s8 =	sadd.s32 $0x100, s8  }
0x2db: {  	v3 =	vld [tilespmem:s8+$0xFFFFFFB0]  }
0x2dc: {  	v4 =	vld [tilespmem:s8+$0xFFFFFF90]  }
0x2dd: {  	v5 =	vld [tilespmem:s8+$0xFFFFFF80]  }
0x2de: {  	v6 =	vld [tilespmem:s8+$0xFFFFFFA0]  }
0x2df: {  	v7 =	vld [tilespmem:s8+$0xFFFFFFF0]  }
0x2e0: {  	v8 =	vbroadcast v2, $0x0;
	v9 =	vbroadcast v2, $0x1;
	v10 =	vld [tilespmem:s8+$0xFFFFFFD0]  }
0x2e1: {  	v11 =	vbroadcast v2, $0x2;
	v12 =	vbroadcast v2, $0x3;
	v13 =	vld [tilespmem:s8+$0xFFFFFFC0]  }
0x2e2: {  	v4 =	vmul.f32 v4, v9;
	v5 =	vmul.f32 v8, v5;
	v8 =	vld [tilespmem:s8+$0xFFFFFFE0]  }
0x2e3: {  	v3 =	vmul.f32 v3, v12;
	v6 =	vmul.f32 v6, v11;
	v9 =	vld [tilespmem:s8+$0x30]  }
0x2e4: {  	v11 =	vbroadcast v2, $0x5;
	[tilespmem:s8+$0xFFFFFF80] =	vst v5;
	v5 =	vbroadcast v2, $0x4;
	v12 =	vld [tilespmem:s8+$0x10]  }
0x2e5: {  	v14 =	vbroadcast v2, $0x7;
	[tilespmem:s8+$0xFFFFFF90] =	vst v4;
	v4 =	vbroadcast v2, $0x6;
	v15 =	vld [tilespmem:s8+$0x0]  }
0x2e6: {  	[tilespmem:s8+$0xFFFFFFA0] =	vst v6;
	v5 =	vmul.f32 v13, v5;
	v6 =	vmul.f32 v10, v11;
	v10 =	vld [tilespmem:s8+$0x20]  }
0x2e7: {  	[tilespmem:s8+$0xFFFFFFB0] =	vst v3;
	v3 =	vmul.f32 v8, v4;
	v4 =	vmul.f32 v7, v14;
	v7 =	vld [tilespmem:s8+$0x70]  }
0x2e8: {  	v8 =	vbroadcast v2, $0x9;
	[tilespmem:s8+$0xFFFFFFC0] =	vst v5;
	v5 =	vbroadcast v2, $0x8;
	v11 =	vld [tilespmem:s8+$0x50]  }
0x2e9: {  	v13 =	vbroadcast v2, $0xB;
	[tilespmem:s8+$0xFFFFFFD0] =	vst v6;
	v6 =	vbroadcast v2, $0xA;
	v14 =	vld [tilespmem:s8+$0x40]  }
0x2ea: {  	[tilespmem:s8+$0xFFFFFFE0] =	vst v3;
	v3 =	vmul.f32 v15, v5;
	v5 =	vmul.f32 v12, v8;
	v8 =	vld [tilespmem:s8+$0x60]  }
0x2eb: {  	[tilespmem:s8+$0xFFFFFFF0] =	vst v4;
	v4 =	vmul.f32 v10, v6;
	v6 =	vmul.f32 v9, v13  }
0x2ec: {  	v9 =	vbroadcast v2, $0xD;
	[tilespmem:s8+$0x0] =	vst v3;
	v3 =	vbroadcast v2, $0xC  }
0x2ed: {  	[tilespmem:s8+$0x10] =	vst v5;
	v5 =	vbroadcast v2, $0xE;
	v2 =	vbroadcast v2, $0xF  }
0x2ee: {  	[tilespmem:s8+$0x20] =	vst v4;
	v3 =	vmul.f32 v14, v3;
	v4 =	vmul.f32 v11, v9  }
.Ltmp6:
0x2ef: {  	[tilespmem:s8+$0x30] =	vst v6;
	v5 =	vmul.f32 v8, v5;
	v2 =	vmul.f32 v7, v2;
	(pc) =	sbr.rel @p1 .LBB2_11-.Ltmp6, $4  }
0x2f0: {  	[tilespmem:s8+$0x40] =	vst v3  }
0x2f1: {  	[tilespmem:s8+$0x50] =	vst v4  }
0x2f2: {  	[tilespmem:s8+$0x60] =	vst v5  }
0x2f3: {  	s11 =	sshra.s32 s10, $0x2;
	s10 =	sadd.s32 $0x40, s10;
	[tilespmem:s8+$0x70] =	vst v2  }
0x2f4: {  	_ =	sdelay $0x3  }
0x2f5: {  	v1 =	vld.idx.msk [tilespmem:v1+s11+$0x0 ss:$0x1], $0xffff  }
0x2f6: {  	s8 =	sadd.s32 $0x100, s8  }
0x2f7: {  	v2 =	vld [tilespmem:s8+$0xFFFFFF80]  }
0x2f8: {  	v3 =	vld [tilespmem:s8+$0xFFFFFF90]  }
0x2f9: {  	v4 =	vld [tilespmem:s8+$0xFFFFFFA0]  }
0x2fa: {  	v5 =	vld [tilespmem:s8+$0xFFFFFFB0];
	v6 =	vbroadcast v1, $0x0  }
0x2fb: {  	v9 =	vld [tilespmem:s8+$0xFFFFFFD0];
	v7 =	vbroadcast v1, $0x1  }
0x2fc: {  	v8 =	vld [tilespmem:s8+$0xFFFFFFC0];
	v10 =	vbroadcast v1, $0x2;
	v2 =	vmul.f32 v6, v2  }
0x2fd: {  	v49 =	vld [tilespmem:s8+$0xFFFFFFE0];
	v48 =	vbroadcast v1, $0x3;
	v3 =	vmul.f32 v3, v7  }
0x2fe: {  	v51 =	vld [tilespmem:s8+$0x10];
	v50 =	vbroadcast v1, $0x5;
	v4 =	vmul.f32 v4, v10;
	[tilespmem:s8+$0xFFFFFF80] =	vst v2  }
0x2ff: {  	v11 =	vld [tilespmem:s8+$0xFFFFFFF0];
	v5 =	vmul.f32 v5, v48;
	v2 =	vbroadcast v1, $0x4;
	[tilespmem:s8+$0xFFFFFF90] =	vst v3  }
0x300: {  	v12 =	vbroadcast v1, $0x6;
	v6 =	vmul.f32 v9, v50;
	v3 =	vld [tilespmem:s8+$0x0];
	[tilespmem:s8+$0xFFFFFFA0] =	vst v4  }
0x301: {  	v57 =	vld [tilespmem:s8+$0x50];
	v55 =	vbroadcast v1, $0x9;
	[tilespmem:s8+$0xFFFFFFB0] =	vst v5;
	v2 =	vmul.f32 v8, v2  }
0x302: {  	v53 =	vld [tilespmem:s8+$0x20];
	v52 =	vbroadcast v1, $0x7;
	v7 =	vmul.f32 v49, v12;
	[tilespmem:s8+$0xFFFFFFD0] =	vst v6  }
0x303: {  	v54 =	vld [tilespmem:s8+$0x30];
	v59 =	vmul.f32 v51, v55;
	[tilespmem:s8+$0xFFFFFFC0] =	vst v2;
	v2 =	vbroadcast v1, $0x8  }
0x304: {  	v56 =	vld [tilespmem:s8+$0x40];
	v62 =	vbroadcast v1, $0xD;
	v4 =	vmul.f32 v11, v52;
	[tilespmem:s8+$0xFFFFFFE0] =	vst v7  }
0x305: {  	v60 =	vld [tilespmem:s8+$0x60];
	v58 =	vbroadcast v1, $0xA;
	[tilespmem:s8+$0x10] =	vst v59;
	v2 =	vmul.f32 v3, v2  }
0x306: {  	v61 =	vld [tilespmem:s8+$0x70];
	v5 =	vmul.f32 v57, v62;
	[tilespmem:s8+$0xFFFFFFF0] =	vst v4;
	v3 =	vbroadcast v1, $0xB  }
0x307: {  	v8 =	vmul.f32 v53, v58;
	[tilespmem:s8+$0x0] =	vst v2;
	v2 =	vbroadcast v1, $0xC  }
0x308: {  	v63 =	vbroadcast v1, $0xE;
	[tilespmem:s8+$0x50] =	vst v5;
	v3 =	vmul.f32 v54, v3  }
0x309: {  	[tilespmem:s8+$0x20] =	vst v8;
	v1 =	vbroadcast v1, $0xF;
	v2 =	vmul.f32 v56, v2  }
.Ltmp7:
0x30a: {  	[tilespmem:s8+$0x30] =	vst v3;
	v3 =	vmul.f32 v60, v63;
	(pc) =	sbr.rel @p0 .LBB2_14-.Ltmp7, $4  }
0x30b: {  	v1 =	vmul.f32 v61, v1;
	[tilespmem:s8+$0x40] =	vst v2  }
0x30c: {  	[tilespmem:s8+$0x60] =	vst v3  }
0x30d: {  	[tilespmem:s8+$0x70] =	vst v1  }
0x30e: {  	[spmem:s3] =	stream.indirect.scatter.add.f32 [tilespmem:s23], [sflag:$0x8], $0x10, s5, s17, $0xb8;
	[tilespmem:$0x13800] =	vst v63  }
.Ltmp8:
0x30f: {  	(pc) =	sbr.rel .LBB2_4-.Ltmp8, $4  }
0x310: {  	_ =	swait.ge [sflag:s28], $0x800;
	s5 =	sadd.s32 $0x280, s7;
	s1 =	sadd.s32 $0x1, s1  }
0x311: {  	s2 =	sadd.s32 $0x200, s2;
	s13 =	sadd.s32 $0x200, s13;
	[sflag:s28] =	ssyncset.done $0x0  }
0x312: {  	s16 =	sadd.s32 $0x200, s16;
	s0 =	sadd.s32 $0x200, s0;
	[sflag:s28] =	ssyncadd.s32 $0xFFFFF800  }
0x313: {  	[tilespmem:s19], [sflag:$0x2] =	stream.indirect.gather [hbm4b:s6+s17], $0x10, s5, s17, $0xb8;
	[tilespmem:$0x13800] =	vst v63  }
.LBB2_15:
0x314: {  	_ =	sfence.sel $0x180000  }
0x315: {  	[bflag:$0x0] =	sbarrier.arrive $0xFFFF  }
0x316: {  	_ =	strace $0x9000004A  }
0x317: {  	s0 =	stileid.u32;
	[bflag:$0x2] =	sbarrier.arrive $0xFFFF  }
0x318: {  	p0 =	sne.s32 s0, $0x0;
	s0 =	rddreg [dreg:$0x3]  }
0x319: {  	s0 =	sadd.s32 @!p0 $0x100000, s0  }
0x31a: {  	[sflag:s0] =	ssyncadd.tile.s32 @!p0 $0x1;
	_ =	shalt  }
.Lfunc_end2:
_tile_overlayer_lowered:
.L_overlay_start_2:
0x31b: {  	(tag) =	ssettag $0x2  }
0x31c: {  	s0 =	rddreg [dreg:$0x0];
	s2 =	stileid.u32  }
0x31d: {  	s1 =	rddreg [dreg:$0x1];
	p0 =	sne.s32 s2, $0x0  }
0x31e: {  	s3 =	rddreg [dreg:$0x2];
	[bflag:$0x3] =	sbarrier.arrive $0xFFFF;
	s2 =	simm.s32 @!p0 $0x1C09  }
0x31f: {  	[timem:s3], [sflag:s2] =	dma.local @!p0 [hbm:s0], s1  }
0x320: {  	s0 =	simm.s32 @!p0 $0x9  }
0x321: {  	_ =	swait.ge @!p0 [sflag:s0], s1  }
0x322: {  	s1 =	ssub.s32 @!p0 $0x0, s1;
	[sflag:s0] =	ssyncset.done @!p0 $0x0  }
0x323: {  	[sflag:s0] =	ssyncadd.s32 @!p0 s1  }
0x324: {  	[bflag:$0x3] =	sbarrier.arrive $0xFFFF  }
0x325: {  	_ =	shalt  }

// kernel: kernel.7.cloned.1.call-start
scs
__scs_entry_jumppad:
0x0: {  	(pc) =	sbr.rel $0x88, $3  }
0x1: {  	(tag) =	ssettag $0x0;
	lr =	simm.s32 $0x1  }
0x2: {  	[smem:$0x3F95] =	sst lr;
	_ =	strace $0xD0000000  }
0x3: {  	_ = 	snop  }
0x4: {  	_ = 	snop  }
0x5: {  	_ = 	snop  }
0x6: {  	_ = 	snop  }
0x7: {  	_ = 	snop  }
__scs_overlays_trampoline_lowered:
0x8: {  	[smem:$0x3FA4] =	sst s0  }
0x9: {  	[smem:$0x3FA5] =	sst s1  }
0xa: {  	[smem:$0x3FA6] =	sst s2  }
0xb: {  	[smem:$0x3FA7] =	sst s3  }
0xc: {  	[smem:$0x3FA8] =	sst s4  }
0xd: {  	[smem:$0x3FA9] =	sst s5  }
0xe: {  	[smem:$0x3FAA] =	sst s6  }
0xf: {  	[smem:$0x3FAB] =	sst s7  }
0x10: {  	[smem:$0x3FAC] =	sst s8  }
0x11: {  	[smem:$0x3FAD] =	sst s9;
	s0 =	simm.s32 @!p0 $0x0  }
0x12: {  	s1 =	sld [smem:$0x3F93];
	s0 =	simm.s32 @p0 $0x1  }
0x13: {  	[smem:$0x3FAE] =	sst s0;
	s0 =	simm.s32 @!p1 $0x0  }
0x14: {  	s2 =	sld [smem:$0x3F92];
	s0 =	simm.s32 @p1 $0x1  }
0x15: {  	[smem:$0x3FAF] =	sst s0;
	s0 =	simm.s32 @!p2 $0x0  }
0x16: {  	s3 =	sld [smem:$0x3FDB];
	s0 =	simm.s32 @p2 $0x1  }
0x17: {  	s4 =	simm.s32 $0x1BF5;
	[smem:$0x3FB1] =	sst s0  }
0x18: {  	s0 =	sld [smem:$0x3F94];
	_ =	swait.ge [sflag:s4], $0x0  }
0x19: {  	s7 =	sld [smem:$0x3F95]  }
0x1a: {  	s8 =	sadd.s32 $0xFFFFE003, lr  }
0x1b: {  	s9 =	sadd.s32 $0xFFFFFEF7, lr;
	s5 =	simm.s32 $0xFFFFFFFF;
	p2 =	slt.u32 s8, $0xFFFFF086  }
0x1c: {  	p1 =	slt.u32 s9, $0xF7A;
	s5 =	simm.s32 @!p2 $0x0  }
0x1d: {  	s5 =	simm.s32 @p1 $0x1;
	p0 =	seq.s32 s7, s2  }
0x1e: {  	s7 =	smul.u32 @!p0 $0xF7A, s2;
	p2 =	seq.s32 @!p0 s5, $0x0  }
0x1f: {  	s9 =	smul.u32 $0xF7A, s1;
	s8 =	simm.s32 @!p0 $0x1BF5;
	p2 =	por !p2, p0  }
0x20: {  	[sflag:s8] =	ssyncset.s32 @!p0 $0xFFFFF086;
	s6 =	sadd.s32 @!p0 s3, s7;
	s7 =	simm.s32 @!p0 $0x108  }
0x21: {  	s3 =	sadd.s32 s3, s9;
	s6 =	sadd.s32 @!p0 $0x88, s6;
	s7 =	simm.s32 @p2 $0x1082  }
0x22: {  	[simem:s7], [sflag:s8] =	dma.local @!p0 [hbm:s6], $0xF7A  }
0x23: {  	s9 =	sor.u32 $0xD0000000, s2;
	s6 =	simm.s32 $0x108;
	_ =	swait.ge @!p0 [sflag:s8], $0x0  }
0x24: {  	s3 =	sadd.s32 $0x88, s3;
	s6 =	simm.s32 @!p1 $0x1082;
	[sflag:s4] =	ssyncset.s32 $0xFFFFF086  }
0x25: {  	[simem:s6], [sflag:s4] =	dma.local [hbm:s3], $0xF7A  }
0x26: {  	[smem:$0x3F95] =	sst s1;
	(tag) =	ssettag s2;
	_ =	strace s9  }
0x27: {  	s1 =	sld [smem:$0x3FA5]  }
0x28: {  	s2 =	sld [smem:$0x3FA6]  }
0x29: {  	s4 =	sld [smem:$0x3FA8]  }
0x2a: {  	p0 =	seq.s32 s5, $0x0;
	s5 =	sld [smem:$0x3FA9]  }
0x2b: {  	s6 =	sld [smem:$0x3FAA]  }
0x2c: {  	s7 =	sld [smem:$0x3FAB]  }
0x2d: {  	s3 =	simm.s32 $0x108;
	s8 =	sld [smem:$0x3FAC]  }
0x2e: {  	s3 =	simm.s32 @!p0 $0x1082;
	s9 =	sld [smem:$0x3FAD]  }
0x2f: {  	lr =	sadd.s32 s0, s3;
	s0 =	sld [smem:$0x3FA4]  }
0x30: {  	s3 =	sld [smem:$0x3FA7]  }
0x31: {  	[smem:$0x3FB0] =	sst s10  }
0x32: {  	s10 =	sld [smem:$0x3FAE];
	_ =	sdelay $0x3  }
0x33: {  	p0 =	seq.s32 s10, $0x1;
	s10 =	sld [smem:$0x3FB0];
	_ =	sdelay $0x3  }
0x34: {  	[smem:$0x3FB0] =	sst s10  }
0x35: {  	s10 =	sld [smem:$0x3FAF];
	_ =	sdelay $0x3  }
0x36: {  	p1 =	seq.s32 s10, $0x1;
	s10 =	sld [smem:$0x3FB0];
	_ =	sdelay $0x3  }
0x37: {  	[smem:$0x3FB0] =	sst s10  }
0x38: {  	s10 =	sld [smem:$0x3FB1]  }
0x39: {  	_ = 	snop;
	(pc) =	sbr.ind lr, $3  }
0x3a: {  	_ = 	snop  }
0x3b: {  	_ = 	snop  }
0x3c: {  	p2 =	seq.s32 s10, $0x1;
	s10 =	sld [smem:$0x3FB0]  }
0x3d: {  	_ =	shalt  }
0x3e: {  	_ =	shalt  }
0x3f: {  	_ =	shalt  }
0x40: {  	_ =	shalt  }
0x41: {  	_ =	shalt  }
0x42: {  	_ =	shalt  }
0x43: {  	_ =	shalt  }
0x44: {  	_ =	shalt  }
0x45: {  	_ =	shalt  }
0x46: {  	_ =	shalt  }
0x47: {  	_ =	shalt  }
0x48: {  	_ =	shalt  }
0x49: {  	_ =	shalt  }
0x4a: {  	_ =	shalt  }
0x4b: {  	_ =	shalt  }
0x4c: {  	_ =	shalt  }
0x4d: {  	_ =	shalt  }
0x4e: {  	_ =	shalt  }
0x4f: {  	_ =	shalt  }
0x50: {  	_ =	shalt  }
0x51: {  	_ =	shalt  }
0x52: {  	_ =	shalt  }
0x53: {  	_ =	shalt  }
0x54: {  	_ =	shalt  }
0x55: {  	_ =	shalt  }
0x56: {  	_ =	shalt  }
0x57: {  	_ =	shalt  }
0x58: {  	_ =	shalt  }
0x59: {  	_ =	shalt  }
0x5a: {  	_ =	shalt  }
0x5b: {  	_ =	shalt  }
0x5c: {  	_ =	shalt  }
0x5d: {  	_ =	shalt  }
0x5e: {  	_ =	shalt  }
0x5f: {  	_ =	shalt  }
0x60: {  	_ =	shalt  }
0x61: {  	_ =	shalt  }
0x62: {  	_ =	shalt  }
0x63: {  	_ =	shalt  }
0x64: {  	_ =	shalt  }
0x65: {  	_ =	shalt  }
0x66: {  	_ =	shalt  }
0x67: {  	_ =	shalt  }
0x68: {  	_ =	shalt  }
0x69: {  	_ =	shalt  }
0x6a: {  	_ =	shalt  }
0x6b: {  	_ =	shalt  }
0x6c: {  	_ =	shalt  }
0x6d: {  	_ =	shalt  }
0x6e: {  	_ =	shalt  }
0x6f: {  	_ =	shalt  }
0x70: {  	_ =	shalt  }
0x71: {  	_ =	shalt  }
0x72: {  	_ =	shalt  }
0x73: {  	_ =	shalt  }
0x74: {  	_ =	shalt  }
0x75: {  	_ =	shalt  }
0x76: {  	_ =	shalt  }
0x77: {  	_ =	shalt  }
0x78: {  	_ =	shalt  }
0x79: {  	_ =	shalt  }
0x7a: {  	_ =	shalt  }
0x7b: {  	_ =	shalt  }
0x7c: {  	_ =	shalt  }
0x7d: {  	_ =	shalt  }
0x7e: {  	_ =	shalt  }
0x7f: {  	_ =	shalt  }
0x80: {  	_ =	shalt  }
0x81: {  	_ =	shalt  }
0x82: {  	_ =	shalt  }
0x83: {  	_ =	shalt  }
0x84: {  	_ =	shalt  }
0x85: {  	_ =	shalt  }
0x86: {  	_ =	shalt  }
0x87: {  	_ =	shalt  }
.Lfunc_end0:
.L_simem_size_0:
called_computation_lowered:
.L_overlay_start_0:
0x88: {  	s2 =	sld [smem:$0x3FD9]  }
0x89: {  	s3 =	sld [smem:$0x3FFE];
	_ =	sdelay $0x1  }
0x8a: {  	s1 =	srdreg.scid  }
0x8b: {  	s0 =	sand.u32 $0x1, s1  }
0x8c: {  	s14 =	sshll.u32 s0, $0xA;
	s2 =	sadd.s32 s3, s2  }
0x8d: {  	s2 =	sadd.s32 s2, s14  }
0x8e: {  	[smem:$0x3FBC] =	sst s2  }
0x8f: {  	_ = 	snop  }
0x90: {  	s2 =	sld [smem:$0x3FD0];
	_ =	sdelay $0x2  }
0x91: {  	s15 =	simm.s32 $0xA;
	s4 =	simm.s32 $0x10  }
0x92: {  	[smem:s4], [sflag:s15] =	dma.local [hbm:s2], $0x1  }
0x93: {  	_ =	swait.eq [sflag:s15], $0x1  }
0x94: {  	[sflag:s15] =	ssyncset.done $0x0  }
0x95: {  	[sflag:s15] =	ssyncadd.s32 $0xFFFFFFFF  }
0x96: {  	s16 =	sld [smem:$0x10];
	(tm) =	ssettm $0x1  }
0x97: {  	s17 =	sld [smem:$0x3FFB];
	_ =	sdelay $0x3  }
0x98: {  	_ =	strace s17  }
0x99: {  	s3 =	sld [smem:$0x3FFC];
	_ =	sdelay $0x3  }
0x9a: {  	_ =	strace s3  }
0x9b: {  	s3 =	sld [smem:$0x3FFD];
	_ =	sdelay $0x3  }
0x9c: {  	_ =	strace s3  }
0x9d: {  	_ =	strace $0x8FFFFFFF  }
0x9e: {  	s18 =	sld [smem:$0x3FDB];
	_ =	sdelay $0x1  }
0x9f: {  	s19 =	simm.s32 $_scs_section_size  }
0xa0: {  	s5 =	simm.s32 $_size__tile_overlayer_lowered;
	s6 =	simm.s32 $_tile_overlayer_lowered  }
0xa1: {  	s22 =	simm.s32 $0x1BFF;
	s21 =	sshll.u32 s6, $0x1;
	s3 =	sadd.s32 s19, s18  }
0xa2: {  	s7 =	simm.s32 $0x0;
	s20 =	sshll.u32 s5, $0x1;
	s5 =	sadd.s32 s21, s3  }
0xa3: {  	[timem:s7], [sflag:s22] =	dma.local [hbm:s5], s20  }
0xa4: {  	_ =	swait.ge [sflag:s22], s20  }
0xa5: {  	s4 =	ssub.s32 $0x0, s20;
	[sflag:s22] =	ssyncset.done $0x0  }
0xa6: {  	[sflag:s22] =	ssyncadd.s32 s4;
	_ =	sdelay $0x1  }
0xa7: {  	s23 =	simm.s32 $0x1B8B  }
0xa8: {  	_ =	swait.ge [sflag:s23], $0x1  }
0xa9: {  	[sflag:s23] =	ssyncset.done $0x0  }
0xaa: {  	s25 =	simm.s32 $0x1B8E;
	s24 =	sld [smem:$0x3FFE];
	[sflag:s23] =	ssyncadd.s32 $0xFFFFFFFF  }
0xab: {  	s26 =	simm.s32 $execute0_lowered;
	[smem:$0x3FD2] =	sst s25  }
0xac: {  	s5 =	sshll.u32 s26, $0x1;
	_ =	strace $0x80000046;
	[dreg:$0x1] =	wrdreg $0xFFFFFFFF  }
0xad: {  	s28 =	simm.s32 $_size_execute0_lowered;
	s3 =	sadd.s32 s3, s5;
	[dreg:$0x0] =	wrdreg $0x0  }
0xae: {  	s5 =	sshll.u32 s28, $0x1;
	[dreg:$0x2] =	wrdreg s3  }
0xaf: {  	[dreg:$0x3] =	wrdreg s5  }
0xb0: {  	[dreg:$0x4] =	wrdreg $0xC0  }
0xb1: {  	_ =	task [dreg:s7], $0x5FFFF  }
0xb2: {  	[dreg:$0x1] =	wrdreg $0xFFFFFFFF  }
0xb3: {  	[dreg:$0x0] =	wrdreg $0x60  }
0xb4: {  	[dreg:$0x2] =	wrdreg s24  }
0xb5: {  	[dreg:$0x3] =	wrdreg s16  }
0xb6: {  	[dreg:$0x4] =	wrdreg $0x112800  }
0xb7: {  	[dreg:$0x5] =	wrdreg $0x13A800  }
0xb8: {  	[dreg:$0x6] =	wrdreg $0x9  }
0xb9: {  	_ =	task.clear_ibuf [dreg:s7], $0x7FFFF;
	_ =	strace $0x90000046  }
0xba: {  	s29 =	simm.s32 $0x9;
	_ =	strace $0x80000048  }
0xbb: {  	_ =	swait.ge [sflag:s29], $0x1  }
0xbc: {  	[sflag:s29] =	ssyncadd.s32 $0xFFFFFFFF  }
0xbd: {  	_ =	strace $0x90000048  }
0xbe: {  	_ =	sfence  }
0xbf: {  	s30 =	sld [smem:$0x0];
	_ =	sdelay $0x2  }
0xc0: {  	s31 =	sshll.u32 s1, $0xD;
	s1 =	sshrl.u32 s1, $0x2  }
0xc1: {  	s3 =	sand.u32 $0x4000, s31;
	s1 =	sadd.s32 s1, s30  }
0xc2: {  	s0 =	sor.u32 s3, s0;
	s1 =	sshll.u32 s1, $0x11  }
0xc3: {  	s0 =	sor.u32 s1, s0  }
0xc4: {  	s0 =	sadd.s32 $0x8F2B, s0  }
0xc5: {  	[sflag:s0] =	ssyncadd.remote.s32 $0x1  }
0xc6: {  	_ =	sfence.sel $0xFFFF  }
0xc7: {  	[dreg:$0x0] =	wrdreg $0xFFFFFFFF;
	(pc) =	sbr.abs _section_cstart, $3  }
0xc8: {  	[dreg:$0x1] =	wrdreg $0xFFFFFFFF  }
0xc9: {  	_ =	task.clear_ibuf [dreg:s7], $0x2FFFF;
	_ =	strace $0x9FFFFFFF  }
0xca: {  	(tm) =	ssettm $0x7FFFFFFF  }
0xcb: {  	_ =	shalt  }
tec
execute0_lowered:
.L_overlay_start_1:
0x0: {  	(tag) =	ssettag $0x1  }
0x1: {  	s0 =	rddreg [dreg:$0x0]  }
0x2: {  	s4 =	rddreg [dreg:$0x1]  }
0x3: {  	s1 =	srdreg.scid;
	s2 =	rddreg [dreg:$0x2]  }
0x4: {  	s9 =	stileid.u32;
	s3 =	rddreg [dreg:$0x3];
	s6 =	simm.s32 $0x0  }
0x5: {  	s15 =	simm.s32 $0xD;
	s17 =	simm.s32 $0x5000;
	s18 =	simm.s32 $0x7800  }
0x6: {  	s21 =	simm.s32 $0x80;
	s28 =	simm.s32 $0xE000;
	s29 =	simm.s32 $0x3  }
0x7: {  	s30 =	simm.s32 $0x4;
	s16 =	simm.s32 $0x6;
	s19 =	simm.s32 $0xA  }
0x8: {  	s1 =	sand.u32 $0x1, s1;
	[smem:$0x7FF] =	sst s6;
	s22 =	smul.u32 $0x2800, s9  }
0x9: {  	s8 =	sadd.s32 $0x1E00, s0;
	s23 =	sadd.s32 $0x2400, s0;
	s5 =	sshll.u32 s1, $0x4  }
0xa: {  	_ =	strace $0x80000047;
	s7 =	smul.u32 $0x28000, s1;
	[dreg:$0x5] =	wrdreg s8  }
0xb: {  	[dreg:$0x6] =	wrdreg s23;
	s24 =	ssub.s32 $0x2, s1;
	s1 =	smul.u32 $0x2800, s1  }
0xc: {  	s23 =	simm.s32 $0xD000;
	s5 =	sor.u32 s9, s5;
	s9 =	smul.u32 $0x280, s9  }
0xd: {  	s11 =	sshrl.u32 s24, $0x1;
	s5 =	smul.u32 $0x500, s5;
	s7 =	sadd.s32 s22, s7  }
0xe: {  	s8 =	ssub.s32 s24, s11;
	s24 =	simm.s32 $0x1;
	s10 =	sshrl.u32 s7, $0x3  }
0xf: {  	s7 =	sadd.s32 $0x2A00, s0;
	s1 =	sadd.s32 s9, s1;
	s31 =	smax.u32 s8, $0x1  }
0x10: {  	s6 =	sadd.s32 s9, s3;
	s5 =	sadd.s32 s5, s0;
	[dreg:$0xd] =	wrdreg s31  }
0x11: {  	s0 =	sadd.s32 s10, s0;
	[dreg:$0xa] =	wrdreg s6;
	s25 =	sadd.s32 $0x11A00, s5  }
.Ltmp0:
0x12: {  	s5 =	sadd.s32 $0x7A00, s5;
	[dreg:$0x7] =	wrdreg s25;
	(pc) =	sbr.rel .LBB2_1-.Ltmp0, $4  }
0x13: {  	s1 =	sshrl.u32 s1, $0x3;
	s0 =	sadd.s32 $0x1BA00, s0;
	[dreg:$0x8] =	wrdreg s5  }
0x14: {  	s8 =	simm.s32 $0x0;
	s26 =	sadd.s32 s4, s1;
	[dreg:$0xb] =	wrdreg s0  }
0x15: {  	s5 =	sadd.s32 s22, s2;
	[dreg:$0xc] =	wrdreg s26;
	s22 =	simm.s32 $0xC800  }
0x16: {  	v0 =	vimm.f32 $0.0e+00;
	s25 =	simm.s32 $0xD800;
	s26 =	simm.s32 $0x2;
	[dreg:$0x9] =	wrdreg s5  }
.LBB2_14:
0x17: {  	s0 =	simm.s32 $0x5  }
0x18: {  	_ =	swait.ge [sflag:s0], $0x800  }
0x19: {  	[sflag:s0] =	ssyncset.done $0x0  }
0x1a: {  	s6 =	simm.s32 $0x9;
	[sflag:s0] =	ssyncadd.s32 $0xFFFFF800  }
0x1b: {  	_ =	swait.ge [sflag:s6], $0x80  }
0x1c: {  	[sflag:s6] =	ssyncset.done $0x0  }
0x1d: {  	[sflag:s6] =	ssyncadd.s32 $0xFFFFFF80  }
0x1e: {  	_ =	swait.ge [sflag:s16], $0x800  }
0x1f: {  	[sflag:s16] =	ssyncset.done $0x0  }
0x20: {  	[sflag:s16] =	ssyncadd.s32 $0xFFFFF800  }
0x21: {  	_ =	swait.ge [sflag:s19], $0x80  }
0x22: {  	[sflag:s19] =	ssyncset.done $0x0  }
0x23: {  	s9 =	simm.s32 $0x7;
	[sflag:s19] =	ssyncadd.s32 $0xFFFFFF80  }
0x24: {  	_ =	swait.ge [sflag:s9], $0x800  }
0x25: {  	[sflag:s9] =	ssyncset.done $0x0  }
0x26: {  	s10 =	simm.s32 $0xB;
	[sflag:s9] =	ssyncadd.s32 $0xFFFFF800  }
0x27: {  	_ =	swait.ge [sflag:s10], $0x80  }
0x28: {  	[sflag:s10] =	ssyncset.done $0x0  }
0x29: {  	s11 =	simm.s32 $0x8;
	[sflag:s10] =	ssyncadd.s32 $0xFFFFFF80  }
0x2a: {  	_ =	swait.ge [sflag:s11], $0x800  }
0x2b: {  	[sflag:s11] =	ssyncset.done $0x0  }
0x2c: {  	s12 =	simm.s32 $0xC;
	[sflag:s11] =	ssyncadd.s32 $0xFFFFF800  }
0x2d: {  	_ =	swait.ge [sflag:s12], $0x80  }
0x2e: {  	[sflag:s12] =	ssyncset.done $0x0  }
0x2f: {  	[sflag:s12] =	ssyncadd.s32 $0xFFFFFF80  }
0x30: {  	s13 =	stileid.u32;
	[bflag:$0x0] =	sbarrier.arrive $0xFFFF  }
0x31: {  	s0 =	sshll.u32 s13, $0x6;
	s5 =	rddreg [dreg:$0x9]  }
0x32: {  	s0 =	sor.u32 $0x1C0D, s0;
	s4 =	rddreg [dreg:$0xb];
	s1 =	sshrl.u32 s5, $0x3  }
0x33: {  	[hbm:s4], [sflag:s0] =	dma.local [spmem:s1], $0x500  }
0x34: {  	_ =	swait.ge [sflag:s15], $0x500  }
0x35: {  	[sflag:s15] =	ssyncset.done $0x0;
	s6 =	rddreg [dreg:$0xa]  }
0x36: {  	s20 =	rddreg [dreg:$0xc];
	[sflag:s15] =	ssyncadd.s32 $0xFFFFFB00;
	s14 =	sshrl.u32 s6, $0x3  }
0x37: {  	[hbm:s20], [sflag:s0] =	dma.local [spmem:s14], $0x50  }
0x38: {  	_ =	swait.ge [sflag:s15], $0x50  }
0x39: {  	s8 =	sadd.s32 $0x1, s8;
	s31 =	rddreg [dreg:$0xd]  }
0x3a: {  	p0 =	sne.s32 s8, s31  }
.Ltmp1:
0x3b: {  	_ = 	snop;
	(pc) =	sbr.rel @!p0 .LBB2_15-.Ltmp1, $3  }
0x3c: {  	_ =	sdelay $0x1  }
0x3d: {  	[sflag:s15] =	ssyncset.done $0x0  }
0x3e: {  	[sflag:s15] =	ssyncadd.s32 $0xFFFFFFB0  }
.LBB2_1:
0x3f: {  	s0 =	simm.s32 $0x0;
	s1 =	rddreg [dreg:$0x7]  }
0x40: {  	[tilespmem:s0], [sflag:$0xD] =	stream.linear.gather [hbm4b:s1+s0], $0x2800, $0x38;
	[tilespmem:$0x13D00] =	vst v63  }
0x41: {  	_ =	swait.ge [sflag:s15], $0x2800  }
0x42: {  	[sflag:s15] =	ssyncset.done $0x0  }
0x43: {  	s4 =	simm.s32 $0x2800;
	s14 =	rddreg [dreg:$0x8];
	[sflag:s15] =	ssyncadd.s32 $0xFFFFD800  }
0x44: {  	[tilespmem:s4], [sflag:$0xD] =	stream.linear.gather [hbm4b:s14+s0], $0x2800, $0x38;
	[tilespmem:$0x13D00] =	vst v63  }
0x45: {  	_ =	swait.ge [sflag:s15], $0x2800  }
0x46: {  	[sflag:s15] =	ssyncset.done $0x0  }
0x47: {  	s20 =	rddreg [dreg:$0x5];
	[sflag:s15] =	ssyncadd.s32 $0xFFFFD800  }
0x48: {  	[tilespmem:s17], [sflag:$0xD] =	stream.linear.gather [hbm4b:s20+s0], $0x2800, $0x38;
	[tilespmem:$0x13D00] =	vst v63  }
0x49: {  	_ =	swait.ge [sflag:s15], $0x2800  }
0x4a: {  	[sflag:s15] =	ssyncset.done $0x0  }
0x4b: {  	s31 =	rddreg [dreg:$0x6];
	[sflag:s15] =	ssyncadd.s32 $0xFFFFD800  }
0x4c: {  	[tilespmem:s18], [sflag:$0xD] =	stream.linear.gather [hbm4b:s31+s0], $0x2800, $0x38;
	[tilespmem:$0x13D00] =	vst v63  }
0x4d: {  	_ =	swait.ge [sflag:s15], $0x2800  }
0x4e: {  	[sflag:s15] =	ssyncset.done $0x0  }
0x4f: {  	s1 =	simm.s32 $0x0;
	s0 =	simm.s32 $0x40;
	[sflag:s15] =	ssyncadd.s32 $0xFFFFD800  }
.LBB2_2:
0x50: {  	p0 =	sne.s32 s0, $0x9FC0;
	[tilespmem:s1+$0xE800] =	vst v0;
	s1 =	smov.u32 s0;
	s0 =	sadd.s32 $0x40, s0  }
.Ltmp2:
0x51: {  	(pc) =	sbr.rel @p0 .LBB2_2-.Ltmp2, $2  }
0x52: {  	_ =	sdelay $0x2  }
0x53: {  	s1 =	sshra.s32 s1, $0x2  }
0x54: {  	[tilespmem:s1+$0xE800] =	vst v0;
	s0 =	simm.s32 $0xE800  }
0x55: {  	[spmem:s5] =	stream.linear.scatter [tilespmem:s0], [sflag:$0xD], $0x2800, $0x38;
	[tilespmem:$0x13D00] =	vst v63  }
0x56: {  	_ =	swait.ge [sflag:s15], $0x2800  }
0x57: {  	[sflag:s15] =	ssyncset.done $0x0  }
0x58: {  	[sflag:s15] =	ssyncadd.s32 $0xFFFFD800  }
0x59: {  	[tilespmem:$0x11000] =	vst v0  }
0x5a: {  	[tilespmem:$0x11010] =	vst v0  }
0x5b: {  	[tilespmem:$0x11020] =	vst v0  }
0x5c: {  	[tilespmem:$0x11030] =	vst v0  }
0x5d: {  	[tilespmem:$0x11040] =	vst v0  }
0x5e: {  	[tilespmem:$0x11050] =	vst v0  }
0x5f: {  	[tilespmem:$0x11060] =	vst v0  }
0x60: {  	[tilespmem:$0x11070] =	vst v0  }
0x61: {  	[tilespmem:$0x11080] =	vst v0  }
0x62: {  	[tilespmem:$0x11090] =	vst v0  }
0x63: {  	[tilespmem:$0x110A0] =	vst v0  }
0x64: {  	[tilespmem:$0x110B0] =	vst v0  }
0x65: {  	[tilespmem:$0x110C0] =	vst v0  }
0x66: {  	[tilespmem:$0x110D0] =	vst v0  }
0x67: {  	[tilespmem:$0x110E0] =	vst v0  }
0x68: {  	[tilespmem:$0x110F0] =	vst v0  }
0x69: {  	[tilespmem:$0x11100] =	vst v0  }
0x6a: {  	[tilespmem:$0x11110] =	vst v0  }
0x6b: {  	[tilespmem:$0x11120] =	vst v0  }
0x6c: {  	[tilespmem:$0x11130] =	vst v0  }
0x6d: {  	[tilespmem:$0x11140] =	vst v0  }
0x6e: {  	[tilespmem:$0x11150] =	vst v0  }
0x6f: {  	[tilespmem:$0x11160] =	vst v0  }
0x70: {  	[tilespmem:$0x11170] =	vst v0  }
0x71: {  	[tilespmem:$0x11180] =	vst v0  }
0x72: {  	[tilespmem:$0x11190] =	vst v0  }
0x73: {  	[tilespmem:$0x111A0] =	vst v0  }
0x74: {  	[tilespmem:$0x111B0] =	vst v0  }
0x75: {  	[tilespmem:$0x111C0] =	vst v0  }
0x76: {  	[tilespmem:$0x111D0] =	vst v0  }
0x77: {  	[tilespmem:$0x111E0] =	vst v0  }
0x78: {  	[tilespmem:$0x111F0] =	vst v0  }
0x79: {  	[tilespmem:$0x11200] =	vst v0  }
0x7a: {  	[tilespmem:$0x11210] =	vst v0  }
0x7b: {  	[tilespmem:$0x11220] =	vst v0  }
0x7c: {  	[tilespmem:$0x11230] =	vst v0  }
0x7d: {  	[tilespmem:$0x11240] =	vst v0  }
0x7e: {  	[tilespmem:$0x11250] =	vst v0  }
0x7f: {  	[tilespmem:$0x11260] =	vst v0  }
0x80: {  	s20 =	simm.s32 $0x11000;
	[tilespmem:$0x11270] =	vst v0  }
0x81: {  	[spmem:s6] =	stream.linear.scatter [tilespmem:s20], [sflag:$0xD], $0x280, $0x38;
	[tilespmem:$0x13D00] =	vst v63  }
0x82: {  	_ =	swait.ge [sflag:s15], $0x280  }
0x83: {  	[sflag:s15] =	ssyncset.done $0x0  }
0x84: {  	[sflag:s15] =	ssyncadd.s32 $0xFFFFFD80  }
0x85: {  	s9 =	simm.s32 $0x0;
	s12 =	simm.s32 $0xA000;
	[bflag:$0x0] =	sbarrier.arrive $0xFFFF  }
0x86: {  	[tilespmem:s22], [sflag:$0x1] =	stream.indirect.gather [hbm4b:s7+s21], $0x10, s9, s21, $0xb8;
	[tilespmem:$0x13D00] =	vst v63  }
0x87: {  	s13 =	simm.s32 $0xA080;
	s14 =	simm.s32 $0xA100;
	s31 =	simm.s32 $0xA180  }
0x88: {  	[tilespmem:s23], [sflag:$0x2] =	stream.indirect.gather [hbm4b:s7+s21], $0x10, s21, s21, $0xb8;
	[tilespmem:$0x13D00] =	vst v63  }
.LBB2_4:
0x89: {  	s20 =	sshll.u32 s9, $0x9  }
0x8a: {  	v1 =	vld [tilespmem:s20+$0x0]  }
0x8b: {  	v2 =	vld [tilespmem:s20+$0x2800];
	_ =	sdelay $0x6  }
0x8c: {  	v1 =	vld.idx.msk [tilespmem:v1+s17+$0x0], $0xffff  }
0x8d: {  	v2 =	vld.idx.msk [tilespmem:v2+s18+$0x0], $0xffff;
	_ =	sdelay $0x4  }
0x8e: {  	v1 =	vadd.f32 v2, v1;
	_ =	sdelay $0x1  }
0x8f: {  	v2 =	vmul.f32 $2.000000030e-01, v1  }
0x90: {  	vm0 =	vge.f32 v1, $0.0e+00  }
0x91: {  	v1 =	vsel vm0, v1, v2  }
0x92: {  	v1 =	vmul.f32 $1.442695020e+00, v1;
	_ =	sdelay $0x1  }
0x93: {  	(erf) = vpow2.f32 v1;
	_ =	sdelay $0x2  }
0x94: {  	v1 =	vld [tilespmem:s20+$0x10]  }
0x95: {  	v2 =	vld [tilespmem:s20+$0x2810];
	_ =	sdelay $0x4  }
0x96: {  	v3 =	vpop (erf)  }
0x97: {  	[tilespmem:s20+$0xA000] =	vst v3  }
0x98: {  	v1 =	vld.idx.msk [tilespmem:v1+s17+$0x0], $0xffff  }
0x99: {  	v2 =	vld.idx.msk [tilespmem:v2+s18+$0x0], $0xffff;
	_ =	sdelay $0x4  }
0x9a: {  	v1 =	vadd.f32 v2, v1;
	_ =	sdelay $0x1  }
0x9b: {  	v2 =	vmul.f32 $2.000000030e-01, v1  }
0x9c: {  	vm9 =	vge.f32 v1, $0.0e+00  }
0x9d: {  	v1 =	vsel vm9, v1, v2  }
0x9e: {  	v1 =	vmul.f32 $1.442695020e+00, v1;
	_ =	sdelay $0x1  }
0x9f: {  	(erf) = vpow2.f32 v1;
	_ =	sdelay $0x2  }
0xa0: {  	v1 =	vld [tilespmem:s20+$0x20]  }
0xa1: {  	v2 =	vld [tilespmem:s20+$0x2820];
	_ =	sdelay $0x4  }
0xa2: {  	v3 =	vpop (erf)  }
0xa3: {  	[tilespmem:s20+$0xA010] =	vst v3  }
0xa4: {  	v1 =	vld.idx.msk [tilespmem:v1+s17+$0x0], $0xffff  }
0xa5: {  	v2 =	vld.idx.msk [tilespmem:v2+s18+$0x0], $0xffff;
	_ =	sdelay $0x4  }
0xa6: {  	v1 =	vadd.f32 v2, v1;
	_ =	sdelay $0x1  }
0xa7: {  	v2 =	vmul.f32 $2.000000030e-01, v1  }
0xa8: {  	vm10 =	vge.f32 v1, $0.0e+00  }
0xa9: {  	v1 =	vsel vm10, v1, v2  }
0xaa: {  	v1 =	vmul.f32 $1.442695020e+00, v1;
	_ =	sdelay $0x1  }
0xab: {  	(erf) = vpow2.f32 v1;
	_ =	sdelay $0x2  }
0xac: {  	v1 =	vld [tilespmem:s20+$0x30]  }
0xad: {  	v2 =	vld [tilespmem:s20+$0x2830];
	_ =	sdelay $0x4  }
0xae: {  	v3 =	vpop (erf)  }
0xaf: {  	[tilespmem:s20+$0xA020] =	vst v3  }
0xb0: {  	v1 =	vld.idx.msk [tilespmem:v1+s17+$0x0], $0xffff  }
0xb1: {  	v2 =	vld.idx.msk [tilespmem:v2+s18+$0x0], $0xffff;
	_ =	sdelay $0x4  }
0xb2: {  	v1 =	vadd.f32 v2, v1;
	_ =	sdelay $0x1  }
0xb3: {  	v2 =	vmul.f32 $2.000000030e-01, v1  }
0xb4: {  	vm11 =	vge.f32 v1, $0.0e+00  }
0xb5: {  	v1 =	vsel vm11, v1, v2  }
0xb6: {  	v1 =	vmul.f32 $1.442695020e+00, v1;
	_ =	sdelay $0x1  }
0xb7: {  	(erf) = vpow2.f32 v1;
	_ =	sdelay $0x2  }
0xb8: {  	v1 =	vld [tilespmem:s20+$0x40]  }
0xb9: {  	v2 =	vld [tilespmem:s20+$0x2840];
	_ =	sdelay $0x4  }
0xba: {  	v3 =	vpop (erf)  }
0xbb: {  	[tilespmem:s20+$0xA030] =	vst v3  }
0xbc: {  	v1 =	vld.idx.msk [tilespmem:v1+s17+$0x0], $0xffff  }
0xbd: {  	v2 =	vld.idx.msk [tilespmem:v2+s18+$0x0], $0xffff;
	_ =	sdelay $0x4  }
0xbe: {  	v1 =	vadd.f32 v2, v1;
	_ =	sdelay $0x1  }
0xbf: {  	v2 =	vmul.f32 $2.000000030e-01, v1  }
0xc0: {  	vm12 =	vge.f32 v1, $0.0e+00  }
0xc1: {  	v1 =	vsel vm12, v1, v2  }
0xc2: {  	v1 =	vmul.f32 $1.442695020e+00, v1;
	_ =	sdelay $0x1  }
0xc3: {  	(erf) = vpow2.f32 v1;
	_ =	sdelay $0x2  }
0xc4: {  	v1 =	vld [tilespmem:s20+$0x50]  }
0xc5: {  	v2 =	vld [tilespmem:s20+$0x2850];
	_ =	sdelay $0x4  }
0xc6: {  	v3 =	vpop (erf)  }
0xc7: {  	[tilespmem:s20+$0xA040] =	vst v3  }
0xc8: {  	v1 =	vld.idx.msk [tilespmem:v1+s17+$0x0], $0xffff  }
0xc9: {  	v2 =	vld.idx.msk [tilespmem:v2+s18+$0x0], $0xffff;
	_ =	sdelay $0x4  }
0xca: {  	v1 =	vadd.f32 v2, v1;
	_ =	sdelay $0x1  }
0xcb: {  	v2 =	vmul.f32 $2.000000030e-01, v1  }
0xcc: {  	vm13 =	vge.f32 v1, $0.0e+00  }
0xcd: {  	v1 =	vsel vm13, v1, v2  }
0xce: {  	v1 =	vmul.f32 $1.442695020e+00, v1;
	_ =	sdelay $0x1  }
0xcf: {  	(erf) = vpow2.f32 v1;
	_ =	sdelay $0x2  }
0xd0: {  	v1 =	vld [tilespmem:s20+$0x60]  }
0xd1: {  	v2 =	vld [tilespmem:s20+$0x2860];
	_ =	sdelay $0x4  }
0xd2: {  	v3 =	vpop (erf)  }
0xd3: {  	[tilespmem:s20+$0xA050] =	vst v3  }
0xd4: {  	v1 =	vld.idx.msk [tilespmem:v1+s17+$0x0], $0xffff  }
0xd5: {  	v2 =	vld.idx.msk [tilespmem:v2+s18+$0x0], $0xffff;
	_ =	sdelay $0x4  }
0xd6: {  	v1 =	vadd.f32 v2, v1;
	_ =	sdelay $0x1  }
0xd7: {  	v2 =	vmul.f32 $2.000000030e-01, v1  }
0xd8: {  	vm14 =	vge.f32 v1, $0.0e+00  }
0xd9: {  	v1 =	vsel vm14, v1, v2  }
0xda: {  	v1 =	vmul.f32 $1.442695020e+00, v1;
	_ =	sdelay $0x1  }
0xdb: {  	(erf) = vpow2.f32 v1;
	_ =	sdelay $0x2  }
0xdc: {  	v1 =	vld [tilespmem:s20+$0x70]  }
0xdd: {  	v2 =	vld [tilespmem:s20+$0x2870];
	_ =	sdelay $0x4  }
0xde: {  	v3 =	vpop (erf)  }
0xdf: {  	[tilespmem:s20+$0xA060] =	vst v3  }
0xe0: {  	v1 =	vld.idx.msk [tilespmem:v1+s17+$0x0], $0xffff  }
0xe1: {  	v2 =	vld.idx.msk [tilespmem:v2+s18+$0x0], $0xffff;
	_ =	sdelay $0x4  }
0xe2: {  	v1 =	vadd.f32 v2, v1;
	_ =	sdelay $0x1  }
0xe3: {  	v2 =	vmul.f32 $2.000000030e-01, v1  }
0xe4: {  	vm15 =	vge.f32 v1, $0.0e+00  }
0xe5: {  	v1 =	vsel vm15, v1, v2  }
0xe6: {  	v1 =	vmul.f32 $1.442695020e+00, v1;
	_ =	sdelay $0x1  }
0xe7: {  	(erf) = vpow2.f32 v1;
	_ =	sdelay $0x8  }
0xe8: {  	v1 =	vmov s12;
	v2 =	vpop (erf)  }
0xe9: {  	[tilespmem:s20+$0xA070] =	vst v2  }
0xea: {  	_ =	swait.ge [sflag:s24], $0x800  }
0xeb: {  	[sflag:s24] =	ssyncset.done $0x0  }
0xec: {  	s0 =	simm.s32 $0x0;
	[sflag:s24] =	ssyncadd.s32 $0xFFFFF800  }
0xed: {  	v2 =	vld.idx.msk [tilespmem:v1+s0+$0x0 ss:$0x1], $0xffff  }
0xee: {  	s6 =	simm.s32 $0xC880  }
0xef: {  	v3 =	vld [tilespmem:s6+$0xFFFFFF80]  }
0xf0: {  	v4 =	vld [tilespmem:s6+$0xFFFFFF90]  }
0xf1: {  	v5 =	vld [tilespmem:s6+$0xFFFFFFA0]  }
0xf2: {  	v6 =	vld [tilespmem:s6+$0xFFFFFFB0];
	v7 =	vbroadcast v2, $0x0  }
0xf3: {  	v10 =	vld [tilespmem:s6+$0xFFFFFFD0];
	v8 =	vbroadcast v2, $0x1  }
0xf4: {  	v46 =	vld [tilespmem:s6+$0xFFFFFFE0];
	v11 =	vbroadcast v2, $0x2;
	v3 =	vmul.f32 v7, v3  }
0xf5: {  	v9 =	vld [tilespmem:s6+$0xFFFFFFC0];
	v45 =	vbroadcast v2, $0x3;
	v4 =	vmul.f32 v4, v8  }
0xf6: {  	v49 =	vld [tilespmem:s6+$0x10];
	v47 =	vbroadcast v2, $0x5;
	v5 =	vmul.f32 v5, v11;
	[tilespmem:s6+$0xFFFFFF80] =	vst v3  }
0xf7: {  	v59 =	vld [tilespmem:s6+$0x60];
	v13 =	vbroadcast v2, $0x6;
	v6 =	vmul.f32 v6, v45;
	[tilespmem:s6+$0xFFFFFF90] =	vst v4  }
0xf8: {  	v12 =	vld [tilespmem:s6+$0xFFFFFFF0];
	v7 =	vmul.f32 v10, v47;
	v3 =	vbroadcast v2, $0x4;
	[tilespmem:s6+$0xFFFFFFA0] =	vst v5  }
0xf9: {  	v48 =	vld [tilespmem:s6+$0x0];
	v53 =	vbroadcast v2, $0x9;
	v8 =	vmul.f32 v46, v13;
	[tilespmem:s6+$0xFFFFFFB0] =	vst v6  }
0xfa: {  	v52 =	vld [tilespmem:s6+$0x30];
	v62 =	vbroadcast v2, $0xE;
	[tilespmem:s6+$0xFFFFFFD0] =	vst v7;
	v3 =	vmul.f32 v9, v3  }
0xfb: {  	v55 =	vld [tilespmem:s6+$0x50];
	v50 =	vbroadcast v2, $0x7;
	v58 =	vmul.f32 v49, v53;
	[tilespmem:s6+$0xFFFFFFE0] =	vst v8  }
0xfc: {  	v51 =	vld [tilespmem:s6+$0x20];
	v63 =	vmul.f32 v59, v62;
	[tilespmem:s6+$0xFFFFFFC0] =	vst v3;
	v3 =	vbroadcast v2, $0x8  }
0xfd: {  	v54 =	vld [tilespmem:s6+$0x40];
	v57 =	vbroadcast v2, $0xB;
	v5 =	vmul.f32 v12, v50;
	[tilespmem:s6+$0x10] =	vst v58  }
0xfe: {  	v60 =	vld [tilespmem:s6+$0x70];
	v61 =	vbroadcast v2, $0xD;
	[tilespmem:s6+$0x60] =	vst v63;
	v3 =	vmul.f32 v48, v3  }
0xff: {  	v56 =	vbroadcast v2, $0xA;
	v4 =	vmul.f32 v52, v57;
	[tilespmem:s6+$0xFFFFFFF0] =	vst v5  }
0x100: {  	v6 =	vmul.f32 v55, v61;
	[tilespmem:s6+$0x0] =	vst v3;
	v3 =	vbroadcast v2, $0xC  }
0x101: {  	v9 =	vmul.f32 v51, v56;
	[tilespmem:s6+$0x30] =	vst v4;
	v2 =	vbroadcast v2, $0xF  }
0x102: {  	[tilespmem:s6+$0x50] =	vst v6;
	v3 =	vmul.f32 v54, v3  }
0x103: {  	[tilespmem:s6+$0x20] =	vst v9;
	v2 =	vmul.f32 v60, v2  }
0x104: {  	s1 =	sshll.u32 s9, $0xB;
	s10 =	simm.s32 $0x10;
	[tilespmem:s6+$0x40] =	vst v3  }
0x105: {  	s4 =	simm.s32 $0x80;
	s5 =	sadd.s32 $0xA000, s20;
	s0 =	sadd.s32 $0x2800, s20;
	[tilespmem:s6+$0x70] =	vst v2  }
.LBB2_5:
0x106: {  	p0 =	sne.s32 s4, $0x1C0;
	v2 =	vld.idx.msk [tilespmem:v1+s10+$0x0 ss:$0x1], $0xffff;
	s6 =	sadd.s32 $0x100, s6  }
0x107: {  	v3 =	vld [tilespmem:s6+$0xFFFFFFB0]  }
0x108: {  	v4 =	vld [tilespmem:s6+$0xFFFFFF90]  }
0x109: {  	v5 =	vld [tilespmem:s6+$0xFFFFFF80]  }
0x10a: {  	v6 =	vld [tilespmem:s6+$0xFFFFFFA0]  }
0x10b: {  	v7 =	vld [tilespmem:s6+$0xFFFFFFF0]  }
0x10c: {  	v8 =	vbroadcast v2, $0x0;
	v9 =	vbroadcast v2, $0x1;
	v10 =	vld [tilespmem:s6+$0xFFFFFFD0]  }
0x10d: {  	v11 =	vbroadcast v2, $0x2;
	v12 =	vbroadcast v2, $0x3;
	v13 =	vld [tilespmem:s6+$0xFFFFFFC0]  }
0x10e: {  	v4 =	vmul.f32 v4, v9;
	v5 =	vmul.f32 v8, v5;
	v8 =	vld [tilespmem:s6+$0xFFFFFFE0]  }
0x10f: {  	v3 =	vmul.f32 v3, v12;
	v6 =	vmul.f32 v6, v11;
	v9 =	vld [tilespmem:s6+$0x30]  }
0x110: {  	v11 =	vbroadcast v2, $0x5;
	[tilespmem:s6+$0xFFFFFF80] =	vst v5;
	v5 =	vbroadcast v2, $0x4;
	v12 =	vld [tilespmem:s6+$0x10]  }
0x111: {  	v14 =	vbroadcast v2, $0x7;
	[tilespmem:s6+$0xFFFFFF90] =	vst v4;
	v4 =	vbroadcast v2, $0x6;
	v15 =	vld [tilespmem:s6+$0x0]  }
0x112: {  	[tilespmem:s6+$0xFFFFFFA0] =	vst v6;
	v5 =	vmul.f32 v13, v5;
	v6 =	vmul.f32 v10, v11;
	v10 =	vld [tilespmem:s6+$0x20]  }
0x113: {  	[tilespmem:s6+$0xFFFFFFB0] =	vst v3;
	v3 =	vmul.f32 v8, v4;
	v4 =	vmul.f32 v7, v14;
	v7 =	vld [tilespmem:s6+$0x70]  }
0x114: {  	v8 =	vbroadcast v2, $0x9;
	[tilespmem:s6+$0xFFFFFFC0] =	vst v5;
	v5 =	vbroadcast v2, $0x8;
	v11 =	vld [tilespmem:s6+$0x50]  }
0x115: {  	v13 =	vbroadcast v2, $0xB;
	[tilespmem:s6+$0xFFFFFFD0] =	vst v6;
	v6 =	vbroadcast v2, $0xA;
	v14 =	vld [tilespmem:s6+$0x40]  }
0x116: {  	[tilespmem:s6+$0xFFFFFFE0] =	vst v3;
	v3 =	vmul.f32 v15, v5;
	v5 =	vmul.f32 v12, v8;
	v8 =	vld [tilespmem:s6+$0x60]  }
0x117: {  	[tilespmem:s6+$0xFFFFFFF0] =	vst v4;
	v4 =	vmul.f32 v10, v6;
	v6 =	vmul.f32 v9, v13  }
0x118: {  	v9 =	vbroadcast v2, $0xD;
	[tilespmem:s6+$0x0] =	vst v3;
	v3 =	vbroadcast v2, $0xC  }
0x119: {  	[tilespmem:s6+$0x10] =	vst v5;
	v5 =	vbroadcast v2, $0xE;
	v2 =	vbroadcast v2, $0xF  }
0x11a: {  	[tilespmem:s6+$0x20] =	vst v4;
	v3 =	vmul.f32 v14, v3;
	v4 =	vmul.f32 v11, v9  }
.Ltmp3:
0x11b: {  	[tilespmem:s6+$0x30] =	vst v6;
	v5 =	vmul.f32 v8, v5;
	v2 =	vmul.f32 v7, v2;
	(pc) =	sbr.rel @p0 .LBB2_5-.Ltmp3, $4  }
0x11c: {  	[tilespmem:s6+$0x40] =	vst v3  }
0x11d: {  	[tilespmem:s6+$0x50] =	vst v4  }
0x11e: {  	[tilespmem:s6+$0x60] =	vst v5  }
0x11f: {  	s10 =	sshra.s32 s4, $0x2;
	s4 =	sadd.s32 $0x40, s4;
	[tilespmem:s6+$0x70] =	vst v2  }
0x120: {  	_ =	sdelay $0x3  }
0x121: {  	v1 =	vld.idx.msk [tilespmem:v1+s10+$0x0 ss:$0x1], $0xffff  }
0x122: {  	s4 =	sadd.s32 $0x100, s6  }
0x123: {  	v2 =	vld [tilespmem:s4+$0xFFFFFF80]  }
0x124: {  	v3 =	vld [tilespmem:s4+$0xFFFFFF90]  }
0x125: {  	v4 =	vld [tilespmem:s4+$0xFFFFFFA0]  }
0x126: {  	v5 =	vld [tilespmem:s4+$0xFFFFFFB0];
	v6 =	vbroadcast v1, $0x0  }
0x127: {  	v9 =	vld [tilespmem:s4+$0xFFFFFFD0];
	v7 =	vbroadcast v1, $0x1  }
0x128: {  	v8 =	vld [tilespmem:s4+$0xFFFFFFC0];
	v10 =	vbroadcast v1, $0x2;
	v2 =	vmul.f32 v6, v2  }
0x129: {  	v21 =	vld [tilespmem:s4+$0xFFFFFFE0];
	v20 =	vbroadcast v1, $0x3;
	v3 =	vmul.f32 v3, v7  }
0x12a: {  	v23 =	vld [tilespmem:s4+$0x10];
	v22 =	vbroadcast v1, $0x5;
	v4 =	vmul.f32 v4, v10;
	[tilespmem:s4+$0xFFFFFF80] =	vst v2  }
0x12b: {  	v11 =	vld [tilespmem:s4+$0xFFFFFFF0];
	v5 =	vmul.f32 v5, v20;
	v2 =	vbroadcast v1, $0x4;
	[tilespmem:s4+$0xFFFFFF90] =	vst v3  }
0x12c: {  	v12 =	vbroadcast v1, $0x6;
	v6 =	vmul.f32 v9, v22;
	v3 =	vld [tilespmem:s4+$0x0];
	[tilespmem:s4+$0xFFFFFFA0] =	vst v4  }
0x12d: {  	v29 =	vld [tilespmem:s4+$0x50];
	v27 =	vbroadcast v1, $0x9;
	[tilespmem:s4+$0xFFFFFFB0] =	vst v5;
	v2 =	vmul.f32 v8, v2  }
0x12e: {  	v25 =	vld [tilespmem:s4+$0x20];
	v24 =	vbroadcast v1, $0x7;
	v7 =	vmul.f32 v21, v12;
	[tilespmem:s4+$0xFFFFFFD0] =	vst v6  }
0x12f: {  	v26 =	vld [tilespmem:s4+$0x30];
	v31 =	vmul.f32 v23, v27;
	[tilespmem:s4+$0xFFFFFFC0] =	vst v2;
	v2 =	vbroadcast v1, $0x8  }
0x130: {  	v28 =	vld [tilespmem:s4+$0x40];
	v34 =	vbroadcast v1, $0xD;
	v4 =	vmul.f32 v11, v24;
	[tilespmem:s4+$0xFFFFFFE0] =	vst v7  }
0x131: {  	v32 =	vld [tilespmem:s4+$0x60];
	v30 =	vbroadcast v1, $0xA;
	[tilespmem:s4+$0x10] =	vst v31;
	v2 =	vmul.f32 v3, v2  }
0x132: {  	v33 =	vld [tilespmem:s4+$0x70];
	v5 =	vmul.f32 v29, v34;
	[tilespmem:s4+$0xFFFFFFF0] =	vst v4;
	v3 =	vbroadcast v1, $0xB  }
0x133: {  	v8 =	vmul.f32 v25, v30;
	[tilespmem:s4+$0x0] =	vst v2;
	v2 =	vbroadcast v1, $0xC  }
0x134: {  	v35 =	vbroadcast v1, $0xE;
	[tilespmem:s4+$0x50] =	vst v5;
	v3 =	vmul.f32 v26, v3  }
0x135: {  	[tilespmem:s4+$0x20] =	vst v8;
	v1 =	vbroadcast v1, $0xF;
	v2 =	vmul.f32 v28, v2  }
0x136: {  	[tilespmem:s4+$0x30] =	vst v3;
	v3 =	vmul.f32 v32, v35  }
0x137: {  	v1 =	vmul.f32 v33, v1;
	[tilespmem:s4+$0x40] =	vst v2  }
0x138: {  	[tilespmem:s4+$0x60] =	vst v3  }
0x139: {  	[tilespmem:s4+$0x70] =	vst v1  }
0x13a: {  	[spmem:s2] =	stream.indirect.scatter.add.f32 [tilespmem:s22], [sflag:$0x5], $0x10, s0, s21, $0xb8;
	[tilespmem:$0x13D00] =	vst v63  }
0x13b: {  	p0 =	seq.s32 s9, $0x0  }
0x13c: {  	[spmem:s3] =	stream.indirect.scatter.add.f32 [tilespmem:s5], [sflag:$0x9], $0x1, s0, s21, $0xb8;
	[tilespmem:$0x13D00] =	vst v63  }
0x13d: {  	s0 =	simm.s32 @!p0 $0x7  }
0x13e: {  	_ =	swait.ge @!p0 [sflag:s0], $0x800  }
0x13f: {  	[sflag:s0] =	ssyncset.done @!p0 $0x0  }
0x140: {  	[sflag:s0] =	ssyncadd.s32 @!p0 $0xFFFFF800;
	s0 =	simm.s32 @!p0 $0xB  }
0x141: {  	_ =	swait.ge @!p0 [sflag:s0], $0x80  }
0x142: {  	s6 =	sshll.u32 s9, $0x2;
	[sflag:s0] =	ssyncset.done @!p0 $0x0  }
0x143: {  	s5 =	sor.u32 $0x100, s20;
	[sflag:s0] =	ssyncadd.s32 @!p0 $0xFFFFFF80;
	s0 =	sshll.u32 s6, $0x7  }
0x144: {  	[tilespmem:s25], [sflag:$0x3] =	stream.indirect.gather [hbm4b:s7+s21], $0x10, s5, s21, $0xb8;
	[tilespmem:$0x13D00] =	vst v63  }
0x145: {  	s4 =	sor.u32 $0x80, s0  }
0x146: {  	v1 =	vld [tilespmem:s4+$0x0]  }
0x147: {  	v2 =	vld [tilespmem:s0+$0x2880];
	_ =	sdelay $0x6  }
0x148: {  	v1 =	vld.idx.msk [tilespmem:v1+s17+$0x0], $0xffff  }
0x149: {  	v2 =	vld.idx.msk [tilespmem:v2+s18+$0x0], $0xffff;
	_ =	sdelay $0x4  }
0x14a: {  	v1 =	vadd.f32 v2, v1;
	_ =	sdelay $0x1  }
0x14b: {  	v2 =	vmul.f32 $2.000000030e-01, v1  }
0x14c: {  	vm0 =	vge.f32 v1, $0.0e+00  }
0x14d: {  	v1 =	vsel vm0, v1, v2  }
0x14e: {  	v1 =	vmul.f32 $1.442695020e+00, v1;
	_ =	sdelay $0x1  }
0x14f: {  	(erf) = vpow2.f32 v1;
	_ =	sdelay $0x8  }
0x150: {  	v1 =	vpop (erf)  }
0x151: {  	s10 =	sor.u32 $0x90, s0;
	v2 =	vld [tilespmem:s0+$0x2890];
	[tilespmem:s0+$0xA080] =	vst v1  }
0x152: {  	v1 =	vld [tilespmem:s10+$0x0];
	_ =	sdelay $0x6  }
0x153: {  	v2 =	vld.idx.msk [tilespmem:v2+s18+$0x0], $0xffff  }
0x154: {  	v1 =	vld.idx.msk [tilespmem:v1+s17+$0x0], $0xffff;
	_ =	sdelay $0x4  }
0x155: {  	v1 =	vadd.f32 v2, v1;
	_ =	sdelay $0x1  }
0x156: {  	v2 =	vmul.f32 $2.000000030e-01, v1  }
0x157: {  	vm9 =	vge.f32 v1, $0.0e+00  }
0x158: {  	v1 =	vsel vm9, v1, v2  }
0x159: {  	v1 =	vmul.f32 $1.442695020e+00, v1;
	_ =	sdelay $0x1  }
0x15a: {  	(erf) = vpow2.f32 v1;
	_ =	sdelay $0x8  }
0x15b: {  	v1 =	vpop (erf)  }
0x15c: {  	s11 =	sor.u32 $0xA0, s0;
	v2 =	vld [tilespmem:s0+$0x28A0];
	[tilespmem:s0+$0xA090] =	vst v1  }
0x15d: {  	v1 =	vld [tilespmem:s11+$0x0];
	_ =	sdelay $0x6  }
0x15e: {  	v2 =	vld.idx.msk [tilespmem:v2+s18+$0x0], $0xffff  }
0x15f: {  	v1 =	vld.idx.msk [tilespmem:v1+s17+$0x0], $0xffff;
	_ =	sdelay $0x4  }
0x160: {  	v1 =	vadd.f32 v2, v1;
	_ =	sdelay $0x1  }
0x161: {  	v2 =	vmul.f32 $2.000000030e-01, v1  }
0x162: {  	vm10 =	vge.f32 v1, $0.0e+00  }
0x163: {  	v1 =	vsel vm10, v1, v2  }
0x164: {  	v1 =	vmul.f32 $1.442695020e+00, v1;
	_ =	sdelay $0x1  }
0x165: {  	(erf) = vpow2.f32 v1;
	_ =	sdelay $0x8  }
0x166: {  	v1 =	vpop (erf)  }
0x167: {  	s6 =	sor.u32 $0xB0, s0;
	v2 =	vld [tilespmem:s0+$0x28B0];
	[tilespmem:s0+$0xA0A0] =	vst v1  }
0x168: {  	v1 =	vld [tilespmem:s6+$0x0];
	_ =	sdelay $0x6  }
0x169: {  	v2 =	vld.idx.msk [tilespmem:v2+s18+$0x0], $0xffff  }
0x16a: {  	v1 =	vld.idx.msk [tilespmem:v1+s17+$0x0], $0xffff;
	_ =	sdelay $0x4  }
0x16b: {  	v1 =	vadd.f32 v2, v1;
	_ =	sdelay $0x1  }
0x16c: {  	v2 =	vmul.f32 $2.000000030e-01, v1  }
0x16d: {  	vm11 =	vge.f32 v1, $0.0e+00  }
0x16e: {  	v1 =	vsel vm11, v1, v2  }
0x16f: {  	v1 =	vmul.f32 $1.442695020e+00, v1;
	_ =	sdelay $0x1  }
0x170: {  	(erf) = vpow2.f32 v1;
	_ =	sdelay $0x8  }
0x171: {  	v1 =	vpop (erf)  }
0x172: {  	s10 =	sor.u32 $0xC0, s0;
	v2 =	vld [tilespmem:s0+$0x28C0];
	[tilespmem:s0+$0xA0B0] =	vst v1  }
0x173: {  	v1 =	vld [tilespmem:s10+$0x0];
	_ =	sdelay $0x6  }
0x174: {  	v2 =	vld.idx.msk [tilespmem:v2+s18+$0x0], $0xffff  }
0x175: {  	v1 =	vld.idx.msk [tilespmem:v1+s17+$0x0], $0xffff;
	_ =	sdelay $0x4  }
0x176: {  	v1 =	vadd.f32 v2, v1;
	_ =	sdelay $0x1  }
0x177: {  	v2 =	vmul.f32 $2.000000030e-01, v1  }
0x178: {  	vm12 =	vge.f32 v1, $0.0e+00  }
0x179: {  	v1 =	vsel vm12, v1, v2  }
0x17a: {  	v1 =	vmul.f32 $1.442695020e+00, v1;
	_ =	sdelay $0x1  }
0x17b: {  	(erf) = vpow2.f32 v1;
	_ =	sdelay $0x8  }
0x17c: {  	v1 =	vpop (erf)  }
0x17d: {  	s11 =	sor.u32 $0xD0, s0;
	v2 =	vld [tilespmem:s0+$0x28D0];
	[tilespmem:s0+$0xA0C0] =	vst v1  }
0x17e: {  	v1 =	vld [tilespmem:s11+$0x0];
	_ =	sdelay $0x6  }
0x17f: {  	v2 =	vld.idx.msk [tilespmem:v2+s18+$0x0], $0xffff  }
0x180: {  	v1 =	vld.idx.msk [tilespmem:v1+s17+$0x0], $0xffff;
	_ =	sdelay $0x4  }
0x181: {  	v1 =	vadd.f32 v2, v1;
	_ =	sdelay $0x1  }
0x182: {  	v2 =	vmul.f32 $2.000000030e-01, v1  }
0x183: {  	vm13 =	vge.f32 v1, $0.0e+00  }
0x184: {  	v1 =	vsel vm13, v1, v2  }
0x185: {  	v1 =	vmul.f32 $1.442695020e+00, v1;
	_ =	sdelay $0x1  }
0x186: {  	(erf) = vpow2.f32 v1;
	_ =	sdelay $0x8  }
0x187: {  	v1 =	vpop (erf)  }
0x188: {  	s6 =	sor.u32 $0xE0, s0;
	v2 =	vld [tilespmem:s0+$0x28E0];
	[tilespmem:s0+$0xA0D0] =	vst v1  }
0x189: {  	v1 =	vld [tilespmem:s6+$0x0];
	_ =	sdelay $0x6  }
0x18a: {  	v2 =	vld.idx.msk [tilespmem:v2+s18+$0x0], $0xffff  }
0x18b: {  	v1 =	vld.idx.msk [tilespmem:v1+s17+$0x0], $0xffff;
	_ =	sdelay $0x4  }
0x18c: {  	v1 =	vadd.f32 v2, v1;
	_ =	sdelay $0x1  }
0x18d: {  	v2 =	vmul.f32 $2.000000030e-01, v1  }
0x18e: {  	vm14 =	vge.f32 v1, $0.0e+00  }
0x18f: {  	v1 =	vsel vm14, v1, v2  }
0x190: {  	v1 =	vmul.f32 $1.442695020e+00, v1;
	_ =	sdelay $0x1  }
0x191: {  	(erf) = vpow2.f32 v1;
	_ =	sdelay $0x8  }
0x192: {  	v1 =	vpop (erf)  }
0x193: {  	s10 =	sor.u32 $0xF0, s0;
	v2 =	vld [tilespmem:s0+$0x28F0];
	[tilespmem:s0+$0xA0E0] =	vst v1  }
0x194: {  	v1 =	vld [tilespmem:s10+$0x0];
	_ =	sdelay $0x6  }
0x195: {  	v2 =	vld.idx.msk [tilespmem:v2+s18+$0x0], $0xffff  }
0x196: {  	v1 =	vld.idx.msk [tilespmem:v1+s17+$0x0], $0xffff;
	_ =	sdelay $0x4  }
0x197: {  	v1 =	vadd.f32 v2, v1;
	_ =	sdelay $0x1  }
0x198: {  	v2 =	vmul.f32 $2.000000030e-01, v1  }
0x199: {  	vm15 =	vge.f32 v1, $0.0e+00  }
0x19a: {  	v1 =	vsel vm15, v1, v2  }
0x19b: {  	v1 =	vmul.f32 $1.442695020e+00, v1;
	_ =	sdelay $0x1  }
0x19c: {  	(erf) = vpow2.f32 v1;
	_ =	sdelay $0x8  }
0x19d: {  	v1 =	vmov s13;
	v2 =	vpop (erf)  }
0x19e: {  	[tilespmem:s0+$0xA0F0] =	vst v2  }
0x19f: {  	_ =	swait.ge [sflag:s26], $0x800  }
0x1a0: {  	[sflag:s26] =	ssyncset.done $0x0  }
0x1a1: {  	s11 =	simm.s32 $0x0;
	[sflag:s26] =	ssyncadd.s32 $0xFFFFF800  }
0x1a2: {  	v2 =	vld.idx.msk [tilespmem:v1+s11+$0x0 ss:$0x1], $0xffff  }
0x1a3: {  	s4 =	simm.s32 $0xD080  }
0x1a4: {  	v3 =	vld [tilespmem:s4+$0xFFFFFF80]  }
0x1a5: {  	v36 =	vld [tilespmem:s4+$0xFFFFFF90]  }
0x1a6: {  	v37 =	vld [tilespmem:s4+$0xFFFFFFA0]  }
0x1a7: {  	v38 =	vld [tilespmem:s4+$0xFFFFFFB0];
	v39 =	vbroadcast v2, $0x0  }
0x1a8: {  	v42 =	vld [tilespmem:s4+$0xFFFFFFD0];
	v40 =	vbroadcast v2, $0x1  }
0x1a9: {  	v45 =	vld [tilespmem:s4+$0xFFFFFFE0];
	v43 =	vbroadcast v2, $0x2;
	v3 =	vmul.f32 v39, v3  }
0x1aa: {  	v41 =	vld [tilespmem:s4+$0xFFFFFFC0];
	v44 =	vbroadcast v2, $0x3;
	v4 =	vmul.f32 v36, v40  }
0x1ab: {  	v49 =	vld [tilespmem:s4+$0x10];
	v47 =	vbroadcast v2, $0x5;
	v5 =	vmul.f32 v37, v43;
	[tilespmem:s4+$0xFFFFFF80] =	vst v3  }
0x1ac: {  	v51 =	vld [tilespmem:s4+$0x20];
	v13 =	vbroadcast v2, $0x6;
	v6 =	vmul.f32 v38, v44;
	[tilespmem:s4+$0xFFFFFF90] =	vst v4  }
0x1ad: {  	v59 =	vld [tilespmem:s4+$0x60];
	v7 =	vmul.f32 v42, v47;
	v3 =	vbroadcast v2, $0x4;
	[tilespmem:s4+$0xFFFFFFA0] =	vst v5  }
0x1ae: {  	v48 =	vld [tilespmem:s4+$0x0];
	v53 =	vbroadcast v2, $0x9;
	v8 =	vmul.f32 v45, v13;
	[tilespmem:s4+$0xFFFFFFB0] =	vst v6  }
0x1af: {  	v46 =	vld [tilespmem:s4+$0xFFFFFFF0];
	v56 =	vbroadcast v2, $0xA;
	[tilespmem:s4+$0xFFFFFFD0] =	vst v7;
	v3 =	vmul.f32 v41, v3  }
0x1b0: {  	v52 =	vld [tilespmem:s4+$0x30];
	v62 =	vbroadcast v2, $0xE;
	v58 =	vmul.f32 v49, v53;
	[tilespmem:s4+$0xFFFFFFE0] =	vst v8  }
0x1b1: {  	v55 =	vld [tilespmem:s4+$0x50];
	v9 =	vmul.f32 v51, v56;
	[tilespmem:s4+$0xFFFFFFC0] =	vst v3;
	v3 =	vbroadcast v2, $0x8  }
0x1b2: {  	v54 =	vld [tilespmem:s4+$0x40];
	v50 =	vbroadcast v2, $0x7;
	v63 =	vmul.f32 v59, v62;
	[tilespmem:s4+$0x10] =	vst v58  }
0x1b3: {  	v60 =	vld [tilespmem:s4+$0x70];
	v57 =	vbroadcast v2, $0xB;
	[tilespmem:s4+$0x20] =	vst v9;
	v3 =	vmul.f32 v48, v3  }
0x1b4: {  	v61 =	vbroadcast v2, $0xD;
	v5 =	vmul.f32 v46, v50;
	[tilespmem:s4+$0x60] =	vst v63  }
0x1b5: {  	v4 =	vmul.f32 v52, v57;
	[tilespmem:s4+$0x0] =	vst v3;
	v3 =	vbroadcast v2, $0xC  }
0x1b6: {  	v6 =	vmul.f32 v55, v61;
	[tilespmem:s4+$0xFFFFFFF0] =	vst v5;
	v2 =	vbroadcast v2, $0xF  }
0x1b7: {  	[tilespmem:s4+$0x30] =	vst v4;
	v3 =	vmul.f32 v54, v3  }
0x1b8: {  	[tilespmem:s4+$0x50] =	vst v6;
	v2 =	vmul.f32 v60, v2  }
0x1b9: {  	s6 =	sadd.s32 $0x2880, s0;
	[tilespmem:s4+$0x40] =	vst v3  }
0x1ba: {  	s10 =	simm.s32 $0x80;
	s0 =	sadd.s32 $0xA080, s0;
	s11 =	simm.s32 $0x10;
	[tilespmem:s4+$0x70] =	vst v2  }
.LBB2_7:
0x1bb: {  	p1 =	sne.s32 s10, $0x1C0;
	v2 =	vld.idx.msk [tilespmem:v1+s11+$0x0 ss:$0x1], $0xffff;
	s4 =	sadd.s32 $0x100, s4  }
0x1bc: {  	v3 =	vld [tilespmem:s4+$0xFFFFFFB0]  }
0x1bd: {  	v4 =	vld [tilespmem:s4+$0xFFFFFF90]  }
0x1be: {  	v5 =	vld [tilespmem:s4+$0xFFFFFF80]  }
0x1bf: {  	v6 =	vld [tilespmem:s4+$0xFFFFFFA0]  }
0x1c0: {  	v7 =	vld [tilespmem:s4+$0xFFFFFFF0]  }
0x1c1: {  	v8 =	vbroadcast v2, $0x0;
	v9 =	vbroadcast v2, $0x1;
	v10 =	vld [tilespmem:s4+$0xFFFFFFD0]  }
0x1c2: {  	v11 =	vbroadcast v2, $0x2;
	v12 =	vbroadcast v2, $0x3;
	v13 =	vld [tilespmem:s4+$0xFFFFFFC0]  }
0x1c3: {  	v4 =	vmul.f32 v4, v9;
	v5 =	vmul.f32 v8, v5;
	v8 =	vld [tilespmem:s4+$0xFFFFFFE0]  }
0x1c4: {  	v3 =	vmul.f32 v3, v12;
	v6 =	vmul.f32 v6, v11;
	v9 =	vld [tilespmem:s4+$0x30]  }
0x1c5: {  	v11 =	vbroadcast v2, $0x5;
	[tilespmem:s4+$0xFFFFFF80] =	vst v5;
	v5 =	vbroadcast v2, $0x4;
	v12 =	vld [tilespmem:s4+$0x10]  }
0x1c6: {  	v14 =	vbroadcast v2, $0x7;
	[tilespmem:s4+$0xFFFFFF90] =	vst v4;
	v4 =	vbroadcast v2, $0x6;
	v15 =	vld [tilespmem:s4+$0x0]  }
0x1c7: {  	[tilespmem:s4+$0xFFFFFFA0] =	vst v6;
	v5 =	vmul.f32 v13, v5;
	v6 =	vmul.f32 v10, v11;
	v10 =	vld [tilespmem:s4+$0x20]  }
0x1c8: {  	[tilespmem:s4+$0xFFFFFFB0] =	vst v3;
	v3 =	vmul.f32 v8, v4;
	v4 =	vmul.f32 v7, v14;
	v7 =	vld [tilespmem:s4+$0x70]  }
0x1c9: {  	v8 =	vbroadcast v2, $0x9;
	[tilespmem:s4+$0xFFFFFFC0] =	vst v5;
	v5 =	vbroadcast v2, $0x8;
	v11 =	vld [tilespmem:s4+$0x50]  }
0x1ca: {  	v13 =	vbroadcast v2, $0xB;
	[tilespmem:s4+$0xFFFFFFD0] =	vst v6;
	v6 =	vbroadcast v2, $0xA;
	v14 =	vld [tilespmem:s4+$0x40]  }
0x1cb: {  	[tilespmem:s4+$0xFFFFFFE0] =	vst v3;
	v3 =	vmul.f32 v15, v5;
	v5 =	vmul.f32 v12, v8;
	v8 =	vld [tilespmem:s4+$0x60]  }
0x1cc: {  	[tilespmem:s4+$0xFFFFFFF0] =	vst v4;
	v4 =	vmul.f32 v10, v6;
	v6 =	vmul.f32 v9, v13  }
0x1cd: {  	v9 =	vbroadcast v2, $0xD;
	[tilespmem:s4+$0x0] =	vst v3;
	v3 =	vbroadcast v2, $0xC  }
0x1ce: {  	[tilespmem:s4+$0x10] =	vst v5;
	v5 =	vbroadcast v2, $0xE;
	v2 =	vbroadcast v2, $0xF  }
0x1cf: {  	[tilespmem:s4+$0x20] =	vst v4;
	v3 =	vmul.f32 v14, v3;
	v4 =	vmul.f32 v11, v9  }
.Ltmp4:
0x1d0: {  	[tilespmem:s4+$0x30] =	vst v6;
	v5 =	vmul.f32 v8, v5;
	v2 =	vmul.f32 v7, v2;
	(pc) =	sbr.rel @p1 .LBB2_7-.Ltmp4, $4  }
0x1d1: {  	[tilespmem:s4+$0x40] =	vst v3  }
0x1d2: {  	[tilespmem:s4+$0x50] =	vst v4  }
0x1d3: {  	[tilespmem:s4+$0x60] =	vst v5  }
0x1d4: {  	s11 =	sshra.s32 s10, $0x2;
	s10 =	sadd.s32 $0x40, s10;
	[tilespmem:s4+$0x70] =	vst v2  }
0x1d5: {  	_ =	sdelay $0x3  }
0x1d6: {  	v1 =	vld.idx.msk [tilespmem:v1+s11+$0x0 ss:$0x1], $0xffff  }
0x1d7: {  	s4 =	sadd.s32 $0x100, s4  }
0x1d8: {  	v2 =	vld [tilespmem:s4+$0xFFFFFF80]  }
0x1d9: {  	v3 =	vld [tilespmem:s4+$0xFFFFFF90]  }
0x1da: {  	v4 =	vld [tilespmem:s4+$0xFFFFFFA0]  }
0x1db: {  	v5 =	vld [tilespmem:s4+$0xFFFFFFB0];
	v6 =	vbroadcast v1, $0x0  }
0x1dc: {  	v9 =	vld [tilespmem:s4+$0xFFFFFFD0];
	v7 =	vbroadcast v1, $0x1  }
0x1dd: {  	v8 =	vld [tilespmem:s4+$0xFFFFFFC0];
	v10 =	vbroadcast v1, $0x2;
	v2 =	vmul.f32 v6, v2  }
0x1de: {  	v21 =	vld [tilespmem:s4+$0xFFFFFFE0];
	v20 =	vbroadcast v1, $0x3;
	v3 =	vmul.f32 v3, v7  }
0x1df: {  	v23 =	vld [tilespmem:s4+$0x10];
	v22 =	vbroadcast v1, $0x5;
	v4 =	vmul.f32 v4, v10;
	[tilespmem:s4+$0xFFFFFF80] =	vst v2  }
0x1e0: {  	v11 =	vld [tilespmem:s4+$0xFFFFFFF0];
	v5 =	vmul.f32 v5, v20;
	v2 =	vbroadcast v1, $0x4;
	[tilespmem:s4+$0xFFFFFF90] =	vst v3  }
0x1e1: {  	v12 =	vbroadcast v1, $0x6;
	v6 =	vmul.f32 v9, v22;
	v3 =	vld [tilespmem:s4+$0x0];
	[tilespmem:s4+$0xFFFFFFA0] =	vst v4  }
0x1e2: {  	v29 =	vld [tilespmem:s4+$0x50];
	v27 =	vbroadcast v1, $0x9;
	[tilespmem:s4+$0xFFFFFFB0] =	vst v5;
	v2 =	vmul.f32 v8, v2  }
0x1e3: {  	v25 =	vld [tilespmem:s4+$0x20];
	v24 =	vbroadcast v1, $0x7;
	v7 =	vmul.f32 v21, v12;
	[tilespmem:s4+$0xFFFFFFD0] =	vst v6  }
0x1e4: {  	v26 =	vld [tilespmem:s4+$0x30];
	v31 =	vmul.f32 v23, v27;
	[tilespmem:s4+$0xFFFFFFC0] =	vst v2;
	v2 =	vbroadcast v1, $0x8  }
0x1e5: {  	v28 =	vld [tilespmem:s4+$0x40];
	v34 =	vbroadcast v1, $0xD;
	v4 =	vmul.f32 v11, v24;
	[tilespmem:s4+$0xFFFFFFE0] =	vst v7  }
0x1e6: {  	v32 =	vld [tilespmem:s4+$0x60];
	v30 =	vbroadcast v1, $0xA;
	[tilespmem:s4+$0x10] =	vst v31;
	v2 =	vmul.f32 v3, v2  }
0x1e7: {  	v33 =	vld [tilespmem:s4+$0x70];
	v5 =	vmul.f32 v29, v34;
	[tilespmem:s4+$0xFFFFFFF0] =	vst v4;
	v3 =	vbroadcast v1, $0xB  }
0x1e8: {  	v8 =	vmul.f32 v25, v30;
	[tilespmem:s4+$0x0] =	vst v2;
	v2 =	vbroadcast v1, $0xC  }
0x1e9: {  	v35 =	vbroadcast v1, $0xE;
	[tilespmem:s4+$0x50] =	vst v5;
	v3 =	vmul.f32 v26, v3  }
0x1ea: {  	[tilespmem:s4+$0x20] =	vst v8;
	v1 =	vbroadcast v1, $0xF;
	v2 =	vmul.f32 v28, v2  }
0x1eb: {  	[tilespmem:s4+$0x30] =	vst v3;
	v3 =	vmul.f32 v32, v35  }
0x1ec: {  	v1 =	vmul.f32 v33, v1;
	[tilespmem:s4+$0x40] =	vst v2  }
0x1ed: {  	[tilespmem:s4+$0x60] =	vst v3  }
0x1ee: {  	[tilespmem:s4+$0x70] =	vst v1  }
0x1ef: {  	[spmem:s2] =	stream.indirect.scatter.add.f32 [tilespmem:s23], [sflag:$0x6], $0x10, s6, s21, $0xb8;
	[tilespmem:$0x13D00] =	vst v63  }
0x1f0: {  	_ = 	snop  }
0x1f1: {  	[spmem:s3] =	stream.indirect.scatter.add.f32 [tilespmem:s0], [sflag:$0xA], $0x1, s6, s21, $0xb8;
	[tilespmem:$0x13D00] =	vst v63  }
0x1f2: {  	s0 =	simm.s32 @!p0 $0x8  }
0x1f3: {  	_ =	swait.ge @!p0 [sflag:s0], $0x800  }
0x1f4: {  	[sflag:s0] =	ssyncset.done @!p0 $0x0  }
0x1f5: {  	[sflag:s0] =	ssyncadd.s32 @!p0 $0xFFFFF800;
	s0 =	simm.s32 @!p0 $0xC  }
0x1f6: {  	_ =	swait.ge @!p0 [sflag:s0], $0x80  }
0x1f7: {  	[sflag:s0] =	ssyncset.done @!p0 $0x0  }
0x1f8: {  	[sflag:s0] =	ssyncadd.s32 @!p0 $0xFFFFFF80;
	s0 =	sor.u32 $0x180, s20  }
0x1f9: {  	[tilespmem:s28], [sflag:$0x4] =	stream.indirect.gather [hbm4b:s7+s21], $0x10, s0, s21, $0xb8;
	[tilespmem:$0x13D00] =	vst v63  }
0x1fa: {  	v1 =	vld [tilespmem:s5+$0x0]  }
0x1fb: {  	v2 =	vld [tilespmem:s5+$0x2800];
	_ =	sdelay $0x6  }
0x1fc: {  	v1 =	vld.idx.msk [tilespmem:v1+s17+$0x0], $0xffff  }
0x1fd: {  	v2 =	vld.idx.msk [tilespmem:v2+s18+$0x0], $0xffff;
	_ =	sdelay $0x4  }
0x1fe: {  	v1 =	vadd.f32 v2, v1;
	_ =	sdelay $0x1  }
0x1ff: {  	v2 =	vmul.f32 $2.000000030e-01, v1  }
0x200: {  	vm0 =	vge.f32 v1, $0.0e+00  }
0x201: {  	v1 =	vsel vm0, v1, v2  }
0x202: {  	v1 =	vmul.f32 $1.442695020e+00, v1;
	_ =	sdelay $0x1  }
0x203: {  	(erf) = vpow2.f32 v1;
	_ =	sdelay $0x8  }
0x204: {  	v1 =	vpop (erf)  }
0x205: {  	s10 =	sor.u32 $0x110, s20;
	[tilespmem:s5+$0xA000] =	vst v1  }
0x206: {  	v1 =	vld [tilespmem:s10+$0x0]  }
0x207: {  	v2 =	vld [tilespmem:s20+$0x2910];
	_ =	sdelay $0x6  }
0x208: {  	v1 =	vld.idx.msk [tilespmem:v1+s17+$0x0], $0xffff  }
0x209: {  	v2 =	vld.idx.msk [tilespmem:v2+s18+$0x0], $0xffff;
	_ =	sdelay $0x4  }
0x20a: {  	v1 =	vadd.f32 v2, v1;
	_ =	sdelay $0x1  }
0x20b: {  	v2 =	vmul.f32 $2.000000030e-01, v1  }
0x20c: {  	vm9 =	vge.f32 v1, $0.0e+00  }
0x20d: {  	v1 =	vsel vm9, v1, v2  }
0x20e: {  	v1 =	vmul.f32 $1.442695020e+00, v1;
	_ =	sdelay $0x1  }
0x20f: {  	(erf) = vpow2.f32 v1;
	_ =	sdelay $0x8  }
0x210: {  	v1 =	vpop (erf)  }
0x211: {  	s11 =	sor.u32 $0x120, s20;
	v2 =	vld [tilespmem:s20+$0x2920];
	[tilespmem:s20+$0xA110] =	vst v1  }
0x212: {  	v1 =	vld [tilespmem:s11+$0x0];
	_ =	sdelay $0x6  }
0x213: {  	v2 =	vld.idx.msk [tilespmem:v2+s18+$0x0], $0xffff  }
0x214: {  	v1 =	vld.idx.msk [tilespmem:v1+s17+$0x0], $0xffff;
	_ =	sdelay $0x4  }
0x215: {  	v1 =	vadd.f32 v2, v1;
	_ =	sdelay $0x1  }
0x216: {  	v2 =	vmul.f32 $2.000000030e-01, v1  }
0x217: {  	vm10 =	vge.f32 v1, $0.0e+00  }
0x218: {  	v1 =	vsel vm10, v1, v2  }
0x219: {  	v1 =	vmul.f32 $1.442695020e+00, v1;
	_ =	sdelay $0x1  }
0x21a: {  	(erf) = vpow2.f32 v1;
	_ =	sdelay $0x8  }
0x21b: {  	v1 =	vpop (erf)  }
0x21c: {  	s6 =	sor.u32 $0x130, s20;
	v2 =	vld [tilespmem:s20+$0x2930];
	[tilespmem:s20+$0xA120] =	vst v1  }
0x21d: {  	v1 =	vld [tilespmem:s6+$0x0];
	_ =	sdelay $0x6  }
0x21e: {  	v2 =	vld.idx.msk [tilespmem:v2+s18+$0x0], $0xffff  }
0x21f: {  	v1 =	vld.idx.msk [tilespmem:v1+s17+$0x0], $0xffff;
	_ =	sdelay $0x4  }
0x220: {  	v1 =	vadd.f32 v2, v1;
	_ =	sdelay $0x1  }
0x221: {  	v2 =	vmul.f32 $2.000000030e-01, v1  }
0x222: {  	vm11 =	vge.f32 v1, $0.0e+00  }
0x223: {  	v1 =	vsel vm11, v1, v2  }
0x224: {  	v1 =	vmul.f32 $1.442695020e+00, v1;
	_ =	sdelay $0x1  }
0x225: {  	(erf) = vpow2.f32 v1;
	_ =	sdelay $0x8  }
0x226: {  	v1 =	vpop (erf)  }
0x227: {  	s10 =	sor.u32 $0x140, s20;
	v2 =	vld [tilespmem:s20+$0x2940];
	[tilespmem:s20+$0xA130] =	vst v1  }
0x228: {  	v1 =	vld [tilespmem:s10+$0x0];
	_ =	sdelay $0x6  }
0x229: {  	v2 =	vld.idx.msk [tilespmem:v2+s18+$0x0], $0xffff  }
0x22a: {  	v1 =	vld.idx.msk [tilespmem:v1+s17+$0x0], $0xffff;
	_ =	sdelay $0x4  }
0x22b: {  	v1 =	vadd.f32 v2, v1;
	_ =	sdelay $0x1  }
0x22c: {  	v2 =	vmul.f32 $2.000000030e-01, v1  }
0x22d: {  	vm12 =	vge.f32 v1, $0.0e+00  }
0x22e: {  	v1 =	vsel vm12, v1, v2  }
0x22f: {  	v1 =	vmul.f32 $1.442695020e+00, v1;
	_ =	sdelay $0x1  }
0x230: {  	(erf) = vpow2.f32 v1;
	_ =	sdelay $0x8  }
0x231: {  	v1 =	vpop (erf)  }
0x232: {  	s11 =	sor.u32 $0x150, s20;
	v2 =	vld [tilespmem:s20+$0x2950];
	[tilespmem:s20+$0xA140] =	vst v1  }
0x233: {  	v1 =	vld [tilespmem:s11+$0x0];
	_ =	sdelay $0x6  }
0x234: {  	v2 =	vld.idx.msk [tilespmem:v2+s18+$0x0], $0xffff  }
0x235: {  	v1 =	vld.idx.msk [tilespmem:v1+s17+$0x0], $0xffff;
	_ =	sdelay $0x4  }
0x236: {  	v1 =	vadd.f32 v2, v1;
	_ =	sdelay $0x1  }
0x237: {  	v2 =	vmul.f32 $2.000000030e-01, v1  }
0x238: {  	vm13 =	vge.f32 v1, $0.0e+00  }
0x239: {  	v1 =	vsel vm13, v1, v2  }
0x23a: {  	v1 =	vmul.f32 $1.442695020e+00, v1;
	_ =	sdelay $0x1  }
0x23b: {  	(erf) = vpow2.f32 v1;
	_ =	sdelay $0x8  }
0x23c: {  	v1 =	vpop (erf)  }
0x23d: {  	s6 =	sor.u32 $0x160, s20;
	v2 =	vld [tilespmem:s20+$0x2960];
	[tilespmem:s20+$0xA150] =	vst v1  }
0x23e: {  	v1 =	vld [tilespmem:s6+$0x0];
	_ =	sdelay $0x6  }
0x23f: {  	v2 =	vld.idx.msk [tilespmem:v2+s18+$0x0], $0xffff  }
0x240: {  	v1 =	vld.idx.msk [tilespmem:v1+s17+$0x0], $0xffff;
	_ =	sdelay $0x4  }
0x241: {  	v1 =	vadd.f32 v2, v1;
	_ =	sdelay $0x1  }
0x242: {  	v2 =	vmul.f32 $2.000000030e-01, v1  }
0x243: {  	vm14 =	vge.f32 v1, $0.0e+00  }
0x244: {  	v1 =	vsel vm14, v1, v2  }
0x245: {  	v1 =	vmul.f32 $1.442695020e+00, v1;
	_ =	sdelay $0x1  }
0x246: {  	(erf) = vpow2.f32 v1;
	_ =	sdelay $0x8  }
0x247: {  	v1 =	vpop (erf)  }
0x248: {  	s10 =	sor.u32 $0x170, s20;
	v2 =	vld [tilespmem:s20+$0x2970];
	[tilespmem:s20+$0xA160] =	vst v1  }
0x249: {  	v1 =	vld [tilespmem:s10+$0x0];
	_ =	sdelay $0x6  }
0x24a: {  	v2 =	vld.idx.msk [tilespmem:v2+s18+$0x0], $0xffff  }
0x24b: {  	v1 =	vld.idx.msk [tilespmem:v1+s17+$0x0], $0xffff;
	_ =	sdelay $0x4  }
0x24c: {  	v1 =	vadd.f32 v2, v1;
	_ =	sdelay $0x1  }
0x24d: {  	v2 =	vmul.f32 $2.000000030e-01, v1  }
0x24e: {  	vm15 =	vge.f32 v1, $0.0e+00  }
0x24f: {  	v1 =	vsel vm15, v1, v2  }
0x250: {  	v1 =	vmul.f32 $1.442695020e+00, v1;
	_ =	sdelay $0x1  }
0x251: {  	(erf) = vpow2.f32 v1;
	_ =	sdelay $0x8  }
0x252: {  	v1 =	vmov s14;
	v2 =	vpop (erf)  }
0x253: {  	[tilespmem:s20+$0xA170] =	vst v2  }
0x254: {  	_ =	swait.ge [sflag:s29], $0x800  }
0x255: {  	[sflag:s29] =	ssyncset.done $0x0  }
0x256: {  	s11 =	simm.s32 $0x0;
	[sflag:s29] =	ssyncadd.s32 $0xFFFFF800  }
0x257: {  	v2 =	vld.idx.msk [tilespmem:v1+s11+$0x0 ss:$0x1], $0xffff  }
0x258: {  	s4 =	simm.s32 $0xD880  }
0x259: {  	v3 =	vld [tilespmem:s4+$0xFFFFFF80]  }
0x25a: {  	v36 =	vld [tilespmem:s4+$0xFFFFFF90]  }
0x25b: {  	v37 =	vld [tilespmem:s4+$0xFFFFFFA0]  }
0x25c: {  	v38 =	vld [tilespmem:s4+$0xFFFFFFB0];
	v39 =	vbroadcast v2, $0x0  }
0x25d: {  	v42 =	vld [tilespmem:s4+$0xFFFFFFD0];
	v40 =	vbroadcast v2, $0x1  }
0x25e: {  	v45 =	vld [tilespmem:s4+$0xFFFFFFE0];
	v43 =	vbroadcast v2, $0x2;
	v3 =	vmul.f32 v39, v3  }
0x25f: {  	v41 =	vld [tilespmem:s4+$0xFFFFFFC0];
	v44 =	vbroadcast v2, $0x3;
	v4 =	vmul.f32 v36, v40  }
0x260: {  	v49 =	vld [tilespmem:s4+$0x10];
	v47 =	vbroadcast v2, $0x5;
	v5 =	vmul.f32 v37, v43;
	[tilespmem:s4+$0xFFFFFF80] =	vst v3  }
0x261: {  	v51 =	vld [tilespmem:s4+$0x20];
	v13 =	vbroadcast v2, $0x6;
	v6 =	vmul.f32 v38, v44;
	[tilespmem:s4+$0xFFFFFF90] =	vst v4  }
0x262: {  	v59 =	vld [tilespmem:s4+$0x60];
	v7 =	vmul.f32 v42, v47;
	v3 =	vbroadcast v2, $0x4;
	[tilespmem:s4+$0xFFFFFFA0] =	vst v5  }
0x263: {  	v48 =	vld [tilespmem:s4+$0x0];
	v53 =	vbroadcast v2, $0x9;
	v8 =	vmul.f32 v45, v13;
	[tilespmem:s4+$0xFFFFFFB0] =	vst v6  }
0x264: {  	v46 =	vld [tilespmem:s4+$0xFFFFFFF0];
	v56 =	vbroadcast v2, $0xA;
	[tilespmem:s4+$0xFFFFFFD0] =	vst v7;
	v3 =	vmul.f32 v41, v3  }
0x265: {  	v52 =	vld [tilespmem:s4+$0x30];
	v62 =	vbroadcast v2, $0xE;
	v58 =	vmul.f32 v49, v53;
	[tilespmem:s4+$0xFFFFFFE0] =	vst v8  }
0x266: {  	v55 =	vld [tilespmem:s4+$0x50];
	v9 =	vmul.f32 v51, v56;
	[tilespmem:s4+$0xFFFFFFC0] =	vst v3;
	v3 =	vbroadcast v2, $0x8  }
0x267: {  	v54 =	vld [tilespmem:s4+$0x40];
	v50 =	vbroadcast v2, $0x7;
	v63 =	vmul.f32 v59, v62;
	[tilespmem:s4+$0x10] =	vst v58  }
0x268: {  	v60 =	vld [tilespmem:s4+$0x70];
	v57 =	vbroadcast v2, $0xB;
	[tilespmem:s4+$0x20] =	vst v9;
	v3 =	vmul.f32 v48, v3  }
0x269: {  	v61 =	vbroadcast v2, $0xD;
	v5 =	vmul.f32 v46, v50;
	[tilespmem:s4+$0x60] =	vst v63  }
0x26a: {  	v4 =	vmul.f32 v52, v57;
	[tilespmem:s4+$0x0] =	vst v3;
	v3 =	vbroadcast v2, $0xC  }
0x26b: {  	v6 =	vmul.f32 v55, v61;
	[tilespmem:s4+$0xFFFFFFF0] =	vst v5;
	v2 =	vbroadcast v2, $0xF  }
0x26c: {  	[tilespmem:s4+$0x30] =	vst v4;
	v3 =	vmul.f32 v54, v3  }
0x26d: {  	[tilespmem:s4+$0x50] =	vst v6;
	v2 =	vmul.f32 v60, v2  }
0x26e: {  	s6 =	sadd.s32 $0x2800, s5;
	[tilespmem:s4+$0x40] =	vst v3  }
0x26f: {  	s5 =	sadd.s32 $0xA000, s5;
	s10 =	simm.s32 $0x80;
	s11 =	simm.s32 $0x10;
	[tilespmem:s4+$0x70] =	vst v2  }
.LBB2_9:
0x270: {  	p0 =	sne.s32 s10, $0x1C0;
	v2 =	vld.idx.msk [tilespmem:v1+s11+$0x0 ss:$0x1], $0xffff;
	s4 =	sadd.s32 $0x100, s4  }
0x271: {  	v3 =	vld [tilespmem:s4+$0xFFFFFFB0]  }
0x272: {  	v4 =	vld [tilespmem:s4+$0xFFFFFF90]  }
0x273: {  	v5 =	vld [tilespmem:s4+$0xFFFFFF80]  }
0x274: {  	v6 =	vld [tilespmem:s4+$0xFFFFFFA0]  }
0x275: {  	v7 =	vld [tilespmem:s4+$0xFFFFFFF0]  }
0x276: {  	v8 =	vbroadcast v2, $0x0;
	v9 =	vbroadcast v2, $0x1;
	v10 =	vld [tilespmem:s4+$0xFFFFFFD0]  }
0x277: {  	v11 =	vbroadcast v2, $0x2;
	v12 =	vbroadcast v2, $0x3;
	v13 =	vld [tilespmem:s4+$0xFFFFFFC0]  }
0x278: {  	v4 =	vmul.f32 v4, v9;
	v5 =	vmul.f32 v8, v5;
	v8 =	vld [tilespmem:s4+$0xFFFFFFE0]  }
0x279: {  	v3 =	vmul.f32 v3, v12;
	v6 =	vmul.f32 v6, v11;
	v9 =	vld [tilespmem:s4+$0x30]  }
0x27a: {  	v11 =	vbroadcast v2, $0x5;
	[tilespmem:s4+$0xFFFFFF80] =	vst v5;
	v5 =	vbroadcast v2, $0x4;
	v12 =	vld [tilespmem:s4+$0x10]  }
0x27b: {  	v14 =	vbroadcast v2, $0x7;
	[tilespmem:s4+$0xFFFFFF90] =	vst v4;
	v4 =	vbroadcast v2, $0x6;
	v15 =	vld [tilespmem:s4+$0x0]  }
0x27c: {  	[tilespmem:s4+$0xFFFFFFA0] =	vst v6;
	v5 =	vmul.f32 v13, v5;
	v6 =	vmul.f32 v10, v11;
	v10 =	vld [tilespmem:s4+$0x20]  }
0x27d: {  	[tilespmem:s4+$0xFFFFFFB0] =	vst v3;
	v3 =	vmul.f32 v8, v4;
	v4 =	vmul.f32 v7, v14;
	v7 =	vld [tilespmem:s4+$0x70]  }
0x27e: {  	v8 =	vbroadcast v2, $0x9;
	[tilespmem:s4+$0xFFFFFFC0] =	vst v5;
	v5 =	vbroadcast v2, $0x8;
	v11 =	vld [tilespmem:s4+$0x50]  }
0x27f: {  	v13 =	vbroadcast v2, $0xB;
	[tilespmem:s4+$0xFFFFFFD0] =	vst v6;
	v6 =	vbroadcast v2, $0xA;
	v14 =	vld [tilespmem:s4+$0x40]  }
0x280: {  	[tilespmem:s4+$0xFFFFFFE0] =	vst v3;
	v3 =	vmul.f32 v15, v5;
	v5 =	vmul.f32 v12, v8;
	v8 =	vld [tilespmem:s4+$0x60]  }
0x281: {  	[tilespmem:s4+$0xFFFFFFF0] =	vst v4;
	v4 =	vmul.f32 v10, v6;
	v6 =	vmul.f32 v9, v13  }
0x282: {  	v9 =	vbroadcast v2, $0xD;
	[tilespmem:s4+$0x0] =	vst v3;
	v3 =	vbroadcast v2, $0xC  }
0x283: {  	[tilespmem:s4+$0x10] =	vst v5;
	v5 =	vbroadcast v2, $0xE;
	v2 =	vbroadcast v2, $0xF  }
0x284: {  	[tilespmem:s4+$0x20] =	vst v4;
	v3 =	vmul.f32 v14, v3;
	v4 =	vmul.f32 v11, v9  }
.Ltmp5:
0x285: {  	[tilespmem:s4+$0x30] =	vst v6;
	v5 =	vmul.f32 v8, v5;
	v2 =	vmul.f32 v7, v2;
	(pc) =	sbr.rel @p0 .LBB2_9-.Ltmp5, $4  }
0x286: {  	[tilespmem:s4+$0x40] =	vst v3  }
0x287: {  	[tilespmem:s4+$0x50] =	vst v4  }
0x288: {  	[tilespmem:s4+$0x60] =	vst v5  }
0x289: {  	s11 =	sshra.s32 s10, $0x2;
	s10 =	sadd.s32 $0x40, s10;
	[tilespmem:s4+$0x70] =	vst v2  }
0x28a: {  	_ =	sdelay $0x3  }
0x28b: {  	v1 =	vld.idx.msk [tilespmem:v1+s11+$0x0 ss:$0x1], $0xffff  }
0x28c: {  	s4 =	sadd.s32 $0x100, s4  }
0x28d: {  	v2 =	vld [tilespmem:s4+$0xFFFFFF80]  }
0x28e: {  	v3 =	vld [tilespmem:s4+$0xFFFFFF90]  }
0x28f: {  	v4 =	vld [tilespmem:s4+$0xFFFFFFA0]  }
0x290: {  	v5 =	vld [tilespmem:s4+$0xFFFFFFB0];
	v6 =	vbroadcast v1, $0x0  }
0x291: {  	v9 =	vld [tilespmem:s4+$0xFFFFFFD0];
	v7 =	vbroadcast v1, $0x1  }
0x292: {  	v8 =	vld [tilespmem:s4+$0xFFFFFFC0];
	v10 =	vbroadcast v1, $0x2;
	v2 =	vmul.f32 v6, v2  }
0x293: {  	v21 =	vld [tilespmem:s4+$0xFFFFFFE0];
	v20 =	vbroadcast v1, $0x3;
	v3 =	vmul.f32 v3, v7  }
0x294: {  	v23 =	vld [tilespmem:s4+$0x10];
	v22 =	vbroadcast v1, $0x5;
	v4 =	vmul.f32 v4, v10;
	[tilespmem:s4+$0xFFFFFF80] =	vst v2  }
0x295: {  	v11 =	vld [tilespmem:s4+$0xFFFFFFF0];
	v5 =	vmul.f32 v5, v20;
	v2 =	vbroadcast v1, $0x4;
	[tilespmem:s4+$0xFFFFFF90] =	vst v3  }
0x296: {  	v12 =	vbroadcast v1, $0x6;
	v6 =	vmul.f32 v9, v22;
	v3 =	vld [tilespmem:s4+$0x0];
	[tilespmem:s4+$0xFFFFFFA0] =	vst v4  }
0x297: {  	v29 =	vld [tilespmem:s4+$0x50];
	v27 =	vbroadcast v1, $0x9;
	[tilespmem:s4+$0xFFFFFFB0] =	vst v5;
	v2 =	vmul.f32 v8, v2  }
0x298: {  	v25 =	vld [tilespmem:s4+$0x20];
	v24 =	vbroadcast v1, $0x7;
	v7 =	vmul.f32 v21, v12;
	[tilespmem:s4+$0xFFFFFFD0] =	vst v6  }
0x299: {  	v26 =	vld [tilespmem:s4+$0x30];
	v31 =	vmul.f32 v23, v27;
	[tilespmem:s4+$0xFFFFFFC0] =	vst v2;
	v2 =	vbroadcast v1, $0x8  }
0x29a: {  	v28 =	vld [tilespmem:s4+$0x40];
	v34 =	vbroadcast v1, $0xD;
	v4 =	vmul.f32 v11, v24;
	[tilespmem:s4+$0xFFFFFFE0] =	vst v7  }
0x29b: {  	v32 =	vld [tilespmem:s4+$0x60];
	v30 =	vbroadcast v1, $0xA;
	[tilespmem:s4+$0x10] =	vst v31;
	v2 =	vmul.f32 v3, v2  }
0x29c: {  	v33 =	vld [tilespmem:s4+$0x70];
	v5 =	vmul.f32 v29, v34;
	[tilespmem:s4+$0xFFFFFFF0] =	vst v4;
	v3 =	vbroadcast v1, $0xB  }
0x29d: {  	v8 =	vmul.f32 v25, v30;
	[tilespmem:s4+$0x0] =	vst v2;
	v2 =	vbroadcast v1, $0xC  }
0x29e: {  	v35 =	vbroadcast v1, $0xE;
	[tilespmem:s4+$0x50] =	vst v5;
	v3 =	vmul.f32 v26, v3  }
0x29f: {  	[tilespmem:s4+$0x20] =	vst v8;
	v1 =	vbroadcast v1, $0xF;
	v2 =	vmul.f32 v28, v2  }
0x2a0: {  	[tilespmem:s4+$0x30] =	vst v3;
	v3 =	vmul.f32 v32, v35  }
0x2a1: {  	v1 =	vmul.f32 v33, v1;
	[tilespmem:s4+$0x40] =	vst v2  }
0x2a2: {  	[tilespmem:s4+$0x60] =	vst v3  }
0x2a3: {  	p0 =	seq.s32 s9, $0x13;
	[tilespmem:s4+$0x70] =	vst v1  }
0x2a4: {  	[spmem:s2] =	stream.indirect.scatter.add.f32 [tilespmem:s25], [sflag:$0x7], $0x10, s6, s21, $0xb8;
	[tilespmem:$0x13D00] =	vst v63  }
0x2a5: {  	s4 =	simm.s32 @!p0 $0x5  }
0x2a6: {  	[spmem:s3] =	stream.indirect.scatter.add.f32 [tilespmem:s5], [sflag:$0xB], $0x1, s6, s21, $0xb8;
	[tilespmem:$0x13D00] =	vst v63  }
0x2a7: {  	_ =	swait.ge @!p0 [sflag:s4], $0x800  }
0x2a8: {  	[sflag:s4] =	ssyncset.done @!p0 $0x0  }
0x2a9: {  	[sflag:s4] =	ssyncadd.s32 @!p0 $0xFFFFF800;
	s4 =	simm.s32 @!p0 $0x9  }
0x2aa: {  	_ =	swait.ge @!p0 [sflag:s4], $0x80  }
0x2ab: {  	[sflag:s4] =	ssyncset.done @!p0 $0x0  }
0x2ac: {  	[sflag:s4] =	ssyncadd.s32 @!p0 $0xFFFFFF80;
	s4 =	sshrl.u32 @!p0 s1, $0x2  }
0x2ad: {  	s5 =	simm.s32 @!p0 $0x80;
	s6 =	simm.s32 @!p0 $0xC800;
	s4 =	sadd.s32 @!p0 $0x200, s4  }
0x2ae: {  	[tilespmem:s6], [sflag:$0x1] =	stream.indirect.gather @!p0 [hbm4b:s7+s5], $0x10, s4, s5, $0xb8;
	[tilespmem:$0x13D00] =	vst v63  }
0x2af: {  	v1 =	vld [tilespmem:s0+$0x0]  }
0x2b0: {  	v2 =	vld [tilespmem:s0+$0x2800];
	_ =	sdelay $0x6  }
0x2b1: {  	v1 =	vld.idx.msk [tilespmem:v1+s17+$0x0], $0xffff  }
0x2b2: {  	v2 =	vld.idx.msk [tilespmem:v2+s18+$0x0], $0xffff;
	_ =	sdelay $0x4  }
0x2b3: {  	v1 =	vadd.f32 v2, v1;
	_ =	sdelay $0x1  }
0x2b4: {  	v2 =	vmul.f32 $2.000000030e-01, v1  }
0x2b5: {  	vm0 =	vge.f32 v1, $0.0e+00  }
0x2b6: {  	v1 =	vsel vm0, v1, v2  }
0x2b7: {  	v1 =	vmul.f32 $1.442695020e+00, v1;
	_ =	sdelay $0x1  }
0x2b8: {  	(erf) = vpow2.f32 v1;
	_ =	sdelay $0x8  }
0x2b9: {  	v1 =	vpop (erf)  }
0x2ba: {  	s6 =	sor.u32 $0x190, s20;
	[tilespmem:s0+$0xA000] =	vst v1  }
0x2bb: {  	v1 =	vld [tilespmem:s6+$0x0]  }
0x2bc: {  	v2 =	vld [tilespmem:s20+$0x2990];
	_ =	sdelay $0x6  }
0x2bd: {  	v1 =	vld.idx.msk [tilespmem:v1+s17+$0x0], $0xffff  }
0x2be: {  	v2 =	vld.idx.msk [tilespmem:v2+s18+$0x0], $0xffff;
	_ =	sdelay $0x4  }
0x2bf: {  	v1 =	vadd.f32 v2, v1;
	_ =	sdelay $0x1  }
0x2c0: {  	v2 =	vmul.f32 $2.000000030e-01, v1  }
0x2c1: {  	vm9 =	vge.f32 v1, $0.0e+00  }
0x2c2: {  	v1 =	vsel vm9, v1, v2  }
0x2c3: {  	v1 =	vmul.f32 $1.442695020e+00, v1;
	_ =	sdelay $0x1  }
0x2c4: {  	(erf) = vpow2.f32 v1;
	_ =	sdelay $0x8  }
0x2c5: {  	v1 =	vpop (erf)  }
0x2c6: {  	s10 =	sor.u32 $0x1A0, s20;
	v2 =	vld [tilespmem:s20+$0x29A0];
	[tilespmem:s20+$0xA190] =	vst v1  }
0x2c7: {  	v1 =	vld [tilespmem:s10+$0x0];
	_ =	sdelay $0x6  }
0x2c8: {  	v2 =	vld.idx.msk [tilespmem:v2+s18+$0x0], $0xffff  }
0x2c9: {  	v1 =	vld.idx.msk [tilespmem:v1+s17+$0x0], $0xffff;
	_ =	sdelay $0x4  }
0x2ca: {  	v1 =	vadd.f32 v2, v1;
	_ =	sdelay $0x1  }
0x2cb: {  	v2 =	vmul.f32 $2.000000030e-01, v1  }
0x2cc: {  	vm10 =	vge.f32 v1, $0.0e+00  }
0x2cd: {  	v1 =	vsel vm10, v1, v2  }
0x2ce: {  	v1 =	vmul.f32 $1.442695020e+00, v1;
	_ =	sdelay $0x1  }
0x2cf: {  	(erf) = vpow2.f32 v1;
	_ =	sdelay $0x8  }
0x2d0: {  	v1 =	vpop (erf)  }
0x2d1: {  	s11 =	sor.u32 $0x1B0, s20;
	v2 =	vld [tilespmem:s20+$0x29B0];
	[tilespmem:s20+$0xA1A0] =	vst v1  }
0x2d2: {  	v1 =	vld [tilespmem:s11+$0x0];
	_ =	sdelay $0x6  }
0x2d3: {  	v2 =	vld.idx.msk [tilespmem:v2+s18+$0x0], $0xffff  }
0x2d4: {  	v1 =	vld.idx.msk [tilespmem:v1+s17+$0x0], $0xffff;
	_ =	sdelay $0x4  }
0x2d5: {  	v1 =	vadd.f32 v2, v1;
	_ =	sdelay $0x1  }
0x2d6: {  	v2 =	vmul.f32 $2.000000030e-01, v1  }
0x2d7: {  	vm11 =	vge.f32 v1, $0.0e+00  }
0x2d8: {  	v1 =	vsel vm11, v1, v2  }
0x2d9: {  	v1 =	vmul.f32 $1.442695020e+00, v1;
	_ =	sdelay $0x1  }
0x2da: {  	(erf) = vpow2.f32 v1;
	_ =	sdelay $0x8  }
0x2db: {  	v1 =	vpop (erf)  }
0x2dc: {  	s5 =	sor.u32 $0x1C0, s20;
	v2 =	vld [tilespmem:s20+$0x29C0];
	[tilespmem:s20+$0xA1B0] =	vst v1  }
0x2dd: {  	v1 =	vld [tilespmem:s5+$0x0];
	_ =	sdelay $0x6  }
0x2de: {  	v2 =	vld.idx.msk [tilespmem:v2+s18+$0x0], $0xffff  }
0x2df: {  	v1 =	vld.idx.msk [tilespmem:v1+s17+$0x0], $0xffff;
	_ =	sdelay $0x4  }
0x2e0: {  	v1 =	vadd.f32 v2, v1;
	_ =	sdelay $0x1  }
0x2e1: {  	v2 =	vmul.f32 $2.000000030e-01, v1  }
0x2e2: {  	vm12 =	vge.f32 v1, $0.0e+00  }
0x2e3: {  	v1 =	vsel vm12, v1, v2  }
0x2e4: {  	v1 =	vmul.f32 $1.442695020e+00, v1;
	_ =	sdelay $0x1  }
0x2e5: {  	(erf) = vpow2.f32 v1;
	_ =	sdelay $0x8  }
0x2e6: {  	v1 =	vpop (erf)  }
0x2e7: {  	s6 =	sor.u32 $0x1D0, s20;
	v2 =	vld [tilespmem:s20+$0x29D0];
	[tilespmem:s20+$0xA1C0] =	vst v1  }
0x2e8: {  	v1 =	vld [tilespmem:s6+$0x0];
	_ =	sdelay $0x6  }
0x2e9: {  	v2 =	vld.idx.msk [tilespmem:v2+s18+$0x0], $0xffff  }
0x2ea: {  	v1 =	vld.idx.msk [tilespmem:v1+s17+$0x0], $0xffff;
	_ =	sdelay $0x4  }
0x2eb: {  	v1 =	vadd.f32 v2, v1;
	_ =	sdelay $0x1  }
0x2ec: {  	v2 =	vmul.f32 $2.000000030e-01, v1  }
0x2ed: {  	vm13 =	vge.f32 v1, $0.0e+00  }
0x2ee: {  	v1 =	vsel vm13, v1, v2  }
0x2ef: {  	v1 =	vmul.f32 $1.442695020e+00, v1;
	_ =	sdelay $0x1  }
0x2f0: {  	(erf) = vpow2.f32 v1;
	_ =	sdelay $0x8  }
0x2f1: {  	v1 =	vpop (erf)  }
0x2f2: {  	s10 =	sor.u32 $0x1E0, s20;
	v2 =	vld [tilespmem:s20+$0x29E0];
	[tilespmem:s20+$0xA1D0] =	vst v1  }
0x2f3: {  	v1 =	vld [tilespmem:s10+$0x0];
	_ =	sdelay $0x6  }
0x2f4: {  	v2 =	vld.idx.msk [tilespmem:v2+s18+$0x0], $0xffff  }
0x2f5: {  	v1 =	vld.idx.msk [tilespmem:v1+s17+$0x0], $0xffff;
	_ =	sdelay $0x4  }
0x2f6: {  	v1 =	vadd.f32 v2, v1;
	_ =	sdelay $0x1  }
0x2f7: {  	v2 =	vmul.f32 $2.000000030e-01, v1  }
0x2f8: {  	vm14 =	vge.f32 v1, $0.0e+00  }
0x2f9: {  	v1 =	vsel vm14, v1, v2  }
0x2fa: {  	v1 =	vmul.f32 $1.442695020e+00, v1;
	_ =	sdelay $0x1  }
0x2fb: {  	(erf) = vpow2.f32 v1;
	_ =	sdelay $0x8  }
0x2fc: {  	v1 =	vpop (erf)  }
0x2fd: {  	s11 =	sor.u32 $0x1F0, s20;
	v2 =	vld [tilespmem:s20+$0x29F0];
	[tilespmem:s20+$0xA1E0] =	vst v1  }
0x2fe: {  	v1 =	vld [tilespmem:s11+$0x0];
	_ =	sdelay $0x6  }
0x2ff: {  	v2 =	vld.idx.msk [tilespmem:v2+s18+$0x0], $0xffff  }
0x300: {  	v1 =	vld.idx.msk [tilespmem:v1+s17+$0x0], $0xffff;
	_ =	sdelay $0x4  }
0x301: {  	v1 =	vadd.f32 v2, v1;
	_ =	sdelay $0x1  }
0x302: {  	v2 =	vmul.f32 $2.000000030e-01, v1  }
0x303: {  	vm15 =	vge.f32 v1, $0.0e+00  }
0x304: {  	v1 =	vsel vm15, v1, v2  }
0x305: {  	v1 =	vmul.f32 $1.442695020e+00, v1;
	_ =	sdelay $0x1  }
0x306: {  	(erf) = vpow2.f32 v1;
	_ =	sdelay $0x8  }
0x307: {  	v1 =	vmov s31;
	v2 =	vpop (erf)  }
0x308: {  	[tilespmem:s20+$0xA1F0] =	vst v2  }
0x309: {  	_ =	swait.ge [sflag:s30], $0x800  }
0x30a: {  	[sflag:s30] =	ssyncset.done $0x0  }
0x30b: {  	s20 =	simm.s32 $0x0;
	[sflag:s30] =	ssyncadd.s32 $0xFFFFF800  }
0x30c: {  	v2 =	vld.idx.msk [tilespmem:v1+s20+$0x0 ss:$0x1], $0xffff  }
0x30d: {  	s4 =	simm.s32 $0xE080  }
0x30e: {  	v3 =	vld [tilespmem:s4+$0xFFFFFF80]  }
0x30f: {  	v36 =	vld [tilespmem:s4+$0xFFFFFF90]  }
0x310: {  	v37 =	vld [tilespmem:s4+$0xFFFFFFA0]  }
0x311: {  	v38 =	vld [tilespmem:s4+$0xFFFFFFB0];
	v39 =	vbroadcast v2, $0x0  }
0x312: {  	v42 =	vld [tilespmem:s4+$0xFFFFFFD0];
	v40 =	vbroadcast v2, $0x1  }
0x313: {  	v45 =	vld [tilespmem:s4+$0xFFFFFFE0];
	v43 =	vbroadcast v2, $0x2;
	v3 =	vmul.f32 v39, v3  }
0x314: {  	v41 =	vld [tilespmem:s4+$0xFFFFFFC0];
	v44 =	vbroadcast v2, $0x3;
	v4 =	vmul.f32 v36, v40  }
0x315: {  	v49 =	vld [tilespmem:s4+$0x10];
	v47 =	vbroadcast v2, $0x5;
	v5 =	vmul.f32 v37, v43;
	[tilespmem:s4+$0xFFFFFF80] =	vst v3  }
0x316: {  	v51 =	vld [tilespmem:s4+$0x20];
	v13 =	vbroadcast v2, $0x6;
	v6 =	vmul.f32 v38, v44;
	[tilespmem:s4+$0xFFFFFF90] =	vst v4  }
0x317: {  	v59 =	vld [tilespmem:s4+$0x60];
	v7 =	vmul.f32 v42, v47;
	v3 =	vbroadcast v2, $0x4;
	[tilespmem:s4+$0xFFFFFFA0] =	vst v5  }
0x318: {  	v48 =	vld [tilespmem:s4+$0x0];
	v53 =	vbroadcast v2, $0x9;
	v8 =	vmul.f32 v45, v13;
	[tilespmem:s4+$0xFFFFFFB0] =	vst v6  }
0x319: {  	v46 =	vld [tilespmem:s4+$0xFFFFFFF0];
	v56 =	vbroadcast v2, $0xA;
	[tilespmem:s4+$0xFFFFFFD0] =	vst v7;
	v3 =	vmul.f32 v41, v3  }
0x31a: {  	v52 =	vld [tilespmem:s4+$0x30];
	v62 =	vbroadcast v2, $0xE;
	v58 =	vmul.f32 v49, v53;
	[tilespmem:s4+$0xFFFFFFE0] =	vst v8  }
0x31b: {  	v55 =	vld [tilespmem:s4+$0x50];
	v9 =	vmul.f32 v51, v56;
	[tilespmem:s4+$0xFFFFFFC0] =	vst v3;
	v3 =	vbroadcast v2, $0x8  }
0x31c: {  	v54 =	vld [tilespmem:s4+$0x40];
	v50 =	vbroadcast v2, $0x7;
	v63 =	vmul.f32 v59, v62;
	[tilespmem:s4+$0x10] =	vst v58  }
0x31d: {  	v60 =	vld [tilespmem:s4+$0x70];
	v57 =	vbroadcast v2, $0xB;
	[tilespmem:s4+$0x20] =	vst v9;
	v3 =	vmul.f32 v48, v3  }
0x31e: {  	v61 =	vbroadcast v2, $0xD;
	v5 =	vmul.f32 v46, v50;
	[tilespmem:s4+$0x60] =	vst v63  }
0x31f: {  	v4 =	vmul.f32 v52, v57;
	[tilespmem:s4+$0x0] =	vst v3;
	v3 =	vbroadcast v2, $0xC  }
0x320: {  	v6 =	vmul.f32 v55, v61;
	[tilespmem:s4+$0xFFFFFFF0] =	vst v5;
	v2 =	vbroadcast v2, $0xF  }
0x321: {  	[tilespmem:s4+$0x30] =	vst v4;
	v3 =	vmul.f32 v54, v3  }
0x322: {  	[tilespmem:s4+$0x50] =	vst v6;
	v2 =	vmul.f32 v60, v2  }
0x323: {  	s5 =	sadd.s32 $0x2800, s0;
	[tilespmem:s4+$0x40] =	vst v3  }
0x324: {  	s0 =	sadd.s32 $0xA000, s0;
	s6 =	simm.s32 $0x80;
	s10 =	simm.s32 $0x10;
	[tilespmem:s4+$0x70] =	vst v2  }
.LBB2_11:
0x325: {  	p1 =	sne.s32 s6, $0x1C0;
	v2 =	vld.idx.msk [tilespmem:v1+s10+$0x0 ss:$0x1], $0xffff;
	s4 =	sadd.s32 $0x100, s4  }
0x326: {  	v3 =	vld [tilespmem:s4+$0xFFFFFFB0]  }
0x327: {  	v4 =	vld [tilespmem:s4+$0xFFFFFF90]  }
0x328: {  	v5 =	vld [tilespmem:s4+$0xFFFFFF80]  }
0x329: {  	v6 =	vld [tilespmem:s4+$0xFFFFFFA0]  }
0x32a: {  	v7 =	vld [tilespmem:s4+$0xFFFFFFF0]  }
0x32b: {  	v8 =	vbroadcast v2, $0x0;
	v9 =	vbroadcast v2, $0x1;
	v10 =	vld [tilespmem:s4+$0xFFFFFFD0]  }
0x32c: {  	v11 =	vbroadcast v2, $0x2;
	v12 =	vbroadcast v2, $0x3;
	v13 =	vld [tilespmem:s4+$0xFFFFFFC0]  }
0x32d: {  	v4 =	vmul.f32 v4, v9;
	v5 =	vmul.f32 v8, v5;
	v8 =	vld [tilespmem:s4+$0xFFFFFFE0]  }
0x32e: {  	v3 =	vmul.f32 v3, v12;
	v6 =	vmul.f32 v6, v11;
	v9 =	vld [tilespmem:s4+$0x30]  }
0x32f: {  	v11 =	vbroadcast v2, $0x5;
	[tilespmem:s4+$0xFFFFFF80] =	vst v5;
	v5 =	vbroadcast v2, $0x4;
	v12 =	vld [tilespmem:s4+$0x10]  }
0x330: {  	v14 =	vbroadcast v2, $0x7;
	[tilespmem:s4+$0xFFFFFF90] =	vst v4;
	v4 =	vbroadcast v2, $0x6;
	v15 =	vld [tilespmem:s4+$0x0]  }
0x331: {  	[tilespmem:s4+$0xFFFFFFA0] =	vst v6;
	v5 =	vmul.f32 v13, v5;
	v6 =	vmul.f32 v10, v11;
	v10 =	vld [tilespmem:s4+$0x20]  }
0x332: {  	[tilespmem:s4+$0xFFFFFFB0] =	vst v3;
	v3 =	vmul.f32 v8, v4;
	v4 =	vmul.f32 v7, v14;
	v7 =	vld [tilespmem:s4+$0x70]  }
0x333: {  	v8 =	vbroadcast v2, $0x9;
	[tilespmem:s4+$0xFFFFFFC0] =	vst v5;
	v5 =	vbroadcast v2, $0x8;
	v11 =	vld [tilespmem:s4+$0x50]  }
0x334: {  	v13 =	vbroadcast v2, $0xB;
	[tilespmem:s4+$0xFFFFFFD0] =	vst v6;
	v6 =	vbroadcast v2, $0xA;
	v14 =	vld [tilespmem:s4+$0x40]  }
0x335: {  	[tilespmem:s4+$0xFFFFFFE0] =	vst v3;
	v3 =	vmul.f32 v15, v5;
	v5 =	vmul.f32 v12, v8;
	v8 =	vld [tilespmem:s4+$0x60]  }
0x336: {  	[tilespmem:s4+$0xFFFFFFF0] =	vst v4;
	v4 =	vmul.f32 v10, v6;
	v6 =	vmul.f32 v9, v13  }
0x337: {  	v9 =	vbroadcast v2, $0xD;
	[tilespmem:s4+$0x0] =	vst v3;
	v3 =	vbroadcast v2, $0xC  }
0x338: {  	[tilespmem:s4+$0x10] =	vst v5;
	v5 =	vbroadcast v2, $0xE;
	v2 =	vbroadcast v2, $0xF  }
0x339: {  	[tilespmem:s4+$0x20] =	vst v4;
	v3 =	vmul.f32 v14, v3;
	v4 =	vmul.f32 v11, v9  }
.Ltmp6:
0x33a: {  	[tilespmem:s4+$0x30] =	vst v6;
	v5 =	vmul.f32 v8, v5;
	v2 =	vmul.f32 v7, v2;
	(pc) =	sbr.rel @p1 .LBB2_11-.Ltmp6, $4  }
0x33b: {  	[tilespmem:s4+$0x40] =	vst v3  }
0x33c: {  	[tilespmem:s4+$0x50] =	vst v4  }
0x33d: {  	[tilespmem:s4+$0x60] =	vst v5  }
0x33e: {  	s10 =	sshra.s32 s6, $0x2;
	s6 =	sadd.s32 $0x40, s6;
	[tilespmem:s4+$0x70] =	vst v2  }
0x33f: {  	_ =	sdelay $0x3  }
0x340: {  	v1 =	vld.idx.msk [tilespmem:v1+s10+$0x0 ss:$0x1], $0xffff  }
0x341: {  	s4 =	sadd.s32 $0x100, s4  }
0x342: {  	v2 =	vld [tilespmem:s4+$0xFFFFFF80]  }
0x343: {  	v3 =	vld [tilespmem:s4+$0xFFFFFF90]  }
0x344: {  	v4 =	vld [tilespmem:s4+$0xFFFFFFA0]  }
0x345: {  	v5 =	vld [tilespmem:s4+$0xFFFFFFB0];
	v6 =	vbroadcast v1, $0x0  }
0x346: {  	v9 =	vld [tilespmem:s4+$0xFFFFFFD0];
	v7 =	vbroadcast v1, $0x1  }
0x347: {  	v8 =	vld [tilespmem:s4+$0xFFFFFFC0];
	v10 =	vbroadcast v1, $0x2;
	v2 =	vmul.f32 v6, v2  }
0x348: {  	v49 =	vld [tilespmem:s4+$0xFFFFFFE0];
	v48 =	vbroadcast v1, $0x3;
	v3 =	vmul.f32 v3, v7  }
0x349: {  	v51 =	vld [tilespmem:s4+$0x10];
	v50 =	vbroadcast v1, $0x5;
	v4 =	vmul.f32 v4, v10;
	[tilespmem:s4+$0xFFFFFF80] =	vst v2  }
0x34a: {  	v11 =	vld [tilespmem:s4+$0xFFFFFFF0];
	v5 =	vmul.f32 v5, v48;
	v2 =	vbroadcast v1, $0x4;
	[tilespmem:s4+$0xFFFFFF90] =	vst v3  }
0x34b: {  	v12 =	vbroadcast v1, $0x6;
	v6 =	vmul.f32 v9, v50;
	v3 =	vld [tilespmem:s4+$0x0];
	[tilespmem:s4+$0xFFFFFFA0] =	vst v4  }
0x34c: {  	v57 =	vld [tilespmem:s4+$0x50];
	v55 =	vbroadcast v1, $0x9;
	[tilespmem:s4+$0xFFFFFFB0] =	vst v5;
	v2 =	vmul.f32 v8, v2  }
0x34d: {  	v53 =	vld [tilespmem:s4+$0x20];
	v52 =	vbroadcast v1, $0x7;
	v7 =	vmul.f32 v49, v12;
	[tilespmem:s4+$0xFFFFFFD0] =	vst v6  }
0x34e: {  	v54 =	vld [tilespmem:s4+$0x30];
	v59 =	vmul.f32 v51, v55;
	[tilespmem:s4+$0xFFFFFFC0] =	vst v2;
	v2 =	vbroadcast v1, $0x8  }
0x34f: {  	v56 =	vld [tilespmem:s4+$0x40];
	v62 =	vbroadcast v1, $0xD;
	v4 =	vmul.f32 v11, v52;
	[tilespmem:s4+$0xFFFFFFE0] =	vst v7  }
0x350: {  	v60 =	vld [tilespmem:s4+$0x60];
	v58 =	vbroadcast v1, $0xA;
	[tilespmem:s4+$0x10] =	vst v59;
	v2 =	vmul.f32 v3, v2  }
0x351: {  	v61 =	vld [tilespmem:s4+$0x70];
	v5 =	vmul.f32 v57, v62;
	[tilespmem:s4+$0xFFFFFFF0] =	vst v4;
	v3 =	vbroadcast v1, $0xB  }
0x352: {  	v8 =	vmul.f32 v53, v58;
	[tilespmem:s4+$0x0] =	vst v2;
	v2 =	vbroadcast v1, $0xC  }
0x353: {  	v63 =	vbroadcast v1, $0xE;
	[tilespmem:s4+$0x50] =	vst v5;
	v3 =	vmul.f32 v54, v3  }
0x354: {  	[tilespmem:s4+$0x20] =	vst v8;
	v1 =	vbroadcast v1, $0xF;
	v2 =	vmul.f32 v56, v2  }
0x355: {  	[tilespmem:s4+$0x30] =	vst v3;
	v3 =	vmul.f32 v60, v63  }
0x356: {  	v1 =	vmul.f32 v61, v1;
	[tilespmem:s4+$0x40] =	vst v2  }
.Ltmp7:
0x357: {  	[tilespmem:s4+$0x60] =	vst v3;
	(pc) =	sbr.rel @p0 .LBB2_14-.Ltmp7, $4  }
0x358: {  	[tilespmem:s4+$0x70] =	vst v1  }
0x359: {  	[spmem:s2] =	stream.indirect.scatter.add.f32 [tilespmem:s28], [sflag:$0x8], $0x10, s5, s21, $0xb8;
	[tilespmem:$0x13D00] =	vst v63  }
0x35a: {  	_ = 	snop  }
0x35b: {  	[spmem:s3] =	stream.indirect.scatter.add.f32 [tilespmem:s0], [sflag:$0xC], $0x1, s5, s21, $0xb8;
	[tilespmem:$0x13D00] =	vst v63  }
0x35c: {  	_ =	swait.ge [sflag:s16], $0x800  }
0x35d: {  	[sflag:s16] =	ssyncset.done $0x0  }
.Ltmp8:
0x35e: {  	s0 =	sshrl.u32 s1, $0x2;
	[sflag:s16] =	ssyncadd.s32 $0xFFFFF800;
	(pc) =	sbr.rel .LBB2_4-.Ltmp8, $4  }
0x35f: {  	s9 =	sadd.s32 $0x1, s9;
	s12 =	sadd.s32 $0x200, s12;
	_ =	swait.ge [sflag:s19], $0x80  }
0x360: {  	s13 =	sadd.s32 $0x200, s13;
	s14 =	sadd.s32 $0x200, s14;
	[sflag:s19] =	ssyncset.done $0x0  }
0x361: {  	s31 =	sadd.s32 $0x200, s31;
	s0 =	sadd.s32 $0x280, s0;
	[sflag:s19] =	ssyncadd.s32 $0xFFFFFF80  }
0x362: {  	[tilespmem:s23], [sflag:$0x2] =	stream.indirect.gather [hbm4b:s7+s21], $0x10, s0, s21, $0xb8;
	[tilespmem:$0x13D00] =	vst v63  }
.LBB2_15:
0x363: {  	_ =	sfence.sel $0x180000  }
0x364: {  	[bflag:$0x0] =	sbarrier.arrive $0xFFFF  }
0x365: {  	_ =	strace $0x90000047  }
0x366: {  	s0 =	stileid.u32;
	[bflag:$0x2] =	sbarrier.arrive $0xFFFF  }
0x367: {  	p0 =	sne.s32 s0, $0x0;
	s0 =	rddreg [dreg:$0x4]  }
0x368: {  	s0 =	sadd.s32 @!p0 $0x100000, s0  }
0x369: {  	[sflag:s0] =	ssyncadd.tile.s32 @!p0 $0x1;
	_ =	shalt  }
.Lfunc_end2:
_tile_overlayer_lowered:
.L_overlay_start_2:
0x36a: {  	(tag) =	ssettag $0x2  }
0x36b: {  	s0 =	rddreg [dreg:$0x0];
	s2 =	stileid.u32  }
0x36c: {  	s1 =	rddreg [dreg:$0x1];
	p0 =	sne.s32 s2, $0x0  }
0x36d: {  	s3 =	rddreg [dreg:$0x2];
	[bflag:$0x3] =	sbarrier.arrive $0xFFFF;
	s2 =	simm.s32 @!p0 $0x1C0D  }
0x36e: {  	[timem:s3], [sflag:s2] =	dma.local @!p0 [hbm:s0], s1  }
0x36f: {  	s0 =	simm.s32 @!p0 $0xD  }
0x370: {  	_ =	swait.ge @!p0 [sflag:s0], s1  }
0x371: {  	s1 =	ssub.s32 @!p0 $0x0, s1;
	[sflag:s0] =	ssyncset.done @!p0 $0x0  }
0x372: {  	[sflag:s0] =	ssyncadd.s32 @!p0 s1  }
0x373: {  	[bflag:$0x3] =	sbarrier.arrive $0xFFFF  }
0x374: {  	_ =	shalt  }

</sc_bundles>
